<compile_context>
chip_gen: v7x
topology: tpu7x:2x2x1
jax: 0.10.2.dev20260603
libtpu: 0.0.44.dev20260713+nightly
codegen_flags: <defaults>
</compile_context>

<pallas_src>
import functools

import jax
import jax.numpy as jnp
from jax import lax
from jax.experimental import pallas as pl
from jax.experimental.pallas import tpu as pltpu
from jax.experimental.pallas import tpu_sc as plsc

N = 10000
E = 160000
D = 16
EDGE_HID = 128
STEPS_MP = 6
STEPS_S2S = 6
N_LSTM = 3

NC = 2
NS = 16
NW = NC * NS
N_PAD = 10240
E_PAD = 163840
EPW = E_PAD // NW
CB = 128
NCHUNK = EPW // CB
NPT = N_PAD // NS

BE = 4096
EP8 = E_PAD // 8
BP = BE // 8



_sc_mesh = plsc.VectorSubcoreMesh(core_axis_name="c", subcore_axis_name="s")
_sc_params = pltpu.CompilerParams(use_tc_tiling_on_sc=False)


@functools.partial(
    pl.kernel,
    mesh=_sc_mesh,
    compiler_params=_sc_params,
    out_type=jax.ShapeDtypeStruct((E_PAD, D), jnp.float32),
    scratch_types=[
        pltpu.VMEM((EPW,), jnp.int32),
        pltpu.VMEM((EPW, D), jnp.float32),
        pltpu.SemaphoreType.DMA,
    ],
)
def _sc_gather(hid_hbm, src_hbm, out_hbm, idx_v, rows_v, sem):
    c = lax.axis_index("c")
    s = lax.axis_index("s")
    base = (s * NC + c) * EPW
    pltpu.sync_copy(src_hbm.at[pl.ds(base, EPW)], idx_v)
    pltpu.async_copy(hid_hbm.at[idx_v], rows_v, sem).wait()
    pltpu.sync_copy(rows_v, out_hbm.at[pl.ds(base, EPW)])


@functools.partial(
    pl.kernel,
    mesh=_sc_mesh,
    compiler_params=_sc_params,
    out_type=jax.ShapeDtypeStruct((NC * N_PAD, D), jnp.float32),
    scratch_types=[
        pltpu.VMEM((NCHUNK, CB), jnp.int32),
        pltpu.VMEM((EPW, D), jnp.float32),
        pltpu.VMEM_SHARED((N_PAD, D), jnp.float32),
    ],
)
def _sc_scatter(msg_hbm, dst_hbm, zero_hbm, out_hbm, idx_v, rows_v, acc_sh):
    c = lax.axis_index("c")
    s = lax.axis_index("s")
    wid = s * NC + c
    pltpu.sync_copy(zero_hbm.at[pl.ds(s * NPT, NPT)],
                    acc_sh.at[pl.ds(s * NPT, NPT)])
    plsc.subcore_barrier()
    pltpu.sync_copy(dst_hbm.at[wid], idx_v)
    pltpu.sync_copy(msg_hbm.at[pl.ds(wid * EPW, EPW)], rows_v)

    def body(j, carry):
        pltpu.sync_copy(rows_v.at[pl.ds(j * CB, CB)],
                        acc_sh.at[idx_v.at[j]], add=True)
        return carry

    lax.fori_loop(0, NCHUNK, body, 0)
    plsc.subcore_barrier()
    pltpu.sync_copy(acc_sh.at[pl.ds(s * NPT, NPT)],
                    out_hbm.at[pl.ds(c * N_PAD + s * NPT, NPT)])



NP8 = N_PAD // 8


def _proj_kernel(nf_ref, w_ref, b_ref, out_ref):
    out_ref[...] = jnp.maximum(
        jnp.dot(nf_ref[...], w_ref[...], preferred_element_type=jnp.float32)
        + b_ref[...], 0.0)


def _edge_net_kernel(ef_ref, w1_ref, b1_ref, w2_ref, b2_ref, out_ref):
    eh = jnp.maximum(
        jnp.dot(ef_ref[...].astype(jnp.bfloat16), w1_ref[...],
                preferred_element_type=jnp.float32)
        + b1_ref[...], 0.0)
    out_ref[...] = (jnp.dot(eh.astype(jnp.bfloat16), w2_ref[...],
                            preferred_element_type=jnp.float32)
                    + b2_ref[...]).astype(jnp.bfloat16)


def _msg_kernel(hp_ref, w_ref, r_ref, s_ref, out_ref):
    hr = jnp.dot(hp_ref[...].astype(jnp.bfloat16), r_ref[...],
                 preferred_element_type=jnp.float32)
    p = hr.astype(jnp.bfloat16) * w_ref[...]
    out_ref[...] = jnp.dot(p, s_ref[...],
                           preferred_element_type=jnp.float32)


def _gru_kernel(parts_ref, bconv_ref, hid_ref, kr_ref, kz_ref, kn_ref,
                hr_ref, hz_ref, hn_ref, bir_ref, biz_ref, bin_ref,
                bhr_ref, bhz_ref, bhn_ref, out_ref):
    m = jnp.maximum(parts_ref[:NP8] + parts_ref[NP8:] + bconv_ref[...], 0.0)
    hid = hid_ref[...]
    dot = lambda a, b: jnp.dot(a, b, preferred_element_type=jnp.float32)
    r = jax.nn.sigmoid(dot(m, kr_ref[...]) + bir_ref[...]
                       + dot(hid, hr_ref[...]) + bhr_ref[...])
    z = jax.nn.sigmoid(dot(m, kz_ref[...]) + biz_ref[...]
                       + dot(hid, hz_ref[...]) + bhz_ref[...])
    n = jnp.tanh(dot(m, kn_ref[...]) + bin_ref[...]
                 + r * (dot(hid, hn_ref[...]) + bhn_ref[...]))
    out_ref[...] = (1.0 - z) * n + z * hid


def _s2s_kernel(nf_ref, g_ref, gt_ref, h_ref, wih0_ref, whh0_ref, bih0_ref,
                bhh0_ref, wih1_ref, whh1_ref, bih1_ref, bhh1_ref,
                wih2_ref, whh2_ref, bih2_ref, bhh2_ref,
                wp1_ref, bp1_ref, wp2_ref, bp2_ref, out_ref):
    nf = nf_ref[...]
    g = g_ref[...]
    gt = gt_ref[...]
    hm = h_ref[...]
    nid = (lax.broadcasted_iota(jnp.int32, (NP8, 8), 0) * 8
           + lax.broadcasted_iota(jnp.int32, (NP8, 8), 1))
    valid = nid < N
    wihs = (wih0_ref[...], wih1_ref[...], wih2_ref[...])
    whhs = (whh0_ref[...], whh1_ref[...], whh2_ref[...])
    bihs = (bih0_ref[...], bih1_ref[...], bih2_ref[...])
    bhhs = (bhh0_ref[...], bhh1_ref[...], bhh2_ref[...])
    q_star = jnp.zeros((1, 2 * D), dtype=jnp.float32)
    hs = [jnp.zeros((1, D), dtype=jnp.float32) for _ in range(N_LSTM)]
    cs = [jnp.zeros((1, D), dtype=jnp.float32) for _ in range(N_LSTM)]
    for _ in range(STEPS_S2S):
        x = q_star
        for l in range(N_LSTM):
            gates = (jnp.dot(x, wihs[l], preferred_element_type=jnp.float32)
                     + bihs[l]
                     + jnp.dot(hs[l], whhs[l], preferred_element_type=jnp.float32)
                     + bhhs[l])
            i_g = jax.nn.sigmoid(gates[:, :D])
            f_g = jax.nn.sigmoid(gates[:, D:2 * D])
            g_g = jnp.tanh(gates[:, 2 * D:3 * D])
            o_g = jax.nn.sigmoid(gates[:, 3 * D:])
            c = f_g * cs[l] + i_g * g_g
            hx = o_g * jnp.tanh(c)
            hs[l] = hx
            cs[l] = c
            x = hx
        q = x
        qt = jnp.concatenate([q] * 8, axis=1)
        e8 = jnp.dot(nf * qt, g, preferred_element_type=jnp.float32)
        e8 = jnp.where(valid, e8, -1e30)
        mx = jnp.max(e8)
        a8 = jnp.exp(e8 - mx)
        s = jnp.sum(a8)
        al = jnp.dot(a8, gt, preferred_element_type=jnp.float32)
        rp = jnp.sum(al * nf, axis=0, keepdims=True) / s
        readout = jnp.dot(rp, hm, preferred_element_type=jnp.float32)
        q_star = jnp.concatenate([q, readout], axis=1)
    out = jnp.maximum(
        jnp.dot(q_star, wp1_ref[...], preferred_element_type=jnp.float32)
        + bp1_ref[...], 0.0)
    out_ref[...] = jnp.dot(out, wp2_ref[...],
                           preferred_element_type=jnp.float32) + bp2_ref[...]


def kernel(node_feats, edge_feats, edge_index, W_proj, b_proj, We1, be1, We2,
           be2, b_conv, gru_Wih, gru_Whh, gru_bih, gru_bhh,
           lstm_Wih_0, lstm_Whh_0, lstm_bih_0, lstm_bhh_0,
           lstm_Wih_1, lstm_Whh_1, lstm_bih_1, lstm_bhh_1,
           lstm_Wih_2, lstm_Whh_2, lstm_bih_2, lstm_bhh_2,
           Wp1, bp1, Wp2, bp2):
    src = jnp.pad(edge_index[0], (0, E_PAD - E))
    dst3 = jnp.pad(edge_index[1], (0, E_PAD - E),
                   constant_values=N_PAD - 1).reshape(NW, NCHUNK, CB)
    ef_pp = jnp.pad(edge_feats.reshape(E // 8, 8 * 16),
                    ((0, EP8 - E // 8), (0, 0)))
    nf_pad = jnp.pad(node_feats, ((0, N_PAD - N), (0, 0)))
    zeros_nd = jnp.zeros((N_PAD, D), jnp.float32)
    r2 = lambda b: b.reshape(1, -1)
    rep = jnp.repeat(jnp.eye(D, dtype=jnp.float32), D, axis=1)
    eye8 = jnp.eye(8, dtype=jnp.float32)
    rep_p = jnp.kron(eye8, rep).astype(jnp.bfloat16)
    sum_p = jnp.kron(eye8, jnp.tile(jnp.eye(D, dtype=jnp.float32),
                                    (D, 1))).astype(jnp.bfloat16)
    wih = gru_Wih.T
    whh = gru_Whh.T
    kr, kz, kn = (jnp.kron(eye8, wih[:, g * D:(g + 1) * D]) for g in range(3))
    hr, hz, hn = (jnp.kron(eye8, whh[:, g * D:(g + 1) * D]) for g in range(3))
    t8 = lambda b: jnp.tile(b, 8).reshape(1, 8 * D)
    bir, biz, bin_ = (t8(gru_bih[g * D:(g + 1) * D]) for g in range(3))
    bhr, bhz, bhn = (t8(gru_bhh[g * D:(g + 1) * D]) for g in range(3))

    hidden_p = pl.pallas_call(
        _proj_kernel,
        out_shape=jax.ShapeDtypeStruct((NP8, 8 * D), jnp.float32),
    )(nf_pad.reshape(NP8, 8 * 128), jnp.kron(eye8, W_proj.T), t8(b_proj))

    grid_e = EP8 // BP
    W_p = pl.pallas_call(
        _edge_net_kernel,
        grid=(grid_e,),
        in_specs=[
            pl.BlockSpec((BP, 8 * 16), lambda i: (i, 0)),
            pl.BlockSpec((8 * 16, 8 * EDGE_HID), lambda i: (0, 0)),
            pl.BlockSpec((1, 8 * EDGE_HID), lambda i: (0, 0)),
            pl.BlockSpec((8 * EDGE_HID, 8 * D * D), lambda i: (0, 0)),
            pl.BlockSpec((1, 8 * D * D), lambda i: (0, 0)),
        ],
        out_specs=pl.BlockSpec((BP, 8 * D * D), lambda i: (i, 0)),
        out_shape=jax.ShapeDtypeStruct((EP8, 8 * D * D), jnp.bfloat16),
    )(ef_pp, jnp.kron(eye8, We1.T).astype(jnp.bfloat16),
      jnp.tile(be1, 8).reshape(1, -1),
      jnp.kron(eye8, We2.T).astype(jnp.bfloat16),
      jnp.tile(be2, 8).reshape(1, -1))

    msg_call = pl.pallas_call(
        _msg_kernel,
        grid=(grid_e,),
        in_specs=[
            pl.BlockSpec((BP, 8 * D), lambda i: (i, 0)),
            pl.BlockSpec((BP, 8 * D * D), lambda i: (i, 0)),
            pl.BlockSpec((8 * D, 8 * D * D), lambda i: (0, 0)),
            pl.BlockSpec((8 * D * D, 8 * D), lambda i: (0, 0)),
        ],
        out_specs=pl.BlockSpec((BP, 8 * D), lambda i: (i, 0)),
        out_shape=jax.ShapeDtypeStruct((EP8, 8 * D), jnp.float32),
    )

    gru_call = pl.pallas_call(
        _gru_kernel,
        out_shape=jax.ShapeDtypeStruct((NP8, 8 * D), jnp.float32),
    )

    for _ in range(STEPS_MP):
        h_src = _sc_gather(hidden_p.reshape(N_PAD, D), src)
        msg_p = msg_call(h_src.reshape(EP8, 8 * D), W_p, rep_p, sum_p)
        parts = _sc_scatter(msg_p.reshape(E_PAD, D), dst3, zeros_nd)
        hidden_p = gru_call(parts.reshape(2 * NP8, 8 * D), t8(b_conv),
                            hidden_p, kr, kz, kn, hr, hz, hn,
                            bir, biz, bin_, bhr, bhz, bhn)

    g_sum = jnp.kron(eye8, jnp.ones((D, 1), jnp.float32))
    g_exp = jnp.kron(eye8, jnp.ones((1, D), jnp.float32))
    h_fold = jnp.kron(jnp.ones((8, 1), jnp.float32),
                      jnp.eye(D, dtype=jnp.float32))
    out = pl.pallas_call(
        _s2s_kernel,
        out_shape=jax.ShapeDtypeStruct((1, 1), jnp.float32),
    )(hidden_p, g_sum, g_exp, h_fold,
      lstm_Wih_0.T, lstm_Whh_0.T, r2(lstm_bih_0), r2(lstm_bhh_0),
      lstm_Wih_1.T, lstm_Whh_1.T, r2(lstm_bih_1), r2(lstm_bhh_1),
      lstm_Wih_2.T, lstm_Whh_2.T, r2(lstm_bih_2), r2(lstm_bhh_2),
      Wp1.T, r2(bp1), Wp2.T, r2(bp2))
    return out

# --- scband reference (transcript-rebuilt; emitter-appended) ---
"""Pipeline reference for scband-mpnnpredictor-38010460570544 (READ-ONLY COPY).

The authoritative reference and input builder live on the scoring server;
editing this copy changes nothing except your own understanding.
"""

import jax, jax.numpy as jnp
import numpy as np

N = 10000
E = 160000
NODE_IN = 128
EDGE_IN = 16
D = 16
EDGE_HID = 128
N_TASKS = 1
STEPS_MP = 6
STEPS_S2S = 6
N_LSTM = 3

def _glorot(k, shape):
    return jax.random.normal(k, shape, dtype=jnp.float32) / np.sqrt(shape[-1])

def setup_inputs(seed=0):
    key = jax.random.key(seed)
    ks = jax.random.split(key, 64)
    inp = {}
    inp['node_feats'] = jax.random.normal(ks[0], (N, NODE_IN), dtype=jnp.float32)
    inp['edge_feats'] = jax.random.normal(ks[1], (E, EDGE_IN), dtype=jnp.float32)
    inp['edge_index'] = jax.random.randint(ks[2], (2, E), 0, N, dtype=jnp.int32)
    inp['W_proj'] = _glorot(ks[3], (D, NODE_IN))
    inp['b_proj'] = jnp.zeros((D,), dtype=jnp.float32)
    inp['We1'] = _glorot(ks[4], (EDGE_HID, EDGE_IN))
    inp['be1'] = jnp.zeros((EDGE_HID,), dtype=jnp.float32)
    inp['We2'] = _glorot(ks[5], (D * D, EDGE_HID))
    inp['be2'] = jnp.zeros((D * D,), dtype=jnp.float32)
    inp['b_conv'] = jnp.zeros((D,), dtype=jnp.float32)
    inp['gru_Wih'] = _glorot(ks[6], (3 * D, D))
    inp['gru_Whh'] = _glorot(ks[7], (3 * D, D))
    inp['gru_bih'] = jnp.zeros((3 * D,), dtype=jnp.float32)
    inp['gru_bhh'] = jnp.zeros((3 * D,), dtype=jnp.float32)
    for l in range(N_LSTM):
        in_dim = 2 * D if l == 0 else D
        inp['lstm_Wih_%d' % l] = _glorot(ks[8 + 2 * l], (4 * D, in_dim))
        inp['lstm_Whh_%d' % l] = _glorot(ks[9 + 2 * l], (4 * D, D))
        inp['lstm_bih_%d' % l] = jnp.zeros((4 * D,), dtype=jnp.float32)
        inp['lstm_bhh_%d' % l] = jnp.zeros((4 * D,), dtype=jnp.float32)
    inp['Wp1'] = _glorot(ks[20], (D, 2 * D))
    inp['bp1'] = jnp.zeros((D,), dtype=jnp.float32)
    inp['Wp2'] = _glorot(ks[21], (N_TASKS, D))
    inp['bp2'] = jnp.zeros((N_TASKS,), dtype=jnp.float32)
    return inp

def _forward(p):
    src = p['edge_index'][0]
    dst = p['edge_index'][1]
    # project node feats
    hidden = jax.nn.relu(p['node_feats'] @ p['W_proj'].T + p['b_proj'])
    # edge network -> per-edge (D, D) weight matrices (same every MP step)
    eh = jax.nn.relu(p['edge_feats'] @ p['We1'].T + p['be1'])
    W_e = (eh @ p['We2'].T + p['be2']).reshape(E, D, D)
    for _ in range(STEPS_MP):
        # NNConv with sum aggregation: per-edge matvec then scatter-add to dst
        msg = jnp.einsum('ei,eio->eo', hidden[src], W_e)
        agg = jax.ops.segment_sum(msg, dst, num_segments=N)
        m = jax.nn.relu(agg + p['b_conv'])
        # GRU step (seq_len=1, num_layers=1)
        gi = m @ p['gru_Wih'].T + p['gru_bih']
        gh = hidden @ p['gru_Whh'].T + p['gru_bhh']
        i_r, i_z, i_n = jnp.split(gi, 3, axis=-1)
        h_r, h_z, h_n = jnp.split(gh, 3, axis=-1)
        r = jax.nn.sigmoid(i_r + h_r)
        z = jax.nn.sigmoid(i_z + h_z)
        n = jnp.tanh(i_n + r * h_n)
        hidden = (1.0 - z) * n + z * hidden
    nf = hidden  # (N, D) final node representations
    # Set2Set readout over a single graph (G=1)
    q_star = jnp.zeros((1, 2 * D), dtype=jnp.float32)
    hs = [jnp.zeros((1, D), dtype=jnp.float32) for _ in range(N_LSTM)]
    cs = [jnp.zeros((1, D), dtype=jnp.float32) for _ in range(N_LSTM)]
    for _ in range(STEPS_S2S):
        x = q_star
        new_hs = []
        new_cs = []
        for l in range(N_LSTM):
            gates = x @ p['lstm_Wih_%d' % l].T + p['lstm_bih_%d' % l] + hs[l] @ p['lstm_Whh_%d' % l].T + p['lstm_bhh_%d' % l]
            i_g, f_g, g_g, o_g = jnp.split(gates, 4, axis=-1)
            i_g = jax.nn.sigmoid(i_g)
            f_g = jax.nn.sigmoid(f_g)
            g_g = jnp.tanh(g_g)
            o_g = jax.nn.sigmoid(o_g)
            c = f_g * cs[l] + i_g * g_g
            hx = o_g * jnp.tanh(c)
            new_hs.append(hx)
            new_cs.append(c)
            x = hx
        hs, cs = new_hs, new_cs
        q = x  # (1, D)
        e = jnp.sum(nf * q, axis=-1)  # (N,)
        alpha = jax.nn.softmax(e)
        readout = jnp.sum(alpha[:, None] * nf, axis=0, keepdims=True)  # (1, D)
        q_star = jnp.concatenate([q, readout], axis=1)  # (1, 2D)
    out = jax.nn.relu(q_star @ p['Wp1'].T + p['bp1']) @ p['Wp2'].T + p['bp2']
    return out  # (1, n_tasks)

def reference(node_feats, edge_feats, edge_index, W_proj, b_proj, We1, be1,
              We2, be2, b_conv, gru_Wih, gru_Whh, gru_bih, gru_bhh,
              lstm_Wih_0, lstm_Whh_0, lstm_bih_0, lstm_bhh_0,
              lstm_Wih_1, lstm_Whh_1, lstm_bih_1, lstm_bhh_1,
              lstm_Wih_2, lstm_Whh_2, lstm_bih_2, lstm_bhh_2,
              Wp1, bp1, Wp2, bp2):
    inp = {
        'node_feats': node_feats, 'edge_feats': edge_feats,
        'edge_index': edge_index, 'W_proj': W_proj, 'b_proj': b_proj,
        'We1': We1, 'be1': be1, 'We2': We2, 'be2': be2, 'b_conv': b_conv,
        'gru_Wih': gru_Wih, 'gru_Whh': gru_Whh,
        'gru_bih': gru_bih, 'gru_bhh': gru_bhh,
        'lstm_Wih_0': lstm_Wih_0, 'lstm_Whh_0': lstm_Whh_0,
        'lstm_bih_0': lstm_bih_0, 'lstm_bhh_0': lstm_bhh_0,
        'lstm_Wih_1': lstm_Wih_1, 'lstm_Whh_1': lstm_Whh_1,
        'lstm_bih_1': lstm_bih_1, 'lstm_bhh_1': lstm_bhh_1,
        'lstm_Wih_2': lstm_Wih_2, 'lstm_Whh_2': lstm_Whh_2,
        'lstm_bih_2': lstm_bih_2, 'lstm_bhh_2': lstm_bhh_2,
        'Wp1': Wp1, 'bp1': bp1, 'Wp2': Wp2, 'bp2': bp2,
    }
    return _forward(inp)

if __name__ == "__main__":
    import jax
    _d = setup_inputs()
    print(jax.jit(kernel)(*tuple(_d.values())))

</pallas_src>

<mosaic_0001>
#map = affine_map<(d0, d1) -> (0, 0)>
#map1 = affine_map<(d0, d1) -> (0, 0, 0)>
module attributes {stable_mosaic.version = 14 : i64} {
  func.func @_sc_scatter(%arg0: i32, %arg1: i32, %arg2: memref<163840x16xf32, #tpu.memory_space<hbm>>, %arg3: memref<32x40x128xi32, #tpu.memory_space<hbm>>, %arg4: memref<10240x16xf32, #tpu.memory_space<hbm>>, %arg5: memref<20480x16xf32, #tpu.memory_space<hbm>>, %arg6: memref<40x128xi32, #tpu.memory_space<vmem>>, %arg7: memref<5120x16xf32, #tpu.memory_space<vmem>>, %arg8: memref<10240x16xf32, #tpu.memory_space<vmem_shared>>) attributes {dimension_semantics = [#tpu.dimension_semantics<core_parallel>, #tpu.dimension_semantics<subcore_parallel>], iteration_bounds = array<i64: 2, 16>, scalar_prefetch = 0 : i64, scratch_operands = 3 : i64, tpu.core_type = #tpu.core_type<sc_vector_subcore>, window_params = [{transform_indices = #map}, {transform_indices = #map1}, {transform_indices = #map}, {transform_indices = #map}]} {
    %mul3A = arith.constant 2 : i32
    %mul3A_0 = arith.muli %arg1, %mul3A : i32
    %add3A = arith.addi %mul3A_0, %arg0 : i32
    %mul3A_1 = arith.constant 640 : i32
    %mul3A_2 = arith.muli %arg1, %mul3A_1 : i32
    %mul3A_3 = arith.constant 640 : i32
    %mul3A_4 = arith.muli %arg1, %mul3A_3 : i32
    "tpu.region"() ({
      %run_scoped3A = tpu.sem_alloc : memref<!tpu.dma_semaphore, #tpu.memory_space<semaphore_mem>>
      %dma_start3A = arith.constant 0 : i32
      %dma_start3A_20 = tpu.memref_slice %arg8[%mul3A_4, %dma_start3A] : memref<10240x16xf32, #tpu.memory_space<vmem_shared>> -> memref<640x16xf32, #tpu.memory_space<vmem_shared>>
      %dma_start3A_21 = arith.constant 0 : i32
      %dma_start3A_22 = tpu.memref_slice %arg4[%mul3A_2, %dma_start3A_21] : memref<10240x16xf32, #tpu.memory_space<hbm>> -> memref<640x16xf32, #tpu.memory_space<hbm>>
      tpu.enqueue_dma source(%dma_start3A_22 : memref<640x16xf32, #tpu.memory_space<hbm>>) target(%dma_start3A_20 : memref<640x16xf32, #tpu.memory_space<vmem_shared>>) target_semaphore(%run_scoped3A : memref<!tpu.dma_semaphore, #tpu.memory_space<semaphore_mem>>)
      %dma_wait3A = arith.constant 0 : i32
      %dma_wait3A_23 = tpu.memref_slice %arg8[%mul3A_4, %dma_wait3A] : memref<10240x16xf32, #tpu.memory_space<vmem_shared>> -> memref<640x16xf32, #tpu.memory_space<vmem_shared>>
      %dma_wait3A_24 = arith.constant 0 : i32
      %dma_wait3A_25 = tpu.memref_slice %arg4[%mul3A_2, %dma_wait3A_24] : memref<10240x16xf32, #tpu.memory_space<hbm>> -> memref<640x16xf32, #tpu.memory_space<hbm>>
      tpu.wait_dma2 semaphore(%run_scoped3A : memref<!tpu.dma_semaphore, #tpu.memory_space<semaphore_mem>>) src(%dma_wait3A_25 : memref<640x16xf32, #tpu.memory_space<hbm>>) dst(%dma_wait3A_23 : memref<640x16xf32, #tpu.memory_space<vmem_shared>>)
      tpu.yield
    }) : () -> ()
    %barrier3A = arith.constant 0 : index
    tpu.barrier barrier_id(%barrier3A)
    "tpu.region"() ({
      %run_scoped3A = tpu.sem_alloc : memref<!tpu.dma_semaphore, #tpu.memory_space<semaphore_mem>>
      %dma_start3A = arith.constant 0 : i32
      %dma_start3A_20 = arith.constant 0 : i32
      %dma_start3A_21 = tpu.memref_slice %arg3[%add3A, %dma_start3A, %dma_start3A_20] : memref<32x40x128xi32, #tpu.memory_space<hbm>> -> memref<1x40x128xi32, #tpu.memory_space<hbm>>
      %dma_start3A_22 = tpu.memref_squeeze %dma_start3A_21 : memref<1x40x128xi32, #tpu.memory_space<hbm>> -> memref<40x128xi32, #tpu.memory_space<hbm>>
      %dma_start3A_23 = arith.constant 0 : i32
      %dma_start3A_24 = arith.constant 0 : i32
      %dma_start3A_25 = tpu.memref_slice %arg3[%add3A, %dma_start3A_23, %dma_start3A_24] : memref<32x40x128xi32, #tpu.memory_space<hbm>> -> memref<1x40x128xi32, #tpu.memory_space<hbm>>
      %dma_start3A_26 = tpu.memref_squeeze %dma_start3A_25 : memref<1x40x128xi32, #tpu.memory_space<hbm>> -> memref<40x128xi32, #tpu.memory_space<hbm>>
      tpu.enqueue_dma source(%dma_start3A_26 : memref<40x128xi32, #tpu.memory_space<hbm>>) target(%arg6 : memref<40x128xi32, #tpu.memory_space<vmem>>) target_semaphore(%run_scoped3A : memref<!tpu.dma_semaphore, #tpu.memory_space<semaphore_mem>>)
      %dma_wait3A = arith.constant 0 : i32
      %dma_wait3A_27 = arith.constant 0 : i32
      %dma_wait3A_28 = tpu.memref_slice %arg3[%add3A, %dma_wait3A, %dma_wait3A_27] : memref<32x40x128xi32, #tpu.memory_space<hbm>> -> memref<1x40x128xi32, #tpu.memory_space<hbm>>
      %dma_wait3A_29 = tpu.memref_squeeze %dma_wait3A_28 : memref<1x40x128xi32, #tpu.memory_space<hbm>> -> memref<40x128xi32, #tpu.memory_space<hbm>>
      %dma_wait3A_30 = arith.constant 0 : i32
      %dma_wait3A_31 = arith.constant 0 : i32
      %dma_wait3A_32 = tpu.memref_slice %arg3[%add3A, %dma_wait3A_30, %dma_wait3A_31] : memref<32x40x128xi32, #tpu.memory_space<hbm>> -> memref<1x40x128xi32, #tpu.memory_space<hbm>>
      %dma_wait3A_33 = tpu.memref_squeeze %dma_wait3A_32 : memref<1x40x128xi32, #tpu.memory_space<hbm>> -> memref<40x128xi32, #tpu.memory_space<hbm>>
      tpu.wait_dma2 semaphore(%run_scoped3A : memref<!tpu.dma_semaphore, #tpu.memory_space<semaphore_mem>>) src(%dma_wait3A_33 : memref<40x128xi32, #tpu.memory_space<hbm>>) dst(%arg6 : memref<40x128xi32, #tpu.memory_space<vmem>>)
      tpu.yield
    }) : () -> ()
    %mul3A_5 = arith.constant 5120 : i32
    %mul3A_6 = arith.muli %add3A, %mul3A_5 : i32
    "tpu.region"() ({
      %run_scoped3A = tpu.sem_alloc : memref<!tpu.dma_semaphore, #tpu.memory_space<semaphore_mem>>
      %dma_start3A = arith.constant 0 : i32
      %dma_start3A_20 = tpu.memref_slice %arg2[%mul3A_6, %dma_start3A] : memref<163840x16xf32, #tpu.memory_space<hbm>> -> memref<5120x16xf32, #tpu.memory_space<hbm>>
      %dma_start3A_21 = arith.constant 0 : i32
      %dma_start3A_22 = tpu.memref_slice %arg2[%mul3A_6, %dma_start3A_21] : memref<163840x16xf32, #tpu.memory_space<hbm>> -> memref<5120x16xf32, #tpu.memory_space<hbm>>
      tpu.enqueue_dma source(%dma_start3A_22 : memref<5120x16xf32, #tpu.memory_space<hbm>>) target(%arg7 : memref<5120x16xf32, #tpu.memory_space<vmem>>) target_semaphore(%run_scoped3A : memref<!tpu.dma_semaphore, #tpu.memory_space<semaphore_mem>>)
      %dma_wait3A = arith.constant 0 : i32
      %dma_wait3A_23 = tpu.memref_slice %arg2[%mul3A_6, %dma_wait3A] : memref<163840x16xf32, #tpu.memory_space<hbm>> -> memref<5120x16xf32, #tpu.memory_space<hbm>>
      %dma_wait3A_24 = arith.constant 0 : i32
      %dma_wait3A_25 = tpu.memref_slice %arg2[%mul3A_6, %dma_wait3A_24] : memref<163840x16xf32, #tpu.memory_space<hbm>> -> memref<5120x16xf32, #tpu.memory_space<hbm>>
      tpu.wait_dma2 semaphore(%run_scoped3A : memref<!tpu.dma_semaphore, #tpu.memory_space<semaphore_mem>>) src(%dma_wait3A_25 : memref<5120x16xf32, #tpu.memory_space<hbm>>) dst(%arg7 : memref<5120x16xf32, #tpu.memory_space<vmem>>)
      tpu.yield
    }) : () -> ()
    %scan3A = arith.constant 0 : i32
    %scan3A_7 = arith.constant 0 : i32
    %scan3A_8 = arith.constant 40 : i32
    %scan3A_9 = arith.addi %scan3A_7, %scan3A_8 : i32
    %scan3A_10 = arith.constant 1 : i32
    scf.for %scan3A_20 = %scan3A_7 to %scan3A_9 step %scan3A_10  : i32 {
      %mul3A_21 = arith.constant 128 : i32
      %mul3A_22 = arith.muli %scan3A_20, %mul3A_21 : i32
      "tpu.region"() ({
        %run_scoped3A = tpu.sem_alloc : memref<!tpu.dma_semaphore, #tpu.memory_space<semaphore_mem>>
        %dma_start3A = arith.constant 0 : i32
        %dma_start3A_23 = tpu.memref_slice %arg7[%mul3A_22, %dma_start3A] : memref<5120x16xf32, #tpu.memory_space<vmem>> -> memref<128x16xf32, #tpu.memory_space<vmem>>
        %dma_start3A_24 = arith.constant 0 : i32
        %dma_start3A_25 = tpu.memref_slice %arg6[%scan3A_20, %dma_start3A_24] : memref<40x128xi32, #tpu.memory_space<vmem>> -> memref<1x128xi32, #tpu.memory_space<vmem>>
        %dma_start3A_26 = tpu.memref_squeeze %dma_start3A_25 : memref<1x128xi32, #tpu.memory_space<vmem>> -> memref<128xi32, #tpu.memory_space<vmem>>
        %dma_start3A_27 = arith.constant 0 : i32
        %dma_start3A_28 = arith.constant 0 : i32
        %dma_start3A_29 = tpu.memref_slice %arg8[%dma_start3A_27, %dma_start3A_28] : memref<10240x16xf32, #tpu.memory_space<vmem_shared>> -> memref<10240x16xf32, #tpu.memory_space<vmem_shared>>
        tpu.enqueue_indirect_dma source(%dma_start3A_23 : memref<128x16xf32, #tpu.memory_space<vmem>>) target(%dma_start3A_29 : memref<10240x16xf32, #tpu.memory_space<vmem_shared>>) offsets(%dma_start3A_26 : memref<128xi32, #tpu.memory_space<vmem>>) semaphore(%run_scoped3A : memref<!tpu.dma_semaphore, #tpu.memory_space<semaphore_mem>>) {add = true}
        %dma_wait3A = arith.constant 0 : i32
        %dma_wait3A_30 = tpu.memref_slice %arg7[%mul3A_22, %dma_wait3A] : memref<5120x16xf32, #tpu.memory_space<vmem>> -> memref<128x16xf32, #tpu.memory_space<vmem>>
        %dma_wait3A_31 = arith.constant 0 : i32
        %dma_wait3A_32 = tpu.memref_slice %arg6[%scan3A_20, %dma_wait3A_31] : memref<40x128xi32, #tpu.memory_space<vmem>> -> memref<1x128xi32, #tpu.memory_space<vmem>>
        %dma_wait3A_33 = tpu.memref_squeeze %dma_wait3A_32 : memref<1x128xi32, #tpu.memory_space<vmem>> -> memref<128xi32, #tpu.memory_space<vmem>>
        %dma_wait3A_34 = arith.constant 0 : i32
        %dma_wait3A_35 = arith.constant 0 : i32
        %dma_wait3A_36 = tpu.memref_slice %arg8[%dma_wait3A_34, %dma_wait3A_35] : memref<10240x16xf32, #tpu.memory_space<vmem_shared>> -> memref<10240x16xf32, #tpu.memory_space<vmem_shared>>
        tpu.wait_indirect_dma semaphore(%run_scoped3A : memref<!tpu.dma_semaphore, #tpu.memory_space<semaphore_mem>>) src(%dma_wait3A_30 : memref<128x16xf32, #tpu.memory_space<vmem>>) dst(%dma_wait3A_36 : memref<10240x16xf32, #tpu.memory_space<vmem_shared>>)
        tpu.yield
      }) : () -> ()
    }
    %scan3A_11 = arith.constant 40 : i32
    %barrier3A_12 = arith.constant 0 : index
    tpu.barrier barrier_id(%barrier3A_12)
    %mul3A_13 = arith.constant 640 : i32
    %mul3A_14 = arith.muli %arg1, %mul3A_13 : i32
    %mul3A_15 = arith.constant 10240 : i32
    %mul3A_16 = arith.muli %arg0, %mul3A_15 : i32
    %mul3A_17 = arith.constant 640 : i32
    %mul3A_18 = arith.muli %arg1, %mul3A_17 : i32
    %add3A_19 = arith.addi %mul3A_16, %mul3A_18 : i32
    "tpu.region"() ({
      %run_scoped3A = tpu.sem_alloc : memref<!tpu.dma_semaphore, #tpu.memory_space<semaphore_mem>>
      %dma_start3A = arith.constant 0 : i32
      %dma_start3A_20 = tpu.memref_slice %arg5[%add3A_19, %dma_start3A] : memref<20480x16xf32, #tpu.memory_space<hbm>> -> memref<640x16xf32, #tpu.memory_space<hbm>>
      %dma_start3A_21 = arith.constant 0 : i32
      %dma_start3A_22 = tpu.memref_slice %arg8[%mul3A_14, %dma_start3A_21] : memref<10240x16xf32, #tpu.memory_space<vmem_shared>> -> memref<640x16xf32, #tpu.memory_space<vmem_shared>>
      tpu.enqueue_dma source(%dma_start3A_22 : memref<640x16xf32, #tpu.memory_space<vmem_shared>>) target(%dma_start3A_20 : memref<640x16xf32, #tpu.memory_space<hbm>>) target_semaphore(%run_scoped3A : memref<!tpu.dma_semaphore, #tpu.memory_space<semaphore_mem>>)
      %dma_wait3A = arith.constant 0 : i32
      %dma_wait3A_23 = tpu.memref_slice %arg5[%add3A_19, %dma_wait3A] : memref<20480x16xf32, #tpu.memory_space<hbm>> -> memref<640x16xf32, #tpu.memory_space<hbm>>
      %dma_wait3A_24 = arith.constant 0 : i32
      %dma_wait3A_25 = tpu.memref_slice %arg8[%mul3A_14, %dma_wait3A_24] : memref<10240x16xf32, #tpu.memory_space<vmem_shared>> -> memref<640x16xf32, #tpu.memory_space<vmem_shared>>
      tpu.wait_dma2 semaphore(%run_scoped3A : memref<!tpu.dma_semaphore, #tpu.memory_space<semaphore_mem>>) src(%dma_wait3A_25 : memref<640x16xf32, #tpu.memory_space<vmem_shared>>) dst(%dma_wait3A_23 : memref<640x16xf32, #tpu.memory_space<hbm>>)
      tpu.yield
    }) : () -> ()
    return
  }
}

#map = affine_map<(d0, d1) -> (0, 0)>
#map1 = affine_map<(d0, d1) -> (0)>
module attributes {stable_mosaic.version = 14 : i64} {
  func.func @_sc_gather(%arg0: i32, %arg1: i32, %arg2: memref<10240x16xf32, #tpu.memory_space<hbm>>, %arg3: memref<163840xi32, #tpu.memory_space<hbm>>, %arg4: memref<163840x16xf32, #tpu.memory_space<hbm>>, %arg5: memref<5120xi32, #tpu.memory_space<vmem>>, %arg6: memref<5120x16xf32, #tpu.memory_space<vmem>>, %arg7: memref<!tpu.dma_semaphore, #tpu.memory_space<semaphore_mem>>) attributes {dimension_semantics = [#tpu.dimension_semantics<core_parallel>, #tpu.dimension_semantics<subcore_parallel>], iteration_bounds = array<i64: 2, 16>, scalar_prefetch = 0 : i64, scratch_operands = 3 : i64, tpu.core_type = #tpu.core_type<sc_vector_subcore>, window_params = [{transform_indices = #map}, {transform_indices = #map1}, {transform_indices = #map}]} {
    %mul3A = arith.constant 2 : i32
    %mul3A_0 = arith.muli %arg1, %mul3A : i32
    %add3A = arith.addi %mul3A_0, %arg0 : i32
    %mul3A_1 = arith.constant 5120 : i32
    %mul3A_2 = arith.muli %add3A, %mul3A_1 : i32
    "tpu.region"() ({
      %run_scoped3A = tpu.sem_alloc : memref<!tpu.dma_semaphore, #tpu.memory_space<semaphore_mem>>
      %dma_start3A_7 = tpu.memref_slice %arg3[%mul3A_2] : memref<163840xi32, #tpu.memory_space<hbm>> -> memref<5120xi32, #tpu.memory_space<hbm>>
      %dma_start3A_8 = tpu.memref_slice %arg3[%mul3A_2] : memref<163840xi32, #tpu.memory_space<hbm>> -> memref<5120xi32, #tpu.memory_space<hbm>>
      tpu.enqueue_dma source(%dma_start3A_8 : memref<5120xi32, #tpu.memory_space<hbm>>) target(%arg5 : memref<5120xi32, #tpu.memory_space<vmem>>) target_semaphore(%run_scoped3A : memref<!tpu.dma_semaphore, #tpu.memory_space<semaphore_mem>>)
      %dma_wait3A_9 = tpu.memref_slice %arg3[%mul3A_2] : memref<163840xi32, #tpu.memory_space<hbm>> -> memref<5120xi32, #tpu.memory_space<hbm>>
      %dma_wait3A_10 = tpu.memref_slice %arg3[%mul3A_2] : memref<163840xi32, #tpu.memory_space<hbm>> -> memref<5120xi32, #tpu.memory_space<hbm>>
      tpu.wait_dma2 semaphore(%run_scoped3A : memref<!tpu.dma_semaphore, #tpu.memory_space<semaphore_mem>>) src(%dma_wait3A_10 : memref<5120xi32, #tpu.memory_space<hbm>>) dst(%arg5 : memref<5120xi32, #tpu.memory_space<vmem>>)
      tpu.yield
    }) : () -> ()
    %dma_start3A = arith.constant 0 : i32
    %dma_start3A_3 = arith.constant 0 : i32
    %dma_start3A_4 = tpu.memref_slice %arg2[%dma_start3A, %dma_start3A_3] : memref<10240x16xf32, #tpu.memory_space<hbm>> -> memref<10240x16xf32, #tpu.memory_space<hbm>>
    tpu.enqueue_indirect_dma source(%dma_start3A_4 : memref<10240x16xf32, #tpu.memory_space<hbm>>) target(%arg6 : memref<5120x16xf32, #tpu.memory_space<vmem>>) offsets(%arg5 : memref<5120xi32, #tpu.memory_space<vmem>>) semaphore(%arg7 : memref<!tpu.dma_semaphore, #tpu.memory_space<semaphore_mem>>)
    %dma_wait3A = arith.constant 0 : i32
    %dma_wait3A_5 = arith.constant 0 : i32
    %dma_wait3A_6 = tpu.memref_slice %arg2[%dma_wait3A, %dma_wait3A_5] : memref<10240x16xf32, #tpu.memory_space<hbm>> -> memref<10240x16xf32, #tpu.memory_space<hbm>>
    tpu.wait_indirect_dma semaphore(%arg7 : memref<!tpu.dma_semaphore, #tpu.memory_space<semaphore_mem>>) src(%dma_wait3A_6 : memref<10240x16xf32, #tpu.memory_space<hbm>>) dst(%arg6 : memref<5120x16xf32, #tpu.memory_space<vmem>>)
    "tpu.region"() ({
      %run_scoped3A = tpu.sem_alloc : memref<!tpu.dma_semaphore, #tpu.memory_space<semaphore_mem>>
      %dma_start3A_7 = arith.constant 0 : i32
      %dma_start3A_8 = tpu.memref_slice %arg4[%mul3A_2, %dma_start3A_7] : memref<163840x16xf32, #tpu.memory_space<hbm>> -> memref<5120x16xf32, #tpu.memory_space<hbm>>
      %dma_start3A_9 = arith.constant 0 : i32
      %dma_start3A_10 = tpu.memref_slice %arg4[%mul3A_2, %dma_start3A_9] : memref<163840x16xf32, #tpu.memory_space<hbm>> -> memref<5120x16xf32, #tpu.memory_space<hbm>>
      tpu.enqueue_dma source(%arg6 : memref<5120x16xf32, #tpu.memory_space<vmem>>) target(%dma_start3A_10 : memref<5120x16xf32, #tpu.memory_space<hbm>>) target_semaphore(%run_scoped3A : memref<!tpu.dma_semaphore, #tpu.memory_space<semaphore_mem>>)
      %dma_wait3A_11 = arith.constant 0 : i32
      %dma_wait3A_12 = tpu.memref_slice %arg4[%mul3A_2, %dma_wait3A_11] : memref<163840x16xf32, #tpu.memory_space<hbm>> -> memref<5120x16xf32, #tpu.memory_space<hbm>>
      %dma_wait3A_13 = arith.constant 0 : i32
      %dma_wait3A_14 = tpu.memref_slice %arg4[%mul3A_2, %dma_wait3A_13] : memref<163840x16xf32, #tpu.memory_space<hbm>> -> memref<5120x16xf32, #tpu.memory_space<hbm>>
      tpu.wait_dma2 semaphore(%run_scoped3A : memref<!tpu.dma_semaphore, #tpu.memory_space<semaphore_mem>>) src(%arg6 : memref<5120x16xf32, #tpu.memory_space<vmem>>) dst(%dma_wait3A_14 : memref<5120x16xf32, #tpu.memory_space<hbm>>)
      tpu.yield
    }) : () -> ()
    return
  }
}

#map = affine_map<(d0, d1) -> (0, 0)>
#map1 = affine_map<(d0, d1) -> (0, 0, 0)>
module attributes {stable_mosaic.version = 14 : i64} {
  func.func @_sc_scatter(%arg0: i32, %arg1: i32, %arg2: memref<163840x16xf32, #tpu.memory_space<hbm>>, %arg3: memref<32x40x128xi32, #tpu.memory_space<hbm>>, %arg4: memref<10240x16xf32, #tpu.memory_space<hbm>>, %arg5: memref<20480x16xf32, #tpu.memory_space<hbm>>, %arg6: memref<40x128xi32, #tpu.memory_space<vmem>>, %arg7: memref<5120x16xf32, #tpu.memory_space<vmem>>, %arg8: memref<10240x16xf32, #tpu.memory_space<vmem_shared>>) attributes {dimension_semantics = [#tpu.dimension_semantics<core_parallel>, #tpu.dimension_semantics<subcore_parallel>], iteration_bounds = array<i64: 2, 16>, scalar_prefetch = 0 : i64, scratch_operands = 3 : i64, tpu.core_type = #tpu.core_type<sc_vector_subcore>, window_params = [{transform_indices = #map}, {transform_indices = #map1}, {transform_indices = #map}, {transform_indices = #map}]} {
    %mul3A = arith.constant 2 : i32
    %mul3A_0 = arith.muli %arg1, %mul3A : i32
    %add3A = arith.addi %mul3A_0, %arg0 : i32
    %mul3A_1 = arith.constant 640 : i32
    %mul3A_2 = arith.muli %arg1, %mul3A_1 : i32
    %mul3A_3 = arith.constant 640 : i32
    %mul3A_4 = arith.muli %arg1, %mul3A_3 : i32
    "tpu.region"() ({
      %run_scoped3A = tpu.sem_alloc : memref<!tpu.dma_semaphore, #tpu.memory_space<semaphore_mem>>
      %dma_start3A = arith.constant 0 : i32
      %dma_start3A_20 = tpu.memref_slice %arg8[%mul3A_4, %dma_start3A] : memref<10240x16xf32, #tpu.memory_space<vmem_shared>> -> memref<640x16xf32, #tpu.memory_space<vmem_shared>>
      %dma_start3A_21 = arith.constant 0 : i32
      %dma_start3A_22 = tpu.memref_slice %arg4[%mul3A_2, %dma_start3A_21] : memref<10240x16xf32, #tpu.memory_space<hbm>> -> memref<640x16xf32, #tpu.memory_space<hbm>>
      tpu.enqueue_dma source(%dma_start3A_22 : memref<640x16xf32, #tpu.memory_space<hbm>>) target(%dma_start3A_20 : memref<640x16xf32, #tpu.memory_space<vmem_shared>>) target_semaphore(%run_scoped3A : memref<!tpu.dma_semaphore, #tpu.memory_space<semaphore_mem>>)
      %dma_wait3A = arith.constant 0 : i32
      %dma_wait3A_23 = tpu.memref_slice %arg8[%mul3A_4, %dma_wait3A] : memref<10240x16xf32, #tpu.memory_space<vmem_shared>> -> memref<640x16xf32, #tpu.memory_space<vmem_shared>>
      %dma_wait3A_24 = arith.constant 0 : i32
      %dma_wait3A_25 = tpu.memref_slice %arg4[%mul3A_2, %dma_wait3A_24] : memref<10240x16xf32, #tpu.memory_space<hbm>> -> memref<640x16xf32, #tpu.memory_space<hbm>>
      tpu.wait_dma2 semaphore(%run_scoped3A : memref<!tpu.dma_semaphore, #tpu.memory_space<semaphore_mem>>) src(%dma_wait3A_25 : memref<640x16xf32, #tpu.memory_space<hbm>>) dst(%dma_wait3A_23 : memref<640x16xf32, #tpu.memory_space<vmem_shared>>)
      tpu.yield
    }) : () -> ()
    %barrier3A = arith.constant 0 : index
    tpu.barrier barrier_id(%barrier3A)
    "tpu.region"() ({
      %run_scoped3A = tpu.sem_alloc : memref<!tpu.dma_semaphore, #tpu.memory_space<semaphore_mem>>
      %dma_start3A = arith.constant 0 : i32
      %dma_start3A_20 = arith.constant 0 : i32
      %dma_start3A_21 = tpu.memref_slice %arg3[%add3A, %dma_start3A, %dma_start3A_20] : memref<32x40x128xi32, #tpu.memory_space<hbm>> -> memref<1x40x128xi32, #tpu.memory_space<hbm>>
      %dma_start3A_22 = tpu.memref_squeeze %dma_start3A_21 : memref<1x40x128xi32, #tpu.memory_space<hbm>> -> memref<40x128xi32, #tpu.memory_space<hbm>>
      %dma_start3A_23 = arith.constant 0 : i32
      %dma_start3A_24 = arith.constant 0 : i32
      %dma_start3A_25 = tpu.memref_slice %arg3[%add3A, %dma_start3A_23, %dma_start3A_24] : memref<32x40x128xi32, #tpu.memory_space<hbm>> -> memref<1x40x128xi32, #tpu.memory_space<hbm>>
      %dma_start3A_26 = tpu.memref_squeeze %dma_start3A_25 : memref<1x40x128xi32, #tpu.memory_space<hbm>> -> memref<40x128xi32, #tpu.memory_space<hbm>>
      tpu.enqueue_dma source(%dma_start3A_26 : memref<40x128xi32, #tpu.memory_space<hbm>>) target(%arg6 : memref<40x128xi32, #tpu.memory_space<vmem>>) target_semaphore(%run_scoped3A : memref<!tpu.dma_semaphore, #tpu.memory_space<semaphore_mem>>)
      %dma_wait3A = arith.constant 0 : i32
      %dma_wait3A_27 = arith.constant 0 : i32
      %dma_wait3A_28 = tpu.memref_slice %arg3[%add3A, %dma_wait3A, %dma_wait3A_27] : memref<32x40x128xi32, #tpu.memory_space<hbm>> -> memref<1x40x128xi32, #tpu.memory_space<hbm>>
      %dma_wait3A_29 = tpu.memref_squeeze %dma_wait3A_28 : memref<1x40x128xi32, #tpu.memory_space<hbm>> -> memref<40x128xi32, #tpu.memory_space<hbm>>
      %dma_wait3A_30 = arith.constant 0 : i32
      %dma_wait3A_31 = arith.constant 0 : i32
      %dma_wait3A_32 = tpu.memref_slice %arg3[%add3A, %dma_wait3A_30, %dma_wait3A_31] : memref<32x40x128xi32, #tpu.memory_space<hbm>> -> memref<1x40x128xi32, #tpu.memory_space<hbm>>
      %dma_wait3A_33 = tpu.memref_squeeze %dma_wait3A_32 : memref<1x40x128xi32, #tpu.memory_space<hbm>> -> memref<40x128xi32, #tpu.memory_space<hbm>>
      tpu.wait_dma2 semaphore(%run_scoped3A : memref<!tpu.dma_semaphore, #tpu.memory_space<semaphore_mem>>) src(%dma_wait3A_33 : memref<40x128xi32, #tpu.memory_space<hbm>>) dst(%arg6 : memref<40x128xi32, #tpu.memory_space<vmem>>)
      tpu.yield
    }) : () -> ()
    %mul3A_5 = arith.constant 5120 : i32
    %mul3A_6 = arith.muli %add3A, %mul3A_5 : i32
    "tpu.region"() ({
      %run_scoped3A = tpu.sem_alloc : memref<!tpu.dma_semaphore, #tpu.memory_space<semaphore_mem>>
      %dma_start3A = arith.constant 0 : i32
      %dma_start3A_20 = tpu.memref_slice %arg2[%mul3A_6, %dma_start3A] : memref<163840x16xf32, #tpu.memory_space<hbm>> -> memref<5120x16xf32, #tpu.memory_space<hbm>>
      %dma_start3A_21 = arith.constant 0 : i32
      %dma_start3A_22 = tpu.memref_slice %arg2[%mul3A_6, %dma_start3A_21] : memref<163840x16xf32, #tpu.memory_space<hbm>> -> memref<5120x16xf32, #tpu.memory_space<hbm>>
      tpu.enqueue_dma source(%dma_start3A_22 : memref<5120x16xf32, #tpu.memory_space<hbm>>) target(%arg7 : memref<5120x16xf32, #tpu.memory_space<vmem>>) target_semaphore(%run_scoped3A : memref<!tpu.dma_semaphore, #tpu.memory_space<semaphore_mem>>)
      %dma_wait3A = arith.constant 0 : i32
      %dma_wait3A_23 = tpu.memref_slice %arg2[%mul3A_6, %dma_wait3A] : memref<163840x16xf32, #tpu.memory_space<hbm>> -> memref<5120x16xf32, #tpu.memory_space<hbm>>
      %dma_wait3A_24 = arith.constant 0 : i32
      %dma_wait3A_25 = tpu.memref_slice %arg2[%mul3A_6, %dma_wait3A_24] : memref<163840x16xf32, #tpu.memory_space<hbm>> -> memref<5120x16xf32, #tpu.memory_space<hbm>>
      tpu.wait_dma2 semaphore(%run_scoped3A : memref<!tpu.dma_semaphore, #tpu.memory_space<semaphore_mem>>) src(%dma_wait3A_25 : memref<5120x16xf32, #tpu.memory_space<hbm>>) dst(%arg7 : memref<5120x16xf32, #tpu.memory_space<vmem>>)
      tpu.yield
    }) : () -> ()
    %scan3A = arith.constant 0 : i32
    %scan3A_7 = arith.constant 0 : i32
    %scan3A_8 = arith.constant 40 : i32
    %scan3A_9 = arith.addi %scan3A_7, %scan3A_8 : i32
    %scan3A_10 = arith.constant 1 : i32
    scf.for %scan3A_20 = %scan3A_7 to %scan3A_9 step %scan3A_10  : i32 {
      %mul3A_21 = arith.constant 128 : i32
      %mul3A_22 = arith.muli %scan3A_20, %mul3A_21 : i32
      "tpu.region"() ({
        %run_scoped3A = tpu.sem_alloc : memref<!tpu.dma_semaphore, #tpu.memory_space<semaphore_mem>>
        %dma_start3A = arith.constant 0 : i32
        %dma_start3A_23 = tpu.memref_slice %arg7[%mul3A_22, %dma_start3A] : memref<5120x16xf32, #tpu.memory_space<vmem>> -> memref<128x16xf32, #tpu.memory_space<vmem>>
        %dma_start3A_24 = arith.constant 0 : i32
        %dma_start3A_25 = tpu.memref_slice %arg6[%scan3A_20, %dma_start3A_24] : memref<40x128xi32, #tpu.memory_space<vmem>> -> memref<1x128xi32, #tpu.memory_space<vmem>>
        %dma_start3A_26 = tpu.memref_squeeze %dma_start3A_25 : memref<1x128xi32, #tpu.memory_space<vmem>> -> memref<128xi32, #tpu.memory_space<vmem>>
        %dma_start3A_27 = arith.constant 0 : i32
        %dma_start3A_28 = arith.constant 0 : i32
        %dma_start3A_29 = tpu.memref_slice %arg8[%dma_start3A_27, %dma_start3A_28] : memref<10240x16xf32, #tpu.memory_space<vmem_shared>> -> memref<10240x16xf32, #tpu.memory_space<vmem_shared>>
        tpu.enqueue_indirect_dma source(%dma_start3A_23 : memref<128x16xf32, #tpu.memory_space<vmem>>) target(%dma_start3A_29 : memref<10240x16xf32, #tpu.memory_space<vmem_shared>>) offsets(%dma_start3A_26 : memref<128xi32, #tpu.memory_space<vmem>>) semaphore(%run_scoped3A : memref<!tpu.dma_semaphore, #tpu.memory_space<semaphore_mem>>) {add = true}
        %dma_wait3A = arith.constant 0 : i32
        %dma_wait3A_30 = tpu.memref_slice %arg7[%mul3A_22, %dma_wait3A] : memref<5120x16xf32, #tpu.memory_space<vmem>> -> memref<128x16xf32, #tpu.memory_space<vmem>>
        %dma_wait3A_31 = arith.constant 0 : i32
        %dma_wait3A_32 = tpu.memref_slice %arg6[%scan3A_20, %dma_wait3A_31] : memref<40x128xi32, #tpu.memory_space<vmem>> -> memref<1x128xi32, #tpu.memory_space<vmem>>
        %dma_wait3A_33 = tpu.memref_squeeze %dma_wait3A_32 : memref<1x128xi32, #tpu.memory_space<vmem>> -> memref<128xi32, #tpu.memory_space<vmem>>
        %dma_wait3A_34 = arith.constant 0 : i32
        %dma_wait3A_35 = arith.constant 0 : i32
        %dma_wait3A_36 = tpu.memref_slice %arg8[%dma_wait3A_34, %dma_wait3A_35] : memref<10240x16xf32, #tpu.memory_space<vmem_shared>> -> memref<10240x16xf32, #tpu.memory_space<vmem_shared>>
        tpu.wait_indirect_dma semaphore(%run_scoped3A : memref<!tpu.dma_semaphore, #tpu.memory_space<semaphore_mem>>) src(%dma_wait3A_30 : memref<128x16xf32, #tpu.memory_space<vmem>>) dst(%dma_wait3A_36 : memref<10240x16xf32, #tpu.memory_space<vmem_shared>>)
        tpu.yield
      }) : () -> ()
    }
    %scan3A_11 = arith.constant 40 : i32
    %barrier3A_12 = arith.constant 0 : index
    tpu.barrier barrier_id(%barrier3A_12)
    %mul3A_13 = arith.constant 640 : i32
    %mul3A_14 = arith.muli %arg1, %mul3A_13 : i32
    %mul3A_15 = arith.constant 10240 : i32
    %mul3A_16 = arith.muli %arg0, %mul3A_15 : i32
    %mul3A_17 = arith.constant 640 : i32
    %mul3A_18 = arith.muli %arg1, %mul3A_17 : i32
    %add3A_19 = arith.addi %mul3A_16, %mul3A_18 : i32
    "tpu.region"() ({
      %run_scoped3A = tpu.sem_alloc : memref<!tpu.dma_semaphore, #tpu.memory_space<semaphore_mem>>
      %dma_start3A = arith.constant 0 : i32
      %dma_start3A_20 = tpu.memref_slice %arg5[%add3A_19, %dma_start3A] : memref<20480x16xf32, #tpu.memory_space<hbm>> -> memref<640x16xf32, #tpu.memory_space<hbm>>
      %dma_start3A_21 = arith.constant 0 : i32
      %dma_start3A_22 = tpu.memref_slice %arg8[%mul3A_14, %dma_start3A_21] : memref<10240x16xf32, #tpu.memory_space<vmem_shared>> -> memref<640x16xf32, #tpu.memory_space<vmem_shared>>
      tpu.enqueue_dma source(%dma_start3A_22 : memref<640x16xf32, #tpu.memory_space<vmem_shared>>) target(%dma_start3A_20 : memref<640x16xf32, #tpu.memory_space<hbm>>) target_semaphore(%run_scoped3A : memref<!tpu.dma_semaphore, #tpu.memory_space<semaphore_mem>>)
      %dma_wait3A = arith.constant 0 : i32
      %dma_wait3A_23 = tpu.memref_slice %arg5[%add3A_19, %dma_wait3A] : memref<20480x16xf32, #tpu.memory_space<hbm>> -> memref<640x16xf32, #tpu.memory_space<hbm>>
      %dma_wait3A_24 = arith.constant 0 : i32
      %dma_wait3A_25 = tpu.memref_slice %arg8[%mul3A_14, %dma_wait3A_24] : memref<10240x16xf32, #tpu.memory_space<vmem_shared>> -> memref<640x16xf32, #tpu.memory_space<vmem_shared>>
      tpu.wait_dma2 semaphore(%run_scoped3A : memref<!tpu.dma_semaphore, #tpu.memory_space<semaphore_mem>>) src(%dma_wait3A_25 : memref<640x16xf32, #tpu.memory_space<vmem_shared>>) dst(%dma_wait3A_23 : memref<640x16xf32, #tpu.memory_space<hbm>>)
      tpu.yield
    }) : () -> ()
    return
  }
}

#map = affine_map<(d0, d1) -> (0, 0)>
#map1 = affine_map<(d0, d1) -> (0)>
module attributes {stable_mosaic.version = 14 : i64} {
  func.func @_sc_gather(%arg0: i32, %arg1: i32, %arg2: memref<10240x16xf32, #tpu.memory_space<hbm>>, %arg3: memref<163840xi32, #tpu.memory_space<hbm>>, %arg4: memref<163840x16xf32, #tpu.memory_space<hbm>>, %arg5: memref<5120xi32, #tpu.memory_space<vmem>>, %arg6: memref<5120x16xf32, #tpu.memory_space<vmem>>, %arg7: memref<!tpu.dma_semaphore, #tpu.memory_space<semaphore_mem>>) attributes {dimension_semantics = [#tpu.dimension_semantics<core_parallel>, #tpu.dimension_semantics<subcore_parallel>], iteration_bounds = array<i64: 2, 16>, scalar_prefetch = 0 : i64, scratch_operands = 3 : i64, tpu.core_type = #tpu.core_type<sc_vector_subcore>, window_params = [{transform_indices = #map}, {transform_indices = #map1}, {transform_indices = #map}]} {
    %mul3A = arith.constant 2 : i32
    %mul3A_0 = arith.muli %arg1, %mul3A : i32
    %add3A = arith.addi %mul3A_0, %arg0 : i32
    %mul3A_1 = arith.constant 5120 : i32
    %mul3A_2 = arith.muli %add3A, %mul3A_1 : i32
    "tpu.region"() ({
      %run_scoped3A = tpu.sem_alloc : memref<!tpu.dma_semaphore, #tpu.memory_space<semaphore_mem>>
      %dma_start3A_7 = tpu.memref_slice %arg3[%mul3A_2] : memref<163840xi32, #tpu.memory_space<hbm>> -> memref<5120xi32, #tpu.memory_space<hbm>>
      %dma_start3A_8 = tpu.memref_slice %arg3[%mul3A_2] : memref<163840xi32, #tpu.memory_space<hbm>> -> memref<5120xi32, #tpu.memory_space<hbm>>
      tpu.enqueue_dma source(%dma_start3A_8 : memref<5120xi32, #tpu.memory_space<hbm>>) target(%arg5 : memref<5120xi32, #tpu.memory_space<vmem>>) target_semaphore(%run_scoped3A : memref<!tpu.dma_semaphore, #tpu.memory_space<semaphore_mem>>)
      %dma_wait3A_9 = tpu.memref_slice %arg3[%mul3A_2] : memref<163840xi32, #tpu.memory_space<hbm>> -> memref<5120xi32, #tpu.memory_space<hbm>>
      %dma_wait3A_10 = tpu.memref_slice %arg3[%mul3A_2] : memref<163840xi32, #tpu.memory_space<hbm>> -> memref<5120xi32, #tpu.memory_space<hbm>>
      tpu.wait_dma2 semaphore(%run_scoped3A : memref<!tpu.dma_semaphore, #tpu.memory_space<semaphore_mem>>) src(%dma_wait3A_10 : memref<5120xi32, #tpu.memory_space<hbm>>) dst(%arg5 : memref<5120xi32, #tpu.memory_space<vmem>>)
      tpu.yield
    }) : () -> ()
    %dma_start3A = arith.constant 0 : i32
    %dma_start3A_3 = arith.constant 0 : i32
    %dma_start3A_4 = tpu.memref_slice %arg2[%dma_start3A, %dma_start3A_3] : memref<10240x16xf32, #tpu.memory_space<hbm>> -> memref<10240x16xf32, #tpu.memory_space<hbm>>
    tpu.enqueue_indirect_dma source(%dma_start3A_4 : memref<10240x16xf32, #tpu.memory_space<hbm>>) target(%arg6 : memref<5120x16xf32, #tpu.memory_space<vmem>>) offsets(%arg5 : memref<5120xi32, #tpu.memory_space<vmem>>) semaphore(%arg7 : memref<!tpu.dma_semaphore, #tpu.memory_space<semaphore_mem>>)
    %dma_wait3A = arith.constant 0 : i32
    %dma_wait3A_5 = arith.constant 0 : i32
    %dma_wait3A_6 = tpu.memref_slice %arg2[%dma_wait3A, %dma_wait3A_5] : memref<10240x16xf32, #tpu.memory_space<hbm>> -> memref<10240x16xf32, #tpu.memory_space<hbm>>
    tpu.wait_indirect_dma semaphore(%arg7 : memref<!tpu.dma_semaphore, #tpu.memory_space<semaphore_mem>>) src(%dma_wait3A_6 : memref<10240x16xf32, #tpu.memory_space<hbm>>) dst(%arg6 : memref<5120x16xf32, #tpu.memory_space<vmem>>)
    "tpu.region"() ({
      %run_scoped3A = tpu.sem_alloc : memref<!tpu.dma_semaphore, #tpu.memory_space<semaphore_mem>>
      %dma_start3A_7 = arith.constant 0 : i32
      %dma_start3A_8 = tpu.memref_slice %arg4[%mul3A_2, %dma_start3A_7] : memref<163840x16xf32, #tpu.memory_space<hbm>> -> memref<5120x16xf32, #tpu.memory_space<hbm>>
      %dma_start3A_9 = arith.constant 0 : i32
      %dma_start3A_10 = tpu.memref_slice %arg4[%mul3A_2, %dma_start3A_9] : memref<163840x16xf32, #tpu.memory_space<hbm>> -> memref<5120x16xf32, #tpu.memory_space<hbm>>
      tpu.enqueue_dma source(%arg6 : memref<5120x16xf32, #tpu.memory_space<vmem>>) target(%dma_start3A_10 : memref<5120x16xf32, #tpu.memory_space<hbm>>) target_semaphore(%run_scoped3A : memref<!tpu.dma_semaphore, #tpu.memory_space<semaphore_mem>>)
      %dma_wait3A_11 = arith.constant 0 : i32
      %dma_wait3A_12 = tpu.memref_slice %arg4[%mul3A_2, %dma_wait3A_11] : memref<163840x16xf32, #tpu.memory_space<hbm>> -> memref<5120x16xf32, #tpu.memory_space<hbm>>
      %dma_wait3A_13 = arith.constant 0 : i32
      %dma_wait3A_14 = tpu.memref_slice %arg4[%mul3A_2, %dma_wait3A_13] : memref<163840x16xf32, #tpu.memory_space<hbm>> -> memref<5120x16xf32, #tpu.memory_space<hbm>>
      tpu.wait_dma2 semaphore(%run_scoped3A : memref<!tpu.dma_semaphore, #tpu.memory_space<semaphore_mem>>) src(%arg6 : memref<5120x16xf32, #tpu.memory_space<vmem>>) dst(%dma_wait3A_14 : memref<5120x16xf32, #tpu.memory_space<hbm>>)
      tpu.yield
    }) : () -> ()
    return
  }
}

#map = affine_map<(d0, d1) -> (0, 0)>
#map1 = affine_map<(d0, d1) -> (0)>
module attributes {stable_mosaic.version = 14 : i64} {
  func.func @_sc_gather(%arg0: i32, %arg1: i32, %arg2: memref<10240x16xf32, #tpu.memory_space<hbm>>, %arg3: memref<163840xi32, #tpu.memory_space<hbm>>, %arg4: memref<163840x16xf32, #tpu.memory_space<hbm>>, %arg5: memref<5120xi32, #tpu.memory_space<vmem>>, %arg6: memref<5120x16xf32, #tpu.memory_space<vmem>>, %arg7: memref<!tpu.dma_semaphore, #tpu.memory_space<semaphore_mem>>) attributes {dimension_semantics = [#tpu.dimension_semantics<core_parallel>, #tpu.dimension_semantics<subcore_parallel>], iteration_bounds = array<i64: 2, 16>, scalar_prefetch = 0 : i64, scratch_operands = 3 : i64, tpu.core_type = #tpu.core_type<sc_vector_subcore>, window_params = [{transform_indices = #map}, {transform_indices = #map1}, {transform_indices = #map}]} {
    %mul3A = arith.constant 2 : i32
    %mul3A_0 = arith.muli %arg1, %mul3A : i32
    %add3A = arith.addi %mul3A_0, %arg0 : i32
    %mul3A_1 = arith.constant 5120 : i32
    %mul3A_2 = arith.muli %add3A, %mul3A_1 : i32
    "tpu.region"() ({
      %run_scoped3A = tpu.sem_alloc : memref<!tpu.dma_semaphore, #tpu.memory_space<semaphore_mem>>
      %dma_start3A_7 = tpu.memref_slice %arg3[%mul3A_2] : memref<163840xi32, #tpu.memory_space<hbm>> -> memref<5120xi32, #tpu.memory_space<hbm>>
      %dma_start3A_8 = tpu.memref_slice %arg3[%mul3A_2] : memref<163840xi32, #tpu.memory_space<hbm>> -> memref<5120xi32, #tpu.memory_space<hbm>>
      tpu.enqueue_dma source(%dma_start3A_8 : memref<5120xi32, #tpu.memory_space<hbm>>) target(%arg5 : memref<5120xi32, #tpu.memory_space<vmem>>) target_semaphore(%run_scoped3A : memref<!tpu.dma_semaphore, #tpu.memory_space<semaphore_mem>>)
      %dma_wait3A_9 = tpu.memref_slice %arg3[%mul3A_2] : memref<163840xi32, #tpu.memory_space<hbm>> -> memref<5120xi32, #tpu.memory_space<hbm>>
      %dma_wait3A_10 = tpu.memref_slice %arg3[%mul3A_2] : memref<163840xi32, #tpu.memory_space<hbm>> -> memref<5120xi32, #tpu.memory_space<hbm>>
      tpu.wait_dma2 semaphore(%run_scoped3A : memref<!tpu.dma_semaphore, #tpu.memory_space<semaphore_mem>>) src(%dma_wait3A_10 : memref<5120xi32, #tpu.memory_space<hbm>>) dst(%arg5 : memref<5120xi32, #tpu.memory_space<vmem>>)
      tpu.yield
    }) : () -> ()
    %dma_start3A = arith.constant 0 : i32
    %dma_start3A_3 = arith.constant 0 : i32
    %dma_start3A_4 = tpu.memref_slice %arg2[%dma_start3A, %dma_start3A_3] : memref<10240x16xf32, #tpu.memory_space<hbm>> -> memref<10240x16xf32, #tpu.memory_space<hbm>>
    tpu.enqueue_indirect_dma source(%dma_start3A_4 : memref<10240x16xf32, #tpu.memory_space<hbm>>) target(%arg6 : memref<5120x16xf32, #tpu.memory_space<vmem>>) offsets(%arg5 : memref<5120xi32, #tpu.memory_space<vmem>>) semaphore(%arg7 : memref<!tpu.dma_semaphore, #tpu.memory_space<semaphore_mem>>)
    %dma_wait3A = arith.constant 0 : i32
    %dma_wait3A_5 = arith.constant 0 : i32
    %dma_wait3A_6 = tpu.memref_slice %arg2[%dma_wait3A, %dma_wait3A_5] : memref<10240x16xf32, #tpu.memory_space<hbm>> -> memref<10240x16xf32, #tpu.memory_space<hbm>>
    tpu.wait_indirect_dma semaphore(%arg7 : memref<!tpu.dma_semaphore, #tpu.memory_space<semaphore_mem>>) src(%dma_wait3A_6 : memref<10240x16xf32, #tpu.memory_space<hbm>>) dst(%arg6 : memref<5120x16xf32, #tpu.memory_space<vmem>>)
    "tpu.region"() ({
      %run_scoped3A = tpu.sem_alloc : memref<!tpu.dma_semaphore, #tpu.memory_space<semaphore_mem>>
      %dma_start3A_7 = arith.constant 0 : i32
      %dma_start3A_8 = tpu.memref_slice %arg4[%mul3A_2, %dma_start3A_7] : memref<163840x16xf32, #tpu.memory_space<hbm>> -> memref<5120x16xf32, #tpu.memory_space<hbm>>
      %dma_start3A_9 = arith.constant 0 : i32
      %dma_start3A_10 = tpu.memref_slice %arg4[%mul3A_2, %dma_start3A_9] : memref<163840x16xf32, #tpu.memory_space<hbm>> -> memref<5120x16xf32, #tpu.memory_space<hbm>>
      tpu.enqueue_dma source(%arg6 : memref<5120x16xf32, #tpu.memory_space<vmem>>) target(%dma_start3A_10 : memref<5120x16xf32, #tpu.memory_space<hbm>>) target_semaphore(%run_scoped3A : memref<!tpu.dma_semaphore, #tpu.memory_space<semaphore_mem>>)
      %dma_wait3A_11 = arith.constant 0 : i32
      %dma_wait3A_12 = tpu.memref_slice %arg4[%mul3A_2, %dma_wait3A_11] : memref<163840x16xf32, #tpu.memory_space<hbm>> -> memref<5120x16xf32, #tpu.memory_space<hbm>>
      %dma_wait3A_13 = arith.constant 0 : i32
      %dma_wait3A_14 = tpu.memref_slice %arg4[%mul3A_2, %dma_wait3A_13] : memref<163840x16xf32, #tpu.memory_space<hbm>> -> memref<5120x16xf32, #tpu.memory_space<hbm>>
      tpu.wait_dma2 semaphore(%run_scoped3A : memref<!tpu.dma_semaphore, #tpu.memory_space<semaphore_mem>>) src(%arg6 : memref<5120x16xf32, #tpu.memory_space<vmem>>) dst(%dma_wait3A_14 : memref<5120x16xf32, #tpu.memory_space<hbm>>)
      tpu.yield
    }) : () -> ()
    return
  }
}

#map = affine_map<(d0, d1) -> (0, 0)>
#map1 = affine_map<(d0, d1) -> (0, 0, 0)>
module attributes {stable_mosaic.version = 14 : i64} {
  func.func @_sc_scatter(%arg0: i32, %arg1: i32, %arg2: memref<163840x16xf32, #tpu.memory_space<hbm>>, %arg3: memref<32x40x128xi32, #tpu.memory_space<hbm>>, %arg4: memref<10240x16xf32, #tpu.memory_space<hbm>>, %arg5: memref<20480x16xf32, #tpu.memory_space<hbm>>, %arg6: memref<40x128xi32, #tpu.memory_space<vmem>>, %arg7: memref<5120x16xf32, #tpu.memory_space<vmem>>, %arg8: memref<10240x16xf32, #tpu.memory_space<vmem_shared>>) attributes {dimension_semantics = [#tpu.dimension_semantics<core_parallel>, #tpu.dimension_semantics<subcore_parallel>], iteration_bounds = array<i64: 2, 16>, scalar_prefetch = 0 : i64, scratch_operands = 3 : i64, tpu.core_type = #tpu.core_type<sc_vector_subcore>, window_params = [{transform_indices = #map}, {transform_indices = #map1}, {transform_indices = #map}, {transform_indices = #map}]} {
    %mul3A = arith.constant 2 : i32
    %mul3A_0 = arith.muli %arg1, %mul3A : i32
    %add3A = arith.addi %mul3A_0, %arg0 : i32
    %mul3A_1 = arith.constant 640 : i32
    %mul3A_2 = arith.muli %arg1, %mul3A_1 : i32
    %mul3A_3 = arith.constant 640 : i32
    %mul3A_4 = arith.muli %arg1, %mul3A_3 : i32
    "tpu.region"() ({
      %run_scoped3A = tpu.sem_alloc : memref<!tpu.dma_semaphore, #tpu.memory_space<semaphore_mem>>
      %dma_start3A = arith.constant 0 : i32
      %dma_start3A_20 = tpu.memref_slice %arg8[%mul3A_4, %dma_start3A] : memref<10240x16xf32, #tpu.memory_space<vmem_shared>> -> memref<640x16xf32, #tpu.memory_space<vmem_shared>>
      %dma_start3A_21 = arith.constant 0 : i32
      %dma_start3A_22 = tpu.memref_slice %arg4[%mul3A_2, %dma_start3A_21] : memref<10240x16xf32, #tpu.memory_space<hbm>> -> memref<640x16xf32, #tpu.memory_space<hbm>>
      tpu.enqueue_dma source(%dma_start3A_22 : memref<640x16xf32, #tpu.memory_space<hbm>>) target(%dma_start3A_20 : memref<640x16xf32, #tpu.memory_space<vmem_shared>>) target_semaphore(%run_scoped3A : memref<!tpu.dma_semaphore, #tpu.memory_space<semaphore_mem>>)
      %dma_wait3A = arith.constant 0 : i32
      %dma_wait3A_23 = tpu.memref_slice %arg8[%mul3A_4, %dma_wait3A] : memref<10240x16xf32, #tpu.memory_space<vmem_shared>> -> memref<640x16xf32, #tpu.memory_space<vmem_shared>>
      %dma_wait3A_24 = arith.constant 0 : i32
      %dma_wait3A_25 = tpu.memref_slice %arg4[%mul3A_2, %dma_wait3A_24] : memref<10240x16xf32, #tpu.memory_space<hbm>> -> memref<640x16xf32, #tpu.memory_space<hbm>>
      tpu.wait_dma2 semaphore(%run_scoped3A : memref<!tpu.dma_semaphore, #tpu.memory_space<semaphore_mem>>) src(%dma_wait3A_25 : memref<640x16xf32, #tpu.memory_space<hbm>>) dst(%dma_wait3A_23 : memref<640x16xf32, #tpu.memory_space<vmem_shared>>)
      tpu.yield
    }) : () -> ()
    %barrier3A = arith.constant 0 : index
    tpu.barrier barrier_id(%barrier3A)
    "tpu.region"() ({
      %run_scoped3A = tpu.sem_alloc : memref<!tpu.dma_semaphore, #tpu.memory_space<semaphore_mem>>
      %dma_start3A = arith.constant 0 : i32
      %dma_start3A_20 = arith.constant 0 : i32
      %dma_start3A_21 = tpu.memref_slice %arg3[%add3A, %dma_start3A, %dma_start3A_20] : memref<32x40x128xi32, #tpu.memory_space<hbm>> -> memref<1x40x128xi32, #tpu.memory_space<hbm>>
      %dma_start3A_22 = tpu.memref_squeeze %dma_start3A_21 : memref<1x40x128xi32, #tpu.memory_space<hbm>> -> memref<40x128xi32, #tpu.memory_space<hbm>>
      %dma_start3A_23 = arith.constant 0 : i32
      %dma_start3A_24 = arith.constant 0 : i32
      %dma_start3A_25 = tpu.memref_slice %arg3[%add3A, %dma_start3A_23, %dma_start3A_24] : memref<32x40x128xi32, #tpu.memory_space<hbm>> -> memref<1x40x128xi32, #tpu.memory_space<hbm>>
      %dma_start3A_26 = tpu.memref_squeeze %dma_start3A_25 : memref<1x40x128xi32, #tpu.memory_space<hbm>> -> memref<40x128xi32, #tpu.memory_space<hbm>>
      tpu.enqueue_dma source(%dma_start3A_26 : memref<40x128xi32, #tpu.memory_space<hbm>>) target(%arg6 : memref<40x128xi32, #tpu.memory_space<vmem>>) target_semaphore(%run_scoped3A : memref<!tpu.dma_semaphore, #tpu.memory_space<semaphore_mem>>)
      %dma_wait3A = arith.constant 0 : i32
      %dma_wait3A_27 = arith.constant 0 : i32
      %dma_wait3A_28 = tpu.memref_slice %arg3[%add3A, %dma_wait3A, %dma_wait3A_27] : memref<32x40x128xi32, #tpu.memory_space<hbm>> -> memref<1x40x128xi32, #tpu.memory_space<hbm>>
      %dma_wait3A_29 = tpu.memref_squeeze %dma_wait3A_28 : memref<1x40x128xi32, #tpu.memory_space<hbm>> -> memref<40x128xi32, #tpu.memory_space<hbm>>
      %dma_wait3A_30 = arith.constant 0 : i32
      %dma_wait3A_31 = arith.constant 0 : i32
      %dma_wait3A_32 = tpu.memref_slice %arg3[%add3A, %dma_wait3A_30, %dma_wait3A_31] : memref<32x40x128xi32, #tpu.memory_space<hbm>> -> memref<1x40x128xi32, #tpu.memory_space<hbm>>
      %dma_wait3A_33 = tpu.memref_squeeze %dma_wait3A_32 : memref<1x40x128xi32, #tpu.memory_space<hbm>> -> memref<40x128xi32, #tpu.memory_space<hbm>>
      tpu.wait_dma2 semaphore(%run_scoped3A : memref<!tpu.dma_semaphore, #tpu.memory_space<semaphore_mem>>) src(%dma_wait3A_33 : memref<40x128xi32, #tpu.memory_space<hbm>>) dst(%arg6 : memref<40x128xi32, #tpu.memory_space<vmem>>)
      tpu.yield
    }) : () -> ()
    %mul3A_5 = arith.constant 5120 : i32
    %mul3A_6 = arith.muli %add3A, %mul3A_5 : i32
    "tpu.region"() ({
      %run_scoped3A = tpu.sem_alloc : memref<!tpu.dma_semaphore, #tpu.memory_space<semaphore_mem>>
      %dma_start3A = arith.constant 0 : i32
      %dma_start3A_20 = tpu.memref_slice %arg2[%mul3A_6, %dma_start3A] : memref<163840x16xf32, #tpu.memory_space<hbm>> -> memref<5120x16xf32, #tpu.memory_space<hbm>>
      %dma_start3A_21 = arith.constant 0 : i32
      %dma_start3A_22 = tpu.memref_slice %arg2[%mul3A_6, %dma_start3A_21] : memref<163840x16xf32, #tpu.memory_space<hbm>> -> memref<5120x16xf32, #tpu.memory_space<hbm>>
      tpu.enqueue_dma source(%dma_start3A_22 : memref<5120x16xf32, #tpu.memory_space<hbm>>) target(%arg7 : memref<5120x16xf32, #tpu.memory_space<vmem>>) target_semaphore(%run_scoped3A : memref<!tpu.dma_semaphore, #tpu.memory_space<semaphore_mem>>)
      %dma_wait3A = arith.constant 0 : i32
      %dma_wait3A_23 = tpu.memref_slice %arg2[%mul3A_6, %dma_wait3A] : memref<163840x16xf32, #tpu.memory_space<hbm>> -> memref<5120x16xf32, #tpu.memory_space<hbm>>
      %dma_wait3A_24 = arith.constant 0 : i32
      %dma_wait3A_25 = tpu.memref_slice %arg2[%mul3A_6, %dma_wait3A_24] : memref<163840x16xf32, #tpu.memory_space<hbm>> -> memref<5120x16xf32, #tpu.memory_space<hbm>>
      tpu.wait_dma2 semaphore(%run_scoped3A : memref<!tpu.dma_semaphore, #tpu.memory_space<semaphore_mem>>) src(%dma_wait3A_25 : memref<5120x16xf32, #tpu.memory_space<hbm>>) dst(%arg7 : memref<5120x16xf32, #tpu.memory_space<vmem>>)
      tpu.yield
    }) : () -> ()
    %scan3A = arith.constant 0 : i32
    %scan3A_7 = arith.constant 0 : i32
    %scan3A_8 = arith.constant 40 : i32
    %scan3A_9 = arith.addi %scan3A_7, %scan3A_8 : i32
    %scan3A_10 = arith.constant 1 : i32
    scf.for %scan3A_20 = %scan3A_7 to %scan3A_9 step %scan3A_10  : i32 {
      %mul3A_21 = arith.constant 128 : i32
      %mul3A_22 = arith.muli %scan3A_20, %mul3A_21 : i32
      "tpu.region"() ({
        %run_scoped3A = tpu.sem_alloc : memref<!tpu.dma_semaphore, #tpu.memory_space<semaphore_mem>>
        %dma_start3A = arith.constant 0 : i32
        %dma_start3A_23 = tpu.memref_slice %arg7[%mul3A_22, %dma_start3A] : memref<5120x16xf32, #tpu.memory_space<vmem>> -> memref<128x16xf32, #tpu.memory_space<vmem>>
        %dma_start3A_24 = arith.constant 0 : i32
        %dma_start3A_25 = tpu.memref_slice %arg6[%scan3A_20, %dma_start3A_24] : memref<40x128xi32, #tpu.memory_space<vmem>> -> memref<1x128xi32, #tpu.memory_space<vmem>>
        %dma_start3A_26 = tpu.memref_squeeze %dma_start3A_25 : memref<1x128xi32, #tpu.memory_space<vmem>> -> memref<128xi32, #tpu.memory_space<vmem>>
        %dma_start3A_27 = arith.constant 0 : i32
        %dma_start3A_28 = arith.constant 0 : i32
        %dma_start3A_29 = tpu.memref_slice %arg8[%dma_start3A_27, %dma_start3A_28] : memref<10240x16xf32, #tpu.memory_space<vmem_shared>> -> memref<10240x16xf32, #tpu.memory_space<vmem_shared>>
        tpu.enqueue_indirect_dma source(%dma_start3A_23 : memref<128x16xf32, #tpu.memory_space<vmem>>) target(%dma_start3A_29 : memref<10240x16xf32, #tpu.memory_space<vmem_shared>>) offsets(%dma_start3A_26 : memref<128xi32, #tpu.memory_space<vmem>>) semaphore(%run_scoped3A : memref<!tpu.dma_semaphore, #tpu.memory_space<semaphore_mem>>) {add = true}
        %dma_wait3A = arith.constant 0 : i32
        %dma_wait3A_30 = tpu.memref_slice %arg7[%mul3A_22, %dma_wait3A] : memref<5120x16xf32, #tpu.memory_space<vmem>> -> memref<128x16xf32, #tpu.memory_space<vmem>>
        %dma_wait3A_31 = arith.constant 0 : i32
        %dma_wait3A_32 = tpu.memref_slice %arg6[%scan3A_20, %dma_wait3A_31] : memref<40x128xi32, #tpu.memory_space<vmem>> -> memref<1x128xi32, #tpu.memory_space<vmem>>
        %dma_wait3A_33 = tpu.memref_squeeze %dma_wait3A_32 : memref<1x128xi32, #tpu.memory_space<vmem>> -> memref<128xi32, #tpu.memory_space<vmem>>
        %dma_wait3A_34 = arith.constant 0 : i32
        %dma_wait3A_35 = arith.constant 0 : i32
        %dma_wait3A_36 = tpu.memref_slice %arg8[%dma_wait3A_34, %dma_wait3A_35] : memref<10240x16xf32, #tpu.memory_space<vmem_shared>> -> memref<10240x16xf32, #tpu.memory_space<vmem_shared>>
        tpu.wait_indirect_dma semaphore(%run_scoped3A : memref<!tpu.dma_semaphore, #tpu.memory_space<semaphore_mem>>) src(%dma_wait3A_30 : memref<128x16xf32, #tpu.memory_space<vmem>>) dst(%dma_wait3A_36 : memref<10240x16xf32, #tpu.memory_space<vmem_shared>>)
        tpu.yield
      }) : () -> ()
    }
    %scan3A_11 = arith.constant 40 : i32
    %barrier3A_12 = arith.constant 0 : index
    tpu.barrier barrier_id(%barrier3A_12)
    %mul3A_13 = arith.constant 640 : i32
    %mul3A_14 = arith.muli %arg1, %mul3A_13 : i32
    %mul3A_15 = arith.constant 10240 : i32
    %mul3A_16 = arith.muli %arg0, %mul3A_15 : i32
    %mul3A_17 = arith.constant 640 : i32
    %mul3A_18 = arith.muli %arg1, %mul3A_17 : i32
    %add3A_19 = arith.addi %mul3A_16, %mul3A_18 : i32
    "tpu.region"() ({
      %run_scoped3A = tpu.sem_alloc : memref<!tpu.dma_semaphore, #tpu.memory_space<semaphore_mem>>
      %dma_start3A = arith.constant 0 : i32
      %dma_start3A_20 = tpu.memref_slice %arg5[%add3A_19, %dma_start3A] : memref<20480x16xf32, #tpu.memory_space<hbm>> -> memref<640x16xf32, #tpu.memory_space<hbm>>
      %dma_start3A_21 = arith.constant 0 : i32
      %dma_start3A_22 = tpu.memref_slice %arg8[%mul3A_14, %dma_start3A_21] : memref<10240x16xf32, #tpu.memory_space<vmem_shared>> -> memref<640x16xf32, #tpu.memory_space<vmem_shared>>
      tpu.enqueue_dma source(%dma_start3A_22 : memref<640x16xf32, #tpu.memory_space<vmem_shared>>) target(%dma_start3A_20 : memref<640x16xf32, #tpu.memory_space<hbm>>) target_semaphore(%run_scoped3A : memref<!tpu.dma_semaphore, #tpu.memory_space<semaphore_mem>>)
      %dma_wait3A = arith.constant 0 : i32
      %dma_wait3A_23 = tpu.memref_slice %arg5[%add3A_19, %dma_wait3A] : memref<20480x16xf32, #tpu.memory_space<hbm>> -> memref<640x16xf32, #tpu.memory_space<hbm>>
      %dma_wait3A_24 = arith.constant 0 : i32
      %dma_wait3A_25 = tpu.memref_slice %arg8[%mul3A_14, %dma_wait3A_24] : memref<10240x16xf32, #tpu.memory_space<vmem_shared>> -> memref<640x16xf32, #tpu.memory_space<vmem_shared>>
      tpu.wait_dma2 semaphore(%run_scoped3A : memref<!tpu.dma_semaphore, #tpu.memory_space<semaphore_mem>>) src(%dma_wait3A_25 : memref<640x16xf32, #tpu.memory_space<vmem_shared>>) dst(%dma_wait3A_23 : memref<640x16xf32, #tpu.memory_space<hbm>>)
      tpu.yield
    }) : () -> ()
    return
  }
}

#map = affine_map<(d0, d1) -> (0, 0)>
#map1 = affine_map<(d0, d1) -> (0)>
module attributes {stable_mosaic.version = 14 : i64} {
  func.func @_sc_gather(%arg0: i32, %arg1: i32, %arg2: memref<10240x16xf32, #tpu.memory_space<hbm>>, %arg3: memref<163840xi32, #tpu.memory_space<hbm>>, %arg4: memref<163840x16xf32, #tpu.memory_space<hbm>>, %arg5: memref<5120xi32, #tpu.memory_space<vmem>>, %arg6: memref<5120x16xf32, #tpu.memory_space<vmem>>, %arg7: memref<!tpu.dma_semaphore, #tpu.memory_space<semaphore_mem>>) attributes {dimension_semantics = [#tpu.dimension_semantics<core_parallel>, #tpu.dimension_semantics<subcore_parallel>], iteration_bounds = array<i64: 2, 16>, scalar_prefetch = 0 : i64, scratch_operands = 3 : i64, tpu.core_type = #tpu.core_type<sc_vector_subcore>, window_params = [{transform_indices = #map}, {transform_indices = #map1}, {transform_indices = #map}]} {
    %mul3A = arith.constant 2 : i32
    %mul3A_0 = arith.muli %arg1, %mul3A : i32
    %add3A = arith.addi %mul3A_0, %arg0 : i32
    %mul3A_1 = arith.constant 5120 : i32
    %mul3A_2 = arith.muli %add3A, %mul3A_1 : i32
    "tpu.region"() ({
      %run_scoped3A = tpu.sem_alloc : memref<!tpu.dma_semaphore, #tpu.memory_space<semaphore_mem>>
      %dma_start3A_7 = tpu.memref_slice %arg3[%mul3A_2] : memref<163840xi32, #tpu.memory_space<hbm>> -> memref<5120xi32, #tpu.memory_space<hbm>>
      %dma_start3A_8 = tpu.memref_slice %arg3[%mul3A_2] : memref<163840xi32, #tpu.memory_space<hbm>> -> memref<5120xi32, #tpu.memory_space<hbm>>
      tpu.enqueue_dma source(%dma_start3A_8 : memref<5120xi32, #tpu.memory_space<hbm>>) target(%arg5 : memref<5120xi32, #tpu.memory_space<vmem>>) target_semaphore(%run_scoped3A : memref<!tpu.dma_semaphore, #tpu.memory_space<semaphore_mem>>)
      %dma_wait3A_9 = tpu.memref_slice %arg3[%mul3A_2] : memref<163840xi32, #tpu.memory_space<hbm>> -> memref<5120xi32, #tpu.memory_space<hbm>>
      %dma_wait3A_10 = tpu.memref_slice %arg3[%mul3A_2] : memref<163840xi32, #tpu.memory_space<hbm>> -> memref<5120xi32, #tpu.memory_space<hbm>>
      tpu.wait_dma2 semaphore(%run_scoped3A : memref<!tpu.dma_semaphore, #tpu.memory_space<semaphore_mem>>) src(%dma_wait3A_10 : memref<5120xi32, #tpu.memory_space<hbm>>) dst(%arg5 : memref<5120xi32, #tpu.memory_space<vmem>>)
      tpu.yield
    }) : () -> ()
    %dma_start3A = arith.constant 0 : i32
    %dma_start3A_3 = arith.constant 0 : i32
    %dma_start3A_4 = tpu.memref_slice %arg2[%dma_start3A, %dma_start3A_3] : memref<10240x16xf32, #tpu.memory_space<hbm>> -> memref<10240x16xf32, #tpu.memory_space<hbm>>
    tpu.enqueue_indirect_dma source(%dma_start3A_4 : memref<10240x16xf32, #tpu.memory_space<hbm>>) target(%arg6 : memref<5120x16xf32, #tpu.memory_space<vmem>>) offsets(%arg5 : memref<5120xi32, #tpu.memory_space<vmem>>) semaphore(%arg7 : memref<!tpu.dma_semaphore, #tpu.memory_space<semaphore_mem>>)
    %dma_wait3A = arith.constant 0 : i32
    %dma_wait3A_5 = arith.constant 0 : i32
    %dma_wait3A_6 = tpu.memref_slice %arg2[%dma_wait3A, %dma_wait3A_5] : memref<10240x16xf32, #tpu.memory_space<hbm>> -> memref<10240x16xf32, #tpu.memory_space<hbm>>
    tpu.wait_indirect_dma semaphore(%arg7 : memref<!tpu.dma_semaphore, #tpu.memory_space<semaphore_mem>>) src(%dma_wait3A_6 : memref<10240x16xf32, #tpu.memory_space<hbm>>) dst(%arg6 : memref<5120x16xf32, #tpu.memory_space<vmem>>)
    "tpu.region"() ({
      %run_scoped3A = tpu.sem_alloc : memref<!tpu.dma_semaphore, #tpu.memory_space<semaphore_mem>>
      %dma_start3A_7 = arith.constant 0 : i32
      %dma_start3A_8 = tpu.memref_slice %arg4[%mul3A_2, %dma_start3A_7] : memref<163840x16xf32, #tpu.memory_space<hbm>> -> memref<5120x16xf32, #tpu.memory_space<hbm>>
      %dma_start3A_9 = arith.constant 0 : i32
      %dma_start3A_10 = tpu.memref_slice %arg4[%mul3A_2, %dma_start3A_9] : memref<163840x16xf32, #tpu.memory_space<hbm>> -> memref<5120x16xf32, #tpu.memory_space<hbm>>
      tpu.enqueue_dma source(%arg6 : memref<5120x16xf32, #tpu.memory_space<vmem>>) target(%dma_start3A_10 : memref<5120x16xf32, #tpu.memory_space<hbm>>) target_semaphore(%run_scoped3A : memref<!tpu.dma_semaphore, #tpu.memory_space<semaphore_mem>>)
      %dma_wait3A_11 = arith.constant 0 : i32
      %dma_wait3A_12 = tpu.memref_slice %arg4[%mul3A_2, %dma_wait3A_11] : memref<163840x16xf32, #tpu.memory_space<hbm>> -> memref<5120x16xf32, #tpu.memory_space<hbm>>
      %dma_wait3A_13 = arith.constant 0 : i32
      %dma_wait3A_14 = tpu.memref_slice %arg4[%mul3A_2, %dma_wait3A_13] : memref<163840x16xf32, #tpu.memory_space<hbm>> -> memref<5120x16xf32, #tpu.memory_space<hbm>>
      tpu.wait_dma2 semaphore(%run_scoped3A : memref<!tpu.dma_semaphore, #tpu.memory_space<semaphore_mem>>) src(%arg6 : memref<5120x16xf32, #tpu.memory_space<vmem>>) dst(%dma_wait3A_14 : memref<5120x16xf32, #tpu.memory_space<hbm>>)
      tpu.yield
    }) : () -> ()
    return
  }
}

#map = affine_map<(d0, d1) -> (0, 0)>
#map1 = affine_map<(d0, d1) -> (0, 0, 0)>
module attributes {stable_mosaic.version = 14 : i64} {
  func.func @_sc_scatter(%arg0: i32, %arg1: i32, %arg2: memref<163840x16xf32, #tpu.memory_space<hbm>>, %arg3: memref<32x40x128xi32, #tpu.memory_space<hbm>>, %arg4: memref<10240x16xf32, #tpu.memory_space<hbm>>, %arg5: memref<20480x16xf32, #tpu.memory_space<hbm>>, %arg6: memref<40x128xi32, #tpu.memory_space<vmem>>, %arg7: memref<5120x16xf32, #tpu.memory_space<vmem>>, %arg8: memref<10240x16xf32, #tpu.memory_space<vmem_shared>>) attributes {dimension_semantics = [#tpu.dimension_semantics<core_parallel>, #tpu.dimension_semantics<subcore_parallel>], iteration_bounds = array<i64: 2, 16>, scalar_prefetch = 0 : i64, scratch_operands = 3 : i64, tpu.core_type = #tpu.core_type<sc_vector_subcore>, window_params = [{transform_indices = #map}, {transform_indices = #map1}, {transform_indices = #map}, {transform_indices = #map}]} {
    %mul3A = arith.constant 2 : i32
    %mul3A_0 = arith.muli %arg1, %mul3A : i32
    %add3A = arith.addi %mul3A_0, %arg0 : i32
    %mul3A_1 = arith.constant 640 : i32
    %mul3A_2 = arith.muli %arg1, %mul3A_1 : i32
    %mul3A_3 = arith.constant 640 : i32
    %mul3A_4 = arith.muli %arg1, %mul3A_3 : i32
    "tpu.region"() ({
      %run_scoped3A = tpu.sem_alloc : memref<!tpu.dma_semaphore, #tpu.memory_space<semaphore_mem>>
      %dma_start3A = arith.constant 0 : i32
      %dma_start3A_20 = tpu.memref_slice %arg8[%mul3A_4, %dma_start3A] : memref<10240x16xf32, #tpu.memory_space<vmem_shared>> -> memref<640x16xf32, #tpu.memory_space<vmem_shared>>
      %dma_start3A_21 = arith.constant 0 : i32
      %dma_start3A_22 = tpu.memref_slice %arg4[%mul3A_2, %dma_start3A_21] : memref<10240x16xf32, #tpu.memory_space<hbm>> -> memref<640x16xf32, #tpu.memory_space<hbm>>
      tpu.enqueue_dma source(%dma_start3A_22 : memref<640x16xf32, #tpu.memory_space<hbm>>) target(%dma_start3A_20 : memref<640x16xf32, #tpu.memory_space<vmem_shared>>) target_semaphore(%run_scoped3A : memref<!tpu.dma_semaphore, #tpu.memory_space<semaphore_mem>>)
      %dma_wait3A = arith.constant 0 : i32
      %dma_wait3A_23 = tpu.memref_slice %arg8[%mul3A_4, %dma_wait3A] : memref<10240x16xf32, #tpu.memory_space<vmem_shared>> -> memref<640x16xf32, #tpu.memory_space<vmem_shared>>
      %dma_wait3A_24 = arith.constant 0 : i32
      %dma_wait3A_25 = tpu.memref_slice %arg4[%mul3A_2, %dma_wait3A_24] : memref<10240x16xf32, #tpu.memory_space<hbm>> -> memref<640x16xf32, #tpu.memory_space<hbm>>
      tpu.wait_dma2 semaphore(%run_scoped3A : memref<!tpu.dma_semaphore, #tpu.memory_space<semaphore_mem>>) src(%dma_wait3A_25 : memref<640x16xf32, #tpu.memory_space<hbm>>) dst(%dma_wait3A_23 : memref<640x16xf32, #tpu.memory_space<vmem_shared>>)
      tpu.yield
    }) : () -> ()
    %barrier3A = arith.constant 0 : index
    tpu.barrier barrier_id(%barrier3A)
    "tpu.region"() ({
      %run_scoped3A = tpu.sem_alloc : memref<!tpu.dma_semaphore, #tpu.memory_space<semaphore_mem>>
      %dma_start3A = arith.constant 0 : i32
      %dma_start3A_20 = arith.constant 0 : i32
      %dma_start3A_21 = tpu.memref_slice %arg3[%add3A, %dma_start3A, %dma_start3A_20] : memref<32x40x128xi32, #tpu.memory_space<hbm>> -> memref<1x40x128xi32, #tpu.memory_space<hbm>>
      %dma_start3A_22 = tpu.memref_squeeze %dma_start3A_21 : memref<1x40x128xi32, #tpu.memory_space<hbm>> -> memref<40x128xi32, #tpu.memory_space<hbm>>
      %dma_start3A_23 = arith.constant 0 : i32
      %dma_start3A_24 = arith.constant 0 : i32
      %dma_start3A_25 = tpu.memref_slice %arg3[%add3A, %dma_start3A_23, %dma_start3A_24] : memref<32x40x128xi32, #tpu.memory_space<hbm>> -> memref<1x40x128xi32, #tpu.memory_space<hbm>>
      %dma_start3A_26 = tpu.memref_squeeze %dma_start3A_25 : memref<1x40x128xi32, #tpu.memory_space<hbm>> -> memref<40x128xi32, #tpu.memory_space<hbm>>
      tpu.enqueue_dma source(%dma_start3A_26 : memref<40x128xi32, #tpu.memory_space<hbm>>) target(%arg6 : memref<40x128xi32, #tpu.memory_space<vmem>>) target_semaphore(%run_scoped3A : memref<!tpu.dma_semaphore, #tpu.memory_space<semaphore_mem>>)
      %dma_wait3A = arith.constant 0 : i32
      %dma_wait3A_27 = arith.constant 0 : i32
      %dma_wait3A_28 = tpu.memref_slice %arg3[%add3A, %dma_wait3A, %dma_wait3A_27] : memref<32x40x128xi32, #tpu.memory_space<hbm>> -> memref<1x40x128xi32, #tpu.memory_space<hbm>>
      %dma_wait3A_29 = tpu.memref_squeeze %dma_wait3A_28 : memref<1x40x128xi32, #tpu.memory_space<hbm>> -> memref<40x128xi32, #tpu.memory_space<hbm>>
      %dma_wait3A_30 = arith.constant 0 : i32
      %dma_wait3A_31 = arith.constant 0 : i32
      %dma_wait3A_32 = tpu.memref_slice %arg3[%add3A, %dma_wait3A_30, %dma_wait3A_31] : memref<32x40x128xi32, #tpu.memory_space<hbm>> -> memref<1x40x128xi32, #tpu.memory_space<hbm>>
      %dma_wait3A_33 = tpu.memref_squeeze %dma_wait3A_32 : memref<1x40x128xi32, #tpu.memory_space<hbm>> -> memref<40x128xi32, #tpu.memory_space<hbm>>
      tpu.wait_dma2 semaphore(%run_scoped3A : memref<!tpu.dma_semaphore, #tpu.memory_space<semaphore_mem>>) src(%dma_wait3A_33 : memref<40x128xi32, #tpu.memory_space<hbm>>) dst(%arg6 : memref<40x128xi32, #tpu.memory_space<vmem>>)
      tpu.yield
    }) : () -> ()
    %mul3A_5 = arith.constant 5120 : i32
    %mul3A_6 = arith.muli %add3A, %mul3A_5 : i32
    "tpu.region"() ({
      %run_scoped3A = tpu.sem_alloc : memref<!tpu.dma_semaphore, #tpu.memory_space<semaphore_mem>>
      %dma_start3A = arith.constant 0 : i32
      %dma_start3A_20 = tpu.memref_slice %arg2[%mul3A_6, %dma_start3A] : memref<163840x16xf32, #tpu.memory_space<hbm>> -> memref<5120x16xf32, #tpu.memory_space<hbm>>
      %dma_start3A_21 = arith.constant 0 : i32
      %dma_start3A_22 = tpu.memref_slice %arg2[%mul3A_6, %dma_start3A_21] : memref<163840x16xf32, #tpu.memory_space<hbm>> -> memref<5120x16xf32, #tpu.memory_space<hbm>>
      tpu.enqueue_dma source(%dma_start3A_22 : memref<5120x16xf32, #tpu.memory_space<hbm>>) target(%arg7 : memref<5120x16xf32, #tpu.memory_space<vmem>>) target_semaphore(%run_scoped3A : memref<!tpu.dma_semaphore, #tpu.memory_space<semaphore_mem>>)
      %dma_wait3A = arith.constant 0 : i32
      %dma_wait3A_23 = tpu.memref_slice %arg2[%mul3A_6, %dma_wait3A] : memref<163840x16xf32, #tpu.memory_space<hbm>> -> memref<5120x16xf32, #tpu.memory_space<hbm>>
      %dma_wait3A_24 = arith.constant 0 : i32
      %dma_wait3A_25 = tpu.memref_slice %arg2[%mul3A_6, %dma_wait3A_24] : memref<163840x16xf32, #tpu.memory_space<hbm>> -> memref<5120x16xf32, #tpu.memory_space<hbm>>
      tpu.wait_dma2 semaphore(%run_scoped3A : memref<!tpu.dma_semaphore, #tpu.memory_space<semaphore_mem>>) src(%dma_wait3A_25 : memref<5120x16xf32, #tpu.memory_space<hbm>>) dst(%arg7 : memref<5120x16xf32, #tpu.memory_space<vmem>>)
      tpu.yield
    }) : () -> ()
    %scan3A = arith.constant 0 : i32
    %scan3A_7 = arith.constant 0 : i32
    %scan3A_8 = arith.constant 40 : i32
    %scan3A_9 = arith.addi %scan3A_7, %scan3A_8 : i32
    %scan3A_10 = arith.constant 1 : i32
    scf.for %scan3A_20 = %scan3A_7 to %scan3A_9 step %scan3A_10  : i32 {
      %mul3A_21 = arith.constant 128 : i32
      %mul3A_22 = arith.muli %scan3A_20, %mul3A_21 : i32
      "tpu.region"() ({
        %run_scoped3A = tpu.sem_alloc : memref<!tpu.dma_semaphore, #tpu.memory_space<semaphore_mem>>
        %dma_start3A = arith.constant 0 : i32
        %dma_start3A_23 = tpu.memref_slice %arg7[%mul3A_22, %dma_start3A] : memref<5120x16xf32, #tpu.memory_space<vmem>> -> memref<128x16xf32, #tpu.memory_space<vmem>>
        %dma_start3A_24 = arith.constant 0 : i32
        %dma_start3A_25 = tpu.memref_slice %arg6[%scan3A_20, %dma_start3A_24] : memref<40x128xi32, #tpu.memory_space<vmem>> -> memref<1x128xi32, #tpu.memory_space<vmem>>
        %dma_start3A_26 = tpu.memref_squeeze %dma_start3A_25 : memref<1x128xi32, #tpu.memory_space<vmem>> -> memref<128xi32, #tpu.memory_space<vmem>>
        %dma_start3A_27 = arith.constant 0 : i32
        %dma_start3A_28 = arith.constant 0 : i32
        %dma_start3A_29 = tpu.memref_slice %arg8[%dma_start3A_27, %dma_start3A_28] : memref<10240x16xf32, #tpu.memory_space<vmem_shared>> -> memref<10240x16xf32, #tpu.memory_space<vmem_shared>>
        tpu.enqueue_indirect_dma source(%dma_start3A_23 : memref<128x16xf32, #tpu.memory_space<vmem>>) target(%dma_start3A_29 : memref<10240x16xf32, #tpu.memory_space<vmem_shared>>) offsets(%dma_start3A_26 : memref<128xi32, #tpu.memory_space<vmem>>) semaphore(%run_scoped3A : memref<!tpu.dma_semaphore, #tpu.memory_space<semaphore_mem>>) {add = true}
        %dma_wait3A = arith.constant 0 : i32
        %dma_wait3A_30 = tpu.memref_slice %arg7[%mul3A_22, %dma_wait3A] : memref<5120x16xf32, #tpu.memory_space<vmem>> -> memref<128x16xf32, #tpu.memory_space<vmem>>
        %dma_wait3A_31 = arith.constant 0 : i32
        %dma_wait3A_32 = tpu.memref_slice %arg6[%scan3A_20, %dma_wait3A_31] : memref<40x128xi32, #tpu.memory_space<vmem>> -> memref<1x128xi32, #tpu.memory_space<vmem>>
        %dma_wait3A_33 = tpu.memref_squeeze %dma_wait3A_32 : memref<1x128xi32, #tpu.memory_space<vmem>> -> memref<128xi32, #tpu.memory_space<vmem>>
        %dma_wait3A_34 = arith.constant 0 : i32
        %dma_wait3A_35 = arith.constant 0 : i32
        %dma_wait3A_36 = tpu.memref_slice %arg8[%dma_wait3A_34, %dma_wait3A_35] : memref<10240x16xf32, #tpu.memory_space<vmem_shared>> -> memref<10240x16xf32, #tpu.memory_space<vmem_shared>>
        tpu.wait_indirect_dma semaphore(%run_scoped3A : memref<!tpu.dma_semaphore, #tpu.memory_space<semaphore_mem>>) src(%dma_wait3A_30 : memref<128x16xf32, #tpu.memory_space<vmem>>) dst(%dma_wait3A_36 : memref<10240x16xf32, #tpu.memory_space<vmem_shared>>)
        tpu.yield
      }) : () -> ()
    }
    %scan3A_11 = arith.constant 40 : i32
    %barrier3A_12 = arith.constant 0 : index
    tpu.barrier barrier_id(%barrier3A_12)
    %mul3A_13 = arith.constant 640 : i32
    %mul3A_14 = arith.muli %arg1, %mul3A_13 : i32
    %mul3A_15 = arith.constant 10240 : i32
    %mul3A_16 = arith.muli %arg0, %mul3A_15 : i32
    %mul3A_17 = arith.constant 640 : i32
    %mul3A_18 = arith.muli %arg1, %mul3A_17 : i32
    %add3A_19 = arith.addi %mul3A_16, %mul3A_18 : i32
    "tpu.region"() ({
      %run_scoped3A = tpu.sem_alloc : memref<!tpu.dma_semaphore, #tpu.memory_space<semaphore_mem>>
      %dma_start3A = arith.constant 0 : i32
      %dma_start3A_20 = tpu.memref_slice %arg5[%add3A_19, %dma_start3A] : memref<20480x16xf32, #tpu.memory_space<hbm>> -> memref<640x16xf32, #tpu.memory_space<hbm>>
      %dma_start3A_21 = arith.constant 0 : i32
      %dma_start3A_22 = tpu.memref_slice %arg8[%mul3A_14, %dma_start3A_21] : memref<10240x16xf32, #tpu.memory_space<vmem_shared>> -> memref<640x16xf32, #tpu.memory_space<vmem_shared>>
      tpu.enqueue_dma source(%dma_start3A_22 : memref<640x16xf32, #tpu.memory_space<vmem_shared>>) target(%dma_start3A_20 : memref<640x16xf32, #tpu.memory_space<hbm>>) target_semaphore(%run_scoped3A : memref<!tpu.dma_semaphore, #tpu.memory_space<semaphore_mem>>)
      %dma_wait3A = arith.constant 0 : i32
      %dma_wait3A_23 = tpu.memref_slice %arg5[%add3A_19, %dma_wait3A] : memref<20480x16xf32, #tpu.memory_space<hbm>> -> memref<640x16xf32, #tpu.memory_space<hbm>>
      %dma_wait3A_24 = arith.constant 0 : i32
      %dma_wait3A_25 = tpu.memref_slice %arg8[%mul3A_14, %dma_wait3A_24] : memref<10240x16xf32, #tpu.memory_space<vmem_shared>> -> memref<640x16xf32, #tpu.memory_space<vmem_shared>>
      tpu.wait_dma2 semaphore(%run_scoped3A : memref<!tpu.dma_semaphore, #tpu.memory_space<semaphore_mem>>) src(%dma_wait3A_25 : memref<640x16xf32, #tpu.memory_space<vmem_shared>>) dst(%dma_wait3A_23 : memref<640x16xf32, #tpu.memory_space<hbm>>)
      tpu.yield
    }) : () -> ()
    return
  }
}

#map = affine_map<(d0, d1) -> (0, 0)>
#map1 = affine_map<(d0, d1) -> (0)>
module attributes {stable_mosaic.version = 14 : i64} {
  func.func @_sc_gather(%arg0: i32, %arg1: i32, %arg2: memref<10240x16xf32, #tpu.memory_space<hbm>>, %arg3: memref<163840xi32, #tpu.memory_space<hbm>>, %arg4: memref<163840x16xf32, #tpu.memory_space<hbm>>, %arg5: memref<5120xi32, #tpu.memory_space<vmem>>, %arg6: memref<5120x16xf32, #tpu.memory_space<vmem>>, %arg7: memref<!tpu.dma_semaphore, #tpu.memory_space<semaphore_mem>>) attributes {dimension_semantics = [#tpu.dimension_semantics<core_parallel>, #tpu.dimension_semantics<subcore_parallel>], iteration_bounds = array<i64: 2, 16>, scalar_prefetch = 0 : i64, scratch_operands = 3 : i64, tpu.core_type = #tpu.core_type<sc_vector_subcore>, window_params = [{transform_indices = #map}, {transform_indices = #map1}, {transform_indices = #map}]} {
    %mul3A = arith.constant 2 : i32
    %mul3A_0 = arith.muli %arg1, %mul3A : i32
    %add3A = arith.addi %mul3A_0, %arg0 : i32
    %mul3A_1 = arith.constant 5120 : i32
    %mul3A_2 = arith.muli %add3A, %mul3A_1 : i32
    "tpu.region"() ({
      %run_scoped3A = tpu.sem_alloc : memref<!tpu.dma_semaphore, #tpu.memory_space<semaphore_mem>>
      %dma_start3A_7 = tpu.memref_slice %arg3[%mul3A_2] : memref<163840xi32, #tpu.memory_space<hbm>> -> memref<5120xi32, #tpu.memory_space<hbm>>
      %dma_start3A_8 = tpu.memref_slice %arg3[%mul3A_2] : memref<163840xi32, #tpu.memory_space<hbm>> -> memref<5120xi32, #tpu.memory_space<hbm>>
      tpu.enqueue_dma source(%dma_start3A_8 : memref<5120xi32, #tpu.memory_space<hbm>>) target(%arg5 : memref<5120xi32, #tpu.memory_space<vmem>>) target_semaphore(%run_scoped3A : memref<!tpu.dma_semaphore, #tpu.memory_space<semaphore_mem>>)
      %dma_wait3A_9 = tpu.memref_slice %arg3[%mul3A_2] : memref<163840xi32, #tpu.memory_space<hbm>> -> memref<5120xi32, #tpu.memory_space<hbm>>
      %dma_wait3A_10 = tpu.memref_slice %arg3[%mul3A_2] : memref<163840xi32, #tpu.memory_space<hbm>> -> memref<5120xi32, #tpu.memory_space<hbm>>
      tpu.wait_dma2 semaphore(%run_scoped3A : memref<!tpu.dma_semaphore, #tpu.memory_space<semaphore_mem>>) src(%dma_wait3A_10 : memref<5120xi32, #tpu.memory_space<hbm>>) dst(%arg5 : memref<5120xi32, #tpu.memory_space<vmem>>)
      tpu.yield
    }) : () -> ()
    %dma_start3A = arith.constant 0 : i32
    %dma_start3A_3 = arith.constant 0 : i32
    %dma_start3A_4 = tpu.memref_slice %arg2[%dma_start3A, %dma_start3A_3] : memref<10240x16xf32, #tpu.memory_space<hbm>> -> memref<10240x16xf32, #tpu.memory_space<hbm>>
    tpu.enqueue_indirect_dma source(%dma_start3A_4 : memref<10240x16xf32, #tpu.memory_space<hbm>>) target(%arg6 : memref<5120x16xf32, #tpu.memory_space<vmem>>) offsets(%arg5 : memref<5120xi32, #tpu.memory_space<vmem>>) semaphore(%arg7 : memref<!tpu.dma_semaphore, #tpu.memory_space<semaphore_mem>>)
    %dma_wait3A = arith.constant 0 : i32
    %dma_wait3A_5 = arith.constant 0 : i32
    %dma_wait3A_6 = tpu.memref_slice %arg2[%dma_wait3A, %dma_wait3A_5] : memref<10240x16xf32, #tpu.memory_space<hbm>> -> memref<10240x16xf32, #tpu.memory_space<hbm>>
    tpu.wait_indirect_dma semaphore(%arg7 : memref<!tpu.dma_semaphore, #tpu.memory_space<semaphore_mem>>) src(%dma_wait3A_6 : memref<10240x16xf32, #tpu.memory_space<hbm>>) dst(%arg6 : memref<5120x16xf32, #tpu.memory_space<vmem>>)
    "tpu.region"() ({
      %run_scoped3A = tpu.sem_alloc : memref<!tpu.dma_semaphore, #tpu.memory_space<semaphore_mem>>
      %dma_start3A_7 = arith.constant 0 : i32
      %dma_start3A_8 = tpu.memref_slice %arg4[%mul3A_2, %dma_start3A_7] : memref<163840x16xf32, #tpu.memory_space<hbm>> -> memref<5120x16xf32, #tpu.memory_space<hbm>>
      %dma_start3A_9 = arith.constant 0 : i32
      %dma_start3A_10 = tpu.memref_slice %arg4[%mul3A_2, %dma_start3A_9] : memref<163840x16xf32, #tpu.memory_space<hbm>> -> memref<5120x16xf32, #tpu.memory_space<hbm>>
      tpu.enqueue_dma source(%arg6 : memref<5120x16xf32, #tpu.memory_space<vmem>>) target(%dma_start3A_10 : memref<5120x16xf32, #tpu.memory_space<hbm>>) target_semaphore(%run_scoped3A : memref<!tpu.dma_semaphore, #tpu.memory_space<semaphore_mem>>)
      %dma_wait3A_11 = arith.constant 0 : i32
      %dma_wait3A_12 = tpu.memref_slice %arg4[%mul3A_2, %dma_wait3A_11] : memref<163840x16xf32, #tpu.memory_space<hbm>> -> memref<5120x16xf32, #tpu.memory_space<hbm>>
      %dma_wait3A_13 = arith.constant 0 : i32
      %dma_wait3A_14 = tpu.memref_slice %arg4[%mul3A_2, %dma_wait3A_13] : memref<163840x16xf32, #tpu.memory_space<hbm>> -> memref<5120x16xf32, #tpu.memory_space<hbm>>
      tpu.wait_dma2 semaphore(%run_scoped3A : memref<!tpu.dma_semaphore, #tpu.memory_space<semaphore_mem>>) src(%arg6 : memref<5120x16xf32, #tpu.memory_space<vmem>>) dst(%dma_wait3A_14 : memref<5120x16xf32, #tpu.memory_space<hbm>>)
      tpu.yield
    }) : () -> ()
    return
  }
}

#map = affine_map<(d0, d1) -> (0, 0)>
#map1 = affine_map<(d0, d1) -> (0, 0, 0)>
module attributes {stable_mosaic.version = 14 : i64} {
  func.func @_sc_scatter(%arg0: i32, %arg1: i32, %arg2: memref<163840x16xf32, #tpu.memory_space<hbm>>, %arg3: memref<32x40x128xi32, #tpu.memory_space<hbm>>, %arg4: memref<10240x16xf32, #tpu.memory_space<hbm>>, %arg5: memref<20480x16xf32, #tpu.memory_space<hbm>>, %arg6: memref<40x128xi32, #tpu.memory_space<vmem>>, %arg7: memref<5120x16xf32, #tpu.memory_space<vmem>>, %arg8: memref<10240x16xf32, #tpu.memory_space<vmem_shared>>) attributes {dimension_semantics = [#tpu.dimension_semantics<core_parallel>, #tpu.dimension_semantics<subcore_parallel>], iteration_bounds = array<i64: 2, 16>, scalar_prefetch = 0 : i64, scratch_operands = 3 : i64, tpu.core_type = #tpu.core_type<sc_vector_subcore>, window_params = [{transform_indices = #map}, {transform_indices = #map1}, {transform_indices = #map}, {transform_indices = #map}]} {
    %mul3A = arith.constant 2 : i32
    %mul3A_0 = arith.muli %arg1, %mul3A : i32
    %add3A = arith.addi %mul3A_0, %arg0 : i32
    %mul3A_1 = arith.constant 640 : i32
    %mul3A_2 = arith.muli %arg1, %mul3A_1 : i32
    %mul3A_3 = arith.constant 640 : i32
    %mul3A_4 = arith.muli %arg1, %mul3A_3 : i32
    "tpu.region"() ({
      %run_scoped3A = tpu.sem_alloc : memref<!tpu.dma_semaphore, #tpu.memory_space<semaphore_mem>>
      %dma_start3A = arith.constant 0 : i32
      %dma_start3A_20 = tpu.memref_slice %arg8[%mul3A_4, %dma_start3A] : memref<10240x16xf32, #tpu.memory_space<vmem_shared>> -> memref<640x16xf32, #tpu.memory_space<vmem_shared>>
      %dma_start3A_21 = arith.constant 0 : i32
      %dma_start3A_22 = tpu.memref_slice %arg4[%mul3A_2, %dma_start3A_21] : memref<10240x16xf32, #tpu.memory_space<hbm>> -> memref<640x16xf32, #tpu.memory_space<hbm>>
      tpu.enqueue_dma source(%dma_start3A_22 : memref<640x16xf32, #tpu.memory_space<hbm>>) target(%dma_start3A_20 : memref<640x16xf32, #tpu.memory_space<vmem_shared>>) target_semaphore(%run_scoped3A : memref<!tpu.dma_semaphore, #tpu.memory_space<semaphore_mem>>)
      %dma_wait3A = arith.constant 0 : i32
      %dma_wait3A_23 = tpu.memref_slice %arg8[%mul3A_4, %dma_wait3A] : memref<10240x16xf32, #tpu.memory_space<vmem_shared>> -> memref<640x16xf32, #tpu.memory_space<vmem_shared>>
      %dma_wait3A_24 = arith.constant 0 : i32
      %dma_wait3A_25 = tpu.memref_slice %arg4[%mul3A_2, %dma_wait3A_24] : memref<10240x16xf32, #tpu.memory_space<hbm>> -> memref<640x16xf32, #tpu.memory_space<hbm>>
      tpu.wait_dma2 semaphore(%run_scoped3A : memref<!tpu.dma_semaphore, #tpu.memory_space<semaphore_mem>>) src(%dma_wait3A_25 : memref<640x16xf32, #tpu.memory_space<hbm>>) dst(%dma_wait3A_23 : memref<640x16xf32, #tpu.memory_space<vmem_shared>>)
      tpu.yield
    }) : () -> ()
    %barrier3A = arith.constant 0 : index
    tpu.barrier barrier_id(%barrier3A)
    "tpu.region"() ({
      %run_scoped3A = tpu.sem_alloc : memref<!tpu.dma_semaphore, #tpu.memory_space<semaphore_mem>>
      %dma_start3A = arith.constant 0 : i32
      %dma_start3A_20 = arith.constant 0 : i32
      %dma_start3A_21 = tpu.memref_slice %arg3[%add3A, %dma_start3A, %dma_start3A_20] : memref<32x40x128xi32, #tpu.memory_space<hbm>> -> memref<1x40x128xi32, #tpu.memory_space<hbm>>
      %dma_start3A_22 = tpu.memref_squeeze %dma_start3A_21 : memref<1x40x128xi32, #tpu.memory_space<hbm>> -> memref<40x128xi32, #tpu.memory_space<hbm>>
      %dma_start3A_23 = arith.constant 0 : i32
      %dma_start3A_24 = arith.constant 0 : i32
      %dma_start3A_25 = tpu.memref_slice %arg3[%add3A, %dma_start3A_23, %dma_start3A_24] : memref<32x40x128xi32, #tpu.memory_space<hbm>> -> memref<1x40x128xi32, #tpu.memory_space<hbm>>
      %dma_start3A_26 = tpu.memref_squeeze %dma_start3A_25 : memref<1x40x128xi32, #tpu.memory_space<hbm>> -> memref<40x128xi32, #tpu.memory_space<hbm>>
      tpu.enqueue_dma source(%dma_start3A_26 : memref<40x128xi32, #tpu.memory_space<hbm>>) target(%arg6 : memref<40x128xi32, #tpu.memory_space<vmem>>) target_semaphore(%run_scoped3A : memref<!tpu.dma_semaphore, #tpu.memory_space<semaphore_mem>>)
      %dma_wait3A = arith.constant 0 : i32
      %dma_wait3A_27 = arith.constant 0 : i32
      %dma_wait3A_28 = tpu.memref_slice %arg3[%add3A, %dma_wait3A, %dma_wait3A_27] : memref<32x40x128xi32, #tpu.memory_space<hbm>> -> memref<1x40x128xi32, #tpu.memory_space<hbm>>
      %dma_wait3A_29 = tpu.memref_squeeze %dma_wait3A_28 : memref<1x40x128xi32, #tpu.memory_space<hbm>> -> memref<40x128xi32, #tpu.memory_space<hbm>>
      %dma_wait3A_30 = arith.constant 0 : i32
      %dma_wait3A_31 = arith.constant 0 : i32
      %dma_wait3A_32 = tpu.memref_slice %arg3[%add3A, %dma_wait3A_30, %dma_wait3A_31] : memref<32x40x128xi32, #tpu.memory_space<hbm>> -> memref<1x40x128xi32, #tpu.memory_space<hbm>>
      %dma_wait3A_33 = tpu.memref_squeeze %dma_wait3A_32 : memref<1x40x128xi32, #tpu.memory_space<hbm>> -> memref<40x128xi32, #tpu.memory_space<hbm>>
      tpu.wait_dma2 semaphore(%run_scoped3A : memref<!tpu.dma_semaphore, #tpu.memory_space<semaphore_mem>>) src(%dma_wait3A_33 : memref<40x128xi32, #tpu.memory_space<hbm>>) dst(%arg6 : memref<40x128xi32, #tpu.memory_space<vmem>>)
      tpu.yield
    }) : () -> ()
    %mul3A_5 = arith.constant 5120 : i32
    %mul3A_6 = arith.muli %add3A, %mul3A_5 : i32
    "tpu.region"() ({
      %run_scoped3A = tpu.sem_alloc : memref<!tpu.dma_semaphore, #tpu.memory_space<semaphore_mem>>
      %dma_start3A = arith.constant 0 : i32
      %dma_start3A_20 = tpu.memref_slice %arg2[%mul3A_6, %dma_start3A] : memref<163840x16xf32, #tpu.memory_space<hbm>> -> memref<5120x16xf32, #tpu.memory_space<hbm>>
      %dma_start3A_21 = arith.constant 0 : i32
      %dma_start3A_22 = tpu.memref_slice %arg2[%mul3A_6, %dma_start3A_21] : memref<163840x16xf32, #tpu.memory_space<hbm>> -> memref<5120x16xf32, #tpu.memory_space<hbm>>
      tpu.enqueue_dma source(%dma_start3A_22 : memref<5120x16xf32, #tpu.memory_space<hbm>>) target(%arg7 : memref<5120x16xf32, #tpu.memory_space<vmem>>) target_semaphore(%run_scoped3A : memref<!tpu.dma_semaphore, #tpu.memory_space<semaphore_mem>>)
      %dma_wait3A = arith.constant 0 : i32
      %dma_wait3A_23 = tpu.memref_slice %arg2[%mul3A_6, %dma_wait3A] : memref<163840x16xf32, #tpu.memory_space<hbm>> -> memref<5120x16xf32, #tpu.memory_space<hbm>>
      %dma_wait3A_24 = arith.constant 0 : i32
      %dma_wait3A_25 = tpu.memref_slice %arg2[%mul3A_6, %dma_wait3A_24] : memref<163840x16xf32, #tpu.memory_space<hbm>> -> memref<5120x16xf32, #tpu.memory_space<hbm>>
      tpu.wait_dma2 semaphore(%run_scoped3A : memref<!tpu.dma_semaphore, #tpu.memory_space<semaphore_mem>>) src(%dma_wait3A_25 : memref<5120x16xf32, #tpu.memory_space<hbm>>) dst(%arg7 : memref<5120x16xf32, #tpu.memory_space<vmem>>)
      tpu.yield
    }) : () -> ()
    %scan3A = arith.constant 0 : i32
    %scan3A_7 = arith.constant 0 : i32
    %scan3A_8 = arith.constant 40 : i32
    %scan3A_9 = arith.addi %scan3A_7, %scan3A_8 : i32
    %scan3A_10 = arith.constant 1 : i32
    scf.for %scan3A_20 = %scan3A_7 to %scan3A_9 step %scan3A_10  : i32 {
      %mul3A_21 = arith.constant 128 : i32
      %mul3A_22 = arith.muli %scan3A_20, %mul3A_21 : i32
      "tpu.region"() ({
        %run_scoped3A = tpu.sem_alloc : memref<!tpu.dma_semaphore, #tpu.memory_space<semaphore_mem>>
        %dma_start3A = arith.constant 0 : i32
        %dma_start3A_23 = tpu.memref_slice %arg7[%mul3A_22, %dma_start3A] : memref<5120x16xf32, #tpu.memory_space<vmem>> -> memref<128x16xf32, #tpu.memory_space<vmem>>
        %dma_start3A_24 = arith.constant 0 : i32
        %dma_start3A_25 = tpu.memref_slice %arg6[%scan3A_20, %dma_start3A_24] : memref<40x128xi32, #tpu.memory_space<vmem>> -> memref<1x128xi32, #tpu.memory_space<vmem>>
        %dma_start3A_26 = tpu.memref_squeeze %dma_start3A_25 : memref<1x128xi32, #tpu.memory_space<vmem>> -> memref<128xi32, #tpu.memory_space<vmem>>
        %dma_start3A_27 = arith.constant 0 : i32
        %dma_start3A_28 = arith.constant 0 : i32
        %dma_start3A_29 = tpu.memref_slice %arg8[%dma_start3A_27, %dma_start3A_28] : memref<10240x16xf32, #tpu.memory_space<vmem_shared>> -> memref<10240x16xf32, #tpu.memory_space<vmem_shared>>
        tpu.enqueue_indirect_dma source(%dma_start3A_23 : memref<128x16xf32, #tpu.memory_space<vmem>>) target(%dma_start3A_29 : memref<10240x16xf32, #tpu.memory_space<vmem_shared>>) offsets(%dma_start3A_26 : memref<128xi32, #tpu.memory_space<vmem>>) semaphore(%run_scoped3A : memref<!tpu.dma_semaphore, #tpu.memory_space<semaphore_mem>>) {add = true}
        %dma_wait3A = arith.constant 0 : i32
        %dma_wait3A_30 = tpu.memref_slice %arg7[%mul3A_22, %dma_wait3A] : memref<5120x16xf32, #tpu.memory_space<vmem>> -> memref<128x16xf32, #tpu.memory_space<vmem>>
        %dma_wait3A_31 = arith.constant 0 : i32
        %dma_wait3A_32 = tpu.memref_slice %arg6[%scan3A_20, %dma_wait3A_31] : memref<40x128xi32, #tpu.memory_space<vmem>> -> memref<1x128xi32, #tpu.memory_space<vmem>>
        %dma_wait3A_33 = tpu.memref_squeeze %dma_wait3A_32 : memref<1x128xi32, #tpu.memory_space<vmem>> -> memref<128xi32, #tpu.memory_space<vmem>>
        %dma_wait3A_34 = arith.constant 0 : i32
        %dma_wait3A_35 = arith.constant 0 : i32
        %dma_wait3A_36 = tpu.memref_slice %arg8[%dma_wait3A_34, %dma_wait3A_35] : memref<10240x16xf32, #tpu.memory_space<vmem_shared>> -> memref<10240x16xf32, #tpu.memory_space<vmem_shared>>
        tpu.wait_indirect_dma semaphore(%run_scoped3A : memref<!tpu.dma_semaphore, #tpu.memory_space<semaphore_mem>>) src(%dma_wait3A_30 : memref<128x16xf32, #tpu.memory_space<vmem>>) dst(%dma_wait3A_36 : memref<10240x16xf32, #tpu.memory_space<vmem_shared>>)
        tpu.yield
      }) : () -> ()
    }
    %scan3A_11 = arith.constant 40 : i32
    %barrier3A_12 = arith.constant 0 : index
    tpu.barrier barrier_id(%barrier3A_12)
    %mul3A_13 = arith.constant 640 : i32
    %mul3A_14 = arith.muli %arg1, %mul3A_13 : i32
    %mul3A_15 = arith.constant 10240 : i32
    %mul3A_16 = arith.muli %arg0, %mul3A_15 : i32
    %mul3A_17 = arith.constant 640 : i32
    %mul3A_18 = arith.muli %arg1, %mul3A_17 : i32
    %add3A_19 = arith.addi %mul3A_16, %mul3A_18 : i32
    "tpu.region"() ({
      %run_scoped3A = tpu.sem_alloc : memref<!tpu.dma_semaphore, #tpu.memory_space<semaphore_mem>>
      %dma_start3A = arith.constant 0 : i32
      %dma_start3A_20 = tpu.memref_slice %arg5[%add3A_19, %dma_start3A] : memref<20480x16xf32, #tpu.memory_space<hbm>> -> memref<640x16xf32, #tpu.memory_space<hbm>>
      %dma_start3A_21 = arith.constant 0 : i32
      %dma_start3A_22 = tpu.memref_slice %arg8[%mul3A_14, %dma_start3A_21] : memref<10240x16xf32, #tpu.memory_space<vmem_shared>> -> memref<640x16xf32, #tpu.memory_space<vmem_shared>>
      tpu.enqueue_dma source(%dma_start3A_22 : memref<640x16xf32, #tpu.memory_space<vmem_shared>>) target(%dma_start3A_20 : memref<640x16xf32, #tpu.memory_space<hbm>>) target_semaphore(%run_scoped3A : memref<!tpu.dma_semaphore, #tpu.memory_space<semaphore_mem>>)
      %dma_wait3A = arith.constant 0 : i32
      %dma_wait3A_23 = tpu.memref_slice %arg5[%add3A_19, %dma_wait3A] : memref<20480x16xf32, #tpu.memory_space<hbm>> -> memref<640x16xf32, #tpu.memory_space<hbm>>
      %dma_wait3A_24 = arith.constant 0 : i32
      %dma_wait3A_25 = tpu.memref_slice %arg8[%mul3A_14, %dma_wait3A_24] : memref<10240x16xf32, #tpu.memory_space<vmem_shared>> -> memref<640x16xf32, #tpu.memory_space<vmem_shared>>
      tpu.wait_dma2 semaphore(%run_scoped3A : memref<!tpu.dma_semaphore, #tpu.memory_space<semaphore_mem>>) src(%dma_wait3A_25 : memref<640x16xf32, #tpu.memory_space<vmem_shared>>) dst(%dma_wait3A_23 : memref<640x16xf32, #tpu.memory_space<hbm>>)
      tpu.yield
    }) : () -> ()
    return
  }
}

#map = affine_map<(d0, d1) -> (0, 0)>
#map1 = affine_map<(d0, d1) -> (0)>
module attributes {stable_mosaic.version = 14 : i64} {
  func.func @_sc_gather(%arg0: i32, %arg1: i32, %arg2: memref<10240x16xf32, #tpu.memory_space<hbm>>, %arg3: memref<163840xi32, #tpu.memory_space<hbm>>, %arg4: memref<163840x16xf32, #tpu.memory_space<hbm>>, %arg5: memref<5120xi32, #tpu.memory_space<vmem>>, %arg6: memref<5120x16xf32, #tpu.memory_space<vmem>>, %arg7: memref<!tpu.dma_semaphore, #tpu.memory_space<semaphore_mem>>) attributes {dimension_semantics = [#tpu.dimension_semantics<core_parallel>, #tpu.dimension_semantics<subcore_parallel>], iteration_bounds = array<i64: 2, 16>, scalar_prefetch = 0 : i64, scratch_operands = 3 : i64, tpu.core_type = #tpu.core_type<sc_vector_subcore>, window_params = [{transform_indices = #map}, {transform_indices = #map1}, {transform_indices = #map}]} {
    %mul3A = arith.constant 2 : i32
    %mul3A_0 = arith.muli %arg1, %mul3A : i32
    %add3A = arith.addi %mul3A_0, %arg0 : i32
    %mul3A_1 = arith.constant 5120 : i32
    %mul3A_2 = arith.muli %add3A, %mul3A_1 : i32
    "tpu.region"() ({
      %run_scoped3A = tpu.sem_alloc : memref<!tpu.dma_semaphore, #tpu.memory_space<semaphore_mem>>
      %dma_start3A_7 = tpu.memref_slice %arg3[%mul3A_2] : memref<163840xi32, #tpu.memory_space<hbm>> -> memref<5120xi32, #tpu.memory_space<hbm>>
      %dma_start3A_8 = tpu.memref_slice %arg3[%mul3A_2] : memref<163840xi32, #tpu.memory_space<hbm>> -> memref<5120xi32, #tpu.memory_space<hbm>>
      tpu.enqueue_dma source(%dma_start3A_8 : memref<5120xi32, #tpu.memory_space<hbm>>) target(%arg5 : memref<5120xi32, #tpu.memory_space<vmem>>) target_semaphore(%run_scoped3A : memref<!tpu.dma_semaphore, #tpu.memory_space<semaphore_mem>>)
      %dma_wait3A_9 = tpu.memref_slice %arg3[%mul3A_2] : memref<163840xi32, #tpu.memory_space<hbm>> -> memref<5120xi32, #tpu.memory_space<hbm>>
      %dma_wait3A_10 = tpu.memref_slice %arg3[%mul3A_2] : memref<163840xi32, #tpu.memory_space<hbm>> -> memref<5120xi32, #tpu.memory_space<hbm>>
      tpu.wait_dma2 semaphore(%run_scoped3A : memref<!tpu.dma_semaphore, #tpu.memory_space<semaphore_mem>>) src(%dma_wait3A_10 : memref<5120xi32, #tpu.memory_space<hbm>>) dst(%arg5 : memref<5120xi32, #tpu.memory_space<vmem>>)
      tpu.yield
    }) : () -> ()
    %dma_start3A = arith.constant 0 : i32
    %dma_start3A_3 = arith.constant 0 : i32
    %dma_start3A_4 = tpu.memref_slice %arg2[%dma_start3A, %dma_start3A_3] : memref<10240x16xf32, #tpu.memory_space<hbm>> -> memref<10240x16xf32, #tpu.memory_space<hbm>>
    tpu.enqueue_indirect_dma source(%dma_start3A_4 : memref<10240x16xf32, #tpu.memory_space<hbm>>) target(%arg6 : memref<5120x16xf32, #tpu.memory_space<vmem>>) offsets(%arg5 : memref<5120xi32, #tpu.memory_space<vmem>>) semaphore(%arg7 : memref<!tpu.dma_semaphore, #tpu.memory_space<semaphore_mem>>)
    %dma_wait3A = arith.constant 0 : i32
    %dma_wait3A_5 = arith.constant 0 : i32
    %dma_wait3A_6 = tpu.memref_slice %arg2[%dma_wait3A, %dma_wait3A_5] : memref<10240x16xf32, #tpu.memory_space<hbm>> -> memref<10240x16xf32, #tpu.memory_space<hbm>>
    tpu.wait_indirect_dma semaphore(%arg7 : memref<!tpu.dma_semaphore, #tpu.memory_space<semaphore_mem>>) src(%dma_wait3A_6 : memref<10240x16xf32, #tpu.memory_space<hbm>>) dst(%arg6 : memref<5120x16xf32, #tpu.memory_space<vmem>>)
    "tpu.region"() ({
      %run_scoped3A = tpu.sem_alloc : memref<!tpu.dma_semaphore, #tpu.memory_space<semaphore_mem>>
      %dma_start3A_7 = arith.constant 0 : i32
      %dma_start3A_8 = tpu.memref_slice %arg4[%mul3A_2, %dma_start3A_7] : memref<163840x16xf32, #tpu.memory_space<hbm>> -> memref<5120x16xf32, #tpu.memory_space<hbm>>
      %dma_start3A_9 = arith.constant 0 : i32
      %dma_start3A_10 = tpu.memref_slice %arg4[%mul3A_2, %dma_start3A_9] : memref<163840x16xf32, #tpu.memory_space<hbm>> -> memref<5120x16xf32, #tpu.memory_space<hbm>>
      tpu.enqueue_dma source(%arg6 : memref<5120x16xf32, #tpu.memory_space<vmem>>) target(%dma_start3A_10 : memref<5120x16xf32, #tpu.memory_space<hbm>>) target_semaphore(%run_scoped3A : memref<!tpu.dma_semaphore, #tpu.memory_space<semaphore_mem>>)
      %dma_wait3A_11 = arith.constant 0 : i32
      %dma_wait3A_12 = tpu.memref_slice %arg4[%mul3A_2, %dma_wait3A_11] : memref<163840x16xf32, #tpu.memory_space<hbm>> -> memref<5120x16xf32, #tpu.memory_space<hbm>>
      %dma_wait3A_13 = arith.constant 0 : i32
      %dma_wait3A_14 = tpu.memref_slice %arg4[%mul3A_2, %dma_wait3A_13] : memref<163840x16xf32, #tpu.memory_space<hbm>> -> memref<5120x16xf32, #tpu.memory_space<hbm>>
      tpu.wait_dma2 semaphore(%run_scoped3A : memref<!tpu.dma_semaphore, #tpu.memory_space<semaphore_mem>>) src(%arg6 : memref<5120x16xf32, #tpu.memory_space<vmem>>) dst(%dma_wait3A_14 : memref<5120x16xf32, #tpu.memory_space<hbm>>)
      tpu.yield
    }) : () -> ()
    return
  }
}

#map = affine_map<(d0, d1) -> (0, 0)>
#map1 = affine_map<(d0, d1) -> (0, 0, 0)>
module attributes {stable_mosaic.version = 14 : i64} {
  func.func @_sc_scatter(%arg0: i32, %arg1: i32, %arg2: memref<163840x16xf32, #tpu.memory_space<hbm>>, %arg3: memref<32x40x128xi32, #tpu.memory_space<hbm>>, %arg4: memref<10240x16xf32, #tpu.memory_space<hbm>>, %arg5: memref<20480x16xf32, #tpu.memory_space<hbm>>, %arg6: memref<40x128xi32, #tpu.memory_space<vmem>>, %arg7: memref<5120x16xf32, #tpu.memory_space<vmem>>, %arg8: memref<10240x16xf32, #tpu.memory_space<vmem_shared>>) attributes {dimension_semantics = [#tpu.dimension_semantics<core_parallel>, #tpu.dimension_semantics<subcore_parallel>], iteration_bounds = array<i64: 2, 16>, scalar_prefetch = 0 : i64, scratch_operands = 3 : i64, tpu.core_type = #tpu.core_type<sc_vector_subcore>, window_params = [{transform_indices = #map}, {transform_indices = #map1}, {transform_indices = #map}, {transform_indices = #map}]} {
    %mul3A = arith.constant 2 : i32
    %mul3A_0 = arith.muli %arg1, %mul3A : i32
    %add3A = arith.addi %mul3A_0, %arg0 : i32
    %mul3A_1 = arith.constant 640 : i32
    %mul3A_2 = arith.muli %arg1, %mul3A_1 : i32
    %mul3A_3 = arith.constant 640 : i32
    %mul3A_4 = arith.muli %arg1, %mul3A_3 : i32
    "tpu.region"() ({
      %run_scoped3A = tpu.sem_alloc : memref<!tpu.dma_semaphore, #tpu.memory_space<semaphore_mem>>
      %dma_start3A = arith.constant 0 : i32
      %dma_start3A_20 = tpu.memref_slice %arg8[%mul3A_4, %dma_start3A] : memref<10240x16xf32, #tpu.memory_space<vmem_shared>> -> memref<640x16xf32, #tpu.memory_space<vmem_shared>>
      %dma_start3A_21 = arith.constant 0 : i32
      %dma_start3A_22 = tpu.memref_slice %arg4[%mul3A_2, %dma_start3A_21] : memref<10240x16xf32, #tpu.memory_space<hbm>> -> memref<640x16xf32, #tpu.memory_space<hbm>>
      tpu.enqueue_dma source(%dma_start3A_22 : memref<640x16xf32, #tpu.memory_space<hbm>>) target(%dma_start3A_20 : memref<640x16xf32, #tpu.memory_space<vmem_shared>>) target_semaphore(%run_scoped3A : memref<!tpu.dma_semaphore, #tpu.memory_space<semaphore_mem>>)
      %dma_wait3A = arith.constant 0 : i32
      %dma_wait3A_23 = tpu.memref_slice %arg8[%mul3A_4, %dma_wait3A] : memref<10240x16xf32, #tpu.memory_space<vmem_shared>> -> memref<640x16xf32, #tpu.memory_space<vmem_shared>>
      %dma_wait3A_24 = arith.constant 0 : i32
      %dma_wait3A_25 = tpu.memref_slice %arg4[%mul3A_2, %dma_wait3A_24] : memref<10240x16xf32, #tpu.memory_space<hbm>> -> memref<640x16xf32, #tpu.memory_space<hbm>>
      tpu.wait_dma2 semaphore(%run_scoped3A : memref<!tpu.dma_semaphore, #tpu.memory_space<semaphore_mem>>) src(%dma_wait3A_25 : memref<640x16xf32, #tpu.memory_space<hbm>>) dst(%dma_wait3A_23 : memref<640x16xf32, #tpu.memory_space<vmem_shared>>)
      tpu.yield
    }) : () -> ()
    %barrier3A = arith.constant 0 : index
    tpu.barrier barrier_id(%barrier3A)
    "tpu.region"() ({
      %run_scoped3A = tpu.sem_alloc : memref<!tpu.dma_semaphore, #tpu.memory_space<semaphore_mem>>
      %dma_start3A = arith.constant 0 : i32
      %dma_start3A_20 = arith.constant 0 : i32
      %dma_start3A_21 = tpu.memref_slice %arg3[%add3A, %dma_start3A, %dma_start3A_20] : memref<32x40x128xi32, #tpu.memory_space<hbm>> -> memref<1x40x128xi32, #tpu.memory_space<hbm>>
      %dma_start3A_22 = tpu.memref_squeeze %dma_start3A_21 : memref<1x40x128xi32, #tpu.memory_space<hbm>> -> memref<40x128xi32, #tpu.memory_space<hbm>>
      %dma_start3A_23 = arith.constant 0 : i32
      %dma_start3A_24 = arith.constant 0 : i32
      %dma_start3A_25 = tpu.memref_slice %arg3[%add3A, %dma_start3A_23, %dma_start3A_24] : memref<32x40x128xi32, #tpu.memory_space<hbm>> -> memref<1x40x128xi32, #tpu.memory_space<hbm>>
      %dma_start3A_26 = tpu.memref_squeeze %dma_start3A_25 : memref<1x40x128xi32, #tpu.memory_space<hbm>> -> memref<40x128xi32, #tpu.memory_space<hbm>>
      tpu.enqueue_dma source(%dma_start3A_26 : memref<40x128xi32, #tpu.memory_space<hbm>>) target(%arg6 : memref<40x128xi32, #tpu.memory_space<vmem>>) target_semaphore(%run_scoped3A : memref<!tpu.dma_semaphore, #tpu.memory_space<semaphore_mem>>)
      %dma_wait3A = arith.constant 0 : i32
      %dma_wait3A_27 = arith.constant 0 : i32
      %dma_wait3A_28 = tpu.memref_slice %arg3[%add3A, %dma_wait3A, %dma_wait3A_27] : memref<32x40x128xi32, #tpu.memory_space<hbm>> -> memref<1x40x128xi32, #tpu.memory_space<hbm>>
      %dma_wait3A_29 = tpu.memref_squeeze %dma_wait3A_28 : memref<1x40x128xi32, #tpu.memory_space<hbm>> -> memref<40x128xi32, #tpu.memory_space<hbm>>
      %dma_wait3A_30 = arith.constant 0 : i32
      %dma_wait3A_31 = arith.constant 0 : i32
      %dma_wait3A_32 = tpu.memref_slice %arg3[%add3A, %dma_wait3A_30, %dma_wait3A_31] : memref<32x40x128xi32, #tpu.memory_space<hbm>> -> memref<1x40x128xi32, #tpu.memory_space<hbm>>
      %dma_wait3A_33 = tpu.memref_squeeze %dma_wait3A_32 : memref<1x40x128xi32, #tpu.memory_space<hbm>> -> memref<40x128xi32, #tpu.memory_space<hbm>>
      tpu.wait_dma2 semaphore(%run_scoped3A : memref<!tpu.dma_semaphore, #tpu.memory_space<semaphore_mem>>) src(%dma_wait3A_33 : memref<40x128xi32, #tpu.memory_space<hbm>>) dst(%arg6 : memref<40x128xi32, #tpu.memory_space<vmem>>)
      tpu.yield
    }) : () -> ()
    %mul3A_5 = arith.constant 5120 : i32
    %mul3A_6 = arith.muli %add3A, %mul3A_5 : i32
    "tpu.region"() ({
      %run_scoped3A = tpu.sem_alloc : memref<!tpu.dma_semaphore, #tpu.memory_space<semaphore_mem>>
      %dma_start3A = arith.constant 0 : i32
      %dma_start3A_20 = tpu.memref_slice %arg2[%mul3A_6, %dma_start3A] : memref<163840x16xf32, #tpu.memory_space<hbm>> -> memref<5120x16xf32, #tpu.memory_space<hbm>>
      %dma_start3A_21 = arith.constant 0 : i32
      %dma_start3A_22 = tpu.memref_slice %arg2[%mul3A_6, %dma_start3A_21] : memref<163840x16xf32, #tpu.memory_space<hbm>> -> memref<5120x16xf32, #tpu.memory_space<hbm>>
      tpu.enqueue_dma source(%dma_start3A_22 : memref<5120x16xf32, #tpu.memory_space<hbm>>) target(%arg7 : memref<5120x16xf32, #tpu.memory_space<vmem>>) target_semaphore(%run_scoped3A : memref<!tpu.dma_semaphore, #tpu.memory_space<semaphore_mem>>)
      %dma_wait3A = arith.constant 0 : i32
      %dma_wait3A_23 = tpu.memref_slice %arg2[%mul3A_6, %dma_wait3A] : memref<163840x16xf32, #tpu.memory_space<hbm>> -> memref<5120x16xf32, #tpu.memory_space<hbm>>
      %dma_wait3A_24 = arith.constant 0 : i32
      %dma_wait3A_25 = tpu.memref_slice %arg2[%mul3A_6, %dma_wait3A_24] : memref<163840x16xf32, #tpu.memory_space<hbm>> -> memref<5120x16xf32, #tpu.memory_space<hbm>>
      tpu.wait_dma2 semaphore(%run_scoped3A : memref<!tpu.dma_semaphore, #tpu.memory_space<semaphore_mem>>) src(%dma_wait3A_25 : memref<5120x16xf32, #tpu.memory_space<hbm>>) dst(%arg7 : memref<5120x16xf32, #tpu.memory_space<vmem>>)
      tpu.yield
    }) : () -> ()
    %scan3A = arith.constant 0 : i32
    %scan3A_7 = arith.constant 0 : i32
    %scan3A_8 = arith.constant 40 : i32
    %scan3A_9 = arith.addi %scan3A_7, %scan3A_8 : i32
    %scan3A_10 = arith.constant 1 : i32
    scf.for %scan3A_20 = %scan3A_7 to %scan3A_9 step %scan3A_10  : i32 {
      %mul3A_21 = arith.constant 128 : i32
      %mul3A_22 = arith.muli %scan3A_20, %mul3A_21 : i32
      "tpu.region"() ({
        %run_scoped3A = tpu.sem_alloc : memref<!tpu.dma_semaphore, #tpu.memory_space<semaphore_mem>>
        %dma_start3A = arith.constant 0 : i32
        %dma_start3A_23 = tpu.memref_slice %arg7[%mul3A_22, %dma_start3A] : memref<5120x16xf32, #tpu.memory_space<vmem>> -> memref<128x16xf32, #tpu.memory_space<vmem>>
        %dma_start3A_24 = arith.constant 0 : i32
        %dma_start3A_25 = tpu.memref_slice %arg6[%scan3A_20, %dma_start3A_24] : memref<40x128xi32, #tpu.memory_space<vmem>> -> memref<1x128xi32, #tpu.memory_space<vmem>>
        %dma_start3A_26 = tpu.memref_squeeze %dma_start3A_25 : memref<1x128xi32, #tpu.memory_space<vmem>> -> memref<128xi32, #tpu.memory_space<vmem>>
        %dma_start3A_27 = arith.constant 0 : i32
        %dma_start3A_28 = arith.constant 0 : i32
        %dma_start3A_29 = tpu.memref_slice %arg8[%dma_start3A_27, %dma_start3A_28] : memref<10240x16xf32, #tpu.memory_space<vmem_shared>> -> memref<10240x16xf32, #tpu.memory_space<vmem_shared>>
        tpu.enqueue_indirect_dma source(%dma_start3A_23 : memref<128x16xf32, #tpu.memory_space<vmem>>) target(%dma_start3A_29 : memref<10240x16xf32, #tpu.memory_space<vmem_shared>>) offsets(%dma_start3A_26 : memref<128xi32, #tpu.memory_space<vmem>>) semaphore(%run_scoped3A : memref<!tpu.dma_semaphore, #tpu.memory_space<semaphore_mem>>) {add = true}
        %dma_wait3A = arith.constant 0 : i32
        %dma_wait3A_30 = tpu.memref_slice %arg7[%mul3A_22, %dma_wait3A] : memref<5120x16xf32, #tpu.memory_space<vmem>> -> memref<128x16xf32, #tpu.memory_space<vmem>>
        %dma_wait3A_31 = arith.constant 0 : i32
        %dma_wait3A_32 = tpu.memref_slice %arg6[%scan3A_20, %dma_wait3A_31] : memref<40x128xi32, #tpu.memory_space<vmem>> -> memref<1x128xi32, #tpu.memory_space<vmem>>
        %dma_wait3A_33 = tpu.memref_squeeze %dma_wait3A_32 : memref<1x128xi32, #tpu.memory_space<vmem>> -> memref<128xi32, #tpu.memory_space<vmem>>
        %dma_wait3A_34 = arith.constant 0 : i32
        %dma_wait3A_35 = arith.constant 0 : i32
        %dma_wait3A_36 = tpu.memref_slice %arg8[%dma_wait3A_34, %dma_wait3A_35] : memref<10240x16xf32, #tpu.memory_space<vmem_shared>> -> memref<10240x16xf32, #tpu.memory_space<vmem_shared>>
        tpu.wait_indirect_dma semaphore(%run_scoped3A : memref<!tpu.dma_semaphore, #tpu.memory_space<semaphore_mem>>) src(%dma_wait3A_30 : memref<128x16xf32, #tpu.memory_space<vmem>>) dst(%dma_wait3A_36 : memref<10240x16xf32, #tpu.memory_space<vmem_shared>>)
        tpu.yield
      }) : () -> ()
    }
    %scan3A_11 = arith.constant 40 : i32
    %barrier3A_12 = arith.constant 0 : index
    tpu.barrier barrier_id(%barrier3A_12)
    %mul3A_13 = arith.constant 640 : i32
    %mul3A_14 = arith.muli %arg1, %mul3A_13 : i32
    %mul3A_15 = arith.constant 10240 : i32
    %mul3A_16 = arith.muli %arg0, %mul3A_15 : i32
    %mul3A_17 = arith.constant 640 : i32
    %mul3A_18 = arith.muli %arg1, %mul3A_17 : i32
    %add3A_19 = arith.addi %mul3A_16, %mul3A_18 : i32
    "tpu.region"() ({
      %run_scoped3A = tpu.sem_alloc : memref<!tpu.dma_semaphore, #tpu.memory_space<semaphore_mem>>
      %dma_start3A = arith.constant 0 : i32
      %dma_start3A_20 = tpu.memref_slice %arg5[%add3A_19, %dma_start3A] : memref<20480x16xf32, #tpu.memory_space<hbm>> -> memref<640x16xf32, #tpu.memory_space<hbm>>
      %dma_start3A_21 = arith.constant 0 : i32
      %dma_start3A_22 = tpu.memref_slice %arg8[%mul3A_14, %dma_start3A_21] : memref<10240x16xf32, #tpu.memory_space<vmem_shared>> -> memref<640x16xf32, #tpu.memory_space<vmem_shared>>
      tpu.enqueue_dma source(%dma_start3A_22 : memref<640x16xf32, #tpu.memory_space<vmem_shared>>) target(%dma_start3A_20 : memref<640x16xf32, #tpu.memory_space<hbm>>) target_semaphore(%run_scoped3A : memref<!tpu.dma_semaphore, #tpu.memory_space<semaphore_mem>>)
      %dma_wait3A = arith.constant 0 : i32
      %dma_wait3A_23 = tpu.memref_slice %arg5[%add3A_19, %dma_wait3A] : memref<20480x16xf32, #tpu.memory_space<hbm>> -> memref<640x16xf32, #tpu.memory_space<hbm>>
      %dma_wait3A_24 = arith.constant 0 : i32
      %dma_wait3A_25 = tpu.memref_slice %arg8[%mul3A_14, %dma_wait3A_24] : memref<10240x16xf32, #tpu.memory_space<vmem_shared>> -> memref<640x16xf32, #tpu.memory_space<vmem_shared>>
      tpu.wait_dma2 semaphore(%run_scoped3A : memref<!tpu.dma_semaphore, #tpu.memory_space<semaphore_mem>>) src(%dma_wait3A_25 : memref<640x16xf32, #tpu.memory_space<vmem_shared>>) dst(%dma_wait3A_23 : memref<640x16xf32, #tpu.memory_space<hbm>>)
      tpu.yield
    }) : () -> ()
    return
  }
}

module attributes {stable_mosaic.version = 14 : i64} {
  func.func @_proj_kernel(%arg0: memref<1280x1024xf32, #tpu.memory_space<vmem>>, %arg1: memref<1024x128xf32, #tpu.memory_space<vmem>>, %arg2: memref<1x128xf32, #tpu.memory_space<vmem>>, %arg3: memref<1280x128xf32, #tpu.memory_space<vmem>>) attributes {dimension_semantics = [], scalar_prefetch = 0 : i64, scratch_operands = 0 : i64, tpu.core_type = #tpu.core_type<tc>} {
    %get3A = arith.constant 0 : index
    %get3A_0 = arith.constant 0 : index
    %get3A_1 = vector.load %arg0[%get3A, %get3A_0] : memref<1280x1024xf32, #tpu.memory_space<vmem>>, vector<1280x1024xf32>
    %get3A_2 = arith.constant 0 : index
    %get3A_3 = arith.constant 0 : index
    %get3A_4 = vector.load %arg1[%get3A_2, %get3A_3] : memref<1024x128xf32, #tpu.memory_space<vmem>>, vector<1024x128xf32>
    %dot_general3A = arith.constant dense<0.000000e+00> : vector<1280x128xf32>
    %dot_general3A_5 = tpu.matmul %get3A_1, %get3A_4, %dot_general3A {dimension_numbers = #tpu.dot_dimension_numbers<[1], [0], [0], [1], [0, 0, 1, 1], [], []>, transpose_lhs_hint = false} : vector<1280x1024xf32>, vector<1024x128xf32>, vector<1280x128xf32> -> vector<1280x128xf32>
    %get3A_6 = arith.constant 0 : index
    %get3A_7 = arith.constant 0 : index
    %get3A_8 = vector.load %arg2[%get3A_6, %get3A_7] : memref<1x128xf32, #tpu.memory_space<vmem>>, vector<1x128xf32>
    %add3A = vector.broadcast %get3A_8 : vector<1x128xf32> to vector<1280x128xf32>
    %add3A_9 = arith.addf %dot_general3A_5, %add3A : vector<1280x128xf32>
    %max3A = arith.constant 0.000000e+00 : f32
    %max3A_10 = vector.broadcast %max3A : f32 to vector<1280x128xf32>
    %max3A_11 = arith.maximumf %add3A_9, %max3A_10 : vector<1280x128xf32>
    %swap3A = arith.constant 0 : index
    %swap3A_12 = arith.constant 0 : index
    %swap3A_13 = vector.load %arg3[%swap3A, %swap3A_12] : memref<1280x128xf32, #tpu.memory_space<vmem>>, vector<1280x128xf32>
    tpu.vector_store %arg3[%swap3A, %swap3A_12], %max3A_11 {strides = array<i32>} : memref<1280x128xf32, #tpu.memory_space<vmem>>, vector<1280x128xf32>,
    return
  }
}

module attributes {stable_mosaic.version = 14 : i64} {
  func.func @_edge_net_kernel(%arg0: i32, %arg1: memref<512x128xf32, #tpu.memory_space<vmem>>, %arg2: memref<128x1024xbf16, #tpu.memory_space<vmem>>, %arg3: memref<1x1024xf32, #tpu.memory_space<vmem>>, %arg4: memref<1024x2048xbf16, #tpu.memory_space<vmem>>, %arg5: memref<1x2048xf32, #tpu.memory_space<vmem>>, %arg6: memref<512x2048xbf16, #tpu.memory_space<vmem>>) attributes {dimension_semantics = [#tpu.dimension_semantics<arbitrary>], iteration_bounds = array<i64: 40>, scalar_prefetch = 0 : i64, scratch_operands = 0 : i64, tpu.core_type = #tpu.core_type<tc>, window_params = [{transform_indices = @transform_0, window_bounds = array<i64: 512, 128>}, {pipeline_mode = #tpu.pipeline_mode<synchronous>, transform_indices = @transform_1, window_bounds = array<i64: 128, 1024>}, {pipeline_mode = #tpu.pipeline_mode<synchronous>, transform_indices = @transform_2, window_bounds = array<i64: 1, 1024>}, {pipeline_mode = #tpu.pipeline_mode<synchronous>, transform_indices = @transform_3, window_bounds = array<i64: 1024, 2048>}, {pipeline_mode = #tpu.pipeline_mode<synchronous>, transform_indices = @transform_4, window_bounds = array<i64: 1, 2048>}, {transform_indices = @transform_5, window_bounds = array<i64: 512, 2048>}]} {
    %get3A = arith.constant 0 : index
    %get3A_0 = arith.constant 0 : index
    %get3A_1 = vector.load %arg1[%get3A, %get3A_0] : memref<512x128xf32, #tpu.memory_space<vmem>>, vector<512x128xf32>
    %convert_element_type3A = arith.truncf %get3A_1 : vector<512x128xf32> to vector<512x128xbf16>
    %get3A_2 = arith.constant 0 : index
    %get3A_3 = arith.constant 0 : index
    %get3A_4 = vector.load %arg2[%get3A_2, %get3A_3] : memref<128x1024xbf16, #tpu.memory_space<vmem>>, vector<128x1024xbf16>
    %dot_general3A = arith.constant dense<0.000000e+00> : vector<512x1024xf32>
    %dot_general3A_5 = tpu.matmul %convert_element_type3A, %get3A_4, %dot_general3A {dimension_numbers = #tpu.dot_dimension_numbers<[1], [0], [0], [1], [0, 0, 1, 1], [], []>, transpose_lhs_hint = false} : vector<512x128xbf16>, vector<128x1024xbf16>, vector<512x1024xf32> -> vector<512x1024xf32>
    %get3A_6 = arith.constant 0 : index
    %get3A_7 = arith.constant 0 : index
    %get3A_8 = vector.load %arg3[%get3A_6, %get3A_7] : memref<1x1024xf32, #tpu.memory_space<vmem>>, vector<1x1024xf32>
    %add3A = vector.broadcast %get3A_8 : vector<1x1024xf32> to vector<512x1024xf32>
    %add3A_9 = arith.addf %dot_general3A_5, %add3A : vector<512x1024xf32>
    %max3A = arith.constant 0.000000e+00 : f32
    %max3A_10 = vector.broadcast %max3A : f32 to vector<512x1024xf32>
    %max3A_11 = arith.maximumf %add3A_9, %max3A_10 : vector<512x1024xf32>
    %convert_element_type3A_12 = arith.truncf %max3A_11 : vector<512x1024xf32> to vector<512x1024xbf16>
    %get3A_13 = arith.constant 0 : index
    %get3A_14 = arith.constant 0 : index
    %get3A_15 = vector.load %arg4[%get3A_13, %get3A_14] : memref<1024x2048xbf16, #tpu.memory_space<vmem>>, vector<1024x2048xbf16>
    %dot_general3A_16 = arith.constant dense<0.000000e+00> : vector<512x2048xf32>
    %dot_general3A_17 = tpu.matmul %convert_element_type3A_12, %get3A_15, %dot_general3A_16 {dimension_numbers = #tpu.dot_dimension_numbers<[1], [0], [0], [1], [0, 0, 1, 1], [], []>, transpose_lhs_hint = false} : vector<512x1024xbf16>, vector<1024x2048xbf16>, vector<512x2048xf32> -> vector<512x2048xf32>
    %get3A_18 = arith.constant 0 : index
    %get3A_19 = arith.constant 0 : index
    %get3A_20 = vector.load %arg5[%get3A_18, %get3A_19] : memref<1x2048xf32, #tpu.memory_space<vmem>>, vector<1x2048xf32>
    %add3A_21 = vector.broadcast %get3A_20 : vector<1x2048xf32> to vector<512x2048xf32>
    %add3A_22 = arith.addf %dot_general3A_17, %add3A_21 : vector<512x2048xf32>
    %convert_element_type3A_23 = arith.truncf %add3A_22 : vector<512x2048xf32> to vector<512x2048xbf16>
    %swap3A = arith.constant 0 : index
    %swap3A_24 = arith.constant 0 : index
    %swap3A_25 = vector.load %arg6[%swap3A, %swap3A_24] : memref<512x2048xbf16, #tpu.memory_space<vmem>>, vector<512x2048xbf16>
    tpu.vector_store %arg6[%swap3A, %swap3A_24], %convert_element_type3A_23 {strides = array<i32>} : memref<512x2048xbf16, #tpu.memory_space<vmem>>, vector<512x2048xbf16>,
    return
  }
  func.func @transform_0(%arg0: i32) -> (i32, i32) {
    %c0_i32 = arith.constant 0 : i32
    %c0_i32_0 = arith.constant 0 : i32
    return %arg0, %c0_i32 : i32, i32
  }
  func.func @transform_1(%arg0: i32) -> (i32, i32) {
    %c0_i32 = arith.constant 0 : i32
    %c0_i32_0 = arith.constant 0 : i32
    %c0_i32_1 = arith.constant 0 : i32
    return %c0_i32, %c0_i32_0 : i32, i32
  }
  func.func @transform_2(%arg0: i32) -> (i32, i32) {
    %c0_i32 = arith.constant 0 : i32
    %c0_i32_0 = arith.constant 0 : i32
    %c0_i32_1 = arith.constant 0 : i32
    return %c0_i32, %c0_i32_0 : i32, i32
  }
  func.func @transform_3(%arg0: i32) -> (i32, i32) {
    %c0_i32 = arith.constant 0 : i32
    %c0_i32_0 = arith.constant 0 : i32
    %c0_i32_1 = arith.constant 0 : i32
    return %c0_i32, %c0_i32_0 : i32, i32
  }
  func.func @transform_4(%arg0: i32) -> (i32, i32) {
    %c0_i32 = arith.constant 0 : i32
    %c0_i32_0 = arith.constant 0 : i32
    %c0_i32_1 = arith.constant 0 : i32
    return %c0_i32, %c0_i32_0 : i32, i32
  }
  func.func @transform_5(%arg0: i32) -> (i32, i32) {
    %c0_i32 = arith.constant 0 : i32
    %c0_i32_0 = arith.constant 0 : i32
    return %arg0, %c0_i32 : i32, i32
  }
}

module attributes {stable_mosaic.version = 14 : i64} {
  func.func @_msg_kernel(%arg0: i32, %arg1: memref<512x128xf32, #tpu.memory_space<vmem>>, %arg2: memref<512x2048xbf16, #tpu.memory_space<vmem>>, %arg3: memref<128x2048xbf16, #tpu.memory_space<vmem>>, %arg4: memref<2048x128xbf16, #tpu.memory_space<vmem>>, %arg5: memref<512x128xf32, #tpu.memory_space<vmem>>) attributes {dimension_semantics = [#tpu.dimension_semantics<arbitrary>], iteration_bounds = array<i64: 40>, scalar_prefetch = 0 : i64, scratch_operands = 0 : i64, tpu.core_type = #tpu.core_type<tc>, window_params = [{transform_indices = @transform_0, window_bounds = array<i64: 512, 128>}, {transform_indices = @transform_1, window_bounds = array<i64: 512, 2048>}, {pipeline_mode = #tpu.pipeline_mode<synchronous>, transform_indices = @transform_2, window_bounds = array<i64: 128, 2048>}, {pipeline_mode = #tpu.pipeline_mode<synchronous>, transform_indices = @transform_3, window_bounds = array<i64: 2048, 128>}, {transform_indices = @transform_4, window_bounds = array<i64: 512, 128>}]} {
    %get3A = arith.constant 0 : index
    %get3A_0 = arith.constant 0 : index
    %get3A_1 = vector.load %arg1[%get3A, %get3A_0] : memref<512x128xf32, #tpu.memory_space<vmem>>, vector<512x128xf32>
    %convert_element_type3A = arith.truncf %get3A_1 : vector<512x128xf32> to vector<512x128xbf16>
    %get3A_2 = arith.constant 0 : index
    %get3A_3 = arith.constant 0 : index
    %get3A_4 = vector.load %arg3[%get3A_2, %get3A_3] : memref<128x2048xbf16, #tpu.memory_space<vmem>>, vector<128x2048xbf16>
    %dot_general3A = arith.constant dense<0.000000e+00> : vector<512x2048xf32>
    %dot_general3A_5 = tpu.matmul %convert_element_type3A, %get3A_4, %dot_general3A {dimension_numbers = #tpu.dot_dimension_numbers<[1], [0], [0], [1], [0, 0, 1, 1], [], []>, transpose_lhs_hint = false} : vector<512x128xbf16>, vector<128x2048xbf16>, vector<512x2048xf32> -> vector<512x2048xf32>
    %convert_element_type3A_6 = arith.truncf %dot_general3A_5 : vector<512x2048xf32> to vector<512x2048xbf16>
    %get3A_7 = arith.constant 0 : index
    %get3A_8 = arith.constant 0 : index
    %get3A_9 = vector.load %arg2[%get3A_7, %get3A_8] : memref<512x2048xbf16, #tpu.memory_space<vmem>>, vector<512x2048xbf16>
    %mul3A = arith.mulf %convert_element_type3A_6, %get3A_9 : vector<512x2048xbf16>
    %get3A_10 = arith.constant 0 : index
    %get3A_11 = arith.constant 0 : index
    %get3A_12 = vector.load %arg4[%get3A_10, %get3A_11] : memref<2048x128xbf16, #tpu.memory_space<vmem>>, vector<2048x128xbf16>
    %dot_general3A_13 = arith.constant dense<0.000000e+00> : vector<512x128xf32>
    %dot_general3A_14 = tpu.matmul %mul3A, %get3A_12, %dot_general3A_13 {dimension_numbers = #tpu.dot_dimension_numbers<[1], [0], [0], [1], [0, 0, 1, 1], [], []>, transpose_lhs_hint = false} : vector<512x2048xbf16>, vector<2048x128xbf16>, vector<512x128xf32> -> vector<512x128xf32>
    %swap3A = arith.constant 0 : index
    %swap3A_15 = arith.constant 0 : index
    %swap3A_16 = vector.load %arg5[%swap3A, %swap3A_15] : memref<512x128xf32, #tpu.memory_space<vmem>>, vector<512x128xf32>
    tpu.vector_store %arg5[%swap3A, %swap3A_15], %dot_general3A_14 {strides = array<i32>} : memref<512x128xf32, #tpu.memory_space<vmem>>, vector<512x128xf32>,
    return
  }
  func.func @transform_0(%arg0: i32) -> (i32, i32) {
    %c0_i32 = arith.constant 0 : i32
    %c0_i32_0 = arith.constant 0 : i32
    return %arg0, %c0_i32 : i32, i32
  }
  func.func @transform_1(%arg0: i32) -> (i32, i32) {
    %c0_i32 = arith.constant 0 : i32
    %c0_i32_0 = arith.constant 0 : i32
    return %arg0, %c0_i32 : i32, i32
  }
  func.func @transform_2(%arg0: i32) -> (i32, i32) {
    %c0_i32 = arith.constant 0 : i32
    %c0_i32_0 = arith.constant 0 : i32
    %c0_i32_1 = arith.constant 0 : i32
    return %c0_i32, %c0_i32_0 : i32, i32
  }
  func.func @transform_3(%arg0: i32) -> (i32, i32) {
    %c0_i32 = arith.constant 0 : i32
    %c0_i32_0 = arith.constant 0 : i32
    %c0_i32_1 = arith.constant 0 : i32
    return %c0_i32, %c0_i32_0 : i32, i32
  }
  func.func @transform_4(%arg0: i32) -> (i32, i32) {
    %c0_i32 = arith.constant 0 : i32
    %c0_i32_0 = arith.constant 0 : i32
    return %arg0, %c0_i32 : i32, i32
  }
}

module attributes {stable_mosaic.version = 14 : i64} {
  func.func @_gru_kernel(%arg0: memref<2560x128xf32, #tpu.memory_space<vmem>>, %arg1: memref<1x128xf32, #tpu.memory_space<vmem>>, %arg2: memref<1280x128xf32, #tpu.memory_space<vmem>>, %arg3: memref<128x128xf32, #tpu.memory_space<vmem>>, %arg4: memref<128x128xf32, #tpu.memory_space<vmem>>, %arg5: memref<128x128xf32, #tpu.memory_space<vmem>>, %arg6: memref<128x128xf32, #tpu.memory_space<vmem>>, %arg7: memref<128x128xf32, #tpu.memory_space<vmem>>, %arg8: memref<128x128xf32, #tpu.memory_space<vmem>>, %arg9: memref<1x128xf32, #tpu.memory_space<vmem>>, %arg10: memref<1x128xf32, #tpu.memory_space<vmem>>, %arg11: memref<1x128xf32, #tpu.memory_space<vmem>>, %arg12: memref<1x128xf32, #tpu.memory_space<vmem>>, %arg13: memref<1x128xf32, #tpu.memory_space<vmem>>, %arg14: memref<1x128xf32, #tpu.memory_space<vmem>>, %arg15: memref<1280x128xf32, #tpu.memory_space<vmem>>) attributes {dimension_semantics = [], scalar_prefetch = 0 : i64, scratch_operands = 0 : i64, tpu.core_type = #tpu.core_type<tc>} {
    %get3A = arith.constant 0 : index
    %get3A_0 = arith.constant 0 : index
    %get3A_1 = vector.load %arg0[%get3A, %get3A_0] : memref<2560x128xf32, #tpu.memory_space<vmem>>, vector<1280x128xf32>
    %get3A_2 = arith.constant 1280 : index
    %get3A_3 = arith.constant 0 : index
    %get3A_4 = vector.load %arg0[%get3A_2, %get3A_3] : memref<2560x128xf32, #tpu.memory_space<vmem>>, vector<1280x128xf32>
    %add3A = arith.addf %get3A_1, %get3A_4 : vector<1280x128xf32>
    %get3A_5 = arith.constant 0 : index
    %get3A_6 = arith.constant 0 : index
    %get3A_7 = vector.load %arg1[%get3A_5, %get3A_6] : memref<1x128xf32, #tpu.memory_space<vmem>>, vector<1x128xf32>
    %add3A_8 = vector.broadcast %get3A_7 : vector<1x128xf32> to vector<1280x128xf32>
    %add3A_9 = arith.addf %add3A, %add3A_8 : vector<1280x128xf32>
    %max3A = arith.constant 0.000000e+00 : f32
    %max3A_10 = vector.broadcast %max3A : f32 to vector<1280x128xf32>
    %max3A_11 = arith.maximumf %add3A_9, %max3A_10 : vector<1280x128xf32>
    %get3A_12 = arith.constant 0 : index
    %get3A_13 = arith.constant 0 : index
    %get3A_14 = vector.load %arg2[%get3A_12, %get3A_13] : memref<1280x128xf32, #tpu.memory_space<vmem>>, vector<1280x128xf32>
    %get3A_15 = arith.constant 0 : index
    %get3A_16 = arith.constant 0 : index
    %get3A_17 = vector.load %arg3[%get3A_15, %get3A_16] : memref<128x128xf32, #tpu.memory_space<vmem>>, vector<128x128xf32>
    %dot_general3A = arith.constant dense<0.000000e+00> : vector<1280x128xf32>
    %dot_general3A_18 = tpu.matmul %max3A_11, %get3A_17, %dot_general3A {dimension_numbers = #tpu.dot_dimension_numbers<[1], [0], [0], [1], [0, 0, 1, 1], [], []>, transpose_lhs_hint = false} : vector<1280x128xf32>, vector<128x128xf32>, vector<1280x128xf32> -> vector<1280x128xf32>
    %get3A_19 = arith.constant 0 : index
    %get3A_20 = arith.constant 0 : index
    %get3A_21 = vector.load %arg9[%get3A_19, %get3A_20] : memref<1x128xf32, #tpu.memory_space<vmem>>, vector<1x128xf32>
    %add3A_22 = vector.broadcast %get3A_21 : vector<1x128xf32> to vector<1280x128xf32>
    %add3A_23 = arith.addf %dot_general3A_18, %add3A_22 : vector<1280x128xf32>
    %get3A_24 = arith.constant 0 : index
    %get3A_25 = arith.constant 0 : index
    %get3A_26 = vector.load %arg6[%get3A_24, %get3A_25] : memref<128x128xf32, #tpu.memory_space<vmem>>, vector<128x128xf32>
    %dot_general3A_27 = arith.constant dense<0.000000e+00> : vector<1280x128xf32>
    %dot_general3A_28 = tpu.matmul %get3A_14, %get3A_26, %dot_general3A_27 {dimension_numbers = #tpu.dot_dimension_numbers<[1], [0], [0], [1], [0, 0, 1, 1], [], []>, transpose_lhs_hint = false} : vector<1280x128xf32>, vector<128x128xf32>, vector<1280x128xf32> -> vector<1280x128xf32>
    %add3A_29 = arith.addf %add3A_23, %dot_general3A_28 : vector<1280x128xf32>
    %get3A_30 = arith.constant 0 : index
    %get3A_31 = arith.constant 0 : index
    %get3A_32 = vector.load %arg12[%get3A_30, %get3A_31] : memref<1x128xf32, #tpu.memory_space<vmem>>, vector<1x128xf32>
    %add3A_33 = vector.broadcast %get3A_32 : vector<1x128xf32> to vector<1280x128xf32>
    %add3A_34 = arith.addf %add3A_29, %add3A_33 : vector<1280x128xf32>
    %logistic3A = arith.negf %add3A_34 : vector<1280x128xf32>
    %logistic3A_35 = math.exp %logistic3A : vector<1280x128xf32>
    %logistic3A_36 = arith.constant 1.000000e+00 : f32
    %logistic3A_37 = vector.broadcast %logistic3A_36 : f32 to vector<1280x128xf32>
    %logistic3A_38 = arith.addf %logistic3A_37, %logistic3A_35 : vector<1280x128xf32>
    %logistic3A_39 = arith.divf %logistic3A_37, %logistic3A_38 : vector<1280x128xf32>
    %get3A_40 = arith.constant 0 : index
    %get3A_41 = arith.constant 0 : index
    %get3A_42 = vector.load %arg4[%get3A_40, %get3A_41] : memref<128x128xf32, #tpu.memory_space<vmem>>, vector<128x128xf32>
    %dot_general3A_43 = arith.constant dense<0.000000e+00> : vector<1280x128xf32>
    %dot_general3A_44 = tpu.matmul %max3A_11, %get3A_42, %dot_general3A_43 {dimension_numbers = #tpu.dot_dimension_numbers<[1], [0], [0], [1], [0, 0, 1, 1], [], []>, transpose_lhs_hint = false} : vector<1280x128xf32>, vector<128x128xf32>, vector<1280x128xf32> -> vector<1280x128xf32>
    %get3A_45 = arith.constant 0 : index
    %get3A_46 = arith.constant 0 : index
    %get3A_47 = vector.load %arg10[%get3A_45, %get3A_46] : memref<1x128xf32, #tpu.memory_space<vmem>>, vector<1x128xf32>
    %add3A_48 = vector.broadcast %get3A_47 : vector<1x128xf32> to vector<1280x128xf32>
    %add3A_49 = arith.addf %dot_general3A_44, %add3A_48 : vector<1280x128xf32>
    %get3A_50 = arith.constant 0 : index
    %get3A_51 = arith.constant 0 : index
    %get3A_52 = vector.load %arg7[%get3A_50, %get3A_51] : memref<128x128xf32, #tpu.memory_space<vmem>>, vector<128x128xf32>
    %dot_general3A_53 = arith.constant dense<0.000000e+00> : vector<1280x128xf32>
    %dot_general3A_54 = tpu.matmul %get3A_14, %get3A_52, %dot_general3A_53 {dimension_numbers = #tpu.dot_dimension_numbers<[1], [0], [0], [1], [0, 0, 1, 1], [], []>, transpose_lhs_hint = false} : vector<1280x128xf32>, vector<128x128xf32>, vector<1280x128xf32> -> vector<1280x128xf32>
    %add3A_55 = arith.addf %add3A_49, %dot_general3A_54 : vector<1280x128xf32>
    %get3A_56 = arith.constant 0 : index
    %get3A_57 = arith.constant 0 : index
    %get3A_58 = vector.load %arg13[%get3A_56, %get3A_57] : memref<1x128xf32, #tpu.memory_space<vmem>>, vector<1x128xf32>
    %add3A_59 = vector.broadcast %get3A_58 : vector<1x128xf32> to vector<1280x128xf32>
    %add3A_60 = arith.addf %add3A_55, %add3A_59 : vector<1280x128xf32>
    %logistic3A_61 = arith.negf %add3A_60 : vector<1280x128xf32>
    %logistic3A_62 = math.exp %logistic3A_61 : vector<1280x128xf32>
    %logistic3A_63 = arith.constant 1.000000e+00 : f32
    %logistic3A_64 = vector.broadcast %logistic3A_63 : f32 to vector<1280x128xf32>
    %logistic3A_65 = arith.addf %logistic3A_64, %logistic3A_62 : vector<1280x128xf32>
    %logistic3A_66 = arith.divf %logistic3A_64, %logistic3A_65 : vector<1280x128xf32>
    %get3A_67 = arith.constant 0 : index
    %get3A_68 = arith.constant 0 : index
    %get3A_69 = vector.load %arg5[%get3A_67, %get3A_68] : memref<128x128xf32, #tpu.memory_space<vmem>>, vector<128x128xf32>
    %dot_general3A_70 = arith.constant dense<0.000000e+00> : vector<1280x128xf32>
    %dot_general3A_71 = tpu.matmul %max3A_11, %get3A_69, %dot_general3A_70 {dimension_numbers = #tpu.dot_dimension_numbers<[1], [0], [0], [1], [0, 0, 1, 1], [], []>, transpose_lhs_hint = false} : vector<1280x128xf32>, vector<128x128xf32>, vector<1280x128xf32> -> vector<1280x128xf32>
    %get3A_72 = arith.constant 0 : index
    %get3A_73 = arith.constant 0 : index
    %get3A_74 = vector.load %arg11[%get3A_72, %get3A_73] : memref<1x128xf32, #tpu.memory_space<vmem>>, vector<1x128xf32>
    %add3A_75 = vector.broadcast %get3A_74 : vector<1x128xf32> to vector<1280x128xf32>
    %add3A_76 = arith.addf %dot_general3A_71, %add3A_75 : vector<1280x128xf32>
    %get3A_77 = arith.constant 0 : index
    %get3A_78 = arith.constant 0 : index
    %get3A_79 = vector.load %arg8[%get3A_77, %get3A_78] : memref<128x128xf32, #tpu.memory_space<vmem>>, vector<128x128xf32>
    %dot_general3A_80 = arith.constant dense<0.000000e+00> : vector<1280x128xf32>
    %dot_general3A_81 = tpu.matmul %get3A_14, %get3A_79, %dot_general3A_80 {dimension_numbers = #tpu.dot_dimension_numbers<[1], [0], [0], [1], [0, 0, 1, 1], [], []>, transpose_lhs_hint = false} : vector<1280x128xf32>, vector<128x128xf32>, vector<1280x128xf32> -> vector<1280x128xf32>
    %get3A_82 = arith.constant 0 : index
    %get3A_83 = arith.constant 0 : index
    %get3A_84 = vector.load %arg14[%get3A_82, %get3A_83] : memref<1x128xf32, #tpu.memory_space<vmem>>, vector<1x128xf32>
    %add3A_85 = vector.broadcast %get3A_84 : vector<1x128xf32> to vector<1280x128xf32>
    %add3A_86 = arith.addf %dot_general3A_81, %add3A_85 : vector<1280x128xf32>
    %mul3A = arith.mulf %logistic3A_39, %add3A_86 : vector<1280x128xf32>
    %add3A_87 = arith.addf %add3A_76, %mul3A : vector<1280x128xf32>
    %tanh3A = math.tanh %add3A_87 : vector<1280x128xf32>
    %sub3A = arith.constant 1.000000e+00 : f32
    %sub3A_88 = vector.broadcast %sub3A : f32 to vector<1280x128xf32>
    %sub3A_89 = arith.subf %sub3A_88, %logistic3A_66 : vector<1280x128xf32>
    %mul3A_90 = arith.mulf %sub3A_89, %tanh3A : vector<1280x128xf32>
    %mul3A_91 = arith.mulf %logistic3A_66, %get3A_14 : vector<1280x128xf32>
    %add3A_92 = arith.addf %mul3A_90, %mul3A_91 : vector<1280x128xf32>
    %swap3A = arith.constant 0 : index
    %swap3A_93 = arith.constant 0 : index
    %swap3A_94 = vector.load %arg15[%swap3A, %swap3A_93] : memref<1280x128xf32, #tpu.memory_space<vmem>>, vector<1280x128xf32>
    tpu.vector_store %arg15[%swap3A, %swap3A_93], %add3A_92 {strides = array<i32>} : memref<1280x128xf32, #tpu.memory_space<vmem>>, vector<1280x128xf32>,
    return
  }
}

module attributes {stable_mosaic.version = 14 : i64} {
  func.func @_s2s_kernel(%arg0: memref<1280x128xf32, #tpu.memory_space<vmem>>, %arg1: memref<128x8xf32, #tpu.memory_space<vmem>>, %arg2: memref<8x128xf32, #tpu.memory_space<vmem>>, %arg3: memref<128x16xf32, #tpu.memory_space<vmem>>, %arg4: memref<32x64xf32, #tpu.memory_space<vmem>>, %arg5: memref<16x64xf32, #tpu.memory_space<vmem>>, %arg6: memref<1x64xf32, #tpu.memory_space<vmem>>, %arg7: memref<1x64xf32, #tpu.memory_space<vmem>>, %arg8: memref<16x64xf32, #tpu.memory_space<vmem>>, %arg9: memref<16x64xf32, #tpu.memory_space<vmem>>, %arg10: memref<1x64xf32, #tpu.memory_space<vmem>>, %arg11: memref<1x64xf32, #tpu.memory_space<vmem>>, %arg12: memref<16x64xf32, #tpu.memory_space<vmem>>, %arg13: memref<16x64xf32, #tpu.memory_space<vmem>>, %arg14: memref<1x64xf32, #tpu.memory_space<vmem>>, %arg15: memref<1x64xf32, #tpu.memory_space<vmem>>, %arg16: memref<32x16xf32, #tpu.memory_space<vmem>>, %arg17: memref<1x16xf32, #tpu.memory_space<vmem>>, %arg18: memref<16x1xf32, #tpu.memory_space<vmem>>, %arg19: memref<1x1xf32, #tpu.memory_space<vmem>>, %arg20: memref<1x1xf32, #tpu.memory_space<vmem>>) attributes {dimension_semantics = [], scalar_prefetch = 0 : i64, scratch_operands = 0 : i64, tpu.core_type = #tpu.core_type<tc>} {
    %get3A = arith.constant 0 : index
    %get3A_0 = arith.constant 0 : index
    %get3A_1 = vector.load %arg0[%get3A, %get3A_0] : memref<1280x128xf32, #tpu.memory_space<vmem>>, vector<1280x128xf32>
    %get3A_2 = arith.constant 0 : index
    %get3A_3 = arith.constant 0 : index
    %get3A_4 = vector.load %arg1[%get3A_2, %get3A_3] : memref<128x8xf32, #tpu.memory_space<vmem>>, vector<128x8xf32>
    %get3A_5 = arith.constant 0 : index
    %get3A_6 = arith.constant 0 : index
    %get3A_7 = vector.load %arg2[%get3A_5, %get3A_6] : memref<8x128xf32, #tpu.memory_space<vmem>>, vector<8x128xf32>
    %get3A_8 = arith.constant 0 : index
    %get3A_9 = arith.constant 0 : index
    %get3A_10 = vector.load %arg3[%get3A_8, %get3A_9] : memref<128x16xf32, #tpu.memory_space<vmem>>, vector<128x16xf32>
    %iota3A = tpu.iota {dimensions = array<i32: 0>} : vector<1280x8xi32>
    %mul3A = arith.constant 8 : i32
    %mul3A_11 = vector.broadcast %mul3A : i32 to vector<1280x8xi32>
    %mul3A_12 = arith.muli %iota3A, %mul3A_11 : vector<1280x8xi32>
    %iota3A_13 = tpu.iota {dimensions = array<i32: 1>} : vector<1280x8xi32>
    %add3A = arith.addi %mul3A_12, %iota3A_13 : vector<1280x8xi32>
    %lt3A = arith.constant 10000 : i32
    %lt3A_14 = vector.broadcast %lt3A : i32 to vector<1280x8xi32>
    %lt3A_15 = arith.cmpi slt, %add3A, %lt3A_14 : vector<1280x8xi32>
    %get3A_16 = arith.constant 0 : index
    %get3A_17 = arith.constant 0 : index
    %get3A_18 = vector.load %arg4[%get3A_16, %get3A_17] : memref<32x64xf32, #tpu.memory_space<vmem>>, vector<32x64xf32>
    %get3A_19 = arith.constant 0 : index
    %get3A_20 = arith.constant 0 : index
    %get3A_21 = vector.load %arg8[%get3A_19, %get3A_20] : memref<16x64xf32, #tpu.memory_space<vmem>>, vector<16x64xf32>
    %get3A_22 = arith.constant 0 : index
    %get3A_23 = arith.constant 0 : index
    %get3A_24 = vector.load %arg12[%get3A_22, %get3A_23] : memref<16x64xf32, #tpu.memory_space<vmem>>, vector<16x64xf32>
    %get3A_25 = arith.constant 0 : index
    %get3A_26 = arith.constant 0 : index
    %get3A_27 = vector.load %arg5[%get3A_25, %get3A_26] : memref<16x64xf32, #tpu.memory_space<vmem>>, vector<16x64xf32>
    %get3A_28 = arith.constant 0 : index
    %get3A_29 = arith.constant 0 : index
    %get3A_30 = vector.load %arg9[%get3A_28, %get3A_29] : memref<16x64xf32, #tpu.memory_space<vmem>>, vector<16x64xf32>
    %get3A_31 = arith.constant 0 : index
    %get3A_32 = arith.constant 0 : index
    %get3A_33 = vector.load %arg13[%get3A_31, %get3A_32] : memref<16x64xf32, #tpu.memory_space<vmem>>, vector<16x64xf32>
    %get3A_34 = arith.constant 0 : index
    %get3A_35 = arith.constant 0 : index
    %get3A_36 = vector.load %arg6[%get3A_34, %get3A_35] : memref<1x64xf32, #tpu.memory_space<vmem>>, vector<1x64xf32>
    %get3A_37 = arith.constant 0 : index
    %get3A_38 = arith.constant 0 : index
    %get3A_39 = vector.load %arg10[%get3A_37, %get3A_38] : memref<1x64xf32, #tpu.memory_space<vmem>>, vector<1x64xf32>
    %get3A_40 = arith.constant 0 : index
    %get3A_41 = arith.constant 0 : index
    %get3A_42 = vector.load %arg14[%get3A_40, %get3A_41] : memref<1x64xf32, #tpu.memory_space<vmem>>, vector<1x64xf32>
    %get3A_43 = arith.constant 0 : index
    %get3A_44 = arith.constant 0 : index
    %get3A_45 = vector.load %arg7[%get3A_43, %get3A_44] : memref<1x64xf32, #tpu.memory_space<vmem>>, vector<1x64xf32>
    %get3A_46 = arith.constant 0 : index
    %get3A_47 = arith.constant 0 : index
    %get3A_48 = vector.load %arg11[%get3A_46, %get3A_47] : memref<1x64xf32, #tpu.memory_space<vmem>>, vector<1x64xf32>
    %get3A_49 = arith.constant 0 : index
    %get3A_50 = arith.constant 0 : index
    %get3A_51 = vector.load %arg15[%get3A_49, %get3A_50] : memref<1x64xf32, #tpu.memory_space<vmem>>, vector<1x64xf32>
    %broadcast_in_dim3A = arith.constant 0.000000e+00 : f32
    %broadcast_in_dim3A_52 = vector.broadcast %broadcast_in_dim3A : f32 to vector<1x32xf32>
    %broadcast_in_dim3A_53 = arith.constant 0.000000e+00 : f32
    %broadcast_in_dim3A_54 = vector.broadcast %broadcast_in_dim3A_53 : f32 to vector<1x16xf32>
    %broadcast_in_dim3A_55 = arith.constant 0.000000e+00 : f32
    %broadcast_in_dim3A_56 = vector.broadcast %broadcast_in_dim3A_55 : f32 to vector<1x16xf32>
    %broadcast_in_dim3A_57 = arith.constant 0.000000e+00 : f32
    %broadcast_in_dim3A_58 = vector.broadcast %broadcast_in_dim3A_57 : f32 to vector<1x16xf32>
    %broadcast_in_dim3A_59 = arith.constant 0.000000e+00 : f32
    %broadcast_in_dim3A_60 = vector.broadcast %broadcast_in_dim3A_59 : f32 to vector<1x16xf32>
    %broadcast_in_dim3A_61 = arith.constant 0.000000e+00 : f32
    %broadcast_in_dim3A_62 = vector.broadcast %broadcast_in_dim3A_61 : f32 to vector<1x16xf32>
    %broadcast_in_dim3A_63 = arith.constant 0.000000e+00 : f32
    %broadcast_in_dim3A_64 = vector.broadcast %broadcast_in_dim3A_63 : f32 to vector<1x16xf32>
    %dot_general3A = arith.constant dense<0.000000e+00> : vector<1x64xf32>
    %dot_general3A_65 = tpu.matmul %broadcast_in_dim3A_52, %get3A_18, %dot_general3A {dimension_numbers = #tpu.dot_dimension_numbers<[1], [0], [0], [1], [0, 0, 1, 1], [], []>, transpose_lhs_hint = false} : vector<1x32xf32>, vector<32x64xf32>, vector<1x64xf32> -> vector<1x64xf32>
    %add3A_66 = arith.addf %dot_general3A_65, %get3A_36 : vector<1x64xf32>
    %dot_general3A_67 = arith.constant dense<0.000000e+00> : vector<1x64xf32>
    %dot_general3A_68 = tpu.matmul %broadcast_in_dim3A_54, %get3A_27, %dot_general3A_67 {dimension_numbers = #tpu.dot_dimension_numbers<[1], [0], [0], [1], [0, 0, 1, 1], [], []>, transpose_lhs_hint = false} : vector<1x16xf32>, vector<16x64xf32>, vector<1x64xf32> -> vector<1x64xf32>
    %add3A_69 = arith.addf %add3A_66, %dot_general3A_68 : vector<1x64xf32>
    %add3A_70 = arith.addf %add3A_69, %get3A_45 : vector<1x64xf32>
    %slice3A = vector.extract_strided_slice %add3A_70 {offsets = [0, 0], sizes = [1, 16], strides = [1, 1]} : vector<1x64xf32> to vector<1x16xf32>
    %logistic3A = arith.negf %slice3A : vector<1x16xf32>
    %logistic3A_71 = math.exp %logistic3A : vector<1x16xf32>
    %logistic3A_72 = arith.constant 1.000000e+00 : f32
    %logistic3A_73 = vector.broadcast %logistic3A_72 : f32 to vector<1x16xf32>
    %logistic3A_74 = arith.addf %logistic3A_73, %logistic3A_71 : vector<1x16xf32>
    %logistic3A_75 = arith.divf %logistic3A_73, %logistic3A_74 : vector<1x16xf32>
    %slice3A_76 = vector.extract_strided_slice %add3A_70 {offsets = [0, 16], sizes = [1, 16], strides = [1, 1]} : vector<1x64xf32> to vector<1x16xf32>
    %logistic3A_77 = arith.negf %slice3A_76 : vector<1x16xf32>
    %logistic3A_78 = math.exp %logistic3A_77 : vector<1x16xf32>
    %logistic3A_79 = arith.constant 1.000000e+00 : f32
    %logistic3A_80 = vector.broadcast %logistic3A_79 : f32 to vector<1x16xf32>
    %logistic3A_81 = arith.addf %logistic3A_80, %logistic3A_78 : vector<1x16xf32>
    %logistic3A_82 = arith.divf %logistic3A_80, %logistic3A_81 : vector<1x16xf32>
    %slice3A_83 = vector.extract_strided_slice %add3A_70 {offsets = [0, 32], sizes = [1, 16], strides = [1, 1]} : vector<1x64xf32> to vector<1x16xf32>
    %tanh3A = math.tanh %slice3A_83 : vector<1x16xf32>
    %slice3A_84 = vector.extract_strided_slice %add3A_70 {offsets = [0, 48], sizes = [1, 16], strides = [1, 1]} : vector<1x64xf32> to vector<1x16xf32>
    %logistic3A_85 = arith.negf %slice3A_84 : vector<1x16xf32>
    %logistic3A_86 = math.exp %logistic3A_85 : vector<1x16xf32>
    %logistic3A_87 = arith.constant 1.000000e+00 : f32
    %logistic3A_88 = vector.broadcast %logistic3A_87 : f32 to vector<1x16xf32>
    %logistic3A_89 = arith.addf %logistic3A_88, %logistic3A_86 : vector<1x16xf32>
    %logistic3A_90 = arith.divf %logistic3A_88, %logistic3A_89 : vector<1x16xf32>
    %mul3A_91 = arith.mulf %logistic3A_82, %broadcast_in_dim3A_60 : vector<1x16xf32>
    %mul3A_92 = arith.mulf %logistic3A_75, %tanh3A : vector<1x16xf32>
    %add3A_93 = arith.addf %mul3A_91, %mul3A_92 : vector<1x16xf32>
    %tanh3A_94 = math.tanh %add3A_93 : vector<1x16xf32>
    %mul3A_95 = arith.mulf %logistic3A_90, %tanh3A_94 : vector<1x16xf32>
    %dot_general3A_96 = arith.constant dense<0.000000e+00> : vector<1x64xf32>
    %dot_general3A_97 = tpu.matmul %mul3A_95, %get3A_21, %dot_general3A_96 {dimension_numbers = #tpu.dot_dimension_numbers<[1], [0], [0], [1], [0, 0, 1, 1], [], []>, transpose_lhs_hint = false} : vector<1x16xf32>, vector<16x64xf32>, vector<1x64xf32> -> vector<1x64xf32>
    %add3A_98 = arith.addf %dot_general3A_97, %get3A_39 : vector<1x64xf32>
    %dot_general3A_99 = arith.constant dense<0.000000e+00> : vector<1x64xf32>
    %dot_general3A_100 = tpu.matmul %broadcast_in_dim3A_56, %get3A_30, %dot_general3A_99 {dimension_numbers = #tpu.dot_dimension_numbers<[1], [0], [0], [1], [0, 0, 1, 1], [], []>, transpose_lhs_hint = false} : vector<1x16xf32>, vector<16x64xf32>, vector<1x64xf32> -> vector<1x64xf32>
    %add3A_101 = arith.addf %add3A_98, %dot_general3A_100 : vector<1x64xf32>
    %add3A_102 = arith.addf %add3A_101, %get3A_48 : vector<1x64xf32>
    %slice3A_103 = vector.extract_strided_slice %add3A_102 {offsets = [0, 0], sizes = [1, 16], strides = [1, 1]} : vector<1x64xf32> to vector<1x16xf32>
    %logistic3A_104 = arith.negf %slice3A_103 : vector<1x16xf32>
    %logistic3A_105 = math.exp %logistic3A_104 : vector<1x16xf32>
    %logistic3A_106 = arith.constant 1.000000e+00 : f32
    %logistic3A_107 = vector.broadcast %logistic3A_106 : f32 to vector<1x16xf32>
    %logistic3A_108 = arith.addf %logistic3A_107, %logistic3A_105 : vector<1x16xf32>
    %logistic3A_109 = arith.divf %logistic3A_107, %logistic3A_108 : vector<1x16xf32>
    %slice3A_110 = vector.extract_strided_slice %add3A_102 {offsets = [0, 16], sizes = [1, 16], strides = [1, 1]} : vector<1x64xf32> to vector<1x16xf32>
    %logistic3A_111 = arith.negf %slice3A_110 : vector<1x16xf32>
    %logistic3A_112 = math.exp %logistic3A_111 : vector<1x16xf32>
    %logistic3A_113 = arith.constant 1.000000e+00 : f32
    %logistic3A_114 = vector.broadcast %logistic3A_113 : f32 to vector<1x16xf32>
    %logistic3A_115 = arith.addf %logistic3A_114, %logistic3A_112 : vector<1x16xf32>
    %logistic3A_116 = arith.divf %logistic3A_114, %logistic3A_115 : vector<1x16xf32>
    %slice3A_117 = vector.extract_strided_slice %add3A_102 {offsets = [0, 32], sizes = [1, 16], strides = [1, 1]} : vector<1x64xf32> to vector<1x16xf32>
    %tanh3A_118 = math.tanh %slice3A_117 : vector<1x16xf32>
    %slice3A_119 = vector.extract_strided_slice %add3A_102 {offsets = [0, 48], sizes = [1, 16], strides = [1, 1]} : vector<1x64xf32> to vector<1x16xf32>
    %logistic3A_120 = arith.negf %slice3A_119 : vector<1x16xf32>
    %logistic3A_121 = math.exp %logistic3A_120 : vector<1x16xf32>
    %logistic3A_122 = arith.constant 1.000000e+00 : f32
    %logistic3A_123 = vector.broadcast %logistic3A_122 : f32 to vector<1x16xf32>
    %logistic3A_124 = arith.addf %logistic3A_123, %logistic3A_121 : vector<1x16xf32>
    %logistic3A_125 = arith.divf %logistic3A_123, %logistic3A_124 : vector<1x16xf32>
    %mul3A_126 = arith.mulf %logistic3A_116, %broadcast_in_dim3A_62 : vector<1x16xf32>
    %mul3A_127 = arith.mulf %logistic3A_109, %tanh3A_118 : vector<1x16xf32>
    %add3A_128 = arith.addf %mul3A_126, %mul3A_127 : vector<1x16xf32>
    %tanh3A_129 = math.tanh %add3A_128 : vector<1x16xf32>
    %mul3A_130 = arith.mulf %logistic3A_125, %tanh3A_129 : vector<1x16xf32>
    %dot_general3A_131 = arith.constant dense<0.000000e+00> : vector<1x64xf32>
    %dot_general3A_132 = tpu.matmul %mul3A_130, %get3A_24, %dot_general3A_131 {dimension_numbers = #tpu.dot_dimension_numbers<[1], [0], [0], [1], [0, 0, 1, 1], [], []>, transpose_lhs_hint = false} : vector<1x16xf32>, vector<16x64xf32>, vector<1x64xf32> -> vector<1x64xf32>
    %add3A_133 = arith.addf %dot_general3A_132, %get3A_42 : vector<1x64xf32>
    %dot_general3A_134 = arith.constant dense<0.000000e+00> : vector<1x64xf32>
    %dot_general3A_135 = tpu.matmul %broadcast_in_dim3A_58, %get3A_33, %dot_general3A_134 {dimension_numbers = #tpu.dot_dimension_numbers<[1], [0], [0], [1], [0, 0, 1, 1], [], []>, transpose_lhs_hint = false} : vector<1x16xf32>, vector<16x64xf32>, vector<1x64xf32> -> vector<1x64xf32>
    %add3A_136 = arith.addf %add3A_133, %dot_general3A_135 : vector<1x64xf32>
    %add3A_137 = arith.addf %add3A_136, %get3A_51 : vector<1x64xf32>
    %slice3A_138 = vector.extract_strided_slice %add3A_137 {offsets = [0, 0], sizes = [1, 16], strides = [1, 1]} : vector<1x64xf32> to vector<1x16xf32>
    %logistic3A_139 = arith.negf %slice3A_138 : vector<1x16xf32>
    %logistic3A_140 = math.exp %logistic3A_139 : vector<1x16xf32>
    %logistic3A_141 = arith.constant 1.000000e+00 : f32
    %logistic3A_142 = vector.broadcast %logistic3A_141 : f32 to vector<1x16xf32>
    %logistic3A_143 = arith.addf %logistic3A_142, %logistic3A_140 : vector<1x16xf32>
    %logistic3A_144 = arith.divf %logistic3A_142, %logistic3A_143 : vector<1x16xf32>
    %slice3A_145 = vector.extract_strided_slice %add3A_137 {offsets = [0, 16], sizes = [1, 16], strides = [1, 1]} : vector<1x64xf32> to vector<1x16xf32>
    %logistic3A_146 = arith.negf %slice3A_145 : vector<1x16xf32>
    %logistic3A_147 = math.exp %logistic3A_146 : vector<1x16xf32>
    %logistic3A_148 = arith.constant 1.000000e+00 : f32
    %logistic3A_149 = vector.broadcast %logistic3A_148 : f32 to vector<1x16xf32>
    %logistic3A_150 = arith.addf %logistic3A_149, %logistic3A_147 : vector<1x16xf32>
    %logistic3A_151 = arith.divf %logistic3A_149, %logistic3A_150 : vector<1x16xf32>
    %slice3A_152 = vector.extract_strided_slice %add3A_137 {offsets = [0, 32], sizes = [1, 16], strides = [1, 1]} : vector<1x64xf32> to vector<1x16xf32>
    %tanh3A_153 = math.tanh %slice3A_152 : vector<1x16xf32>
    %slice3A_154 = vector.extract_strided_slice %add3A_137 {offsets = [0, 48], sizes = [1, 16], strides = [1, 1]} : vector<1x64xf32> to vector<1x16xf32>
    %logistic3A_155 = arith.negf %slice3A_154 : vector<1x16xf32>
    %logistic3A_156 = math.exp %logistic3A_155 : vector<1x16xf32>
    %logistic3A_157 = arith.constant 1.000000e+00 : f32
    %logistic3A_158 = vector.broadcast %logistic3A_157 : f32 to vector<1x16xf32>
    %logistic3A_159 = arith.addf %logistic3A_158, %logistic3A_156 : vector<1x16xf32>
    %logistic3A_160 = arith.divf %logistic3A_158, %logistic3A_159 : vector<1x16xf32>
    %mul3A_161 = arith.mulf %logistic3A_151, %broadcast_in_dim3A_64 : vector<1x16xf32>
    %mul3A_162 = arith.mulf %logistic3A_144, %tanh3A_153 : vector<1x16xf32>
    %add3A_163 = arith.addf %mul3A_161, %mul3A_162 : vector<1x16xf32>
    %tanh3A_164 = math.tanh %add3A_163 : vector<1x16xf32>
    %mul3A_165 = arith.mulf %logistic3A_160, %tanh3A_164 : vector<1x16xf32>
    %concatenate3A = tpu.concatenate %mul3A_165, %mul3A_165, %mul3A_165, %mul3A_165, %mul3A_165, %mul3A_165, %mul3A_165, %mul3A_165 in 1 : vector<1x16xf32>, vector<1x16xf32>, vector<1x16xf32>, vector<1x16xf32>, vector<1x16xf32>, vector<1x16xf32>, vector<1x16xf32>, vector<1x16xf32> -> vector<1x128xf32>
    %mul3A_166 = vector.broadcast %concatenate3A : vector<1x128xf32> to vector<1280x128xf32>
    %mul3A_167 = arith.mulf %get3A_1, %mul3A_166 : vector<1280x128xf32>
    %dot_general3A_168 = arith.constant dense<0.000000e+00> : vector<1280x8xf32>
    %dot_general3A_169 = tpu.matmul %mul3A_167, %get3A_4, %dot_general3A_168 {dimension_numbers = #tpu.dot_dimension_numbers<[1], [0], [0], [1], [0, 0, 1, 1], [], []>, transpose_lhs_hint = false} : vector<1280x128xf32>, vector<128x8xf32>, vector<1280x8xf32> -> vector<1280x8xf32>
    %jit3A = arith.constant -1.000000e+30 : f32
    %broadcast_in_dim3A_170 = vector.broadcast %jit3A : f32 to vector<1280x8xf32>
    %select_n3A = arith.select %lt3A_15, %dot_general3A_169, %broadcast_in_dim3A_170 : vector<1280x8xi1>, vector<1280x8xf32>
    %reduce_max3A = vector.shape_cast %select_n3A : vector<1280x8xf32> to vector<1x1280x8xf32>
    %reduce_max3A_171 = arith.constant dense<0xFF800000> : vector<1xf32>
    %reduce_max3A_172 = vector.multi_reduction <maximumf>, %reduce_max3A, %reduce_max3A_171 [1, 2] : vector<1x1280x8xf32> to vector<1xf32>
    %reduce_max3A_173 = vector.shape_cast %reduce_max3A_172 : vector<1xf32> to vector<1x1x1xf32>
    %reduce_max3A_174 = vector.extract %reduce_max3A_173[0, 0, 0] : f32 from vector<1x1x1xf32>
    %sub3A = vector.broadcast %reduce_max3A_174 : f32 to vector<1280x8xf32>
    %sub3A_175 = arith.subf %select_n3A, %sub3A : vector<1280x8xf32>
    %exp3A = math.exp %sub3A_175 : vector<1280x8xf32>
    %reduce_sum3A = vector.shape_cast %exp3A : vector<1280x8xf32> to vector<1x1280x8xf32>
    %reduce_sum3A_176 = arith.constant dense<0.000000e+00> : vector<1xf32>
    %reduce_sum3A_177 = vector.multi_reduction <add>, %reduce_sum3A, %reduce_sum3A_176 [1, 2] : vector<1x1280x8xf32> to vector<1xf32>
    %reduce_sum3A_178 = vector.shape_cast %reduce_sum3A_177 : vector<1xf32> to vector<1x1x1xf32>
    %reduce_sum3A_179 = vector.extract %reduce_sum3A_178[0, 0, 0] : f32 from vector<1x1x1xf32>
    %dot_general3A_180 = arith.constant dense<0.000000e+00> : vector<1280x128xf32>
    %dot_general3A_181 = tpu.matmul %exp3A, %get3A_7, %dot_general3A_180 {dimension_numbers = #tpu.dot_dimension_numbers<[1], [0], [0], [1], [0, 0, 1, 1], [], []>, transpose_lhs_hint = false} : vector<1280x8xf32>, vector<8x128xf32>, vector<1280x128xf32> -> vector<1280x128xf32>
    %mul3A_182 = arith.mulf %dot_general3A_181, %get3A_1 : vector<1280x128xf32>
    %reduce_sum3A_183 = arith.constant dense<0.000000e+00> : vector<128xf32>
    %reduce_sum3A_184 = vector.multi_reduction <add>, %mul3A_182, %reduce_sum3A_183 [0] : vector<1280x128xf32> to vector<128xf32>
    %broadcast_in_dim3A_185 = vector.shape_cast %reduce_sum3A_184 : vector<128xf32> to vector<1x128xf32>
    %div3A = vector.broadcast %reduce_sum3A_179 : f32 to vector<1x128xf32>
    %div3A_186 = arith.divf %broadcast_in_dim3A_185, %div3A : vector<1x128xf32>
    %dot_general3A_187 = arith.constant dense<0.000000e+00> : vector<1x16xf32>
    %dot_general3A_188 = tpu.matmul %div3A_186, %get3A_10, %dot_general3A_187 {dimension_numbers = #tpu.dot_dimension_numbers<[1], [0], [0], [1], [0, 0, 1, 1], [], []>, transpose_lhs_hint = false} : vector<1x128xf32>, vector<128x16xf32>, vector<1x16xf32> -> vector<1x16xf32>
    %concatenate3A_189 = tpu.concatenate %mul3A_165, %dot_general3A_188 in 1 : vector<1x16xf32>, vector<1x16xf32> -> vector<1x32xf32>
    %dot_general3A_190 = arith.constant dense<0.000000e+00> : vector<1x64xf32>
    %dot_general3A_191 = tpu.matmul %concatenate3A_189, %get3A_18, %dot_general3A_190 {dimension_numbers = #tpu.dot_dimension_numbers<[1], [0], [0], [1], [0, 0, 1, 1], [], []>, transpose_lhs_hint = false} : vector<1x32xf32>, vector<32x64xf32>, vector<1x64xf32> -> vector<1x64xf32>
    %add3A_192 = arith.addf %dot_general3A_191, %get3A_36 : vector<1x64xf32>
    %dot_general3A_193 = arith.constant dense<0.000000e+00> : vector<1x64xf32>
    %dot_general3A_194 = tpu.matmul %mul3A_95, %get3A_27, %dot_general3A_193 {dimension_numbers = #tpu.dot_dimension_numbers<[1], [0], [0], [1], [0, 0, 1, 1], [], []>, transpose_lhs_hint = false} : vector<1x16xf32>, vector<16x64xf32>, vector<1x64xf32> -> vector<1x64xf32>
    %add3A_195 = arith.addf %add3A_192, %dot_general3A_194 : vector<1x64xf32>
    %add3A_196 = arith.addf %add3A_195, %get3A_45 : vector<1x64xf32>
    %slice3A_197 = vector.extract_strided_slice %add3A_196 {offsets = [0, 0], sizes = [1, 16], strides = [1, 1]} : vector<1x64xf32> to vector<1x16xf32>
    %logistic3A_198 = arith.negf %slice3A_197 : vector<1x16xf32>
    %logistic3A_199 = math.exp %logistic3A_198 : vector<1x16xf32>
    %logistic3A_200 = arith.constant 1.000000e+00 : f32
    %logistic3A_201 = vector.broadcast %logistic3A_200 : f32 to vector<1x16xf32>
    %logistic3A_202 = arith.addf %logistic3A_201, %logistic3A_199 : vector<1x16xf32>
    %logistic3A_203 = arith.divf %logistic3A_201, %logistic3A_202 : vector<1x16xf32>
    %slice3A_204 = vector.extract_strided_slice %add3A_196 {offsets = [0, 16], sizes = [1, 16], strides = [1, 1]} : vector<1x64xf32> to vector<1x16xf32>
    %logistic3A_205 = arith.negf %slice3A_204 : vector<1x16xf32>
    %logistic3A_206 = math.exp %logistic3A_205 : vector<1x16xf32>
    %logistic3A_207 = arith.constant 1.000000e+00 : f32
    %logistic3A_208 = vector.broadcast %logistic3A_207 : f32 to vector<1x16xf32>
    %logistic3A_209 = arith.addf %logistic3A_208, %logistic3A_206 : vector<1x16xf32>
    %logistic3A_210 = arith.divf %logistic3A_208, %logistic3A_209 : vector<1x16xf32>
    %slice3A_211 = vector.extract_strided_slice %add3A_196 {offsets = [0, 32], sizes = [1, 16], strides = [1, 1]} : vector<1x64xf32> to vector<1x16xf32>
    %tanh3A_212 = math.tanh %slice3A_211 : vector<1x16xf32>
    %slice3A_213 = vector.extract_strided_slice %add3A_196 {offsets = [0, 48], sizes = [1, 16], strides = [1, 1]} : vector<1x64xf32> to vector<1x16xf32>
    %logistic3A_214 = arith.negf %slice3A_213 : vector<1x16xf32>
    %logistic3A_215 = math.exp %logistic3A_214 : vector<1x16xf32>
    %logistic3A_216 = arith.constant 1.000000e+00 : f32
    %logistic3A_217 = vector.broadcast %logistic3A_216 : f32 to vector<1x16xf32>
    %logistic3A_218 = arith.addf %logistic3A_217, %logistic3A_215 : vector<1x16xf32>
    %logistic3A_219 = arith.divf %logistic3A_217, %logistic3A_218 : vector<1x16xf32>
    %mul3A_220 = arith.mulf %logistic3A_210, %add3A_93 : vector<1x16xf32>
    %mul3A_221 = arith.mulf %logistic3A_203, %tanh3A_212 : vector<1x16xf32>
    %add3A_222 = arith.addf %mul3A_220, %mul3A_221 : vector<1x16xf32>
    %tanh3A_223 = math.tanh %add3A_222 : vector<1x16xf32>
    %mul3A_224 = arith.mulf %logistic3A_219, %tanh3A_223 : vector<1x16xf32>
    %dot_general3A_225 = arith.constant dense<0.000000e+00> : vector<1x64xf32>
    %dot_general3A_226 = tpu.matmul %mul3A_224, %get3A_21, %dot_general3A_225 {dimension_numbers = #tpu.dot_dimension_numbers<[1], [0], [0], [1], [0, 0, 1, 1], [], []>, transpose_lhs_hint = false} : vector<1x16xf32>, vector<16x64xf32>, vector<1x64xf32> -> vector<1x64xf32>
    %add3A_227 = arith.addf %dot_general3A_226, %get3A_39 : vector<1x64xf32>
    %dot_general3A_228 = arith.constant dense<0.000000e+00> : vector<1x64xf32>
    %dot_general3A_229 = tpu.matmul %mul3A_130, %get3A_30, %dot_general3A_228 {dimension_numbers = #tpu.dot_dimension_numbers<[1], [0], [0], [1], [0, 0, 1, 1], [], []>, transpose_lhs_hint = false} : vector<1x16xf32>, vector<16x64xf32>, vector<1x64xf32> -> vector<1x64xf32>
    %add3A_230 = arith.addf %add3A_227, %dot_general3A_229 : vector<1x64xf32>
    %add3A_231 = arith.addf %add3A_230, %get3A_48 : vector<1x64xf32>
    %slice3A_232 = vector.extract_strided_slice %add3A_231 {offsets = [0, 0], sizes = [1, 16], strides = [1, 1]} : vector<1x64xf32> to vector<1x16xf32>
    %logistic3A_233 = arith.negf %slice3A_232 : vector<1x16xf32>
    %logistic3A_234 = math.exp %logistic3A_233 : vector<1x16xf32>
    %logistic3A_235 = arith.constant 1.000000e+00 : f32
    %logistic3A_236 = vector.broadcast %logistic3A_235 : f32 to vector<1x16xf32>
    %logistic3A_237 = arith.addf %logistic3A_236, %logistic3A_234 : vector<1x16xf32>
    %logistic3A_238 = arith.divf %logistic3A_236, %logistic3A_237 : vector<1x16xf32>
    %slice3A_239 = vector.extract_strided_slice %add3A_231 {offsets = [0, 16], sizes = [1, 16], strides = [1, 1]} : vector<1x64xf32> to vector<1x16xf32>
    %logistic3A_240 = arith.negf %slice3A_239 : vector<1x16xf32>
    %logistic3A_241 = math.exp %logistic3A_240 : vector<1x16xf32>
    %logistic3A_242 = arith.constant 1.000000e+00 : f32
    %logistic3A_243 = vector.broadcast %logistic3A_242 : f32 to vector<1x16xf32>
    %logistic3A_244 = arith.addf %logistic3A_243, %logistic3A_241 : vector<1x16xf32>
    %logistic3A_245 = arith.divf %logistic3A_243, %logistic3A_244 : vector<1x16xf32>
    %slice3A_246 = vector.extract_strided_slice %add3A_231 {offsets = [0, 32], sizes = [1, 16], strides = [1, 1]} : vector<1x64xf32> to vector<1x16xf32>
    %tanh3A_247 = math.tanh %slice3A_246 : vector<1x16xf32>
    %slice3A_248 = vector.extract_strided_slice %add3A_231 {offsets = [0, 48], sizes = [1, 16], strides = [1, 1]} : vector<1x64xf32> to vector<1x16xf32>
    %logistic3A_249 = arith.negf %slice3A_248 : vector<1x16xf32>
    %logistic3A_250 = math.exp %logistic3A_249 : vector<1x16xf32>
    %logistic3A_251 = arith.constant 1.000000e+00 : f32
    %logistic3A_252 = vector.broadcast %logistic3A_251 : f32 to vector<1x16xf32>
    %logistic3A_253 = arith.addf %logistic3A_252, %logistic3A_250 : vector<1x16xf32>
    %logistic3A_254 = arith.divf %logistic3A_252, %logistic3A_253 : vector<1x16xf32>
    %mul3A_255 = arith.mulf %logistic3A_245, %add3A_128 : vector<1x16xf32>
    %mul3A_256 = arith.mulf %logistic3A_238, %tanh3A_247 : vector<1x16xf32>
    %add3A_257 = arith.addf %mul3A_255, %mul3A_256 : vector<1x16xf32>
    %tanh3A_258 = math.tanh %add3A_257 : vector<1x16xf32>
    %mul3A_259 = arith.mulf %logistic3A_254, %tanh3A_258 : vector<1x16xf32>
    %dot_general3A_260 = arith.constant dense<0.000000e+00> : vector<1x64xf32>
    %dot_general3A_261 = tpu.matmul %mul3A_259, %get3A_24, %dot_general3A_260 {dimension_numbers = #tpu.dot_dimension_numbers<[1], [0], [0], [1], [0, 0, 1, 1], [], []>, transpose_lhs_hint = false} : vector<1x16xf32>, vector<16x64xf32>, vector<1x64xf32> -> vector<1x64xf32>
    %add3A_262 = arith.addf %dot_general3A_261, %get3A_42 : vector<1x64xf32>
    %dot_general3A_263 = arith.constant dense<0.000000e+00> : vector<1x64xf32>
    %dot_general3A_264 = tpu.matmul %mul3A_165, %get3A_33, %dot_general3A_263 {dimension_numbers = #tpu.dot_dimension_numbers<[1], [0], [0], [1], [0, 0, 1, 1], [], []>, transpose_lhs_hint = false} : vector<1x16xf32>, vector<16x64xf32>, vector<1x64xf32> -> vector<1x64xf32>
    %add3A_265 = arith.addf %add3A_262, %dot_general3A_264 : vector<1x64xf32>
    %add3A_266 = arith.addf %add3A_265, %get3A_51 : vector<1x64xf32>
    %slice3A_267 = vector.extract_strided_slice %add3A_266 {offsets = [0, 0], sizes = [1, 16], strides = [1, 1]} : vector<1x64xf32> to vector<1x16xf32>
    %logistic3A_268 = arith.negf %slice3A_267 : vector<1x16xf32>
    %logistic3A_269 = math.exp %logistic3A_268 : vector<1x16xf32>
    %logistic3A_270 = arith.constant 1.000000e+00 : f32
    %logistic3A_271 = vector.broadcast %logistic3A_270 : f32 to vector<1x16xf32>
    %logistic3A_272 = arith.addf %logistic3A_271, %logistic3A_269 : vector<1x16xf32>
    %logistic3A_273 = arith.divf %logistic3A_271, %logistic3A_272 : vector<1x16xf32>
    %slice3A_274 = vector.extract_strided_slice %add3A_266 {offsets = [0, 16], sizes = [1, 16], strides = [1, 1]} : vector<1x64xf32> to vector<1x16xf32>
    %logistic3A_275 = arith.negf %slice3A_274 : vector<1x16xf32>
    %logistic3A_276 = math.exp %logistic3A_275 : vector<1x16xf32>
    %logistic3A_277 = arith.constant 1.000000e+00 : f32
    %logistic3A_278 = vector.broadcast %logistic3A_277 : f32 to vector<1x16xf32>
    %logistic3A_279 = arith.addf %logistic3A_278, %logistic3A_276 : vector<1x16xf32>
    %logistic3A_280 = arith.divf %logistic3A_278, %logistic3A_279 : vector<1x16xf32>
    %slice3A_281 = vector.extract_strided_slice %add3A_266 {offsets = [0, 32], sizes = [1, 16], strides = [1, 1]} : vector<1x64xf32> to vector<1x16xf32>
    %tanh3A_282 = math.tanh %slice3A_281 : vector<1x16xf32>
    %slice3A_283 = vector.extract_strided_slice %add3A_266 {offsets = [0, 48], sizes = [1, 16], strides = [1, 1]} : vector<1x64xf32> to vector<1x16xf32>
    %logistic3A_284 = arith.negf %slice3A_283 : vector<1x16xf32>
    %logistic3A_285 = math.exp %logistic3A_284 : vector<1x16xf32>
    %logistic3A_286 = arith.constant 1.000000e+00 : f32
    %logistic3A_287 = vector.broadcast %logistic3A_286 : f32 to vector<1x16xf32>
    %logistic3A_288 = arith.addf %logistic3A_287, %logistic3A_285 : vector<1x16xf32>
    %logistic3A_289 = arith.divf %logistic3A_287, %logistic3A_288 : vector<1x16xf32>
    %mul3A_290 = arith.mulf %logistic3A_280, %add3A_163 : vector<1x16xf32>
    %mul3A_291 = arith.mulf %logistic3A_273, %tanh3A_282 : vector<1x16xf32>
    %add3A_292 = arith.addf %mul3A_290, %mul3A_291 : vector<1x16xf32>
    %tanh3A_293 = math.tanh %add3A_292 : vector<1x16xf32>
    %mul3A_294 = arith.mulf %logistic3A_289, %tanh3A_293 : vector<1x16xf32>
    %concatenate3A_295 = tpu.concatenate %mul3A_294, %mul3A_294, %mul3A_294, %mul3A_294, %mul3A_294, %mul3A_294, %mul3A_294, %mul3A_294 in 1 : vector<1x16xf32>, vector<1x16xf32>, vector<1x16xf32>, vector<1x16xf32>, vector<1x16xf32>, vector<1x16xf32>, vector<1x16xf32>, vector<1x16xf32> -> vector<1x128xf32>
    %mul3A_296 = vector.broadcast %concatenate3A_295 : vector<1x128xf32> to vector<1280x128xf32>
    %mul3A_297 = arith.mulf %get3A_1, %mul3A_296 : vector<1280x128xf32>
    %dot_general3A_298 = arith.constant dense<0.000000e+00> : vector<1280x8xf32>
    %dot_general3A_299 = tpu.matmul %mul3A_297, %get3A_4, %dot_general3A_298 {dimension_numbers = #tpu.dot_dimension_numbers<[1], [0], [0], [1], [0, 0, 1, 1], [], []>, transpose_lhs_hint = false} : vector<1280x128xf32>, vector<128x8xf32>, vector<1280x8xf32> -> vector<1280x8xf32>
    %jit3A_300 = arith.constant -1.000000e+30 : f32
    %broadcast_in_dim3A_301 = vector.broadcast %jit3A_300 : f32 to vector<1280x8xf32>
    %select_n3A_302 = arith.select %lt3A_15, %dot_general3A_299, %broadcast_in_dim3A_301 : vector<1280x8xi1>, vector<1280x8xf32>
    %reduce_max3A_303 = vector.shape_cast %select_n3A_302 : vector<1280x8xf32> to vector<1x1280x8xf32>
    %reduce_max3A_304 = arith.constant dense<0xFF800000> : vector<1xf32>
    %reduce_max3A_305 = vector.multi_reduction <maximumf>, %reduce_max3A_303, %reduce_max3A_304 [1, 2] : vector<1x1280x8xf32> to vector<1xf32>
    %reduce_max3A_306 = vector.shape_cast %reduce_max3A_305 : vector<1xf32> to vector<1x1x1xf32>
    %reduce_max3A_307 = vector.extract %reduce_max3A_306[0, 0, 0] : f32 from vector<1x1x1xf32>
    %sub3A_308 = vector.broadcast %reduce_max3A_307 : f32 to vector<1280x8xf32>
    %sub3A_309 = arith.subf %select_n3A_302, %sub3A_308 : vector<1280x8xf32>
    %exp3A_310 = math.exp %sub3A_309 : vector<1280x8xf32>
    %reduce_sum3A_311 = vector.shape_cast %exp3A_310 : vector<1280x8xf32> to vector<1x1280x8xf32>
    %reduce_sum3A_312 = arith.constant dense<0.000000e+00> : vector<1xf32>
    %reduce_sum3A_313 = vector.multi_reduction <add>, %reduce_sum3A_311, %reduce_sum3A_312 [1, 2] : vector<1x1280x8xf32> to vector<1xf32>
    %reduce_sum3A_314 = vector.shape_cast %reduce_sum3A_313 : vector<1xf32> to vector<1x1x1xf32>
    %reduce_sum3A_315 = vector.extract %reduce_sum3A_314[0, 0, 0] : f32 from vector<1x1x1xf32>
    %dot_general3A_316 = arith.constant dense<0.000000e+00> : vector<1280x128xf32>
    %dot_general3A_317 = tpu.matmul %exp3A_310, %get3A_7, %dot_general3A_316 {dimension_numbers = #tpu.dot_dimension_numbers<[1], [0], [0], [1], [0, 0, 1, 1], [], []>, transpose_lhs_hint = false} : vector<1280x8xf32>, vector<8x128xf32>, vector<1280x128xf32> -> vector<1280x128xf32>
    %mul3A_318 = arith.mulf %dot_general3A_317, %get3A_1 : vector<1280x128xf32>
    %reduce_sum3A_319 = arith.constant dense<0.000000e+00> : vector<128xf32>
    %reduce_sum3A_320 = vector.multi_reduction <add>, %mul3A_318, %reduce_sum3A_319 [0] : vector<1280x128xf32> to vector<128xf32>
    %broadcast_in_dim3A_321 = vector.shape_cast %reduce_sum3A_320 : vector<128xf32> to vector<1x128xf32>
    %div3A_322 = vector.broadcast %reduce_sum3A_315 : f32 to vector<1x128xf32>
    %div3A_323 = arith.divf %broadcast_in_dim3A_321, %div3A_322 : vector<1x128xf32>
    %dot_general3A_324 = arith.constant dense<0.000000e+00> : vector<1x16xf32>
    %dot_general3A_325 = tpu.matmul %div3A_323, %get3A_10, %dot_general3A_324 {dimension_numbers = #tpu.dot_dimension_numbers<[1], [0], [0], [1], [0, 0, 1, 1], [], []>, transpose_lhs_hint = false} : vector<1x128xf32>, vector<128x16xf32>, vector<1x16xf32> -> vector<1x16xf32>
    %concatenate3A_326 = tpu.concatenate %mul3A_294, %dot_general3A_325 in 1 : vector<1x16xf32>, vector<1x16xf32> -> vector<1x32xf32>
    %dot_general3A_327 = arith.constant dense<0.000000e+00> : vector<1x64xf32>
    %dot_general3A_328 = tpu.matmul %concatenate3A_326, %get3A_18, %dot_general3A_327 {dimension_numbers = #tpu.dot_dimension_numbers<[1], [0], [0], [1], [0, 0, 1, 1], [], []>, transpose_lhs_hint = false} : vector<1x32xf32>, vector<32x64xf32>, vector<1x64xf32> -> vector<1x64xf32>
    %add3A_329 = arith.addf %dot_general3A_328, %get3A_36 : vector<1x64xf32>
    %dot_general3A_330 = arith.constant dense<0.000000e+00> : vector<1x64xf32>
    %dot_general3A_331 = tpu.matmul %mul3A_224, %get3A_27, %dot_general3A_330 {dimension_numbers = #tpu.dot_dimension_numbers<[1], [0], [0], [1], [0, 0, 1, 1], [], []>, transpose_lhs_hint = false} : vector<1x16xf32>, vector<16x64xf32>, vector<1x64xf32> -> vector<1x64xf32>
    %add3A_332 = arith.addf %add3A_329, %dot_general3A_331 : vector<1x64xf32>
    %add3A_333 = arith.addf %add3A_332, %get3A_45 : vector<1x64xf32>
    %slice3A_334 = vector.extract_strided_slice %add3A_333 {offsets = [0, 0], sizes = [1, 16], strides = [1, 1]} : vector<1x64xf32> to vector<1x16xf32>
    %logistic3A_335 = arith.negf %slice3A_334 : vector<1x16xf32>
    %logistic3A_336 = math.exp %logistic3A_335 : vector<1x16xf32>
    %logistic3A_337 = arith.constant 1.000000e+00 : f32
    %logistic3A_338 = vector.broadcast %logistic3A_337 : f32 to vector<1x16xf32>
    %logistic3A_339 = arith.addf %logistic3A_338, %logistic3A_336 : vector<1x16xf32>
    %logistic3A_340 = arith.divf %logistic3A_338, %logistic3A_339 : vector<1x16xf32>
    %slice3A_341 = vector.extract_strided_slice %add3A_333 {offsets = [0, 16], sizes = [1, 16], strides = [1, 1]} : vector<1x64xf32> to vector<1x16xf32>
    %logistic3A_342 = arith.negf %slice3A_341 : vector<1x16xf32>
    %logistic3A_343 = math.exp %logistic3A_342 : vector<1x16xf32>
    %logistic3A_344 = arith.constant 1.000000e+00 : f32
    %logistic3A_345 = vector.broadcast %logistic3A_344 : f32 to vector<1x16xf32>
    %logistic3A_346 = arith.addf %logistic3A_345, %logistic3A_343 : vector<1x16xf32>
    %logistic3A_347 = arith.divf %logistic3A_345, %logistic3A_346 : vector<1x16xf32>
    %slice3A_348 = vector.extract_strided_slice %add3A_333 {offsets = [0, 32], sizes = [1, 16], strides = [1, 1]} : vector<1x64xf32> to vector<1x16xf32>
    %tanh3A_349 = math.tanh %slice3A_348 : vector<1x16xf32>
    %slice3A_350 = vector.extract_strided_slice %add3A_333 {offsets = [0, 48], sizes = [1, 16], strides = [1, 1]} : vector<1x64xf32> to vector<1x16xf32>
    %logistic3A_351 = arith.negf %slice3A_350 : vector<1x16xf32>
    %logistic3A_352 = math.exp %logistic3A_351 : vector<1x16xf32>
    %logistic3A_353 = arith.constant 1.000000e+00 : f32
    %logistic3A_354 = vector.broadcast %logistic3A_353 : f32 to vector<1x16xf32>
    %logistic3A_355 = arith.addf %logistic3A_354, %logistic3A_352 : vector<1x16xf32>
    %logistic3A_356 = arith.divf %logistic3A_354, %logistic3A_355 : vector<1x16xf32>
    %mul3A_357 = arith.mulf %logistic3A_347, %add3A_222 : vector<1x16xf32>
    %mul3A_358 = arith.mulf %logistic3A_340, %tanh3A_349 : vector<1x16xf32>
    %add3A_359 = arith.addf %mul3A_357, %mul3A_358 : vector<1x16xf32>
    %tanh3A_360 = math.tanh %add3A_359 : vector<1x16xf32>
    %mul3A_361 = arith.mulf %logistic3A_356, %tanh3A_360 : vector<1x16xf32>
    %dot_general3A_362 = arith.constant dense<0.000000e+00> : vector<1x64xf32>
    %dot_general3A_363 = tpu.matmul %mul3A_361, %get3A_21, %dot_general3A_362 {dimension_numbers = #tpu.dot_dimension_numbers<[1], [0], [0], [1], [0, 0, 1, 1], [], []>, transpose_lhs_hint = false} : vector<1x16xf32>, vector<16x64xf32>, vector<1x64xf32> -> vector<1x64xf32>
    %add3A_364 = arith.addf %dot_general3A_363, %get3A_39 : vector<1x64xf32>
    %dot_general3A_365 = arith.constant dense<0.000000e+00> : vector<1x64xf32>
    %dot_general3A_366 = tpu.matmul %mul3A_259, %get3A_30, %dot_general3A_365 {dimension_numbers = #tpu.dot_dimension_numbers<[1], [0], [0], [1], [0, 0, 1, 1], [], []>, transpose_lhs_hint = false} : vector<1x16xf32>, vector<16x64xf32>, vector<1x64xf32> -> vector<1x64xf32>
    %add3A_367 = arith.addf %add3A_364, %dot_general3A_366 : vector<1x64xf32>
    %add3A_368 = arith.addf %add3A_367, %get3A_48 : vector<1x64xf32>
    %slice3A_369 = vector.extract_strided_slice %add3A_368 {offsets = [0, 0], sizes = [1, 16], strides = [1, 1]} : vector<1x64xf32> to vector<1x16xf32>
    %logistic3A_370 = arith.negf %slice3A_369 : vector<1x16xf32>
    %logistic3A_371 = math.exp %logistic3A_370 : vector<1x16xf32>
    %logistic3A_372 = arith.constant 1.000000e+00 : f32
    %logistic3A_373 = vector.broadcast %logistic3A_372 : f32 to vector<1x16xf32>
    %logistic3A_374 = arith.addf %logistic3A_373, %logistic3A_371 : vector<1x16xf32>
    %logistic3A_375 = arith.divf %logistic3A_373, %logistic3A_374 : vector<1x16xf32>
    %slice3A_376 = vector.extract_strided_slice %add3A_368 {offsets = [0, 16], sizes = [1, 16], strides = [1, 1]} : vector<1x64xf32> to vector<1x16xf32>
    %logistic3A_377 = arith.negf %slice3A_376 : vector<1x16xf32>
    %logistic3A_378 = math.exp %logistic3A_377 : vector<1x16xf32>
    %logistic3A_379 = arith.constant 1.000000e+00 : f32
    %logistic3A_380 = vector.broadcast %logistic3A_379 : f32 to vector<1x16xf32>
    %logistic3A_381 = arith.addf %logistic3A_380, %logistic3A_378 : vector<1x16xf32>
    %logistic3A_382 = arith.divf %logistic3A_380, %logistic3A_381 : vector<1x16xf32>
    %slice3A_383 = vector.extract_strided_slice %add3A_368 {offsets = [0, 32], sizes = [1, 16], strides = [1, 1]} : vector<1x64xf32> to vector<1x16xf32>
    %tanh3A_384 = math.tanh %slice3A_383 : vector<1x16xf32>
    %slice3A_385 = vector.extract_strided_slice %add3A_368 {offsets = [0, 48], sizes = [1, 16], strides = [1, 1]} : vector<1x64xf32> to vector<1x16xf32>
    %logistic3A_386 = arith.negf %slice3A_385 : vector<1x16xf32>
    %logistic3A_387 = math.exp %logistic3A_386 : vector<1x16xf32>
    %logistic3A_388 = arith.constant 1.000000e+00 : f32
    %logistic3A_389 = vector.broadcast %logistic3A_388 : f32 to vector<1x16xf32>
    %logistic3A_390 = arith.addf %logistic3A_389, %logistic3A_387 : vector<1x16xf32>
    %logistic3A_391 = arith.divf %logistic3A_389, %logistic3A_390 : vector<1x16xf32>
    %mul3A_392 = arith.mulf %logistic3A_382, %add3A_257 : vector<1x16xf32>
    %mul3A_393 = arith.mulf %logistic3A_375, %tanh3A_384 : vector<1x16xf32>
    %add3A_394 = arith.addf %mul3A_392, %mul3A_393 : vector<1x16xf32>
    %tanh3A_395 = math.tanh %add3A_394 : vector<1x16xf32>
    %mul3A_396 = arith.mulf %logistic3A_391, %tanh3A_395 : vector<1x16xf32>
    %dot_general3A_397 = arith.constant dense<0.000000e+00> : vector<1x64xf32>
    %dot_general3A_398 = tpu.matmul %mul3A_396, %get3A_24, %dot_general3A_397 {dimension_numbers = #tpu.dot_dimension_numbers<[1], [0], [0], [1], [0, 0, 1, 1], [], []>, transpose_lhs_hint = false} : vector<1x16xf32>, vector<16x64xf32>, vector<1x64xf32> -> vector<1x64xf32>
    %add3A_399 = arith.addf %dot_general3A_398, %get3A_42 : vector<1x64xf32>
    %dot_general3A_400 = arith.constant dense<0.000000e+00> : vector<1x64xf32>
    %dot_general3A_401 = tpu.matmul %mul3A_294, %get3A_33, %dot_general3A_400 {dimension_numbers = #tpu.dot_dimension_numbers<[1], [0], [0], [1], [0, 0, 1, 1], [], []>, transpose_lhs_hint = false} : vector<1x16xf32>, vector<16x64xf32>, vector<1x64xf32> -> vector<1x64xf32>
    %add3A_402 = arith.addf %add3A_399, %dot_general3A_401 : vector<1x64xf32>
    %add3A_403 = arith.addf %add3A_402, %get3A_51 : vector<1x64xf32>
    %slice3A_404 = vector.extract_strided_slice %add3A_403 {offsets = [0, 0], sizes = [1, 16], strides = [1, 1]} : vector<1x64xf32> to vector<1x16xf32>
    %logistic3A_405 = arith.negf %slice3A_404 : vector<1x16xf32>
    %logistic3A_406 = math.exp %logistic3A_405 : vector<1x16xf32>
    %logistic3A_407 = arith.constant 1.000000e+00 : f32
    %logistic3A_408 = vector.broadcast %logistic3A_407 : f32 to vector<1x16xf32>
    %logistic3A_409 = arith.addf %logistic3A_408, %logistic3A_406 : vector<1x16xf32>
    %logistic3A_410 = arith.divf %logistic3A_408, %logistic3A_409 : vector<1x16xf32>
    %slice3A_411 = vector.extract_strided_slice %add3A_403 {offsets = [0, 16], sizes = [1, 16], strides = [1, 1]} : vector<1x64xf32> to vector<1x16xf32>
    %logistic3A_412 = arith.negf %slice3A_411 : vector<1x16xf32>
    %logistic3A_413 = math.exp %logistic3A_412 : vector<1x16xf32>
    %logistic3A_414 = arith.constant 1.000000e+00 : f32
    %logistic3A_415 = vector.broadcast %logistic3A_414 : f32 to vector<1x16xf32>
    %logistic3A_416 = arith.addf %logistic3A_415, %logistic3A_413 : vector<1x16xf32>
    %logistic3A_417 = arith.divf %logistic3A_415, %logistic3A_416 : vector<1x16xf32>
    %slice3A_418 = vector.extract_strided_slice %add3A_403 {offsets = [0, 32], sizes = [1, 16], strides = [1, 1]} : vector<1x64xf32> to vector<1x16xf32>
    %tanh3A_419 = math.tanh %slice3A_418 : vector<1x16xf32>
    %slice3A_420 = vector.extract_strided_slice %add3A_403 {offsets = [0, 48], sizes = [1, 16], strides = [1, 1]} : vector<1x64xf32> to vector<1x16xf32>
    %logistic3A_421 = arith.negf %slice3A_420 : vector<1x16xf32>
    %logistic3A_422 = math.exp %logistic3A_421 : vector<1x16xf32>
    %logistic3A_423 = arith.constant 1.000000e+00 : f32
    %logistic3A_424 = vector.broadcast %logistic3A_423 : f32 to vector<1x16xf32>
    %logistic3A_425 = arith.addf %logistic3A_424, %logistic3A_422 : vector<1x16xf32>
    %logistic3A_426 = arith.divf %logistic3A_424, %logistic3A_425 : vector<1x16xf32>
    %mul3A_427 = arith.mulf %logistic3A_417, %add3A_292 : vector<1x16xf32>
    %mul3A_428 = arith.mulf %logistic3A_410, %tanh3A_419 : vector<1x16xf32>
    %add3A_429 = arith.addf %mul3A_427, %mul3A_428 : vector<1x16xf32>
    %tanh3A_430 = math.tanh %add3A_429 : vector<1x16xf32>
    %mul3A_431 = arith.mulf %logistic3A_426, %tanh3A_430 : vector<1x16xf32>
    %concatenate3A_432 = tpu.concatenate %mul3A_431, %mul3A_431, %mul3A_431, %mul3A_431, %mul3A_431, %mul3A_431, %mul3A_431, %mul3A_431 in 1 : vector<1x16xf32>, vector<1x16xf32>, vector<1x16xf32>, vector<1x16xf32>, vector<1x16xf32>, vector<1x16xf32>, vector<1x16xf32>, vector<1x16xf32> -> vector<1x128xf32>
    %mul3A_433 = vector.broadcast %concatenate3A_432 : vector<1x128xf32> to vector<1280x128xf32>
    %mul3A_434 = arith.mulf %get3A_1, %mul3A_433 : vector<1280x128xf32>
    %dot_general3A_435 = arith.constant dense<0.000000e+00> : vector<1280x8xf32>
    %dot_general3A_436 = tpu.matmul %mul3A_434, %get3A_4, %dot_general3A_435 {dimension_numbers = #tpu.dot_dimension_numbers<[1], [0], [0], [1], [0, 0, 1, 1], [], []>, transpose_lhs_hint = false} : vector<1280x128xf32>, vector<128x8xf32>, vector<1280x8xf32> -> vector<1280x8xf32>
    %jit3A_437 = arith.constant -1.000000e+30 : f32
    %broadcast_in_dim3A_438 = vector.broadcast %jit3A_437 : f32 to vector<1280x8xf32>
    %select_n3A_439 = arith.select %lt3A_15, %dot_general3A_436, %broadcast_in_dim3A_438 : vector<1280x8xi1>, vector<1280x8xf32>
    %reduce_max3A_440 = vector.shape_cast %select_n3A_439 : vector<1280x8xf32> to vector<1x1280x8xf32>
    %reduce_max3A_441 = arith.constant dense<0xFF800000> : vector<1xf32>
    %reduce_max3A_442 = vector.multi_reduction <maximumf>, %reduce_max3A_440, %reduce_max3A_441 [1, 2] : vector<1x1280x8xf32> to vector<1xf32>
    %reduce_max3A_443 = vector.shape_cast %reduce_max3A_442 : vector<1xf32> to vector<1x1x1xf32>
    %reduce_max3A_444 = vector.extract %reduce_max3A_443[0, 0, 0] : f32 from vector<1x1x1xf32>
    %sub3A_445 = vector.broadcast %reduce_max3A_444 : f32 to vector<1280x8xf32>
    %sub3A_446 = arith.subf %select_n3A_439, %sub3A_445 : vector<1280x8xf32>
    %exp3A_447 = math.exp %sub3A_446 : vector<1280x8xf32>
    %reduce_sum3A_448 = vector.shape_cast %exp3A_447 : vector<1280x8xf32> to vector<1x1280x8xf32>
    %reduce_sum3A_449 = arith.constant dense<0.000000e+00> : vector<1xf32>
    %reduce_sum3A_450 = vector.multi_reduction <add>, %reduce_sum3A_448, %reduce_sum3A_449 [1, 2] : vector<1x1280x8xf32> to vector<1xf32>
    %reduce_sum3A_451 = vector.shape_cast %reduce_sum3A_450 : vector<1xf32> to vector<1x1x1xf32>
    %reduce_sum3A_452 = vector.extract %reduce_sum3A_451[0, 0, 0] : f32 from vector<1x1x1xf32>
    %dot_general3A_453 = arith.constant dense<0.000000e+00> : vector<1280x128xf32>
    %dot_general3A_454 = tpu.matmul %exp3A_447, %get3A_7, %dot_general3A_453 {dimension_numbers = #tpu.dot_dimension_numbers<[1], [0], [0], [1], [0, 0, 1, 1], [], []>, transpose_lhs_hint = false} : vector<1280x8xf32>, vector<8x128xf32>, vector<1280x128xf32> -> vector<1280x128xf32>
    %mul3A_455 = arith.mulf %dot_general3A_454, %get3A_1 : vector<1280x128xf32>
    %reduce_sum3A_456 = arith.constant dense<0.000000e+00> : vector<128xf32>
    %reduce_sum3A_457 = vector.multi_reduction <add>, %mul3A_455, %reduce_sum3A_456 [0] : vector<1280x128xf32> to vector<128xf32>
    %broadcast_in_dim3A_458 = vector.shape_cast %reduce_sum3A_457 : vector<128xf32> to vector<1x128xf32>
    %div3A_459 = vector.broadcast %reduce_sum3A_452 : f32 to vector<1x128xf32>
    %div3A_460 = arith.divf %broadcast_in_dim3A_458, %div3A_459 : vector<1x128xf32>
    %dot_general3A_461 = arith.constant dense<0.000000e+00> : vector<1x16xf32>
    %dot_general3A_462 = tpu.matmul %div3A_460, %get3A_10, %dot_general3A_461 {dimension_numbers = #tpu.dot_dimension_numbers<[1], [0], [0], [1], [0, 0, 1, 1], [], []>, transpose_lhs_hint = false} : vector<1x128xf32>, vector<128x16xf32>, vector<1x16xf32> -> vector<1x16xf32>
    %concatenate3A_463 = tpu.concatenate %mul3A_431, %dot_general3A_462 in 1 : vector<1x16xf32>, vector<1x16xf32> -> vector<1x32xf32>
    %dot_general3A_464 = arith.constant dense<0.000000e+00> : vector<1x64xf32>
    %dot_general3A_465 = tpu.matmul %concatenate3A_463, %get3A_18, %dot_general3A_464 {dimension_numbers = #tpu.dot_dimension_numbers<[1], [0], [0], [1], [0, 0, 1, 1], [], []>, transpose_lhs_hint = false} : vector<1x32xf32>, vector<32x64xf32>, vector<1x64xf32> -> vector<1x64xf32>
    %add3A_466 = arith.addf %dot_general3A_465, %get3A_36 : vector<1x64xf32>
    %dot_general3A_467 = arith.constant dense<0.000000e+00> : vector<1x64xf32>
    %dot_general3A_468 = tpu.matmul %mul3A_361, %get3A_27, %dot_general3A_467 {dimension_numbers = #tpu.dot_dimension_numbers<[1], [0], [0], [1], [0, 0, 1, 1], [], []>, transpose_lhs_hint = false} : vector<1x16xf32>, vector<16x64xf32>, vector<1x64xf32> -> vector<1x64xf32>
    %add3A_469 = arith.addf %add3A_466, %dot_general3A_468 : vector<1x64xf32>
    %add3A_470 = arith.addf %add3A_469, %get3A_45 : vector<1x64xf32>
    %slice3A_471 = vector.extract_strided_slice %add3A_470 {offsets = [0, 0], sizes = [1, 16], strides = [1, 1]} : vector<1x64xf32> to vector<1x16xf32>
    %logistic3A_472 = arith.negf %slice3A_471 : vector<1x16xf32>
    %logistic3A_473 = math.exp %logistic3A_472 : vector<1x16xf32>
    %logistic3A_474 = arith.constant 1.000000e+00 : f32
    %logistic3A_475 = vector.broadcast %logistic3A_474 : f32 to vector<1x16xf32>
    %logistic3A_476 = arith.addf %logistic3A_475, %logistic3A_473 : vector<1x16xf32>
    %logistic3A_477 = arith.divf %logistic3A_475, %logistic3A_476 : vector<1x16xf32>
    %slice3A_478 = vector.extract_strided_slice %add3A_470 {offsets = [0, 16], sizes = [1, 16], strides = [1, 1]} : vector<1x64xf32> to vector<1x16xf32>
    %logistic3A_479 = arith.negf %slice3A_478 : vector<1x16xf32>
    %logistic3A_480 = math.exp %logistic3A_479 : vector<1x16xf32>
    %logistic3A_481 = arith.constant 1.000000e+00 : f32
    %logistic3A_482 = vector.broadcast %logistic3A_481 : f32 to vector<1x16xf32>
    %logistic3A_483 = arith.addf %logistic3A_482, %logistic3A_480 : vector<1x16xf32>
    %logistic3A_484 = arith.divf %logistic3A_482, %logistic3A_483 : vector<1x16xf32>
    %slice3A_485 = vector.extract_strided_slice %add3A_470 {offsets = [0, 32], sizes = [1, 16], strides = [1, 1]} : vector<1x64xf32> to vector<1x16xf32>
    %tanh3A_486 = math.tanh %slice3A_485 : vector<1x16xf32>
    %slice3A_487 = vector.extract_strided_slice %add3A_470 {offsets = [0, 48], sizes = [1, 16], strides = [1, 1]} : vector<1x64xf32> to vector<1x16xf32>
    %logistic3A_488 = arith.negf %slice3A_487 : vector<1x16xf32>
    %logistic3A_489 = math.exp %logistic3A_488 : vector<1x16xf32>
    %logistic3A_490 = arith.constant 1.000000e+00 : f32
    %logistic3A_491 = vector.broadcast %logistic3A_490 : f32 to vector<1x16xf32>
    %logistic3A_492 = arith.addf %logistic3A_491, %logistic3A_489 : vector<1x16xf32>
    %logistic3A_493 = arith.divf %logistic3A_491, %logistic3A_492 : vector<1x16xf32>
    %mul3A_494 = arith.mulf %logistic3A_484, %add3A_359 : vector<1x16xf32>
    %mul3A_495 = arith.mulf %logistic3A_477, %tanh3A_486 : vector<1x16xf32>
    %add3A_496 = arith.addf %mul3A_494, %mul3A_495 : vector<1x16xf32>
    %tanh3A_497 = math.tanh %add3A_496 : vector<1x16xf32>
    %mul3A_498 = arith.mulf %logistic3A_493, %tanh3A_497 : vector<1x16xf32>
    %dot_general3A_499 = arith.constant dense<0.000000e+00> : vector<1x64xf32>
    %dot_general3A_500 = tpu.matmul %mul3A_498, %get3A_21, %dot_general3A_499 {dimension_numbers = #tpu.dot_dimension_numbers<[1], [0], [0], [1], [0, 0, 1, 1], [], []>, transpose_lhs_hint = false} : vector<1x16xf32>, vector<16x64xf32>, vector<1x64xf32> -> vector<1x64xf32>
    %add3A_501 = arith.addf %dot_general3A_500, %get3A_39 : vector<1x64xf32>
    %dot_general3A_502 = arith.constant dense<0.000000e+00> : vector<1x64xf32>
    %dot_general3A_503 = tpu.matmul %mul3A_396, %get3A_30, %dot_general3A_502 {dimension_numbers = #tpu.dot_dimension_numbers<[1], [0], [0], [1], [0, 0, 1, 1], [], []>, transpose_lhs_hint = false} : vector<1x16xf32>, vector<16x64xf32>, vector<1x64xf32> -> vector<1x64xf32>
    %add3A_504 = arith.addf %add3A_501, %dot_general3A_503 : vector<1x64xf32>
    %add3A_505 = arith.addf %add3A_504, %get3A_48 : vector<1x64xf32>
    %slice3A_506 = vector.extract_strided_slice %add3A_505 {offsets = [0, 0], sizes = [1, 16], strides = [1, 1]} : vector<1x64xf32> to vector<1x16xf32>
    %logistic3A_507 = arith.negf %slice3A_506 : vector<1x16xf32>
    %logistic3A_508 = math.exp %logistic3A_507 : vector<1x16xf32>
    %logistic3A_509 = arith.constant 1.000000e+00 : f32
    %logistic3A_510 = vector.broadcast %logistic3A_509 : f32 to vector<1x16xf32>
    %logistic3A_511 = arith.addf %logistic3A_510, %logistic3A_508 : vector<1x16xf32>
    %logistic3A_512 = arith.divf %logistic3A_510, %logistic3A_511 : vector<1x16xf32>
    %slice3A_513 = vector.extract_strided_slice %add3A_505 {offsets = [0, 16], sizes = [1, 16], strides = [1, 1]} : vector<1x64xf32> to vector<1x16xf32>
    %logistic3A_514 = arith.negf %slice3A_513 : vector<1x16xf32>
    %logistic3A_515 = math.exp %logistic3A_514 : vector<1x16xf32>
    %logistic3A_516 = arith.constant 1.000000e+00 : f32
    %logistic3A_517 = vector.broadcast %logistic3A_516 : f32 to vector<1x16xf32>
    %logistic3A_518 = arith.addf %logistic3A_517, %logistic3A_515 : vector<1x16xf32>
    %logistic3A_519 = arith.divf %logistic3A_517, %logistic3A_518 : vector<1x16xf32>
    %slice3A_520 = vector.extract_strided_slice %add3A_505 {offsets = [0, 32], sizes = [1, 16], strides = [1, 1]} : vector<1x64xf32> to vector<1x16xf32>
    %tanh3A_521 = math.tanh %slice3A_520 : vector<1x16xf32>
    %slice3A_522 = vector.extract_strided_slice %add3A_505 {offsets = [0, 48], sizes = [1, 16], strides = [1, 1]} : vector<1x64xf32> to vector<1x16xf32>
    %logistic3A_523 = arith.negf %slice3A_522 : vector<1x16xf32>
    %logistic3A_524 = math.exp %logistic3A_523 : vector<1x16xf32>
    %logistic3A_525 = arith.constant 1.000000e+00 : f32
    %logistic3A_526 = vector.broadcast %logistic3A_525 : f32 to vector<1x16xf32>
    %logistic3A_527 = arith.addf %logistic3A_526, %logistic3A_524 : vector<1x16xf32>
    %logistic3A_528 = arith.divf %logistic3A_526, %logistic3A_527 : vector<1x16xf32>
    %mul3A_529 = arith.mulf %logistic3A_519, %add3A_394 : vector<1x16xf32>
    %mul3A_530 = arith.mulf %logistic3A_512, %tanh3A_521 : vector<1x16xf32>
    %add3A_531 = arith.addf %mul3A_529, %mul3A_530 : vector<1x16xf32>
    %tanh3A_532 = math.tanh %add3A_531 : vector<1x16xf32>
    %mul3A_533 = arith.mulf %logistic3A_528, %tanh3A_532 : vector<1x16xf32>
    %dot_general3A_534 = arith.constant dense<0.000000e+00> : vector<1x64xf32>
    %dot_general3A_535 = tpu.matmul %mul3A_533, %get3A_24, %dot_general3A_534 {dimension_numbers = #tpu.dot_dimension_numbers<[1], [0], [0], [1], [0, 0, 1, 1], [], []>, transpose_lhs_hint = false} : vector<1x16xf32>, vector<16x64xf32>, vector<1x64xf32> -> vector<1x64xf32>
    %add3A_536 = arith.addf %dot_general3A_535, %get3A_42 : vector<1x64xf32>
    %dot_general3A_537 = arith.constant dense<0.000000e+00> : vector<1x64xf32>
    %dot_general3A_538 = tpu.matmul %mul3A_431, %get3A_33, %dot_general3A_537 {dimension_numbers = #tpu.dot_dimension_numbers<[1], [0], [0], [1], [0, 0, 1, 1], [], []>, transpose_lhs_hint = false} : vector<1x16xf32>, vector<16x64xf32>, vector<1x64xf32> -> vector<1x64xf32>
    %add3A_539 = arith.addf %add3A_536, %dot_general3A_538 : vector<1x64xf32>
    %add3A_540 = arith.addf %add3A_539, %get3A_51 : vector<1x64xf32>
    %slice3A_541 = vector.extract_strided_slice %add3A_540 {offsets = [0, 0], sizes = [1, 16], strides = [1, 1]} : vector<1x64xf32> to vector<1x16xf32>
    %logistic3A_542 = arith.negf %slice3A_541 : vector<1x16xf32>
    %logistic3A_543 = math.exp %logistic3A_542 : vector<1x16xf32>
    %logistic3A_544 = arith.constant 1.000000e+00 : f32
    %logistic3A_545 = vector.broadcast %logistic3A_544 : f32 to vector<1x16xf32>
    %logistic3A_546 = arith.addf %logistic3A_545, %logistic3A_543 : vector<1x16xf32>
    %logistic3A_547 = arith.divf %logistic3A_545, %logistic3A_546 : vector<1x16xf32>
    %slice3A_548 = vector.extract_strided_slice %add3A_540 {offsets = [0, 16], sizes = [1, 16], strides = [1, 1]} : vector<1x64xf32> to vector<1x16xf32>
    %logistic3A_549 = arith.negf %slice3A_548 : vector<1x16xf32>
    %logistic3A_550 = math.exp %logistic3A_549 : vector<1x16xf32>
    %logistic3A_551 = arith.constant 1.000000e+00 : f32
    %logistic3A_552 = vector.broadcast %logistic3A_551 : f32 to vector<1x16xf32>
    %logistic3A_553 = arith.addf %logistic3A_552, %logistic3A_550 : vector<1x16xf32>
    %logistic3A_554 = arith.divf %logistic3A_552, %logistic3A_553 : vector<1x16xf32>
    %slice3A_555 = vector.extract_strided_slice %add3A_540 {offsets = [0, 32], sizes = [1, 16], strides = [1, 1]} : vector<1x64xf32> to vector<1x16xf32>
    %tanh3A_556 = math.tanh %slice3A_555 : vector<1x16xf32>
    %slice3A_557 = vector.extract_strided_slice %add3A_540 {offsets = [0, 48], sizes = [1, 16], strides = [1, 1]} : vector<1x64xf32> to vector<1x16xf32>
    %logistic3A_558 = arith.negf %slice3A_557 : vector<1x16xf32>
    %logistic3A_559 = math.exp %logistic3A_558 : vector<1x16xf32>
    %logistic3A_560 = arith.constant 1.000000e+00 : f32
    %logistic3A_561 = vector.broadcast %logistic3A_560 : f32 to vector<1x16xf32>
    %logistic3A_562 = arith.addf %logistic3A_561, %logistic3A_559 : vector<1x16xf32>
    %logistic3A_563 = arith.divf %logistic3A_561, %logistic3A_562 : vector<1x16xf32>
    %mul3A_564 = arith.mulf %logistic3A_554, %add3A_429 : vector<1x16xf32>
    %mul3A_565 = arith.mulf %logistic3A_547, %tanh3A_556 : vector<1x16xf32>
    %add3A_566 = arith.addf %mul3A_564, %mul3A_565 : vector<1x16xf32>
    %tanh3A_567 = math.tanh %add3A_566 : vector<1x16xf32>
    %mul3A_568 = arith.mulf %logistic3A_563, %tanh3A_567 : vector<1x16xf32>
    %concatenate3A_569 = tpu.concatenate %mul3A_568, %mul3A_568, %mul3A_568, %mul3A_568, %mul3A_568, %mul3A_568, %mul3A_568, %mul3A_568 in 1 : vector<1x16xf32>, vector<1x16xf32>, vector<1x16xf32>, vector<1x16xf32>, vector<1x16xf32>, vector<1x16xf32>, vector<1x16xf32>, vector<1x16xf32> -> vector<1x128xf32>
    %mul3A_570 = vector.broadcast %concatenate3A_569 : vector<1x128xf32> to vector<1280x128xf32>
    %mul3A_571 = arith.mulf %get3A_1, %mul3A_570 : vector<1280x128xf32>
    %dot_general3A_572 = arith.constant dense<0.000000e+00> : vector<1280x8xf32>
    %dot_general3A_573 = tpu.matmul %mul3A_571, %get3A_4, %dot_general3A_572 {dimension_numbers = #tpu.dot_dimension_numbers<[1], [0], [0], [1], [0, 0, 1, 1], [], []>, transpose_lhs_hint = false} : vector<1280x128xf32>, vector<128x8xf32>, vector<1280x8xf32> -> vector<1280x8xf32>
    %jit3A_574 = arith.constant -1.000000e+30 : f32
    %broadcast_in_dim3A_575 = vector.broadcast %jit3A_574 : f32 to vector<1280x8xf32>
    %select_n3A_576 = arith.select %lt3A_15, %dot_general3A_573, %broadcast_in_dim3A_575 : vector<1280x8xi1>, vector<1280x8xf32>
    %reduce_max3A_577 = vector.shape_cast %select_n3A_576 : vector<1280x8xf32> to vector<1x1280x8xf32>
    %reduce_max3A_578 = arith.constant dense<0xFF800000> : vector<1xf32>
    %reduce_max3A_579 = vector.multi_reduction <maximumf>, %reduce_max3A_577, %reduce_max3A_578 [1, 2] : vector<1x1280x8xf32> to vector<1xf32>
    %reduce_max3A_580 = vector.shape_cast %reduce_max3A_579 : vector<1xf32> to vector<1x1x1xf32>
    %reduce_max3A_581 = vector.extract %reduce_max3A_580[0, 0, 0] : f32 from vector<1x1x1xf32>
    %sub3A_582 = vector.broadcast %reduce_max3A_581 : f32 to vector<1280x8xf32>
    %sub3A_583 = arith.subf %select_n3A_576, %sub3A_582 : vector<1280x8xf32>
    %exp3A_584 = math.exp %sub3A_583 : vector<1280x8xf32>
    %reduce_sum3A_585 = vector.shape_cast %exp3A_584 : vector<1280x8xf32> to vector<1x1280x8xf32>
    %reduce_sum3A_586 = arith.constant dense<0.000000e+00> : vector<1xf32>
    %reduce_sum3A_587 = vector.multi_reduction <add>, %reduce_sum3A_585, %reduce_sum3A_586 [1, 2] : vector<1x1280x8xf32> to vector<1xf32>
    %reduce_sum3A_588 = vector.shape_cast %reduce_sum3A_587 : vector<1xf32> to vector<1x1x1xf32>
    %reduce_sum3A_589 = vector.extract %reduce_sum3A_588[0, 0, 0] : f32 from vector<1x1x1xf32>
    %dot_general3A_590 = arith.constant dense<0.000000e+00> : vector<1280x128xf32>
    %dot_general3A_591 = tpu.matmul %exp3A_584, %get3A_7, %dot_general3A_590 {dimension_numbers = #tpu.dot_dimension_numbers<[1], [0], [0], [1], [0, 0, 1, 1], [], []>, transpose_lhs_hint = false} : vector<1280x8xf32>, vector<8x128xf32>, vector<1280x128xf32> -> vector<1280x128xf32>
    %mul3A_592 = arith.mulf %dot_general3A_591, %get3A_1 : vector<1280x128xf32>
    %reduce_sum3A_593 = arith.constant dense<0.000000e+00> : vector<128xf32>
    %reduce_sum3A_594 = vector.multi_reduction <add>, %mul3A_592, %reduce_sum3A_593 [0] : vector<1280x128xf32> to vector<128xf32>
    %broadcast_in_dim3A_595 = vector.shape_cast %reduce_sum3A_594 : vector<128xf32> to vector<1x128xf32>
    %div3A_596 = vector.broadcast %reduce_sum3A_589 : f32 to vector<1x128xf32>
    %div3A_597 = arith.divf %broadcast_in_dim3A_595, %div3A_596 : vector<1x128xf32>
    %dot_general3A_598 = arith.constant dense<0.000000e+00> : vector<1x16xf32>
    %dot_general3A_599 = tpu.matmul %div3A_597, %get3A_10, %dot_general3A_598 {dimension_numbers = #tpu.dot_dimension_numbers<[1], [0], [0], [1], [0, 0, 1, 1], [], []>, transpose_lhs_hint = false} : vector<1x128xf32>, vector<128x16xf32>, vector<1x16xf32> -> vector<1x16xf32>
    %concatenate3A_600 = tpu.concatenate %mul3A_568, %dot_general3A_599 in 1 : vector<1x16xf32>, vector<1x16xf32> -> vector<1x32xf32>
    %dot_general3A_601 = arith.constant dense<0.000000e+00> : vector<1x64xf32>
    %dot_general3A_602 = tpu.matmul %concatenate3A_600, %get3A_18, %dot_general3A_601 {dimension_numbers = #tpu.dot_dimension_numbers<[1], [0], [0], [1], [0, 0, 1, 1], [], []>, transpose_lhs_hint = false} : vector<1x32xf32>, vector<32x64xf32>, vector<1x64xf32> -> vector<1x64xf32>
    %add3A_603 = arith.addf %dot_general3A_602, %get3A_36 : vector<1x64xf32>
    %dot_general3A_604 = arith.constant dense<0.000000e+00> : vector<1x64xf32>
    %dot_general3A_605 = tpu.matmul %mul3A_498, %get3A_27, %dot_general3A_604 {dimension_numbers = #tpu.dot_dimension_numbers<[1], [0], [0], [1], [0, 0, 1, 1], [], []>, transpose_lhs_hint = false} : vector<1x16xf32>, vector<16x64xf32>, vector<1x64xf32> -> vector<1x64xf32>
    %add3A_606 = arith.addf %add3A_603, %dot_general3A_605 : vector<1x64xf32>
    %add3A_607 = arith.addf %add3A_606, %get3A_45 : vector<1x64xf32>
    %slice3A_608 = vector.extract_strided_slice %add3A_607 {offsets = [0, 0], sizes = [1, 16], strides = [1, 1]} : vector<1x64xf32> to vector<1x16xf32>
    %logistic3A_609 = arith.negf %slice3A_608 : vector<1x16xf32>
    %logistic3A_610 = math.exp %logistic3A_609 : vector<1x16xf32>
    %logistic3A_611 = arith.constant 1.000000e+00 : f32
    %logistic3A_612 = vector.broadcast %logistic3A_611 : f32 to vector<1x16xf32>
    %logistic3A_613 = arith.addf %logistic3A_612, %logistic3A_610 : vector<1x16xf32>
    %logistic3A_614 = arith.divf %logistic3A_612, %logistic3A_613 : vector<1x16xf32>
    %slice3A_615 = vector.extract_strided_slice %add3A_607 {offsets = [0, 16], sizes = [1, 16], strides = [1, 1]} : vector<1x64xf32> to vector<1x16xf32>
    %logistic3A_616 = arith.negf %slice3A_615 : vector<1x16xf32>
    %logistic3A_617 = math.exp %logistic3A_616 : vector<1x16xf32>
    %logistic3A_618 = arith.constant 1.000000e+00 : f32
    %logistic3A_619 = vector.broadcast %logistic3A_618 : f32 to vector<1x16xf32>
    %logistic3A_620 = arith.addf %logistic3A_619, %logistic3A_617 : vector<1x16xf32>
    %logistic3A_621 = arith.divf %logistic3A_619, %logistic3A_620 : vector<1x16xf32>
    %slice3A_622 = vector.extract_strided_slice %add3A_607 {offsets = [0, 32], sizes = [1, 16], strides = [1, 1]} : vector<1x64xf32> to vector<1x16xf32>
    %tanh3A_623 = math.tanh %slice3A_622 : vector<1x16xf32>
    %slice3A_624 = vector.extract_strided_slice %add3A_607 {offsets = [0, 48], sizes = [1, 16], strides = [1, 1]} : vector<1x64xf32> to vector<1x16xf32>
    %logistic3A_625 = arith.negf %slice3A_624 : vector<1x16xf32>
    %logistic3A_626 = math.exp %logistic3A_625 : vector<1x16xf32>
    %logistic3A_627 = arith.constant 1.000000e+00 : f32
    %logistic3A_628 = vector.broadcast %logistic3A_627 : f32 to vector<1x16xf32>
    %logistic3A_629 = arith.addf %logistic3A_628, %logistic3A_626 : vector<1x16xf32>
    %logistic3A_630 = arith.divf %logistic3A_628, %logistic3A_629 : vector<1x16xf32>
    %mul3A_631 = arith.mulf %logistic3A_621, %add3A_496 : vector<1x16xf32>
    %mul3A_632 = arith.mulf %logistic3A_614, %tanh3A_623 : vector<1x16xf32>
    %add3A_633 = arith.addf %mul3A_631, %mul3A_632 : vector<1x16xf32>
    %tanh3A_634 = math.tanh %add3A_633 : vector<1x16xf32>
    %mul3A_635 = arith.mulf %logistic3A_630, %tanh3A_634 : vector<1x16xf32>
    %dot_general3A_636 = arith.constant dense<0.000000e+00> : vector<1x64xf32>
    %dot_general3A_637 = tpu.matmul %mul3A_635, %get3A_21, %dot_general3A_636 {dimension_numbers = #tpu.dot_dimension_numbers<[1], [0], [0], [1], [0, 0, 1, 1], [], []>, transpose_lhs_hint = false} : vector<1x16xf32>, vector<16x64xf32>, vector<1x64xf32> -> vector<1x64xf32>
    %add3A_638 = arith.addf %dot_general3A_637, %get3A_39 : vector<1x64xf32>
    %dot_general3A_639 = arith.constant dense<0.000000e+00> : vector<1x64xf32>
    %dot_general3A_640 = tpu.matmul %mul3A_533, %get3A_30, %dot_general3A_639 {dimension_numbers = #tpu.dot_dimension_numbers<[1], [0], [0], [1], [0, 0, 1, 1], [], []>, transpose_lhs_hint = false} : vector<1x16xf32>, vector<16x64xf32>, vector<1x64xf32> -> vector<1x64xf32>
    %add3A_641 = arith.addf %add3A_638, %dot_general3A_640 : vector<1x64xf32>
    %add3A_642 = arith.addf %add3A_641, %get3A_48 : vector<1x64xf32>
    %slice3A_643 = vector.extract_strided_slice %add3A_642 {offsets = [0, 0], sizes = [1, 16], strides = [1, 1]} : vector<1x64xf32> to vector<1x16xf32>
    %logistic3A_644 = arith.negf %slice3A_643 : vector<1x16xf32>
    %logistic3A_645 = math.exp %logistic3A_644 : vector<1x16xf32>
    %logistic3A_646 = arith.constant 1.000000e+00 : f32
    %logistic3A_647 = vector.broadcast %logistic3A_646 : f32 to vector<1x16xf32>
    %logistic3A_648 = arith.addf %logistic3A_647, %logistic3A_645 : vector<1x16xf32>
    %logistic3A_649 = arith.divf %logistic3A_647, %logistic3A_648 : vector<1x16xf32>
    %slice3A_650 = vector.extract_strided_slice %add3A_642 {offsets = [0, 16], sizes = [1, 16], strides = [1, 1]} : vector<1x64xf32> to vector<1x16xf32>
    %logistic3A_651 = arith.negf %slice3A_650 : vector<1x16xf32>
    %logistic3A_652 = math.exp %logistic3A_651 : vector<1x16xf32>
    %logistic3A_653 = arith.constant 1.000000e+00 : f32
    %logistic3A_654 = vector.broadcast %logistic3A_653 : f32 to vector<1x16xf32>
    %logistic3A_655 = arith.addf %logistic3A_654, %logistic3A_652 : vector<1x16xf32>
    %logistic3A_656 = arith.divf %logistic3A_654, %logistic3A_655 : vector<1x16xf32>
    %slice3A_657 = vector.extract_strided_slice %add3A_642 {offsets = [0, 32], sizes = [1, 16], strides = [1, 1]} : vector<1x64xf32> to vector<1x16xf32>
    %tanh3A_658 = math.tanh %slice3A_657 : vector<1x16xf32>
    %slice3A_659 = vector.extract_strided_slice %add3A_642 {offsets = [0, 48], sizes = [1, 16], strides = [1, 1]} : vector<1x64xf32> to vector<1x16xf32>
    %logistic3A_660 = arith.negf %slice3A_659 : vector<1x16xf32>
    %logistic3A_661 = math.exp %logistic3A_660 : vector<1x16xf32>
    %logistic3A_662 = arith.constant 1.000000e+00 : f32
    %logistic3A_663 = vector.broadcast %logistic3A_662 : f32 to vector<1x16xf32>
    %logistic3A_664 = arith.addf %logistic3A_663, %logistic3A_661 : vector<1x16xf32>
    %logistic3A_665 = arith.divf %logistic3A_663, %logistic3A_664 : vector<1x16xf32>
    %mul3A_666 = arith.mulf %logistic3A_656, %add3A_531 : vector<1x16xf32>
    %mul3A_667 = arith.mulf %logistic3A_649, %tanh3A_658 : vector<1x16xf32>
    %add3A_668 = arith.addf %mul3A_666, %mul3A_667 : vector<1x16xf32>
    %tanh3A_669 = math.tanh %add3A_668 : vector<1x16xf32>
    %mul3A_670 = arith.mulf %logistic3A_665, %tanh3A_669 : vector<1x16xf32>
    %dot_general3A_671 = arith.constant dense<0.000000e+00> : vector<1x64xf32>
    %dot_general3A_672 = tpu.matmul %mul3A_670, %get3A_24, %dot_general3A_671 {dimension_numbers = #tpu.dot_dimension_numbers<[1], [0], [0], [1], [0, 0, 1, 1], [], []>, transpose_lhs_hint = false} : vector<1x16xf32>, vector<16x64xf32>, vector<1x64xf32> -> vector<1x64xf32>
    %add3A_673 = arith.addf %dot_general3A_672, %get3A_42 : vector<1x64xf32>
    %dot_general3A_674 = arith.constant dense<0.000000e+00> : vector<1x64xf32>
    %dot_general3A_675 = tpu.matmul %mul3A_568, %get3A_33, %dot_general3A_674 {dimension_numbers = #tpu.dot_dimension_numbers<[1], [0], [0], [1], [0, 0, 1, 1], [], []>, transpose_lhs_hint = false} : vector<1x16xf32>, vector<16x64xf32>, vector<1x64xf32> -> vector<1x64xf32>
    %add3A_676 = arith.addf %add3A_673, %dot_general3A_675 : vector<1x64xf32>
    %add3A_677 = arith.addf %add3A_676, %get3A_51 : vector<1x64xf32>
    %slice3A_678 = vector.extract_strided_slice %add3A_677 {offsets = [0, 0], sizes = [1, 16], strides = [1, 1]} : vector<1x64xf32> to vector<1x16xf32>
    %logistic3A_679 = arith.negf %slice3A_678 : vector<1x16xf32>
    %logistic3A_680 = math.exp %logistic3A_679 : vector<1x16xf32>
    %logistic3A_681 = arith.constant 1.000000e+00 : f32
    %logistic3A_682 = vector.broadcast %logistic3A_681 : f32 to vector<1x16xf32>
    %logistic3A_683 = arith.addf %logistic3A_682, %logistic3A_680 : vector<1x16xf32>
    %logistic3A_684 = arith.divf %logistic3A_682, %logistic3A_683 : vector<1x16xf32>
    %slice3A_685 = vector.extract_strided_slice %add3A_677 {offsets = [0, 16], sizes = [1, 16], strides = [1, 1]} : vector<1x64xf32> to vector<1x16xf32>
    %logistic3A_686 = arith.negf %slice3A_685 : vector<1x16xf32>
    %logistic3A_687 = math.exp %logistic3A_686 : vector<1x16xf32>
    %logistic3A_688 = arith.constant 1.000000e+00 : f32
    %logistic3A_689 = vector.broadcast %logistic3A_688 : f32 to vector<1x16xf32>
    %logistic3A_690 = arith.addf %logistic3A_689, %logistic3A_687 : vector<1x16xf32>
    %logistic3A_691 = arith.divf %logistic3A_689, %logistic3A_690 : vector<1x16xf32>
    %slice3A_692 = vector.extract_strided_slice %add3A_677 {offsets = [0, 32], sizes = [1, 16], strides = [1, 1]} : vector<1x64xf32> to vector<1x16xf32>
    %tanh3A_693 = math.tanh %slice3A_692 : vector<1x16xf32>
    %slice3A_694 = vector.extract_strided_slice %add3A_677 {offsets = [0, 48], sizes = [1, 16], strides = [1, 1]} : vector<1x64xf32> to vector<1x16xf32>
    %logistic3A_695 = arith.negf %slice3A_694 : vector<1x16xf32>
    %logistic3A_696 = math.exp %logistic3A_695 : vector<1x16xf32>
    %logistic3A_697 = arith.constant 1.000000e+00 : f32
    %logistic3A_698 = vector.broadcast %logistic3A_697 : f32 to vector<1x16xf32>
    %logistic3A_699 = arith.addf %logistic3A_698, %logistic3A_696 : vector<1x16xf32>
    %logistic3A_700 = arith.divf %logistic3A_698, %logistic3A_699 : vector<1x16xf32>
    %mul3A_701 = arith.mulf %logistic3A_691, %add3A_566 : vector<1x16xf32>
    %mul3A_702 = arith.mulf %logistic3A_684, %tanh3A_693 : vector<1x16xf32>
    %add3A_703 = arith.addf %mul3A_701, %mul3A_702 : vector<1x16xf32>
    %tanh3A_704 = math.tanh %add3A_703 : vector<1x16xf32>
    %mul3A_705 = arith.mulf %logistic3A_700, %tanh3A_704 : vector<1x16xf32>
    %concatenate3A_706 = tpu.concatenate %mul3A_705, %mul3A_705, %mul3A_705, %mul3A_705, %mul3A_705, %mul3A_705, %mul3A_705, %mul3A_705 in 1 : vector<1x16xf32>, vector<1x16xf32>, vector<1x16xf32>, vector<1x16xf32>, vector<1x16xf32>, vector<1x16xf32>, vector<1x16xf32>, vector<1x16xf32> -> vector<1x128xf32>
    %mul3A_707 = vector.broadcast %concatenate3A_706 : vector<1x128xf32> to vector<1280x128xf32>
    %mul3A_708 = arith.mulf %get3A_1, %mul3A_707 : vector<1280x128xf32>
    %dot_general3A_709 = arith.constant dense<0.000000e+00> : vector<1280x8xf32>
    %dot_general3A_710 = tpu.matmul %mul3A_708, %get3A_4, %dot_general3A_709 {dimension_numbers = #tpu.dot_dimension_numbers<[1], [0], [0], [1], [0, 0, 1, 1], [], []>, transpose_lhs_hint = false} : vector<1280x128xf32>, vector<128x8xf32>, vector<1280x8xf32> -> vector<1280x8xf32>
    %jit3A_711 = arith.constant -1.000000e+30 : f32
    %broadcast_in_dim3A_712 = vector.broadcast %jit3A_711 : f32 to vector<1280x8xf32>
    %select_n3A_713 = arith.select %lt3A_15, %dot_general3A_710, %broadcast_in_dim3A_712 : vector<1280x8xi1>, vector<1280x8xf32>
    %reduce_max3A_714 = vector.shape_cast %select_n3A_713 : vector<1280x8xf32> to vector<1x1280x8xf32>
    %reduce_max3A_715 = arith.constant dense<0xFF800000> : vector<1xf32>
    %reduce_max3A_716 = vector.multi_reduction <maximumf>, %reduce_max3A_714, %reduce_max3A_715 [1, 2] : vector<1x1280x8xf32> to vector<1xf32>
    %reduce_max3A_717 = vector.shape_cast %reduce_max3A_716 : vector<1xf32> to vector<1x1x1xf32>
    %reduce_max3A_718 = vector.extract %reduce_max3A_717[0, 0, 0] : f32 from vector<1x1x1xf32>
    %sub3A_719 = vector.broadcast %reduce_max3A_718 : f32 to vector<1280x8xf32>
    %sub3A_720 = arith.subf %select_n3A_713, %sub3A_719 : vector<1280x8xf32>
    %exp3A_721 = math.exp %sub3A_720 : vector<1280x8xf32>
    %reduce_sum3A_722 = vector.shape_cast %exp3A_721 : vector<1280x8xf32> to vector<1x1280x8xf32>
    %reduce_sum3A_723 = arith.constant dense<0.000000e+00> : vector<1xf32>
    %reduce_sum3A_724 = vector.multi_reduction <add>, %reduce_sum3A_722, %reduce_sum3A_723 [1, 2] : vector<1x1280x8xf32> to vector<1xf32>
    %reduce_sum3A_725 = vector.shape_cast %reduce_sum3A_724 : vector<1xf32> to vector<1x1x1xf32>
    %reduce_sum3A_726 = vector.extract %reduce_sum3A_725[0, 0, 0] : f32 from vector<1x1x1xf32>
    %dot_general3A_727 = arith.constant dense<0.000000e+00> : vector<1280x128xf32>
    %dot_general3A_728 = tpu.matmul %exp3A_721, %get3A_7, %dot_general3A_727 {dimension_numbers = #tpu.dot_dimension_numbers<[1], [0], [0], [1], [0, 0, 1, 1], [], []>, transpose_lhs_hint = false} : vector<1280x8xf32>, vector<8x128xf32>, vector<1280x128xf32> -> vector<1280x128xf32>
    %mul3A_729 = arith.mulf %dot_general3A_728, %get3A_1 : vector<1280x128xf32>
    %reduce_sum3A_730 = arith.constant dense<0.000000e+00> : vector<128xf32>
    %reduce_sum3A_731 = vector.multi_reduction <add>, %mul3A_729, %reduce_sum3A_730 [0] : vector<1280x128xf32> to vector<128xf32>
    %broadcast_in_dim3A_732 = vector.shape_cast %reduce_sum3A_731 : vector<128xf32> to vector<1x128xf32>
    %div3A_733 = vector.broadcast %reduce_sum3A_726 : f32 to vector<1x128xf32>
    %div3A_734 = arith.divf %broadcast_in_dim3A_732, %div3A_733 : vector<1x128xf32>
    %dot_general3A_735 = arith.constant dense<0.000000e+00> : vector<1x16xf32>
    %dot_general3A_736 = tpu.matmul %div3A_734, %get3A_10, %dot_general3A_735 {dimension_numbers = #tpu.dot_dimension_numbers<[1], [0], [0], [1], [0, 0, 1, 1], [], []>, transpose_lhs_hint = false} : vector<1x128xf32>, vector<128x16xf32>, vector<1x16xf32> -> vector<1x16xf32>
    %concatenate3A_737 = tpu.concatenate %mul3A_705, %dot_general3A_736 in 1 : vector<1x16xf32>, vector<1x16xf32> -> vector<1x32xf32>
    %dot_general3A_738 = arith.constant dense<0.000000e+00> : vector<1x64xf32>
    %dot_general3A_739 = tpu.matmul %concatenate3A_737, %get3A_18, %dot_general3A_738 {dimension_numbers = #tpu.dot_dimension_numbers<[1], [0], [0], [1], [0, 0, 1, 1], [], []>, transpose_lhs_hint = false} : vector<1x32xf32>, vector<32x64xf32>, vector<1x64xf32> -> vector<1x64xf32>
    %add3A_740 = arith.addf %dot_general3A_739, %get3A_36 : vector<1x64xf32>
    %dot_general3A_741 = arith.constant dense<0.000000e+00> : vector<1x64xf32>
    %dot_general3A_742 = tpu.matmul %mul3A_635, %get3A_27, %dot_general3A_741 {dimension_numbers = #tpu.dot_dimension_numbers<[1], [0], [0], [1], [0, 0, 1, 1], [], []>, transpose_lhs_hint = false} : vector<1x16xf32>, vector<16x64xf32>, vector<1x64xf32> -> vector<1x64xf32>
    %add3A_743 = arith.addf %add3A_740, %dot_general3A_742 : vector<1x64xf32>
    %add3A_744 = arith.addf %add3A_743, %get3A_45 : vector<1x64xf32>
    %slice3A_745 = vector.extract_strided_slice %add3A_744 {offsets = [0, 0], sizes = [1, 16], strides = [1, 1]} : vector<1x64xf32> to vector<1x16xf32>
    %logistic3A_746 = arith.negf %slice3A_745 : vector<1x16xf32>
    %logistic3A_747 = math.exp %logistic3A_746 : vector<1x16xf32>
    %logistic3A_748 = arith.constant 1.000000e+00 : f32
    %logistic3A_749 = vector.broadcast %logistic3A_748 : f32 to vector<1x16xf32>
    %logistic3A_750 = arith.addf %logistic3A_749, %logistic3A_747 : vector<1x16xf32>
    %logistic3A_751 = arith.divf %logistic3A_749, %logistic3A_750 : vector<1x16xf32>
    %slice3A_752 = vector.extract_strided_slice %add3A_744 {offsets = [0, 16], sizes = [1, 16], strides = [1, 1]} : vector<1x64xf32> to vector<1x16xf32>
    %logistic3A_753 = arith.negf %slice3A_752 : vector<1x16xf32>
    %logistic3A_754 = math.exp %logistic3A_753 : vector<1x16xf32>
    %logistic3A_755 = arith.constant 1.000000e+00 : f32
    %logistic3A_756 = vector.broadcast %logistic3A_755 : f32 to vector<1x16xf32>
    %logistic3A_757 = arith.addf %logistic3A_756, %logistic3A_754 : vector<1x16xf32>
    %logistic3A_758 = arith.divf %logistic3A_756, %logistic3A_757 : vector<1x16xf32>
    %slice3A_759 = vector.extract_strided_slice %add3A_744 {offsets = [0, 32], sizes = [1, 16], strides = [1, 1]} : vector<1x64xf32> to vector<1x16xf32>
    %tanh3A_760 = math.tanh %slice3A_759 : vector<1x16xf32>
    %slice3A_761 = vector.extract_strided_slice %add3A_744 {offsets = [0, 48], sizes = [1, 16], strides = [1, 1]} : vector<1x64xf32> to vector<1x16xf32>
    %logistic3A_762 = arith.negf %slice3A_761 : vector<1x16xf32>
    %logistic3A_763 = math.exp %logistic3A_762 : vector<1x16xf32>
    %logistic3A_764 = arith.constant 1.000000e+00 : f32
    %logistic3A_765 = vector.broadcast %logistic3A_764 : f32 to vector<1x16xf32>
    %logistic3A_766 = arith.addf %logistic3A_765, %logistic3A_763 : vector<1x16xf32>
    %logistic3A_767 = arith.divf %logistic3A_765, %logistic3A_766 : vector<1x16xf32>
    %mul3A_768 = arith.mulf %logistic3A_758, %add3A_633 : vector<1x16xf32>
    %mul3A_769 = arith.mulf %logistic3A_751, %tanh3A_760 : vector<1x16xf32>
    %add3A_770 = arith.addf %mul3A_768, %mul3A_769 : vector<1x16xf32>
    %tanh3A_771 = math.tanh %add3A_770 : vector<1x16xf32>
    %mul3A_772 = arith.mulf %logistic3A_767, %tanh3A_771 : vector<1x16xf32>
    %dot_general3A_773 = arith.constant dense<0.000000e+00> : vector<1x64xf32>
    %dot_general3A_774 = tpu.matmul %mul3A_772, %get3A_21, %dot_general3A_773 {dimension_numbers = #tpu.dot_dimension_numbers<[1], [0], [0], [1], [0, 0, 1, 1], [], []>, transpose_lhs_hint = false} : vector<1x16xf32>, vector<16x64xf32>, vector<1x64xf32> -> vector<1x64xf32>
    %add3A_775 = arith.addf %dot_general3A_774, %get3A_39 : vector<1x64xf32>
    %dot_general3A_776 = arith.constant dense<0.000000e+00> : vector<1x64xf32>
    %dot_general3A_777 = tpu.matmul %mul3A_670, %get3A_30, %dot_general3A_776 {dimension_numbers = #tpu.dot_dimension_numbers<[1], [0], [0], [1], [0, 0, 1, 1], [], []>, transpose_lhs_hint = false} : vector<1x16xf32>, vector<16x64xf32>, vector<1x64xf32> -> vector<1x64xf32>
    %add3A_778 = arith.addf %add3A_775, %dot_general3A_777 : vector<1x64xf32>
    %add3A_779 = arith.addf %add3A_778, %get3A_48 : vector<1x64xf32>
    %slice3A_780 = vector.extract_strided_slice %add3A_779 {offsets = [0, 0], sizes = [1, 16], strides = [1, 1]} : vector<1x64xf32> to vector<1x16xf32>
    %logistic3A_781 = arith.negf %slice3A_780 : vector<1x16xf32>
    %logistic3A_782 = math.exp %logistic3A_781 : vector<1x16xf32>
    %logistic3A_783 = arith.constant 1.000000e+00 : f32
    %logistic3A_784 = vector.broadcast %logistic3A_783 : f32 to vector<1x16xf32>
    %logistic3A_785 = arith.addf %logistic3A_784, %logistic3A_782 : vector<1x16xf32>
    %logistic3A_786 = arith.divf %logistic3A_784, %logistic3A_785 : vector<1x16xf32>
    %slice3A_787 = vector.extract_strided_slice %add3A_779 {offsets = [0, 16], sizes = [1, 16], strides = [1, 1]} : vector<1x64xf32> to vector<1x16xf32>
    %logistic3A_788 = arith.negf %slice3A_787 : vector<1x16xf32>
    %logistic3A_789 = math.exp %logistic3A_788 : vector<1x16xf32>
    %logistic3A_790 = arith.constant 1.000000e+00 : f32
    %logistic3A_791 = vector.broadcast %logistic3A_790 : f32 to vector<1x16xf32>
    %logistic3A_792 = arith.addf %logistic3A_791, %logistic3A_789 : vector<1x16xf32>
    %logistic3A_793 = arith.divf %logistic3A_791, %logistic3A_792 : vector<1x16xf32>
    %slice3A_794 = vector.extract_strided_slice %add3A_779 {offsets = [0, 32], sizes = [1, 16], strides = [1, 1]} : vector<1x64xf32> to vector<1x16xf32>
    %tanh3A_795 = math.tanh %slice3A_794 : vector<1x16xf32>
    %slice3A_796 = vector.extract_strided_slice %add3A_779 {offsets = [0, 48], sizes = [1, 16], strides = [1, 1]} : vector<1x64xf32> to vector<1x16xf32>
    %logistic3A_797 = arith.negf %slice3A_796 : vector<1x16xf32>
    %logistic3A_798 = math.exp %logistic3A_797 : vector<1x16xf32>
    %logistic3A_799 = arith.constant 1.000000e+00 : f32
    %logistic3A_800 = vector.broadcast %logistic3A_799 : f32 to vector<1x16xf32>
    %logistic3A_801 = arith.addf %logistic3A_800, %logistic3A_798 : vector<1x16xf32>
    %logistic3A_802 = arith.divf %logistic3A_800, %logistic3A_801 : vector<1x16xf32>
    %mul3A_803 = arith.mulf %logistic3A_793, %add3A_668 : vector<1x16xf32>
    %mul3A_804 = arith.mulf %logistic3A_786, %tanh3A_795 : vector<1x16xf32>
    %add3A_805 = arith.addf %mul3A_803, %mul3A_804 : vector<1x16xf32>
    %tanh3A_806 = math.tanh %add3A_805 : vector<1x16xf32>
    %mul3A_807 = arith.mulf %logistic3A_802, %tanh3A_806 : vector<1x16xf32>
    %dot_general3A_808 = arith.constant dense<0.000000e+00> : vector<1x64xf32>
    %dot_general3A_809 = tpu.matmul %mul3A_807, %get3A_24, %dot_general3A_808 {dimension_numbers = #tpu.dot_dimension_numbers<[1], [0], [0], [1], [0, 0, 1, 1], [], []>, transpose_lhs_hint = false} : vector<1x16xf32>, vector<16x64xf32>, vector<1x64xf32> -> vector<1x64xf32>
    %add3A_810 = arith.addf %dot_general3A_809, %get3A_42 : vector<1x64xf32>
    %dot_general3A_811 = arith.constant dense<0.000000e+00> : vector<1x64xf32>
    %dot_general3A_812 = tpu.matmul %mul3A_705, %get3A_33, %dot_general3A_811 {dimension_numbers = #tpu.dot_dimension_numbers<[1], [0], [0], [1], [0, 0, 1, 1], [], []>, transpose_lhs_hint = false} : vector<1x16xf32>, vector<16x64xf32>, vector<1x64xf32> -> vector<1x64xf32>
    %add3A_813 = arith.addf %add3A_810, %dot_general3A_812 : vector<1x64xf32>
    %add3A_814 = arith.addf %add3A_813, %get3A_51 : vector<1x64xf32>
    %slice3A_815 = vector.extract_strided_slice %add3A_814 {offsets = [0, 0], sizes = [1, 16], strides = [1, 1]} : vector<1x64xf32> to vector<1x16xf32>
    %logistic3A_816 = arith.negf %slice3A_815 : vector<1x16xf32>
    %logistic3A_817 = math.exp %logistic3A_816 : vector<1x16xf32>
    %logistic3A_818 = arith.constant 1.000000e+00 : f32
    %logistic3A_819 = vector.broadcast %logistic3A_818 : f32 to vector<1x16xf32>
    %logistic3A_820 = arith.addf %logistic3A_819, %logistic3A_817 : vector<1x16xf32>
    %logistic3A_821 = arith.divf %logistic3A_819, %logistic3A_820 : vector<1x16xf32>
    %slice3A_822 = vector.extract_strided_slice %add3A_814 {offsets = [0, 16], sizes = [1, 16], strides = [1, 1]} : vector<1x64xf32> to vector<1x16xf32>
    %logistic3A_823 = arith.negf %slice3A_822 : vector<1x16xf32>
    %logistic3A_824 = math.exp %logistic3A_823 : vector<1x16xf32>
    %logistic3A_825 = arith.constant 1.000000e+00 : f32
    %logistic3A_826 = vector.broadcast %logistic3A_825 : f32 to vector<1x16xf32>
    %logistic3A_827 = arith.addf %logistic3A_826, %logistic3A_824 : vector<1x16xf32>
    %logistic3A_828 = arith.divf %logistic3A_826, %logistic3A_827 : vector<1x16xf32>
    %slice3A_829 = vector.extract_strided_slice %add3A_814 {offsets = [0, 32], sizes = [1, 16], strides = [1, 1]} : vector<1x64xf32> to vector<1x16xf32>
    %tanh3A_830 = math.tanh %slice3A_829 : vector<1x16xf32>
    %slice3A_831 = vector.extract_strided_slice %add3A_814 {offsets = [0, 48], sizes = [1, 16], strides = [1, 1]} : vector<1x64xf32> to vector<1x16xf32>
    %logistic3A_832 = arith.negf %slice3A_831 : vector<1x16xf32>
    %logistic3A_833 = math.exp %logistic3A_832 : vector<1x16xf32>
    %logistic3A_834 = arith.constant 1.000000e+00 : f32
    %logistic3A_835 = vector.broadcast %logistic3A_834 : f32 to vector<1x16xf32>
    %logistic3A_836 = arith.addf %logistic3A_835, %logistic3A_833 : vector<1x16xf32>
    %logistic3A_837 = arith.divf %logistic3A_835, %logistic3A_836 : vector<1x16xf32>
    %mul3A_838 = arith.mulf %logistic3A_828, %add3A_703 : vector<1x16xf32>
    %mul3A_839 = arith.mulf %logistic3A_821, %tanh3A_830 : vector<1x16xf32>
    %add3A_840 = arith.addf %mul3A_838, %mul3A_839 : vector<1x16xf32>
    %tanh3A_841 = math.tanh %add3A_840 : vector<1x16xf32>
    %mul3A_842 = arith.mulf %logistic3A_837, %tanh3A_841 : vector<1x16xf32>
    %concatenate3A_843 = tpu.concatenate %mul3A_842, %mul3A_842, %mul3A_842, %mul3A_842, %mul3A_842, %mul3A_842, %mul3A_842, %mul3A_842 in 1 : vector<1x16xf32>, vector<1x16xf32>, vector<1x16xf32>, vector<1x16xf32>, vector<1x16xf32>, vector<1x16xf32>, vector<1x16xf32>, vector<1x16xf32> -> vector<1x128xf32>
    %mul3A_844 = vector.broadcast %concatenate3A_843 : vector<1x128xf32> to vector<1280x128xf32>
    %mul3A_845 = arith.mulf %get3A_1, %mul3A_844 : vector<1280x128xf32>
    %dot_general3A_846 = arith.constant dense<0.000000e+00> : vector<1280x8xf32>
    %dot_general3A_847 = tpu.matmul %mul3A_845, %get3A_4, %dot_general3A_846 {dimension_numbers = #tpu.dot_dimension_numbers<[1], [0], [0], [1], [0, 0, 1, 1], [], []>, transpose_lhs_hint = false} : vector<1280x128xf32>, vector<128x8xf32>, vector<1280x8xf32> -> vector<1280x8xf32>
    %jit3A_848 = arith.constant -1.000000e+30 : f32
    %broadcast_in_dim3A_849 = vector.broadcast %jit3A_848 : f32 to vector<1280x8xf32>
    %select_n3A_850 = arith.select %lt3A_15, %dot_general3A_847, %broadcast_in_dim3A_849 : vector<1280x8xi1>, vector<1280x8xf32>
    %reduce_max3A_851 = vector.shape_cast %select_n3A_850 : vector<1280x8xf32> to vector<1x1280x8xf32>
    %reduce_max3A_852 = arith.constant dense<0xFF800000> : vector<1xf32>
    %reduce_max3A_853 = vector.multi_reduction <maximumf>, %reduce_max3A_851, %reduce_max3A_852 [1, 2] : vector<1x1280x8xf32> to vector<1xf32>
    %reduce_max3A_854 = vector.shape_cast %reduce_max3A_853 : vector<1xf32> to vector<1x1x1xf32>
    %reduce_max3A_855 = vector.extract %reduce_max3A_854[0, 0, 0] : f32 from vector<1x1x1xf32>
    %sub3A_856 = vector.broadcast %reduce_max3A_855 : f32 to vector<1280x8xf32>
    %sub3A_857 = arith.subf %select_n3A_850, %sub3A_856 : vector<1280x8xf32>
    %exp3A_858 = math.exp %sub3A_857 : vector<1280x8xf32>
    %reduce_sum3A_859 = vector.shape_cast %exp3A_858 : vector<1280x8xf32> to vector<1x1280x8xf32>
    %reduce_sum3A_860 = arith.constant dense<0.000000e+00> : vector<1xf32>
    %reduce_sum3A_861 = vector.multi_reduction <add>, %reduce_sum3A_859, %reduce_sum3A_860 [1, 2] : vector<1x1280x8xf32> to vector<1xf32>
    %reduce_sum3A_862 = vector.shape_cast %reduce_sum3A_861 : vector<1xf32> to vector<1x1x1xf32>
    %reduce_sum3A_863 = vector.extract %reduce_sum3A_862[0, 0, 0] : f32 from vector<1x1x1xf32>
    %dot_general3A_864 = arith.constant dense<0.000000e+00> : vector<1280x128xf32>
    %dot_general3A_865 = tpu.matmul %exp3A_858, %get3A_7, %dot_general3A_864 {dimension_numbers = #tpu.dot_dimension_numbers<[1], [0], [0], [1], [0, 0, 1, 1], [], []>, transpose_lhs_hint = false} : vector<1280x8xf32>, vector<8x128xf32>, vector<1280x128xf32> -> vector<1280x128xf32>
    %mul3A_866 = arith.mulf %dot_general3A_865, %get3A_1 : vector<1280x128xf32>
    %reduce_sum3A_867 = arith.constant dense<0.000000e+00> : vector<128xf32>
    %reduce_sum3A_868 = vector.multi_reduction <add>, %mul3A_866, %reduce_sum3A_867 [0] : vector<1280x128xf32> to vector<128xf32>
    %broadcast_in_dim3A_869 = vector.shape_cast %reduce_sum3A_868 : vector<128xf32> to vector<1x128xf32>
    %div3A_870 = vector.broadcast %reduce_sum3A_863 : f32 to vector<1x128xf32>
    %div3A_871 = arith.divf %broadcast_in_dim3A_869, %div3A_870 : vector<1x128xf32>
    %dot_general3A_872 = arith.constant dense<0.000000e+00> : vector<1x16xf32>
    %dot_general3A_873 = tpu.matmul %div3A_871, %get3A_10, %dot_general3A_872 {dimension_numbers = #tpu.dot_dimension_numbers<[1], [0], [0], [1], [0, 0, 1, 1], [], []>, transpose_lhs_hint = false} : vector<1x128xf32>, vector<128x16xf32>, vector<1x16xf32> -> vector<1x16xf32>
    %concatenate3A_874 = tpu.concatenate %mul3A_842, %dot_general3A_873 in 1 : vector<1x16xf32>, vector<1x16xf32> -> vector<1x32xf32>
    %get3A_875 = arith.constant 0 : index
    %get3A_876 = arith.constant 0 : index
    %get3A_877 = vector.load %arg16[%get3A_875, %get3A_876] : memref<32x16xf32, #tpu.memory_space<vmem>>, vector<32x16xf32>
    %dot_general3A_878 = arith.constant dense<0.000000e+00> : vector<1x16xf32>
    %dot_general3A_879 = tpu.matmul %concatenate3A_874, %get3A_877, %dot_general3A_878 {dimension_numbers = #tpu.dot_dimension_numbers<[1], [0], [0], [1], [0, 0, 1, 1], [], []>, transpose_lhs_hint = false} : vector<1x32xf32>, vector<32x16xf32>, vector<1x16xf32> -> vector<1x16xf32>
    %get3A_880 = arith.constant 0 : index
    %get3A_881 = arith.constant 0 : index
    %get3A_882 = vector.load %arg17[%get3A_880, %get3A_881] : memref<1x16xf32, #tpu.memory_space<vmem>>, vector<1x16xf32>
    %add3A_883 = arith.addf %dot_general3A_879, %get3A_882 : vector<1x16xf32>
    %max3A = arith.constant 0.000000e+00 : f32
    %max3A_884 = vector.broadcast %max3A : f32 to vector<1x16xf32>
    %max3A_885 = arith.maximumf %add3A_883, %max3A_884 : vector<1x16xf32>
    %get3A_886 = arith.constant 0 : index
    %get3A_887 = arith.constant 0 : index
    %get3A_888 = vector.load %arg18[%get3A_886, %get3A_887] : memref<16x1xf32, #tpu.memory_space<vmem>>, vector<16x1xf32>
    %dot_general3A_889 = arith.constant dense<0.000000e+00> : vector<1x1xf32>
    %dot_general3A_890 = tpu.matmul %max3A_885, %get3A_888, %dot_general3A_889 {dimension_numbers = #tpu.dot_dimension_numbers<[1], [0], [0], [1], [0, 0, 1, 1], [], []>, transpose_lhs_hint = false} : vector<1x16xf32>, vector<16x1xf32>, vector<1x1xf32> -> vector<1x1xf32>
    %get3A_891 = arith.constant 0 : index
    %get3A_892 = arith.constant 0 : index
    %get3A_893 = vector.load %arg19[%get3A_891, %get3A_892] : memref<1x1xf32, #tpu.memory_space<vmem>>, vector<1x1xf32>
    %add3A_894 = arith.addf %dot_general3A_890, %get3A_893 : vector<1x1xf32>
    %swap3A = arith.constant 0 : index
    %swap3A_895 = arith.constant 0 : index
    %swap3A_896 = vector.load %arg20[%swap3A, %swap3A_895] : memref<1x1xf32, #tpu.memory_space<vmem>>, vector<1x1xf32>
    tpu.vector_store %arg20[%swap3A, %swap3A_895], %add3A_894 {strides = array<i32>} : memref<1x1xf32, #tpu.memory_space<vmem>>, vector<1x1xf32>,
    return
  }
}

</mosaic_0001>

<sc_bundles>
// kernel: kernel.29.cloned.1.call-start
scs
__scs_entry_jumppad:
0x0: {  	(pc) =	sbr.rel $0x88, $3  }
0x1: {  	(tag) =	ssettag $0x0;
	lr =	simm.s32 $0x1  }
0x2: {  	[smem:$0x3F83] =	sst lr;
	_ =	strace $0xD0000000  }
0x3: {  	_ = 	snop  }
0x4: {  	_ = 	snop  }
0x5: {  	_ = 	snop  }
0x6: {  	_ = 	snop  }
0x7: {  	_ = 	snop  }
__scs_overlays_trampoline_lowered:
0x8: {  	[smem:$0x3F92] =	sst s0  }
0x9: {  	[smem:$0x3F93] =	sst s1  }
0xa: {  	[smem:$0x3F94] =	sst s2  }
0xb: {  	[smem:$0x3F95] =	sst s3  }
0xc: {  	[smem:$0x3F96] =	sst s4  }
0xd: {  	[smem:$0x3F97] =	sst s5  }
0xe: {  	[smem:$0x3F98] =	sst s6  }
0xf: {  	[smem:$0x3F99] =	sst s7  }
0x10: {  	[smem:$0x3F9A] =	sst s8  }
0x11: {  	[smem:$0x3F9B] =	sst s9;
	s0 =	simm.s32 @!p0 $0x0  }
0x12: {  	s1 =	sld [smem:$0x3F81];
	s0 =	simm.s32 @p0 $0x1  }
0x13: {  	[smem:$0x3F9C] =	sst s0;
	s0 =	simm.s32 @!p1 $0x0  }
0x14: {  	s2 =	sld [smem:$0x3F80];
	s0 =	simm.s32 @p1 $0x1  }
0x15: {  	[smem:$0x3F9D] =	sst s0;
	s0 =	simm.s32 @!p2 $0x0  }
0x16: {  	s3 =	sld [smem:$0x3FDB];
	s0 =	simm.s32 @p2 $0x1  }
0x17: {  	s4 =	simm.s32 $0x1BF5;
	[smem:$0x3F9F] =	sst s0  }
0x18: {  	s0 =	sld [smem:$0x3F82];
	_ =	swait.ge [sflag:s4], $0x0  }
0x19: {  	s7 =	sld [smem:$0x3F83]  }
0x1a: {  	s8 =	sadd.s32 $0xFFFFE003, lr  }
0x1b: {  	s9 =	sadd.s32 $0xFFFFFEF7, lr;
	s5 =	simm.s32 $0xFFFFFFFF;
	p2 =	slt.u32 s8, $0xFFFFF086  }
0x1c: {  	p1 =	slt.u32 s9, $0xF7A;
	s5 =	simm.s32 @!p2 $0x0  }
0x1d: {  	s5 =	simm.s32 @p1 $0x1;
	p0 =	seq.s32 s7, s2  }
0x1e: {  	s7 =	smul.u32 @!p0 $0xF7A, s2;
	p2 =	seq.s32 @!p0 s5, $0x0  }
0x1f: {  	s9 =	smul.u32 $0xF7A, s1;
	s8 =	simm.s32 @!p0 $0x1BF5;
	p2 =	por !p2, p0  }
0x20: {  	[sflag:s8] =	ssyncset.s32 @!p0 $0xFFFFF086;
	s6 =	sadd.s32 @!p0 s3, s7;
	s7 =	simm.s32 @!p0 $0x108  }
0x21: {  	s3 =	sadd.s32 s3, s9;
	s6 =	sadd.s32 @!p0 $0x88, s6;
	s7 =	simm.s32 @p2 $0x1082  }
0x22: {  	[simem:s7], [sflag:s8] =	dma.local @!p0 [hbm:s6], $0xF7A  }
0x23: {  	s9 =	sor.u32 $0xD0000000, s2;
	s6 =	simm.s32 $0x108;
	_ =	swait.ge @!p0 [sflag:s8], $0x0  }
0x24: {  	s3 =	sadd.s32 $0x88, s3;
	s6 =	simm.s32 @!p1 $0x1082;
	[sflag:s4] =	ssyncset.s32 $0xFFFFF086  }
0x25: {  	[simem:s6], [sflag:s4] =	dma.local [hbm:s3], $0xF7A  }
0x26: {  	[smem:$0x3F83] =	sst s1;
	(tag) =	ssettag s2;
	_ =	strace s9  }
0x27: {  	s1 =	sld [smem:$0x3F93]  }
0x28: {  	s2 =	sld [smem:$0x3F94]  }
0x29: {  	s4 =	sld [smem:$0x3F96]  }
0x2a: {  	p0 =	seq.s32 s5, $0x0;
	s5 =	sld [smem:$0x3F97]  }
0x2b: {  	s6 =	sld [smem:$0x3F98]  }
0x2c: {  	s7 =	sld [smem:$0x3F99]  }
0x2d: {  	s3 =	simm.s32 $0x108;
	s8 =	sld [smem:$0x3F9A]  }
0x2e: {  	s3 =	simm.s32 @!p0 $0x1082;
	s9 =	sld [smem:$0x3F9B]  }
0x2f: {  	lr =	sadd.s32 s0, s3;
	s0 =	sld [smem:$0x3F92]  }
0x30: {  	s3 =	sld [smem:$0x3F95]  }
0x31: {  	[smem:$0x3F9E] =	sst s10  }
0x32: {  	s10 =	sld [smem:$0x3F9C];
	_ =	sdelay $0x3  }
0x33: {  	p0 =	seq.s32 s10, $0x1;
	s10 =	sld [smem:$0x3F9E];
	_ =	sdelay $0x3  }
0x34: {  	[smem:$0x3F9E] =	sst s10  }
0x35: {  	s10 =	sld [smem:$0x3F9D];
	_ =	sdelay $0x3  }
0x36: {  	p1 =	seq.s32 s10, $0x1;
	s10 =	sld [smem:$0x3F9E];
	_ =	sdelay $0x3  }
0x37: {  	[smem:$0x3F9E] =	sst s10  }
0x38: {  	s10 =	sld [smem:$0x3F9F]  }
0x39: {  	_ = 	snop;
	(pc) =	sbr.ind lr, $3  }
0x3a: {  	_ = 	snop  }
0x3b: {  	_ = 	snop  }
0x3c: {  	p2 =	seq.s32 s10, $0x1;
	s10 =	sld [smem:$0x3F9E]  }
0x3d: {  	_ =	shalt  }
0x3e: {  	_ =	shalt  }
0x3f: {  	_ =	shalt  }
0x40: {  	_ =	shalt  }
0x41: {  	_ =	shalt  }
0x42: {  	_ =	shalt  }
0x43: {  	_ =	shalt  }
0x44: {  	_ =	shalt  }
0x45: {  	_ =	shalt  }
0x46: {  	_ =	shalt  }
0x47: {  	_ =	shalt  }
0x48: {  	_ =	shalt  }
0x49: {  	_ =	shalt  }
0x4a: {  	_ =	shalt  }
0x4b: {  	_ =	shalt  }
0x4c: {  	_ =	shalt  }
0x4d: {  	_ =	shalt  }
0x4e: {  	_ =	shalt  }
0x4f: {  	_ =	shalt  }
0x50: {  	_ =	shalt  }
0x51: {  	_ =	shalt  }
0x52: {  	_ =	shalt  }
0x53: {  	_ =	shalt  }
0x54: {  	_ =	shalt  }
0x55: {  	_ =	shalt  }
0x56: {  	_ =	shalt  }
0x57: {  	_ =	shalt  }
0x58: {  	_ =	shalt  }
0x59: {  	_ =	shalt  }
0x5a: {  	_ =	shalt  }
0x5b: {  	_ =	shalt  }
0x5c: {  	_ =	shalt  }
0x5d: {  	_ =	shalt  }
0x5e: {  	_ =	shalt  }
0x5f: {  	_ =	shalt  }
0x60: {  	_ =	shalt  }
0x61: {  	_ =	shalt  }
0x62: {  	_ =	shalt  }
0x63: {  	_ =	shalt  }
0x64: {  	_ =	shalt  }
0x65: {  	_ =	shalt  }
0x66: {  	_ =	shalt  }
0x67: {  	_ =	shalt  }
0x68: {  	_ =	shalt  }
0x69: {  	_ =	shalt  }
0x6a: {  	_ =	shalt  }
0x6b: {  	_ =	shalt  }
0x6c: {  	_ =	shalt  }
0x6d: {  	_ =	shalt  }
0x6e: {  	_ =	shalt  }
0x6f: {  	_ =	shalt  }
0x70: {  	_ =	shalt  }
0x71: {  	_ =	shalt  }
0x72: {  	_ =	shalt  }
0x73: {  	_ =	shalt  }
0x74: {  	_ =	shalt  }
0x75: {  	_ =	shalt  }
0x76: {  	_ =	shalt  }
0x77: {  	_ =	shalt  }
0x78: {  	_ =	shalt  }
0x79: {  	_ =	shalt  }
0x7a: {  	_ =	shalt  }
0x7b: {  	_ =	shalt  }
0x7c: {  	_ =	shalt  }
0x7d: {  	_ =	shalt  }
0x7e: {  	_ =	shalt  }
0x7f: {  	_ =	shalt  }
0x80: {  	_ =	shalt  }
0x81: {  	_ =	shalt  }
0x82: {  	_ =	shalt  }
0x83: {  	_ =	shalt  }
0x84: {  	_ =	shalt  }
0x85: {  	_ =	shalt  }
0x86: {  	_ =	shalt  }
0x87: {  	_ =	shalt  }
.Lfunc_end0:
.L_simem_size_0:
called_computation_lowered:
.L_overlay_start_0:
0x88: {  	s2 =	sld [smem:$0x3FD9]  }
0x89: {  	s3 =	sld [smem:$0x3FFE];
	_ =	sdelay $0x1  }
0x8a: {  	s1 =	srdreg.scid  }
0x8b: {  	s0 =	sand.u32 $0x1, s1  }
0x8c: {  	s16 =	sshll.u32 s0, $0xA;
	s2 =	sadd.s32 s3, s2  }
0x8d: {  	s2 =	sadd.s32 s2, s16  }
0x8e: {  	[smem:$0x3FAA] =	sst s2  }
0x8f: {  	_ = 	snop  }
0x90: {  	(tm) =	ssettm $0x1  }
0x91: {  	s17 =	sld [smem:$0x3FFB];
	_ =	sdelay $0x3  }
0x92: {  	_ =	strace s17  }
0x93: {  	s2 =	sld [smem:$0x3FFC];
	_ =	sdelay $0x3  }
0x94: {  	_ =	strace s2  }
0x95: {  	s2 =	sld [smem:$0x3FFD];
	_ =	sdelay $0x3  }
0x96: {  	_ =	strace s2  }
0x97: {  	_ =	strace $0x8FFFFFFF  }
0x98: {  	s18 =	sld [smem:$0x3FDB];
	_ =	sdelay $0x1  }
0x99: {  	s19 =	simm.s32 $_scs_section_size  }
0x9a: {  	s4 =	simm.s32 $_size__tile_overlayer_lowered;
	s5 =	simm.s32 $_tile_overlayer_lowered  }
0x9b: {  	s22 =	simm.s32 $0x1BFF;
	s21 =	sshll.u32 s5, $0x1;
	s2 =	sadd.s32 s19, s18  }
0x9c: {  	s6 =	simm.s32 $0x0;
	s20 =	sshll.u32 s4, $0x1;
	s4 =	sadd.s32 s21, s2  }
0x9d: {  	[timem:s6], [sflag:s22] =	dma.local [hbm:s4], s20  }
0x9e: {  	_ =	swait.ge [sflag:s22], s20  }
0x9f: {  	s3 =	ssub.s32 $0x0, s20;
	[sflag:s22] =	ssyncset.done $0x0  }
0xa0: {  	[sflag:s22] =	ssyncadd.s32 s3;
	_ =	sdelay $0x1  }
0xa1: {  	s23 =	simm.s32 $0x1B8B  }
0xa2: {  	_ =	swait.ge [sflag:s23], $0x1  }
0xa3: {  	[sflag:s23] =	ssyncset.done $0x0  }
0xa4: {  	s25 =	simm.s32 $0x1B8E;
	s24 =	sld [smem:$0x3FFE];
	[sflag:s23] =	ssyncadd.s32 $0xFFFFFFFF  }
0xa5: {  	s26 =	simm.s32 $execute0_lowered;
	[smem:$0x3FD2] =	sst s25  }
0xa6: {  	s4 =	sshll.u32 s26, $0x1;
	_ =	strace $0x80000046;
	[dreg:$0x1] =	wrdreg $0xFFFFFFFF  }
0xa7: {  	s28 =	simm.s32 $_size_execute0_lowered;
	s2 =	sadd.s32 s2, s4;
	[dreg:$0x0] =	wrdreg $0x0  }
0xa8: {  	s4 =	sshll.u32 s28, $0x1;
	[dreg:$0x2] =	wrdreg s2  }
0xa9: {  	[dreg:$0x3] =	wrdreg s4  }
0xaa: {  	[dreg:$0x4] =	wrdreg $0xC0  }
0xab: {  	_ =	task [dreg:s6], $0x5FFFF  }
0xac: {  	[dreg:$0x1] =	wrdreg $0xFFFFFFFF  }
0xad: {  	[dreg:$0x0] =	wrdreg $0x60  }
0xae: {  	[dreg:$0x2] =	wrdreg s24  }
0xaf: {  	[dreg:$0x3] =	wrdreg $0x9  }
0xb0: {  	_ =	task.clear_ibuf [dreg:s6], $0x4FFFF;
	_ =	strace $0x90000046  }
0xb1: {  	s29 =	simm.s32 $0x9;
	_ =	strace $0x80000048  }
0xb2: {  	_ =	swait.ge [sflag:s29], $0x1  }
0xb3: {  	[sflag:s29] =	ssyncadd.s32 $0xFFFFFFFF  }
0xb4: {  	_ =	strace $0x90000048  }
0xb5: {  	_ =	sfence  }
0xb6: {  	s30 =	sld [smem:$0x0];
	_ =	sdelay $0x2  }
0xb7: {  	s31 =	sshll.u32 s1, $0xD;
	s1 =	sshrl.u32 s1, $0x2  }
0xb8: {  	s3 =	sand.u32 $0x4000, s31;
	s1 =	sadd.s32 s1, s30  }
0xb9: {  	s0 =	sor.u32 s3, s0;
	s1 =	sshll.u32 s1, $0x11  }
0xba: {  	s0 =	sor.u32 s1, s0  }
0xbb: {  	s0 =	sadd.s32 $0x8F2B, s0  }
0xbc: {  	[sflag:s0] =	ssyncadd.remote.s32 $0x1  }
0xbd: {  	_ =	sfence.sel $0xFFFF  }
0xbe: {  	[dreg:$0x0] =	wrdreg $0xFFFFFFFF;
	(pc) =	sbr.abs _section_cstart, $3  }
0xbf: {  	[dreg:$0x1] =	wrdreg $0xFFFFFFFF  }
0xc0: {  	_ =	task.clear_ibuf [dreg:s6], $0x2FFFF;
	_ =	strace $0x9FFFFFFF  }
0xc1: {  	(tm) =	ssettm $0x7FFFFFFF  }
tec
execute0_lowered:
.L_overlay_start_1:
0x0: {  	(tag) =	ssettag $0x1  }
0x1: {  	s1 =	srdreg.scid;
	s0 =	stileid.u32  }
0x2: {  	s6 =	sand.u32 $0x1, s1;
	s30 =	sshll.u32 s0, $0x1  }
0x3: {  	s8 =	rddreg [dreg:$0x0];
	s7 =	sor.u32 s6, s30  }
0x4: {  	s2 =	simm.s32 $0x0;
	s1 =	rddreg [dreg:$0x1];
	s3 =	smul.u32 $0x280, s7  }
0x5: {  	[smem:$0x7FF] =	sst s2;
	s5 =	sadd.s32 $0x10400, s8  }
0x6: {  	_ =	strace $0x80000047;
	s10 =	ssub.s32 $0x2, s6;
	s3 =	sadd.s32 s3, s8  }
0x7: {  	s6 =	simm.s32 $0x1400;
	s4 =	sadd.s32 $0xB400, s3;
	s3 =	simm.s32 $0x2  }
0x8: {  	[tilespmem:s2], [sflag:$0x2] =	stream.linear.gather [hbm4b:s4+s2], $0x1400, $0x38;
	[tilespmem:$0x15400] =	vst v63  }
0x9: {  	s9 =	smul.u32 $0x2800, s7;
	s11 =	sshrl.u32 s10, $0x1;
	_ =	swait.ge [sflag:s3], $0x1400  }
0xa: {  	s7 =	simm.s32 $0x1;
	s31 =	ssub.s32 s10, s11;
	[sflag:s3] =	ssyncset.done $0x0  }
0xb: {  	s8 =	sadd.s32 s9, s8;
	s9 =	smax.u32 s31, $0x1;
	[sflag:s3] =	ssyncadd.s32 $0xFFFFEC00  }
0xc: {  	[tilespmem:s6], [sflag:$0x1] =	stream.indirect.gather [hbm4b:s5+s6], $0x10, s2, s6, $0xb8;
	[tilespmem:$0x15400] =	vst v63  }
0xd: {  	p0 =	sne.s32 s9, $0x1;
	_ =	swait.ge [sflag:s7], $0x14000  }
.Ltmp0:
0xe: {  	[sflag:s7] =	ssyncset.done $0x0;
	(pc) =	sbr.rel @!p0 .LBB2_2-.Ltmp0, $4  }
0xf: {  	s8 =	sadd.s32 $0x15400, s8;
	[sflag:s7] =	ssyncadd.s32 $0xFFFEC000  }
0x10: {  	[hbm4b:s8+s2] =	stream.linear.scatter [tilespmem:s6], [sflag:$0x2], $0x14000, $0x38;
	[tilespmem:$0x15400] =	vst v63  }
0x11: {  	_ =	swait.ge [sflag:s3], $0x14000  }
0x12: {  	s9 =	sadd.s32 $0xFFFFFFFF, s9;
	[sflag:s3] =	ssyncset.done $0x0  }
.LBB2_1:
0x13: {  	p0 =	sne.s32 s9, $0x1;
	s9 =	sadd.s32 $0xFFFFFFFF, s9;
	[sflag:s3] =	ssyncadd.s32 $0xFFFEC000  }
0x14: {  	[tilespmem:s2], [sflag:$0x2] =	stream.linear.gather [hbm4b:s4+s2], $0x1400, $0x38;
	[tilespmem:$0x15400] =	vst v63  }
0x15: {  	_ =	swait.ge [sflag:s3], $0x1400  }
0x16: {  	[sflag:s3] =	ssyncset.done $0x0  }
0x17: {  	[sflag:s3] =	ssyncadd.s32 $0xFFFFEC00  }
0x18: {  	[tilespmem:s6], [sflag:$0x1] =	stream.indirect.gather [hbm4b:s5+s6], $0x10, s2, s6, $0xb8;
	[tilespmem:$0x15400] =	vst v63  }
0x19: {  	_ =	swait.ge [sflag:s7], $0x14000  }
.Ltmp1:
0x1a: {  	[sflag:s7] =	ssyncset.done $0x0;
	(pc) =	sbr.rel @p0 .LBB2_1-.Ltmp1, $4  }
0x1b: {  	[sflag:s7] =	ssyncadd.s32 $0xFFFEC000  }
0x1c: {  	[hbm4b:s8+s2] =	stream.linear.scatter [tilespmem:s6], [sflag:$0x2], $0x14000, $0x38;
	[tilespmem:$0x15400] =	vst v63  }
0x1d: {  	_ =	swait.ge [sflag:s3], $0x14000  }
0x1e: {  	[sflag:s3] =	ssyncset.done $0x0  }
.LBB2_2:
0x1f: {  	[sflag:s3] =	ssyncadd.s32 $0xFFFEC000  }
0x20: {  	_ =	sfence.sel $0x180000  }
0x21: {  	[bflag:$0x0] =	sbarrier.arrive $0xFFFF  }
0x22: {  	p0 =	sne.s32 s0, $0x0;
	_ =	strace $0x90000047  }
0x23: {  	s0 =	sadd.s32 @!p0 $0x100000, s1;
	[bflag:$0x2] =	sbarrier.arrive $0xFFFF  }
0x24: {  	[sflag:s0] =	ssyncadd.tile.s32 @!p0 $0x1;
	_ =	shalt  }
.Lfunc_end2:
_tile_overlayer_lowered:
.L_overlay_start_2:
0x25: {  	(tag) =	ssettag $0x2  }
0x26: {  	s0 =	rddreg [dreg:$0x0];
	s2 =	stileid.u32  }
0x27: {  	s1 =	rddreg [dreg:$0x1];
	p0 =	sne.s32 s2, $0x0  }
0x28: {  	s3 =	rddreg [dreg:$0x2];
	[bflag:$0x3] =	sbarrier.arrive $0xFFFF;
	s2 =	simm.s32 @!p0 $0x1C02  }
0x29: {  	[timem:s3], [sflag:s2] =	dma.local @!p0 [hbm:s0], s1  }
0x2a: {  	s0 =	simm.s32 @!p0 $0x2  }
0x2b: {  	_ =	swait.ge @!p0 [sflag:s0], s1  }
0x2c: {  	s1 =	ssub.s32 @!p0 $0x0, s1;
	[sflag:s0] =	ssyncset.done @!p0 $0x0  }
0x2d: {  	[sflag:s0] =	ssyncadd.s32 @!p0 s1  }
0x2e: {  	[bflag:$0x3] =	sbarrier.arrive $0xFFFF  }
0x2f: {  	_ =	shalt  }

// kernel: kernel.32.cloned.1.call-start
scs
__scs_entry_jumppad:
0x0: {  	(pc) =	sbr.rel $0x88, $3  }
0x1: {  	(tag) =	ssettag $0x0;
	lr =	simm.s32 $0x1  }
0x2: {  	[smem:$0x3F83] =	sst lr;
	_ =	strace $0xD0000000  }
0x3: {  	_ = 	snop  }
0x4: {  	_ = 	snop  }
0x5: {  	_ = 	snop  }
0x6: {  	_ = 	snop  }
0x7: {  	_ = 	snop  }
__scs_overlays_trampoline_lowered:
0x8: {  	[smem:$0x3F92] =	sst s0  }
0x9: {  	[smem:$0x3F93] =	sst s1  }
0xa: {  	[smem:$0x3F94] =	sst s2  }
0xb: {  	[smem:$0x3F95] =	sst s3  }
0xc: {  	[smem:$0x3F96] =	sst s4  }
0xd: {  	[smem:$0x3F97] =	sst s5  }
0xe: {  	[smem:$0x3F98] =	sst s6  }
0xf: {  	[smem:$0x3F99] =	sst s7  }
0x10: {  	[smem:$0x3F9A] =	sst s8  }
0x11: {  	[smem:$0x3F9B] =	sst s9;
	s0 =	simm.s32 @!p0 $0x0  }
0x12: {  	s1 =	sld [smem:$0x3F81];
	s0 =	simm.s32 @p0 $0x1  }
0x13: {  	[smem:$0x3F9C] =	sst s0;
	s0 =	simm.s32 @!p1 $0x0  }
0x14: {  	s2 =	sld [smem:$0x3F80];
	s0 =	simm.s32 @p1 $0x1  }
0x15: {  	[smem:$0x3F9D] =	sst s0;
	s0 =	simm.s32 @!p2 $0x0  }
0x16: {  	s3 =	sld [smem:$0x3FDB];
	s0 =	simm.s32 @p2 $0x1  }
0x17: {  	s4 =	simm.s32 $0x1BF5;
	[smem:$0x3F9F] =	sst s0  }
0x18: {  	s0 =	sld [smem:$0x3F82];
	_ =	swait.ge [sflag:s4], $0x0  }
0x19: {  	s7 =	sld [smem:$0x3F83]  }
0x1a: {  	s8 =	sadd.s32 $0xFFFFE003, lr  }
0x1b: {  	s9 =	sadd.s32 $0xFFFFFEF7, lr;
	s5 =	simm.s32 $0xFFFFFFFF;
	p2 =	slt.u32 s8, $0xFFFFF086  }
0x1c: {  	p1 =	slt.u32 s9, $0xF7A;
	s5 =	simm.s32 @!p2 $0x0  }
0x1d: {  	s5 =	simm.s32 @p1 $0x1;
	p0 =	seq.s32 s7, s2  }
0x1e: {  	s7 =	smul.u32 @!p0 $0xF7A, s2;
	p2 =	seq.s32 @!p0 s5, $0x0  }
0x1f: {  	s9 =	smul.u32 $0xF7A, s1;
	s8 =	simm.s32 @!p0 $0x1BF5;
	p2 =	por !p2, p0  }
0x20: {  	[sflag:s8] =	ssyncset.s32 @!p0 $0xFFFFF086;
	s6 =	sadd.s32 @!p0 s3, s7;
	s7 =	simm.s32 @!p0 $0x108  }
0x21: {  	s3 =	sadd.s32 s3, s9;
	s6 =	sadd.s32 @!p0 $0x88, s6;
	s7 =	simm.s32 @p2 $0x1082  }
0x22: {  	[simem:s7], [sflag:s8] =	dma.local @!p0 [hbm:s6], $0xF7A  }
0x23: {  	s9 =	sor.u32 $0xD0000000, s2;
	s6 =	simm.s32 $0x108;
	_ =	swait.ge @!p0 [sflag:s8], $0x0  }
0x24: {  	s3 =	sadd.s32 $0x88, s3;
	s6 =	simm.s32 @!p1 $0x1082;
	[sflag:s4] =	ssyncset.s32 $0xFFFFF086  }
0x25: {  	[simem:s6], [sflag:s4] =	dma.local [hbm:s3], $0xF7A  }
0x26: {  	[smem:$0x3F83] =	sst s1;
	(tag) =	ssettag s2;
	_ =	strace s9  }
0x27: {  	s1 =	sld [smem:$0x3F93]  }
0x28: {  	s2 =	sld [smem:$0x3F94]  }
0x29: {  	s4 =	sld [smem:$0x3F96]  }
0x2a: {  	p0 =	seq.s32 s5, $0x0;
	s5 =	sld [smem:$0x3F97]  }
0x2b: {  	s6 =	sld [smem:$0x3F98]  }
0x2c: {  	s7 =	sld [smem:$0x3F99]  }
0x2d: {  	s3 =	simm.s32 $0x108;
	s8 =	sld [smem:$0x3F9A]  }
0x2e: {  	s3 =	simm.s32 @!p0 $0x1082;
	s9 =	sld [smem:$0x3F9B]  }
0x2f: {  	lr =	sadd.s32 s0, s3;
	s0 =	sld [smem:$0x3F92]  }
0x30: {  	s3 =	sld [smem:$0x3F95]  }
0x31: {  	[smem:$0x3F9E] =	sst s10  }
0x32: {  	s10 =	sld [smem:$0x3F9C];
	_ =	sdelay $0x3  }
0x33: {  	p0 =	seq.s32 s10, $0x1;
	s10 =	sld [smem:$0x3F9E];
	_ =	sdelay $0x3  }
0x34: {  	[smem:$0x3F9E] =	sst s10  }
0x35: {  	s10 =	sld [smem:$0x3F9D];
	_ =	sdelay $0x3  }
0x36: {  	p1 =	seq.s32 s10, $0x1;
	s10 =	sld [smem:$0x3F9E];
	_ =	sdelay $0x3  }
0x37: {  	[smem:$0x3F9E] =	sst s10  }
0x38: {  	s10 =	sld [smem:$0x3F9F]  }
0x39: {  	_ = 	snop;
	(pc) =	sbr.ind lr, $3  }
0x3a: {  	_ = 	snop  }
0x3b: {  	_ = 	snop  }
0x3c: {  	p2 =	seq.s32 s10, $0x1;
	s10 =	sld [smem:$0x3F9E]  }
0x3d: {  	_ =	shalt  }
0x3e: {  	_ =	shalt  }
0x3f: {  	_ =	shalt  }
0x40: {  	_ =	shalt  }
0x41: {  	_ =	shalt  }
0x42: {  	_ =	shalt  }
0x43: {  	_ =	shalt  }
0x44: {  	_ =	shalt  }
0x45: {  	_ =	shalt  }
0x46: {  	_ =	shalt  }
0x47: {  	_ =	shalt  }
0x48: {  	_ =	shalt  }
0x49: {  	_ =	shalt  }
0x4a: {  	_ =	shalt  }
0x4b: {  	_ =	shalt  }
0x4c: {  	_ =	shalt  }
0x4d: {  	_ =	shalt  }
0x4e: {  	_ =	shalt  }
0x4f: {  	_ =	shalt  }
0x50: {  	_ =	shalt  }
0x51: {  	_ =	shalt  }
0x52: {  	_ =	shalt  }
0x53: {  	_ =	shalt  }
0x54: {  	_ =	shalt  }
0x55: {  	_ =	shalt  }
0x56: {  	_ =	shalt  }
0x57: {  	_ =	shalt  }
0x58: {  	_ =	shalt  }
0x59: {  	_ =	shalt  }
0x5a: {  	_ =	shalt  }
0x5b: {  	_ =	shalt  }
0x5c: {  	_ =	shalt  }
0x5d: {  	_ =	shalt  }
0x5e: {  	_ =	shalt  }
0x5f: {  	_ =	shalt  }
0x60: {  	_ =	shalt  }
0x61: {  	_ =	shalt  }
0x62: {  	_ =	shalt  }
0x63: {  	_ =	shalt  }
0x64: {  	_ =	shalt  }
0x65: {  	_ =	shalt  }
0x66: {  	_ =	shalt  }
0x67: {  	_ =	shalt  }
0x68: {  	_ =	shalt  }
0x69: {  	_ =	shalt  }
0x6a: {  	_ =	shalt  }
0x6b: {  	_ =	shalt  }
0x6c: {  	_ =	shalt  }
0x6d: {  	_ =	shalt  }
0x6e: {  	_ =	shalt  }
0x6f: {  	_ =	shalt  }
0x70: {  	_ =	shalt  }
0x71: {  	_ =	shalt  }
0x72: {  	_ =	shalt  }
0x73: {  	_ =	shalt  }
0x74: {  	_ =	shalt  }
0x75: {  	_ =	shalt  }
0x76: {  	_ =	shalt  }
0x77: {  	_ =	shalt  }
0x78: {  	_ =	shalt  }
0x79: {  	_ =	shalt  }
0x7a: {  	_ =	shalt  }
0x7b: {  	_ =	shalt  }
0x7c: {  	_ =	shalt  }
0x7d: {  	_ =	shalt  }
0x7e: {  	_ =	shalt  }
0x7f: {  	_ =	shalt  }
0x80: {  	_ =	shalt  }
0x81: {  	_ =	shalt  }
0x82: {  	_ =	shalt  }
0x83: {  	_ =	shalt  }
0x84: {  	_ =	shalt  }
0x85: {  	_ =	shalt  }
0x86: {  	_ =	shalt  }
0x87: {  	_ =	shalt  }
.Lfunc_end0:
.L_simem_size_0:
called_computation.1_lowered:
.L_overlay_start_0:
0x88: {  	s2 =	sld [smem:$0x3FD9]  }
0x89: {  	s3 =	sld [smem:$0x3FFE];
	_ =	sdelay $0x1  }
0x8a: {  	s1 =	srdreg.scid  }
0x8b: {  	s0 =	sand.u32 $0x1, s1  }
0x8c: {  	s16 =	sshll.u32 s0, $0xA;
	s2 =	sadd.s32 s3, s2  }
0x8d: {  	s2 =	sadd.s32 s2, s16  }
0x8e: {  	[smem:$0x3FAA] =	sst s2  }
0x8f: {  	_ = 	snop  }
0x90: {  	(tm) =	ssettm $0x1  }
0x91: {  	s17 =	sld [smem:$0x3FFB];
	_ =	sdelay $0x3  }
0x92: {  	_ =	strace s17  }
0x93: {  	s2 =	sld [smem:$0x3FFC];
	_ =	sdelay $0x3  }
0x94: {  	_ =	strace s2  }
0x95: {  	s2 =	sld [smem:$0x3FFD];
	_ =	sdelay $0x3  }
0x96: {  	_ =	strace s2  }
0x97: {  	_ =	strace $0x8FFFFFFF  }
0x98: {  	s18 =	sld [smem:$0x3FDB];
	_ =	sdelay $0x1  }
0x99: {  	s19 =	simm.s32 $_scs_section_size  }
0x9a: {  	s4 =	simm.s32 $_size__tile_overlayer_lowered;
	s5 =	simm.s32 $_tile_overlayer_lowered  }
0x9b: {  	s22 =	simm.s32 $0x1BFF;
	s21 =	sshll.u32 s5, $0x1;
	s2 =	sadd.s32 s19, s18  }
0x9c: {  	s6 =	simm.s32 $0x0;
	s20 =	sshll.u32 s4, $0x1;
	s4 =	sadd.s32 s21, s2  }
0x9d: {  	[timem:s6], [sflag:s22] =	dma.local [hbm:s4], s20  }
0x9e: {  	_ =	swait.ge [sflag:s22], s20  }
0x9f: {  	s3 =	ssub.s32 $0x0, s20;
	[sflag:s22] =	ssyncset.done $0x0  }
0xa0: {  	[sflag:s22] =	ssyncadd.s32 s3;
	_ =	sdelay $0x1  }
0xa1: {  	s23 =	simm.s32 $0x1B8B  }
0xa2: {  	_ =	swait.ge [sflag:s23], $0x1  }
0xa3: {  	[sflag:s23] =	ssyncset.done $0x0  }
0xa4: {  	s25 =	simm.s32 $0x1B8E;
	s24 =	sld [smem:$0x3FFE];
	[sflag:s23] =	ssyncadd.s32 $0xFFFFFFFF  }
0xa5: {  	s26 =	simm.s32 $execute0_lowered;
	[smem:$0x3FD2] =	sst s25  }
0xa6: {  	s4 =	sshll.u32 s26, $0x1;
	_ =	strace $0x80000049;
	[dreg:$0x1] =	wrdreg $0xFFFFFFFF  }
0xa7: {  	s28 =	simm.s32 $_size_execute0_lowered;
	s2 =	sadd.s32 s2, s4;
	[dreg:$0x0] =	wrdreg $0x0  }
0xa8: {  	s4 =	sshll.u32 s28, $0x1;
	[dreg:$0x2] =	wrdreg s2  }
0xa9: {  	[dreg:$0x3] =	wrdreg s4  }
0xaa: {  	[dreg:$0x4] =	wrdreg $0xC0  }
0xab: {  	_ =	task [dreg:s6], $0x5FFFF  }
0xac: {  	[dreg:$0x1] =	wrdreg $0xFFFFFFFF  }
0xad: {  	[dreg:$0x0] =	wrdreg $0x60  }
0xae: {  	[dreg:$0x2] =	wrdreg s24  }
0xaf: {  	[dreg:$0x3] =	wrdreg $0x154000  }
0xb0: {  	[dreg:$0x4] =	wrdreg $0x9  }
0xb1: {  	_ =	task.clear_ibuf [dreg:s6], $0x5FFFF;
	_ =	strace $0x90000049  }
0xb2: {  	s29 =	simm.s32 $0x9;
	_ =	strace $0x8000004B  }
0xb3: {  	_ =	swait.ge [sflag:s29], $0x1  }
0xb4: {  	[sflag:s29] =	ssyncadd.s32 $0xFFFFFFFF  }
0xb5: {  	_ =	strace $0x9000004B  }
0xb6: {  	_ =	sfence  }
0xb7: {  	s30 =	sld [smem:$0x0];
	_ =	sdelay $0x2  }
0xb8: {  	s31 =	sshll.u32 s1, $0xD;
	s1 =	sshrl.u32 s1, $0x2  }
0xb9: {  	s3 =	sand.u32 $0x4000, s31;
	s1 =	sadd.s32 s1, s30  }
0xba: {  	s0 =	sor.u32 s3, s0;
	s1 =	sshll.u32 s1, $0x11  }
0xbb: {  	s0 =	sor.u32 s1, s0  }
0xbc: {  	s0 =	sadd.s32 $0x8F2B, s0  }
0xbd: {  	[sflag:s0] =	ssyncadd.remote.s32 $0x1  }
0xbe: {  	_ =	sfence.sel $0xFFFF  }
0xbf: {  	[dreg:$0x0] =	wrdreg $0xFFFFFFFF;
	(pc) =	sbr.abs _section_cstart, $3  }
0xc0: {  	[dreg:$0x1] =	wrdreg $0xFFFFFFFF  }
0xc1: {  	_ =	task.clear_ibuf [dreg:s6], $0x2FFFF;
	_ =	strace $0x9FFFFFFF  }
0xc2: {  	(tm) =	ssettm $0x7FFFFFFF  }
0xc3: {  	_ =	shalt  }
tec
execute0_lowered:
.L_overlay_start_1:
0x0: {  	(tag) =	ssettag $0x1  }
0x1: {  	s1 =	srdreg.scid;
	s5 =	rddreg [dreg:$0x0]  }
0x2: {  	s0 =	stileid.u32;
	s2 =	rddreg [dreg:$0x1]  }
0x3: {  	s3 =	simm.s32 $0x0;
	s13 =	simm.s32 $0x0;
	s8 =	smul.u32 $0x2800, s0  }
0x4: {  	s4 =	sand.u32 $0x1, s1;
	s26 =	sshll.u32 s0, $0x1;
	s9 =	smul.u32 $0x500, s0  }
0x5: {  	[smem:$0x7FF] =	sst s3;
	s1 =	sor.u32 s4, s26;
	s10 =	smul.u32 $0x5000, s4  }
0x6: {  	s31 =	sshll.u32 s0, $0x6;
	s4 =	ssub.s32 $0x2, s4;
	s6 =	smul.u32 $0x2800, s1  }
0x7: {  	s7 =	smul.u32 $0x280, s1;
	s1 =	rddreg [dreg:$0x2];
	_ =	strace $0x8000004A  }
0x8: {  	s29 =	sshrl.u32 s8, $0x3;
	s30 =	sshrl.u32 s4, $0x1;
	s12 =	sadd.s32 s8, s2  }
0x9: {  	s9 =	sadd.s32 s9, s10;
	s10 =	ssub.s32 s4, s30;
	s11 =	sadd.s32 s6, s5  }
0xa: {  	s28 =	sadd.s32 s7, s5;
	s7 =	sadd.s32 s29, s5;
	s9 =	sadd.s32 s9, s5  }
0xb: {  	s5 =	sor.u32 $0x1C01, s31;
	s4 =	sadd.s32 $0x2EA800, s7;
	s6 =	sadd.s32 $0x65800, s28  }
0xc: {  	s7 =	sadd.s32 $0x15400, s11;
	s8 =	sadd.s32 $0x2EF800, s9;
	s9 =	smax.u32 s10, $0x1  }
0xd: {  	s10 =	sshrl.u32 s12, $0x3;
	s11 =	simm.s32 $0x1;
	s12 =	simm.s32 $0x80  }
.LBB2_1:
0xe: {  	[spmem:s10], [sflag:s5] =	dma.local [hbm:s4], $0x500  }
0xf: {  	_ =	swait.ge [sflag:s11], $0x500  }
0x10: {  	[sflag:s11] =	ssyncset.done $0x0  }
0x11: {  	[sflag:s11] =	ssyncadd.s32 $0xFFFFFB00  }
0x12: {  	[bflag:$0x0] =	sbarrier.arrive $0xFFFF  }
0x13: {  	[tilespmem:s3], [sflag:$0x1] =	stream.linear.gather [hbm4b:s6+s3], $0x1400, $0x38;
	[tilespmem:$0x17C00] =	vst v63  }
0x14: {  	_ =	swait.ge [sflag:s11], $0x1400  }
0x15: {  	[sflag:s11] =	ssyncset.done $0x0  }
0x16: {  	s14 =	simm.s32 $0x1400;
	[sflag:s11] =	ssyncadd.s32 $0xFFFFEC00  }
0x17: {  	[tilespmem:s14], [sflag:$0x1] =	stream.linear.gather [hbm4b:s7+s3], $0x14000, $0x38;
	[tilespmem:$0x17C00] =	vst v63  }
0x18: {  	_ =	swait.ge [sflag:s11], $0x14000  }
0x19: {  	[sflag:s11] =	ssyncset.done $0x0  }
0x1a: {  	s15 =	simm.s32 $0x0;
	[sflag:s11] =	ssyncadd.s32 $0xFFFEC000  }
0x1b: {  	[spmem:s2] =	stream.indirect.scatter.add.f32 [tilespmem:s14], [sflag:$0x1], $0x10, s15, s12, $0xb8;
	[tilespmem:$0x17C00] =	vst v63  }
0x1c: {  	_ =	swait.ge [sflag:s11], $0x800  }
0x1d: {  	s15 =	simm.s32 $0x200;
	[sflag:s11] =	ssyncset.done $0x0  }
.LBB2_2:
0x1e: {  	s16 =	sshra.s32 s15, $0x2  }
0x1f: {  	[sflag:s11] =	ssyncadd.s32 $0xFFFFF800;
	s14 =	sadd.s32 $0x800, s14;
	p0 =	sne.s32 s15, $0x4E00  }
0x20: {  	[spmem:s2] =	stream.indirect.scatter.add.f32 [tilespmem:s14], [sflag:$0x1], $0x10, s16, s12, $0xb8;
	[tilespmem:$0x17C00] =	vst v63  }
.Ltmp0:
0x21: {  	_ = 	snop;
	(pc) =	sbr.rel @p0 .LBB2_2-.Ltmp0, $4  }
0x22: {  	_ = 	snop  }
0x23: {  	s15 =	sadd.s32 $0x200, s15  }
0x24: {  	_ =	swait.ge [sflag:s11], $0x800  }
0x25: {  	[sflag:s11] =	ssyncset.done $0x0  }
0x26: {  	s13 =	sadd.s32 $0x1, s13  }
0x27: {  	[sflag:s11] =	ssyncadd.s32 $0xFFFFF800;
	p0 =	sne.s32 s13, s9  }
.Ltmp1:
0x28: {  	[bflag:$0x0] =	sbarrier.arrive $0xFFFF;
	(pc) =	sbr.rel @p0 .LBB2_1-.Ltmp1, $4  }
0x29: {  	[hbm:s8], [sflag:s5] =	dma.local [spmem:s10], $0x500  }
0x2a: {  	_ =	swait.ge [sflag:s11], $0x500  }
0x2b: {  	[sflag:s11] =	ssyncset.done $0x0  }
0x2c: {  	[sflag:s11] =	ssyncadd.s32 $0xFFFFFB00  }
0x2d: {  	_ =	sfence.sel $0x180000  }
0x2e: {  	[bflag:$0x0] =	sbarrier.arrive $0xFFFF  }
0x2f: {  	p0 =	sne.s32 s0, $0x0;
	_ =	strace $0x9000004A  }
0x30: {  	s0 =	sadd.s32 @!p0 $0x100000, s1;
	[bflag:$0x2] =	sbarrier.arrive $0xFFFF  }
0x31: {  	[sflag:s0] =	ssyncadd.tile.s32 @!p0 $0x1;
	_ =	shalt  }
.Lfunc_end2:
_tile_overlayer_lowered:
.L_overlay_start_2:
0x32: {  	(tag) =	ssettag $0x2  }
0x33: {  	s0 =	rddreg [dreg:$0x0];
	s2 =	stileid.u32  }
0x34: {  	s1 =	rddreg [dreg:$0x1];
	p0 =	sne.s32 s2, $0x0  }
0x35: {  	s3 =	rddreg [dreg:$0x2];
	[bflag:$0x3] =	sbarrier.arrive $0xFFFF;
	s2 =	simm.s32 @!p0 $0x1C01  }
0x36: {  	[timem:s3], [sflag:s2] =	dma.local @!p0 [hbm:s0], s1  }
0x37: {  	s0 =	simm.s32 @!p0 $0x1  }
0x38: {  	_ =	swait.ge @!p0 [sflag:s0], s1  }
0x39: {  	s1 =	ssub.s32 @!p0 $0x0, s1;
	[sflag:s0] =	ssyncset.done @!p0 $0x0  }
0x3a: {  	[sflag:s0] =	ssyncadd.s32 @!p0 s1  }
0x3b: {  	[bflag:$0x3] =	sbarrier.arrive $0xFFFF  }
0x3c: {  	_ =	shalt  }

// kernel: kernel.35.cloned.1.call-start
scs
__scs_entry_jumppad:
0x0: {  	(pc) =	sbr.rel $0x88, $3  }
0x1: {  	(tag) =	ssettag $0x0;
	lr =	simm.s32 $0x1  }
0x2: {  	[smem:$0x3F83] =	sst lr;
	_ =	strace $0xD0000000  }
0x3: {  	_ = 	snop  }
0x4: {  	_ = 	snop  }
0x5: {  	_ = 	snop  }
0x6: {  	_ = 	snop  }
0x7: {  	_ = 	snop  }
__scs_overlays_trampoline_lowered:
0x8: {  	[smem:$0x3F92] =	sst s0  }
0x9: {  	[smem:$0x3F93] =	sst s1  }
0xa: {  	[smem:$0x3F94] =	sst s2  }
0xb: {  	[smem:$0x3F95] =	sst s3  }
0xc: {  	[smem:$0x3F96] =	sst s4  }
0xd: {  	[smem:$0x3F97] =	sst s5  }
0xe: {  	[smem:$0x3F98] =	sst s6  }
0xf: {  	[smem:$0x3F99] =	sst s7  }
0x10: {  	[smem:$0x3F9A] =	sst s8  }
0x11: {  	[smem:$0x3F9B] =	sst s9;
	s0 =	simm.s32 @!p0 $0x0  }
0x12: {  	s1 =	sld [smem:$0x3F81];
	s0 =	simm.s32 @p0 $0x1  }
0x13: {  	[smem:$0x3F9C] =	sst s0;
	s0 =	simm.s32 @!p1 $0x0  }
0x14: {  	s2 =	sld [smem:$0x3F80];
	s0 =	simm.s32 @p1 $0x1  }
0x15: {  	[smem:$0x3F9D] =	sst s0;
	s0 =	simm.s32 @!p2 $0x0  }
0x16: {  	s3 =	sld [smem:$0x3FDB];
	s0 =	simm.s32 @p2 $0x1  }
0x17: {  	s4 =	simm.s32 $0x1BF5;
	[smem:$0x3F9F] =	sst s0  }
0x18: {  	s0 =	sld [smem:$0x3F82];
	_ =	swait.ge [sflag:s4], $0x0  }
0x19: {  	s7 =	sld [smem:$0x3F83]  }
0x1a: {  	s8 =	sadd.s32 $0xFFFFE003, lr  }
0x1b: {  	s9 =	sadd.s32 $0xFFFFFEF7, lr;
	s5 =	simm.s32 $0xFFFFFFFF;
	p2 =	slt.u32 s8, $0xFFFFF086  }
0x1c: {  	p1 =	slt.u32 s9, $0xF7A;
	s5 =	simm.s32 @!p2 $0x0  }
0x1d: {  	s5 =	simm.s32 @p1 $0x1;
	p0 =	seq.s32 s7, s2  }
0x1e: {  	s7 =	smul.u32 @!p0 $0xF7A, s2;
	p2 =	seq.s32 @!p0 s5, $0x0  }
0x1f: {  	s9 =	smul.u32 $0xF7A, s1;
	s8 =	simm.s32 @!p0 $0x1BF5;
	p2 =	por !p2, p0  }
0x20: {  	[sflag:s8] =	ssyncset.s32 @!p0 $0xFFFFF086;
	s6 =	sadd.s32 @!p0 s3, s7;
	s7 =	simm.s32 @!p0 $0x108  }
0x21: {  	s3 =	sadd.s32 s3, s9;
	s6 =	sadd.s32 @!p0 $0x88, s6;
	s7 =	simm.s32 @p2 $0x1082  }
0x22: {  	[simem:s7], [sflag:s8] =	dma.local @!p0 [hbm:s6], $0xF7A  }
0x23: {  	s9 =	sor.u32 $0xD0000000, s2;
	s6 =	simm.s32 $0x108;
	_ =	swait.ge @!p0 [sflag:s8], $0x0  }
0x24: {  	s3 =	sadd.s32 $0x88, s3;
	s6 =	simm.s32 @!p1 $0x1082;
	[sflag:s4] =	ssyncset.s32 $0xFFFFF086  }
0x25: {  	[simem:s6], [sflag:s4] =	dma.local [hbm:s3], $0xF7A  }
0x26: {  	[smem:$0x3F83] =	sst s1;
	(tag) =	ssettag s2;
	_ =	strace s9  }
0x27: {  	s1 =	sld [smem:$0x3F93]  }
0x28: {  	s2 =	sld [smem:$0x3F94]  }
0x29: {  	s4 =	sld [smem:$0x3F96]  }
0x2a: {  	p0 =	seq.s32 s5, $0x0;
	s5 =	sld [smem:$0x3F97]  }
0x2b: {  	s6 =	sld [smem:$0x3F98]  }
0x2c: {  	s7 =	sld [smem:$0x3F99]  }
0x2d: {  	s3 =	simm.s32 $0x108;
	s8 =	sld [smem:$0x3F9A]  }
0x2e: {  	s3 =	simm.s32 @!p0 $0x1082;
	s9 =	sld [smem:$0x3F9B]  }
0x2f: {  	lr =	sadd.s32 s0, s3;
	s0 =	sld [smem:$0x3F92]  }
0x30: {  	s3 =	sld [smem:$0x3F95]  }
0x31: {  	[smem:$0x3F9E] =	sst s10  }
0x32: {  	s10 =	sld [smem:$0x3F9C];
	_ =	sdelay $0x3  }
0x33: {  	p0 =	seq.s32 s10, $0x1;
	s10 =	sld [smem:$0x3F9E];
	_ =	sdelay $0x3  }
0x34: {  	[smem:$0x3F9E] =	sst s10  }
0x35: {  	s10 =	sld [smem:$0x3F9D];
	_ =	sdelay $0x3  }
0x36: {  	p1 =	seq.s32 s10, $0x1;
	s10 =	sld [smem:$0x3F9E];
	_ =	sdelay $0x3  }
0x37: {  	[smem:$0x3F9E] =	sst s10  }
0x38: {  	s10 =	sld [smem:$0x3F9F]  }
0x39: {  	_ = 	snop;
	(pc) =	sbr.ind lr, $3  }
0x3a: {  	_ = 	snop  }
0x3b: {  	_ = 	snop  }
0x3c: {  	p2 =	seq.s32 s10, $0x1;
	s10 =	sld [smem:$0x3F9E]  }
0x3d: {  	_ =	shalt  }
0x3e: {  	_ =	shalt  }
0x3f: {  	_ =	shalt  }
0x40: {  	_ =	shalt  }
0x41: {  	_ =	shalt  }
0x42: {  	_ =	shalt  }
0x43: {  	_ =	shalt  }
0x44: {  	_ =	shalt  }
0x45: {  	_ =	shalt  }
0x46: {  	_ =	shalt  }
0x47: {  	_ =	shalt  }
0x48: {  	_ =	shalt  }
0x49: {  	_ =	shalt  }
0x4a: {  	_ =	shalt  }
0x4b: {  	_ =	shalt  }
0x4c: {  	_ =	shalt  }
0x4d: {  	_ =	shalt  }
0x4e: {  	_ =	shalt  }
0x4f: {  	_ =	shalt  }
0x50: {  	_ =	shalt  }
0x51: {  	_ =	shalt  }
0x52: {  	_ =	shalt  }
0x53: {  	_ =	shalt  }
0x54: {  	_ =	shalt  }
0x55: {  	_ =	shalt  }
0x56: {  	_ =	shalt  }
0x57: {  	_ =	shalt  }
0x58: {  	_ =	shalt  }
0x59: {  	_ =	shalt  }
0x5a: {  	_ =	shalt  }
0x5b: {  	_ =	shalt  }
0x5c: {  	_ =	shalt  }
0x5d: {  	_ =	shalt  }
0x5e: {  	_ =	shalt  }
0x5f: {  	_ =	shalt  }
0x60: {  	_ =	shalt  }
0x61: {  	_ =	shalt  }
0x62: {  	_ =	shalt  }
0x63: {  	_ =	shalt  }
0x64: {  	_ =	shalt  }
0x65: {  	_ =	shalt  }
0x66: {  	_ =	shalt  }
0x67: {  	_ =	shalt  }
0x68: {  	_ =	shalt  }
0x69: {  	_ =	shalt  }
0x6a: {  	_ =	shalt  }
0x6b: {  	_ =	shalt  }
0x6c: {  	_ =	shalt  }
0x6d: {  	_ =	shalt  }
0x6e: {  	_ =	shalt  }
0x6f: {  	_ =	shalt  }
0x70: {  	_ =	shalt  }
0x71: {  	_ =	shalt  }
0x72: {  	_ =	shalt  }
0x73: {  	_ =	shalt  }
0x74: {  	_ =	shalt  }
0x75: {  	_ =	shalt  }
0x76: {  	_ =	shalt  }
0x77: {  	_ =	shalt  }
0x78: {  	_ =	shalt  }
0x79: {  	_ =	shalt  }
0x7a: {  	_ =	shalt  }
0x7b: {  	_ =	shalt  }
0x7c: {  	_ =	shalt  }
0x7d: {  	_ =	shalt  }
0x7e: {  	_ =	shalt  }
0x7f: {  	_ =	shalt  }
0x80: {  	_ =	shalt  }
0x81: {  	_ =	shalt  }
0x82: {  	_ =	shalt  }
0x83: {  	_ =	shalt  }
0x84: {  	_ =	shalt  }
0x85: {  	_ =	shalt  }
0x86: {  	_ =	shalt  }
0x87: {  	_ =	shalt  }
.Lfunc_end0:
.L_simem_size_0:
called_computation.2_lowered:
.L_overlay_start_0:
0x88: {  	s2 =	sld [smem:$0x3FD9]  }
0x89: {  	s3 =	sld [smem:$0x3FFE];
	_ =	sdelay $0x1  }
0x8a: {  	s1 =	srdreg.scid  }
0x8b: {  	s0 =	sand.u32 $0x1, s1  }
0x8c: {  	s16 =	sshll.u32 s0, $0xA;
	s2 =	sadd.s32 s3, s2  }
0x8d: {  	s2 =	sadd.s32 s2, s16  }
0x8e: {  	[smem:$0x3FAA] =	sst s2  }
0x8f: {  	_ = 	snop  }
0x90: {  	(tm) =	ssettm $0x1  }
0x91: {  	s17 =	sld [smem:$0x3FFB];
	_ =	sdelay $0x3  }
0x92: {  	_ =	strace s17  }
0x93: {  	s2 =	sld [smem:$0x3FFC];
	_ =	sdelay $0x3  }
0x94: {  	_ =	strace s2  }
0x95: {  	s2 =	sld [smem:$0x3FFD];
	_ =	sdelay $0x3  }
0x96: {  	_ =	strace s2  }
0x97: {  	_ =	strace $0x8FFFFFFF  }
0x98: {  	s18 =	sld [smem:$0x3FDB];
	_ =	sdelay $0x1  }
0x99: {  	s19 =	simm.s32 $_scs_section_size  }
0x9a: {  	s4 =	simm.s32 $_size__tile_overlayer_lowered;
	s5 =	simm.s32 $_tile_overlayer_lowered  }
0x9b: {  	s22 =	simm.s32 $0x1BFF;
	s21 =	sshll.u32 s5, $0x1;
	s2 =	sadd.s32 s19, s18  }
0x9c: {  	s6 =	simm.s32 $0x0;
	s20 =	sshll.u32 s4, $0x1;
	s4 =	sadd.s32 s21, s2  }
0x9d: {  	[timem:s6], [sflag:s22] =	dma.local [hbm:s4], s20  }
0x9e: {  	_ =	swait.ge [sflag:s22], s20  }
0x9f: {  	s3 =	ssub.s32 $0x0, s20;
	[sflag:s22] =	ssyncset.done $0x0  }
0xa0: {  	[sflag:s22] =	ssyncadd.s32 s3;
	_ =	sdelay $0x1  }
0xa1: {  	s23 =	simm.s32 $0x1B8B  }
0xa2: {  	_ =	swait.ge [sflag:s23], $0x1  }
0xa3: {  	[sflag:s23] =	ssyncset.done $0x0  }
0xa4: {  	s25 =	simm.s32 $0x1B8E;
	s24 =	sld [smem:$0x3FFE];
	[sflag:s23] =	ssyncadd.s32 $0xFFFFFFFF  }
0xa5: {  	s26 =	simm.s32 $execute0_lowered;
	[smem:$0x3FD2] =	sst s25  }
0xa6: {  	s4 =	sshll.u32 s26, $0x1;
	_ =	strace $0x8000004C;
	[dreg:$0x1] =	wrdreg $0xFFFFFFFF  }
0xa7: {  	s28 =	simm.s32 $_size_execute0_lowered;
	s2 =	sadd.s32 s2, s4;
	[dreg:$0x0] =	wrdreg $0x0  }
0xa8: {  	s4 =	sshll.u32 s28, $0x1;
	[dreg:$0x2] =	wrdreg s2  }
0xa9: {  	[dreg:$0x3] =	wrdreg s4  }
0xaa: {  	[dreg:$0x4] =	wrdreg $0xC0  }
0xab: {  	_ =	task [dreg:s6], $0x5FFFF  }
0xac: {  	[dreg:$0x1] =	wrdreg $0xFFFFFFFF  }
0xad: {  	[dreg:$0x0] =	wrdreg $0x60  }
0xae: {  	[dreg:$0x2] =	wrdreg s24  }
0xaf: {  	[dreg:$0x3] =	wrdreg $0x9  }
0xb0: {  	_ =	task.clear_ibuf [dreg:s6], $0x4FFFF;
	_ =	strace $0x9000004C  }
0xb1: {  	s29 =	simm.s32 $0x9;
	_ =	strace $0x8000004E  }
0xb2: {  	_ =	swait.ge [sflag:s29], $0x1  }
0xb3: {  	[sflag:s29] =	ssyncadd.s32 $0xFFFFFFFF  }
0xb4: {  	_ =	strace $0x9000004E  }
0xb5: {  	_ =	sfence  }
0xb6: {  	s30 =	sld [smem:$0x0];
	_ =	sdelay $0x2  }
0xb7: {  	s31 =	sshll.u32 s1, $0xD;
	s1 =	sshrl.u32 s1, $0x2  }
0xb8: {  	s3 =	sand.u32 $0x4000, s31;
	s1 =	sadd.s32 s1, s30  }
0xb9: {  	s0 =	sor.u32 s3, s0;
	s1 =	sshll.u32 s1, $0x11  }
0xba: {  	s0 =	sor.u32 s1, s0  }
0xbb: {  	s0 =	sadd.s32 $0x8F2B, s0  }
0xbc: {  	[sflag:s0] =	ssyncadd.remote.s32 $0x1  }
0xbd: {  	_ =	sfence.sel $0xFFFF  }
0xbe: {  	[dreg:$0x0] =	wrdreg $0xFFFFFFFF;
	(pc) =	sbr.abs _section_cstart, $3  }
0xbf: {  	[dreg:$0x1] =	wrdreg $0xFFFFFFFF  }
0xc0: {  	_ =	task.clear_ibuf [dreg:s6], $0x2FFFF;
	_ =	strace $0x9FFFFFFF  }
0xc1: {  	(tm) =	ssettm $0x7FFFFFFF  }
tec
execute0_lowered:
.L_overlay_start_1:
0x0: {  	(tag) =	ssettag $0x1  }
0x1: {  	s1 =	srdreg.scid;
	s0 =	stileid.u32  }
0x2: {  	s6 =	sand.u32 $0x1, s1;
	s30 =	sshll.u32 s0, $0x1  }
0x3: {  	s8 =	rddreg [dreg:$0x0];
	s7 =	sor.u32 s6, s30  }
0x4: {  	s2 =	simm.s32 $0x0;
	s1 =	rddreg [dreg:$0x1];
	s3 =	smul.u32 $0x280, s7  }
0x5: {  	[smem:$0x7FF] =	sst s2;
	s5 =	sadd.s32 $0x10400, s8  }
0x6: {  	_ =	strace $0x8000004D;
	s10 =	ssub.s32 $0x2, s6;
	s3 =	sadd.s32 s3, s8  }
0x7: {  	s6 =	simm.s32 $0x1400;
	s4 =	sadd.s32 $0xB400, s3;
	s3 =	simm.s32 $0x2  }
0x8: {  	[tilespmem:s2], [sflag:$0x2] =	stream.linear.gather [hbm4b:s4+s2], $0x1400, $0x38;
	[tilespmem:$0x15400] =	vst v63  }
0x9: {  	s9 =	smul.u32 $0x2800, s7;
	s11 =	sshrl.u32 s10, $0x1;
	_ =	swait.ge [sflag:s3], $0x1400  }
0xa: {  	s7 =	simm.s32 $0x1;
	s31 =	ssub.s32 s10, s11;
	[sflag:s3] =	ssyncset.done $0x0  }
0xb: {  	s8 =	sadd.s32 s9, s8;
	s9 =	smax.u32 s31, $0x1;
	[sflag:s3] =	ssyncadd.s32 $0xFFFFEC00  }
0xc: {  	[tilespmem:s6], [sflag:$0x1] =	stream.indirect.gather [hbm4b:s5+s6], $0x10, s2, s6, $0xb8;
	[tilespmem:$0x15400] =	vst v63  }
0xd: {  	p0 =	sne.s32 s9, $0x1;
	_ =	swait.ge [sflag:s7], $0x14000  }
.Ltmp0:
0xe: {  	[sflag:s7] =	ssyncset.done $0x0;
	(pc) =	sbr.rel @!p0 .LBB2_2-.Ltmp0, $4  }
0xf: {  	s8 =	sadd.s32 $0x15400, s8;
	[sflag:s7] =	ssyncadd.s32 $0xFFFEC000  }
0x10: {  	[hbm4b:s8+s2] =	stream.linear.scatter [tilespmem:s6], [sflag:$0x2], $0x14000, $0x38;
	[tilespmem:$0x15400] =	vst v63  }
0x11: {  	_ =	swait.ge [sflag:s3], $0x14000  }
0x12: {  	s9 =	sadd.s32 $0xFFFFFFFF, s9;
	[sflag:s3] =	ssyncset.done $0x0  }
.LBB2_1:
0x13: {  	p0 =	sne.s32 s9, $0x1;
	s9 =	sadd.s32 $0xFFFFFFFF, s9;
	[sflag:s3] =	ssyncadd.s32 $0xFFFEC000  }
0x14: {  	[tilespmem:s2], [sflag:$0x2] =	stream.linear.gather [hbm4b:s4+s2], $0x1400, $0x38;
	[tilespmem:$0x15400] =	vst v63  }
0x15: {  	_ =	swait.ge [sflag:s3], $0x1400  }
0x16: {  	[sflag:s3] =	ssyncset.done $0x0  }
0x17: {  	[sflag:s3] =	ssyncadd.s32 $0xFFFFEC00  }
0x18: {  	[tilespmem:s6], [sflag:$0x1] =	stream.indirect.gather [hbm4b:s5+s6], $0x10, s2, s6, $0xb8;
	[tilespmem:$0x15400] =	vst v63  }
0x19: {  	_ =	swait.ge [sflag:s7], $0x14000  }
.Ltmp1:
0x1a: {  	[sflag:s7] =	ssyncset.done $0x0;
	(pc) =	sbr.rel @p0 .LBB2_1-.Ltmp1, $4  }
0x1b: {  	[sflag:s7] =	ssyncadd.s32 $0xFFFEC000  }
0x1c: {  	[hbm4b:s8+s2] =	stream.linear.scatter [tilespmem:s6], [sflag:$0x2], $0x14000, $0x38;
	[tilespmem:$0x15400] =	vst v63  }
0x1d: {  	_ =	swait.ge [sflag:s3], $0x14000  }
0x1e: {  	[sflag:s3] =	ssyncset.done $0x0  }
.LBB2_2:
0x1f: {  	[sflag:s3] =	ssyncadd.s32 $0xFFFEC000  }
0x20: {  	_ =	sfence.sel $0x180000  }
0x21: {  	[bflag:$0x0] =	sbarrier.arrive $0xFFFF  }
0x22: {  	p0 =	sne.s32 s0, $0x0;
	_ =	strace $0x9000004D  }
0x23: {  	s0 =	sadd.s32 @!p0 $0x100000, s1;
	[bflag:$0x2] =	sbarrier.arrive $0xFFFF  }
0x24: {  	[sflag:s0] =	ssyncadd.tile.s32 @!p0 $0x1;
	_ =	shalt  }
.Lfunc_end2:
_tile_overlayer_lowered:
.L_overlay_start_2:
0x25: {  	(tag) =	ssettag $0x2  }
0x26: {  	s0 =	rddreg [dreg:$0x0];
	s2 =	stileid.u32  }
0x27: {  	s1 =	rddreg [dreg:$0x1];
	p0 =	sne.s32 s2, $0x0  }
0x28: {  	s3 =	rddreg [dreg:$0x2];
	[bflag:$0x3] =	sbarrier.arrive $0xFFFF;
	s2 =	simm.s32 @!p0 $0x1C02  }
0x29: {  	[timem:s3], [sflag:s2] =	dma.local @!p0 [hbm:s0], s1  }
0x2a: {  	s0 =	simm.s32 @!p0 $0x2  }
0x2b: {  	_ =	swait.ge @!p0 [sflag:s0], s1  }
0x2c: {  	s1 =	ssub.s32 @!p0 $0x0, s1;
	[sflag:s0] =	ssyncset.done @!p0 $0x0  }
0x2d: {  	[sflag:s0] =	ssyncadd.s32 @!p0 s1  }
0x2e: {  	[bflag:$0x3] =	sbarrier.arrive $0xFFFF  }
0x2f: {  	_ =	shalt  }

// kernel: kernel.38.cloned.1.call-start
scs
__scs_entry_jumppad:
0x0: {  	(pc) =	sbr.rel $0x88, $3  }
0x1: {  	(tag) =	ssettag $0x0;
	lr =	simm.s32 $0x1  }
0x2: {  	[smem:$0x3F83] =	sst lr;
	_ =	strace $0xD0000000  }
0x3: {  	_ = 	snop  }
0x4: {  	_ = 	snop  }
0x5: {  	_ = 	snop  }
0x6: {  	_ = 	snop  }
0x7: {  	_ = 	snop  }
__scs_overlays_trampoline_lowered:
0x8: {  	[smem:$0x3F92] =	sst s0  }
0x9: {  	[smem:$0x3F93] =	sst s1  }
0xa: {  	[smem:$0x3F94] =	sst s2  }
0xb: {  	[smem:$0x3F95] =	sst s3  }
0xc: {  	[smem:$0x3F96] =	sst s4  }
0xd: {  	[smem:$0x3F97] =	sst s5  }
0xe: {  	[smem:$0x3F98] =	sst s6  }
0xf: {  	[smem:$0x3F99] =	sst s7  }
0x10: {  	[smem:$0x3F9A] =	sst s8  }
0x11: {  	[smem:$0x3F9B] =	sst s9;
	s0 =	simm.s32 @!p0 $0x0  }
0x12: {  	s1 =	sld [smem:$0x3F81];
	s0 =	simm.s32 @p0 $0x1  }
0x13: {  	[smem:$0x3F9C] =	sst s0;
	s0 =	simm.s32 @!p1 $0x0  }
0x14: {  	s2 =	sld [smem:$0x3F80];
	s0 =	simm.s32 @p1 $0x1  }
0x15: {  	[smem:$0x3F9D] =	sst s0;
	s0 =	simm.s32 @!p2 $0x0  }
0x16: {  	s3 =	sld [smem:$0x3FDB];
	s0 =	simm.s32 @p2 $0x1  }
0x17: {  	s4 =	simm.s32 $0x1BF5;
	[smem:$0x3F9F] =	sst s0  }
0x18: {  	s0 =	sld [smem:$0x3F82];
	_ =	swait.ge [sflag:s4], $0x0  }
0x19: {  	s7 =	sld [smem:$0x3F83]  }
0x1a: {  	s8 =	sadd.s32 $0xFFFFE003, lr  }
0x1b: {  	s9 =	sadd.s32 $0xFFFFFEF7, lr;
	s5 =	simm.s32 $0xFFFFFFFF;
	p2 =	slt.u32 s8, $0xFFFFF086  }
0x1c: {  	p1 =	slt.u32 s9, $0xF7A;
	s5 =	simm.s32 @!p2 $0x0  }
0x1d: {  	s5 =	simm.s32 @p1 $0x1;
	p0 =	seq.s32 s7, s2  }
0x1e: {  	s7 =	smul.u32 @!p0 $0xF7A, s2;
	p2 =	seq.s32 @!p0 s5, $0x0  }
0x1f: {  	s9 =	smul.u32 $0xF7A, s1;
	s8 =	simm.s32 @!p0 $0x1BF5;
	p2 =	por !p2, p0  }
0x20: {  	[sflag:s8] =	ssyncset.s32 @!p0 $0xFFFFF086;
	s6 =	sadd.s32 @!p0 s3, s7;
	s7 =	simm.s32 @!p0 $0x108  }
0x21: {  	s3 =	sadd.s32 s3, s9;
	s6 =	sadd.s32 @!p0 $0x88, s6;
	s7 =	simm.s32 @p2 $0x1082  }
0x22: {  	[simem:s7], [sflag:s8] =	dma.local @!p0 [hbm:s6], $0xF7A  }
0x23: {  	s9 =	sor.u32 $0xD0000000, s2;
	s6 =	simm.s32 $0x108;
	_ =	swait.ge @!p0 [sflag:s8], $0x0  }
0x24: {  	s3 =	sadd.s32 $0x88, s3;
	s6 =	simm.s32 @!p1 $0x1082;
	[sflag:s4] =	ssyncset.s32 $0xFFFFF086  }
0x25: {  	[simem:s6], [sflag:s4] =	dma.local [hbm:s3], $0xF7A  }
0x26: {  	[smem:$0x3F83] =	sst s1;
	(tag) =	ssettag s2;
	_ =	strace s9  }
0x27: {  	s1 =	sld [smem:$0x3F93]  }
0x28: {  	s2 =	sld [smem:$0x3F94]  }
0x29: {  	s4 =	sld [smem:$0x3F96]  }
0x2a: {  	p0 =	seq.s32 s5, $0x0;
	s5 =	sld [smem:$0x3F97]  }
0x2b: {  	s6 =	sld [smem:$0x3F98]  }
0x2c: {  	s7 =	sld [smem:$0x3F99]  }
0x2d: {  	s3 =	simm.s32 $0x108;
	s8 =	sld [smem:$0x3F9A]  }
0x2e: {  	s3 =	simm.s32 @!p0 $0x1082;
	s9 =	sld [smem:$0x3F9B]  }
0x2f: {  	lr =	sadd.s32 s0, s3;
	s0 =	sld [smem:$0x3F92]  }
0x30: {  	s3 =	sld [smem:$0x3F95]  }
0x31: {  	[smem:$0x3F9E] =	sst s10  }
0x32: {  	s10 =	sld [smem:$0x3F9C];
	_ =	sdelay $0x3  }
0x33: {  	p0 =	seq.s32 s10, $0x1;
	s10 =	sld [smem:$0x3F9E];
	_ =	sdelay $0x3  }
0x34: {  	[smem:$0x3F9E] =	sst s10  }
0x35: {  	s10 =	sld [smem:$0x3F9D];
	_ =	sdelay $0x3  }
0x36: {  	p1 =	seq.s32 s10, $0x1;
	s10 =	sld [smem:$0x3F9E];
	_ =	sdelay $0x3  }
0x37: {  	[smem:$0x3F9E] =	sst s10  }
0x38: {  	s10 =	sld [smem:$0x3F9F]  }
0x39: {  	_ = 	snop;
	(pc) =	sbr.ind lr, $3  }
0x3a: {  	_ = 	snop  }
0x3b: {  	_ = 	snop  }
0x3c: {  	p2 =	seq.s32 s10, $0x1;
	s10 =	sld [smem:$0x3F9E]  }
0x3d: {  	_ =	shalt  }
0x3e: {  	_ =	shalt  }
0x3f: {  	_ =	shalt  }
0x40: {  	_ =	shalt  }
0x41: {  	_ =	shalt  }
0x42: {  	_ =	shalt  }
0x43: {  	_ =	shalt  }
0x44: {  	_ =	shalt  }
0x45: {  	_ =	shalt  }
0x46: {  	_ =	shalt  }
0x47: {  	_ =	shalt  }
0x48: {  	_ =	shalt  }
0x49: {  	_ =	shalt  }
0x4a: {  	_ =	shalt  }
0x4b: {  	_ =	shalt  }
0x4c: {  	_ =	shalt  }
0x4d: {  	_ =	shalt  }
0x4e: {  	_ =	shalt  }
0x4f: {  	_ =	shalt  }
0x50: {  	_ =	shalt  }
0x51: {  	_ =	shalt  }
0x52: {  	_ =	shalt  }
0x53: {  	_ =	shalt  }
0x54: {  	_ =	shalt  }
0x55: {  	_ =	shalt  }
0x56: {  	_ =	shalt  }
0x57: {  	_ =	shalt  }
0x58: {  	_ =	shalt  }
0x59: {  	_ =	shalt  }
0x5a: {  	_ =	shalt  }
0x5b: {  	_ =	shalt  }
0x5c: {  	_ =	shalt  }
0x5d: {  	_ =	shalt  }
0x5e: {  	_ =	shalt  }
0x5f: {  	_ =	shalt  }
0x60: {  	_ =	shalt  }
0x61: {  	_ =	shalt  }
0x62: {  	_ =	shalt  }
0x63: {  	_ =	shalt  }
0x64: {  	_ =	shalt  }
0x65: {  	_ =	shalt  }
0x66: {  	_ =	shalt  }
0x67: {  	_ =	shalt  }
0x68: {  	_ =	shalt  }
0x69: {  	_ =	shalt  }
0x6a: {  	_ =	shalt  }
0x6b: {  	_ =	shalt  }
0x6c: {  	_ =	shalt  }
0x6d: {  	_ =	shalt  }
0x6e: {  	_ =	shalt  }
0x6f: {  	_ =	shalt  }
0x70: {  	_ =	shalt  }
0x71: {  	_ =	shalt  }
0x72: {  	_ =	shalt  }
0x73: {  	_ =	shalt  }
0x74: {  	_ =	shalt  }
0x75: {  	_ =	shalt  }
0x76: {  	_ =	shalt  }
0x77: {  	_ =	shalt  }
0x78: {  	_ =	shalt  }
0x79: {  	_ =	shalt  }
0x7a: {  	_ =	shalt  }
0x7b: {  	_ =	shalt  }
0x7c: {  	_ =	shalt  }
0x7d: {  	_ =	shalt  }
0x7e: {  	_ =	shalt  }
0x7f: {  	_ =	shalt  }
0x80: {  	_ =	shalt  }
0x81: {  	_ =	shalt  }
0x82: {  	_ =	shalt  }
0x83: {  	_ =	shalt  }
0x84: {  	_ =	shalt  }
0x85: {  	_ =	shalt  }
0x86: {  	_ =	shalt  }
0x87: {  	_ =	shalt  }
.Lfunc_end0:
.L_simem_size_0:
called_computation.3_lowered:
.L_overlay_start_0:
0x88: {  	s2 =	sld [smem:$0x3FD9]  }
0x89: {  	s3 =	sld [smem:$0x3FFE];
	_ =	sdelay $0x1  }
0x8a: {  	s1 =	srdreg.scid  }
0x8b: {  	s0 =	sand.u32 $0x1, s1  }
0x8c: {  	s16 =	sshll.u32 s0, $0xA;
	s2 =	sadd.s32 s3, s2  }
0x8d: {  	s2 =	sadd.s32 s2, s16  }
0x8e: {  	[smem:$0x3FAA] =	sst s2  }
0x8f: {  	_ = 	snop  }
0x90: {  	(tm) =	ssettm $0x1  }
0x91: {  	s17 =	sld [smem:$0x3FFB];
	_ =	sdelay $0x3  }
0x92: {  	_ =	strace s17  }
0x93: {  	s2 =	sld [smem:$0x3FFC];
	_ =	sdelay $0x3  }
0x94: {  	_ =	strace s2  }
0x95: {  	s2 =	sld [smem:$0x3FFD];
	_ =	sdelay $0x3  }
0x96: {  	_ =	strace s2  }
0x97: {  	_ =	strace $0x8FFFFFFF  }
0x98: {  	s18 =	sld [smem:$0x3FDB];
	_ =	sdelay $0x1  }
0x99: {  	s19 =	simm.s32 $_scs_section_size  }
0x9a: {  	s4 =	simm.s32 $_size__tile_overlayer_lowered;
	s5 =	simm.s32 $_tile_overlayer_lowered  }
0x9b: {  	s22 =	simm.s32 $0x1BFF;
	s21 =	sshll.u32 s5, $0x1;
	s2 =	sadd.s32 s19, s18  }
0x9c: {  	s6 =	simm.s32 $0x0;
	s20 =	sshll.u32 s4, $0x1;
	s4 =	sadd.s32 s21, s2  }
0x9d: {  	[timem:s6], [sflag:s22] =	dma.local [hbm:s4], s20  }
0x9e: {  	_ =	swait.ge [sflag:s22], s20  }
0x9f: {  	s3 =	ssub.s32 $0x0, s20;
	[sflag:s22] =	ssyncset.done $0x0  }
0xa0: {  	[sflag:s22] =	ssyncadd.s32 s3;
	_ =	sdelay $0x1  }
0xa1: {  	s23 =	simm.s32 $0x1B8B  }
0xa2: {  	_ =	swait.ge [sflag:s23], $0x1  }
0xa3: {  	[sflag:s23] =	ssyncset.done $0x0  }
0xa4: {  	s25 =	simm.s32 $0x1B8E;
	s24 =	sld [smem:$0x3FFE];
	[sflag:s23] =	ssyncadd.s32 $0xFFFFFFFF  }
0xa5: {  	s26 =	simm.s32 $execute0_lowered;
	[smem:$0x3FD2] =	sst s25  }
0xa6: {  	s4 =	sshll.u32 s26, $0x1;
	_ =	strace $0x8000004F;
	[dreg:$0x1] =	wrdreg $0xFFFFFFFF  }
0xa7: {  	s28 =	simm.s32 $_size_execute0_lowered;
	s2 =	sadd.s32 s2, s4;
	[dreg:$0x0] =	wrdreg $0x0  }
0xa8: {  	s4 =	sshll.u32 s28, $0x1;
	[dreg:$0x2] =	wrdreg s2  }
0xa9: {  	[dreg:$0x3] =	wrdreg s4  }
0xaa: {  	[dreg:$0x4] =	wrdreg $0xC0  }
0xab: {  	_ =	task [dreg:s6], $0x5FFFF  }
0xac: {  	[dreg:$0x1] =	wrdreg $0xFFFFFFFF  }
0xad: {  	[dreg:$0x0] =	wrdreg $0x60  }
0xae: {  	[dreg:$0x2] =	wrdreg s24  }
0xaf: {  	[dreg:$0x3] =	wrdreg $0x154000  }
0xb0: {  	[dreg:$0x4] =	wrdreg $0x9  }
0xb1: {  	_ =	task.clear_ibuf [dreg:s6], $0x5FFFF;
	_ =	strace $0x9000004F  }
0xb2: {  	s29 =	simm.s32 $0x9;
	_ =	strace $0x80000051  }
0xb3: {  	_ =	swait.ge [sflag:s29], $0x1  }
0xb4: {  	[sflag:s29] =	ssyncadd.s32 $0xFFFFFFFF  }
0xb5: {  	_ =	strace $0x90000051  }
0xb6: {  	_ =	sfence  }
0xb7: {  	s30 =	sld [smem:$0x0];
	_ =	sdelay $0x2  }
0xb8: {  	s31 =	sshll.u32 s1, $0xD;
	s1 =	sshrl.u32 s1, $0x2  }
0xb9: {  	s3 =	sand.u32 $0x4000, s31;
	s1 =	sadd.s32 s1, s30  }
0xba: {  	s0 =	sor.u32 s3, s0;
	s1 =	sshll.u32 s1, $0x11  }
0xbb: {  	s0 =	sor.u32 s1, s0  }
0xbc: {  	s0 =	sadd.s32 $0x8F2B, s0  }
0xbd: {  	[sflag:s0] =	ssyncadd.remote.s32 $0x1  }
0xbe: {  	_ =	sfence.sel $0xFFFF  }
0xbf: {  	[dreg:$0x0] =	wrdreg $0xFFFFFFFF;
	(pc) =	sbr.abs _section_cstart, $3  }
0xc0: {  	[dreg:$0x1] =	wrdreg $0xFFFFFFFF  }
0xc1: {  	_ =	task.clear_ibuf [dreg:s6], $0x2FFFF;
	_ =	strace $0x9FFFFFFF  }
0xc2: {  	(tm) =	ssettm $0x7FFFFFFF  }
0xc3: {  	_ =	shalt  }
tec
execute0_lowered:
.L_overlay_start_1:
0x0: {  	(tag) =	ssettag $0x1  }
0x1: {  	s1 =	srdreg.scid;
	s5 =	rddreg [dreg:$0x0]  }
0x2: {  	s0 =	stileid.u32;
	s2 =	rddreg [dreg:$0x1]  }
0x3: {  	s3 =	simm.s32 $0x0;
	s13 =	simm.s32 $0x0;
	s8 =	smul.u32 $0x2800, s0  }
0x4: {  	s4 =	sand.u32 $0x1, s1;
	s26 =	sshll.u32 s0, $0x1;
	s9 =	smul.u32 $0x500, s0  }
0x5: {  	[smem:$0x7FF] =	sst s3;
	s1 =	sor.u32 s4, s26;
	s10 =	smul.u32 $0x5000, s4  }
0x6: {  	s31 =	sshll.u32 s0, $0x6;
	s4 =	ssub.s32 $0x2, s4;
	s6 =	smul.u32 $0x2800, s1  }
0x7: {  	s7 =	smul.u32 $0x280, s1;
	s1 =	rddreg [dreg:$0x2];
	_ =	strace $0x80000050  }
0x8: {  	s29 =	sshrl.u32 s8, $0x3;
	s30 =	sshrl.u32 s4, $0x1;
	s12 =	sadd.s32 s8, s2  }
0x9: {  	s9 =	sadd.s32 s9, s10;
	s10 =	ssub.s32 s4, s30;
	s11 =	sadd.s32 s6, s5  }
0xa: {  	s28 =	sadd.s32 s7, s5;
	s7 =	sadd.s32 s29, s5;
	s9 =	sadd.s32 s9, s5  }
0xb: {  	s5 =	sor.u32 $0x1C01, s31;
	s4 =	sadd.s32 $0x2EA800, s7;
	s6 =	sadd.s32 $0x65800, s28  }
0xc: {  	s7 =	sadd.s32 $0x15400, s11;
	s8 =	sadd.s32 $0x2EF800, s9;
	s9 =	smax.u32 s10, $0x1  }
0xd: {  	s10 =	sshrl.u32 s12, $0x3;
	s11 =	simm.s32 $0x1;
	s12 =	simm.s32 $0x80  }
.LBB2_1:
0xe: {  	[spmem:s10], [sflag:s5] =	dma.local [hbm:s4], $0x500  }
0xf: {  	_ =	swait.ge [sflag:s11], $0x500  }
0x10: {  	[sflag:s11] =	ssyncset.done $0x0  }
0x11: {  	[sflag:s11] =	ssyncadd.s32 $0xFFFFFB00  }
0x12: {  	[bflag:$0x0] =	sbarrier.arrive $0xFFFF  }
0x13: {  	[tilespmem:s3], [sflag:$0x1] =	stream.linear.gather [hbm4b:s6+s3], $0x1400, $0x38;
	[tilespmem:$0x17C00] =	vst v63  }
0x14: {  	_ =	swait.ge [sflag:s11], $0x1400  }
0x15: {  	[sflag:s11] =	ssyncset.done $0x0  }
0x16: {  	s14 =	simm.s32 $0x1400;
	[sflag:s11] =	ssyncadd.s32 $0xFFFFEC00  }
0x17: {  	[tilespmem:s14], [sflag:$0x1] =	stream.linear.gather [hbm4b:s7+s3], $0x14000, $0x38;
	[tilespmem:$0x17C00] =	vst v63  }
0x18: {  	_ =	swait.ge [sflag:s11], $0x14000  }
0x19: {  	[sflag:s11] =	ssyncset.done $0x0  }
0x1a: {  	s15 =	simm.s32 $0x0;
	[sflag:s11] =	ssyncadd.s32 $0xFFFEC000  }
0x1b: {  	[spmem:s2] =	stream.indirect.scatter.add.f32 [tilespmem:s14], [sflag:$0x1], $0x10, s15, s12, $0xb8;
	[tilespmem:$0x17C00] =	vst v63  }
0x1c: {  	_ =	swait.ge [sflag:s11], $0x800  }
0x1d: {  	s15 =	simm.s32 $0x200;
	[sflag:s11] =	ssyncset.done $0x0  }
.LBB2_2:
0x1e: {  	s16 =	sshra.s32 s15, $0x2  }
0x1f: {  	[sflag:s11] =	ssyncadd.s32 $0xFFFFF800;
	s14 =	sadd.s32 $0x800, s14;
	p0 =	sne.s32 s15, $0x4E00  }
0x20: {  	[spmem:s2] =	stream.indirect.scatter.add.f32 [tilespmem:s14], [sflag:$0x1], $0x10, s16, s12, $0xb8;
	[tilespmem:$0x17C00] =	vst v63  }
.Ltmp0:
0x21: {  	_ = 	snop;
	(pc) =	sbr.rel @p0 .LBB2_2-.Ltmp0, $4  }
0x22: {  	_ = 	snop  }
0x23: {  	s15 =	sadd.s32 $0x200, s15  }
0x24: {  	_ =	swait.ge [sflag:s11], $0x800  }
0x25: {  	[sflag:s11] =	ssyncset.done $0x0  }
0x26: {  	s13 =	sadd.s32 $0x1, s13  }
0x27: {  	[sflag:s11] =	ssyncadd.s32 $0xFFFFF800;
	p0 =	sne.s32 s13, s9  }
.Ltmp1:
0x28: {  	[bflag:$0x0] =	sbarrier.arrive $0xFFFF;
	(pc) =	sbr.rel @p0 .LBB2_1-.Ltmp1, $4  }
0x29: {  	[hbm:s8], [sflag:s5] =	dma.local [spmem:s10], $0x500  }
0x2a: {  	_ =	swait.ge [sflag:s11], $0x500  }
0x2b: {  	[sflag:s11] =	ssyncset.done $0x0  }
0x2c: {  	[sflag:s11] =	ssyncadd.s32 $0xFFFFFB00  }
0x2d: {  	_ =	sfence.sel $0x180000  }
0x2e: {  	[bflag:$0x0] =	sbarrier.arrive $0xFFFF  }
0x2f: {  	p0 =	sne.s32 s0, $0x0;
	_ =	strace $0x90000050  }
0x30: {  	s0 =	sadd.s32 @!p0 $0x100000, s1;
	[bflag:$0x2] =	sbarrier.arrive $0xFFFF  }
0x31: {  	[sflag:s0] =	ssyncadd.tile.s32 @!p0 $0x1;
	_ =	shalt  }
.Lfunc_end2:
_tile_overlayer_lowered:
.L_overlay_start_2:
0x32: {  	(tag) =	ssettag $0x2  }
0x33: {  	s0 =	rddreg [dreg:$0x0];
	s2 =	stileid.u32  }
0x34: {  	s1 =	rddreg [dreg:$0x1];
	p0 =	sne.s32 s2, $0x0  }
0x35: {  	s3 =	rddreg [dreg:$0x2];
	[bflag:$0x3] =	sbarrier.arrive $0xFFFF;
	s2 =	simm.s32 @!p0 $0x1C01  }
0x36: {  	[timem:s3], [sflag:s2] =	dma.local @!p0 [hbm:s0], s1  }
0x37: {  	s0 =	simm.s32 @!p0 $0x1  }
0x38: {  	_ =	swait.ge @!p0 [sflag:s0], s1  }
0x39: {  	s1 =	ssub.s32 @!p0 $0x0, s1;
	[sflag:s0] =	ssyncset.done @!p0 $0x0  }
0x3a: {  	[sflag:s0] =	ssyncadd.s32 @!p0 s1  }
0x3b: {  	[bflag:$0x3] =	sbarrier.arrive $0xFFFF  }
0x3c: {  	_ =	shalt  }

// kernel: kernel.41.cloned.1.call-start
scs
__scs_entry_jumppad:
0x0: {  	(pc) =	sbr.rel $0x88, $3  }
0x1: {  	(tag) =	ssettag $0x0;
	lr =	simm.s32 $0x1  }
0x2: {  	[smem:$0x3F83] =	sst lr;
	_ =	strace $0xD0000000  }
0x3: {  	_ = 	snop  }
0x4: {  	_ = 	snop  }
0x5: {  	_ = 	snop  }
0x6: {  	_ = 	snop  }
0x7: {  	_ = 	snop  }
__scs_overlays_trampoline_lowered:
0x8: {  	[smem:$0x3F92] =	sst s0  }
0x9: {  	[smem:$0x3F93] =	sst s1  }
0xa: {  	[smem:$0x3F94] =	sst s2  }
0xb: {  	[smem:$0x3F95] =	sst s3  }
0xc: {  	[smem:$0x3F96] =	sst s4  }
0xd: {  	[smem:$0x3F97] =	sst s5  }
0xe: {  	[smem:$0x3F98] =	sst s6  }
0xf: {  	[smem:$0x3F99] =	sst s7  }
0x10: {  	[smem:$0x3F9A] =	sst s8  }
0x11: {  	[smem:$0x3F9B] =	sst s9;
	s0 =	simm.s32 @!p0 $0x0  }
0x12: {  	s1 =	sld [smem:$0x3F81];
	s0 =	simm.s32 @p0 $0x1  }
0x13: {  	[smem:$0x3F9C] =	sst s0;
	s0 =	simm.s32 @!p1 $0x0  }
0x14: {  	s2 =	sld [smem:$0x3F80];
	s0 =	simm.s32 @p1 $0x1  }
0x15: {  	[smem:$0x3F9D] =	sst s0;
	s0 =	simm.s32 @!p2 $0x0  }
0x16: {  	s3 =	sld [smem:$0x3FDB];
	s0 =	simm.s32 @p2 $0x1  }
0x17: {  	s4 =	simm.s32 $0x1BF5;
	[smem:$0x3F9F] =	sst s0  }
0x18: {  	s0 =	sld [smem:$0x3F82];
	_ =	swait.ge [sflag:s4], $0x0  }
0x19: {  	s7 =	sld [smem:$0x3F83]  }
0x1a: {  	s8 =	sadd.s32 $0xFFFFE003, lr  }
0x1b: {  	s9 =	sadd.s32 $0xFFFFFEF7, lr;
	s5 =	simm.s32 $0xFFFFFFFF;
	p2 =	slt.u32 s8, $0xFFFFF086  }
0x1c: {  	p1 =	slt.u32 s9, $0xF7A;
	s5 =	simm.s32 @!p2 $0x0  }
0x1d: {  	s5 =	simm.s32 @p1 $0x1;
	p0 =	seq.s32 s7, s2  }
0x1e: {  	s7 =	smul.u32 @!p0 $0xF7A, s2;
	p2 =	seq.s32 @!p0 s5, $0x0  }
0x1f: {  	s9 =	smul.u32 $0xF7A, s1;
	s8 =	simm.s32 @!p0 $0x1BF5;
	p2 =	por !p2, p0  }
0x20: {  	[sflag:s8] =	ssyncset.s32 @!p0 $0xFFFFF086;
	s6 =	sadd.s32 @!p0 s3, s7;
	s7 =	simm.s32 @!p0 $0x108  }
0x21: {  	s3 =	sadd.s32 s3, s9;
	s6 =	sadd.s32 @!p0 $0x88, s6;
	s7 =	simm.s32 @p2 $0x1082  }
0x22: {  	[simem:s7], [sflag:s8] =	dma.local @!p0 [hbm:s6], $0xF7A  }
0x23: {  	s9 =	sor.u32 $0xD0000000, s2;
	s6 =	simm.s32 $0x108;
	_ =	swait.ge @!p0 [sflag:s8], $0x0  }
0x24: {  	s3 =	sadd.s32 $0x88, s3;
	s6 =	simm.s32 @!p1 $0x1082;
	[sflag:s4] =	ssyncset.s32 $0xFFFFF086  }
0x25: {  	[simem:s6], [sflag:s4] =	dma.local [hbm:s3], $0xF7A  }
0x26: {  	[smem:$0x3F83] =	sst s1;
	(tag) =	ssettag s2;
	_ =	strace s9  }
0x27: {  	s1 =	sld [smem:$0x3F93]  }
0x28: {  	s2 =	sld [smem:$0x3F94]  }
0x29: {  	s4 =	sld [smem:$0x3F96]  }
0x2a: {  	p0 =	seq.s32 s5, $0x0;
	s5 =	sld [smem:$0x3F97]  }
0x2b: {  	s6 =	sld [smem:$0x3F98]  }
0x2c: {  	s7 =	sld [smem:$0x3F99]  }
0x2d: {  	s3 =	simm.s32 $0x108;
	s8 =	sld [smem:$0x3F9A]  }
0x2e: {  	s3 =	simm.s32 @!p0 $0x1082;
	s9 =	sld [smem:$0x3F9B]  }
0x2f: {  	lr =	sadd.s32 s0, s3;
	s0 =	sld [smem:$0x3F92]  }
0x30: {  	s3 =	sld [smem:$0x3F95]  }
0x31: {  	[smem:$0x3F9E] =	sst s10  }
0x32: {  	s10 =	sld [smem:$0x3F9C];
	_ =	sdelay $0x3  }
0x33: {  	p0 =	seq.s32 s10, $0x1;
	s10 =	sld [smem:$0x3F9E];
	_ =	sdelay $0x3  }
0x34: {  	[smem:$0x3F9E] =	sst s10  }
0x35: {  	s10 =	sld [smem:$0x3F9D];
	_ =	sdelay $0x3  }
0x36: {  	p1 =	seq.s32 s10, $0x1;
	s10 =	sld [smem:$0x3F9E];
	_ =	sdelay $0x3  }
0x37: {  	[smem:$0x3F9E] =	sst s10  }
0x38: {  	s10 =	sld [smem:$0x3F9F]  }
0x39: {  	_ = 	snop;
	(pc) =	sbr.ind lr, $3  }
0x3a: {  	_ = 	snop  }
0x3b: {  	_ = 	snop  }
0x3c: {  	p2 =	seq.s32 s10, $0x1;
	s10 =	sld [smem:$0x3F9E]  }
0x3d: {  	_ =	shalt  }
0x3e: {  	_ =	shalt  }
0x3f: {  	_ =	shalt  }
0x40: {  	_ =	shalt  }
0x41: {  	_ =	shalt  }
0x42: {  	_ =	shalt  }
0x43: {  	_ =	shalt  }
0x44: {  	_ =	shalt  }
0x45: {  	_ =	shalt  }
0x46: {  	_ =	shalt  }
0x47: {  	_ =	shalt  }
0x48: {  	_ =	shalt  }
0x49: {  	_ =	shalt  }
0x4a: {  	_ =	shalt  }
0x4b: {  	_ =	shalt  }
0x4c: {  	_ =	shalt  }
0x4d: {  	_ =	shalt  }
0x4e: {  	_ =	shalt  }
0x4f: {  	_ =	shalt  }
0x50: {  	_ =	shalt  }
0x51: {  	_ =	shalt  }
0x52: {  	_ =	shalt  }
0x53: {  	_ =	shalt  }
0x54: {  	_ =	shalt  }
0x55: {  	_ =	shalt  }
0x56: {  	_ =	shalt  }
0x57: {  	_ =	shalt  }
0x58: {  	_ =	shalt  }
0x59: {  	_ =	shalt  }
0x5a: {  	_ =	shalt  }
0x5b: {  	_ =	shalt  }
0x5c: {  	_ =	shalt  }
0x5d: {  	_ =	shalt  }
0x5e: {  	_ =	shalt  }
0x5f: {  	_ =	shalt  }
0x60: {  	_ =	shalt  }
0x61: {  	_ =	shalt  }
0x62: {  	_ =	shalt  }
0x63: {  	_ =	shalt  }
0x64: {  	_ =	shalt  }
0x65: {  	_ =	shalt  }
0x66: {  	_ =	shalt  }
0x67: {  	_ =	shalt  }
0x68: {  	_ =	shalt  }
0x69: {  	_ =	shalt  }
0x6a: {  	_ =	shalt  }
0x6b: {  	_ =	shalt  }
0x6c: {  	_ =	shalt  }
0x6d: {  	_ =	shalt  }
0x6e: {  	_ =	shalt  }
0x6f: {  	_ =	shalt  }
0x70: {  	_ =	shalt  }
0x71: {  	_ =	shalt  }
0x72: {  	_ =	shalt  }
0x73: {  	_ =	shalt  }
0x74: {  	_ =	shalt  }
0x75: {  	_ =	shalt  }
0x76: {  	_ =	shalt  }
0x77: {  	_ =	shalt  }
0x78: {  	_ =	shalt  }
0x79: {  	_ =	shalt  }
0x7a: {  	_ =	shalt  }
0x7b: {  	_ =	shalt  }
0x7c: {  	_ =	shalt  }
0x7d: {  	_ =	shalt  }
0x7e: {  	_ =	shalt  }
0x7f: {  	_ =	shalt  }
0x80: {  	_ =	shalt  }
0x81: {  	_ =	shalt  }
0x82: {  	_ =	shalt  }
0x83: {  	_ =	shalt  }
0x84: {  	_ =	shalt  }
0x85: {  	_ =	shalt  }
0x86: {  	_ =	shalt  }
0x87: {  	_ =	shalt  }
.Lfunc_end0:
.L_simem_size_0:
called_computation.4_lowered:
.L_overlay_start_0:
0x88: {  	s2 =	sld [smem:$0x3FD9]  }
0x89: {  	s3 =	sld [smem:$0x3FFE];
	_ =	sdelay $0x1  }
0x8a: {  	s1 =	srdreg.scid  }
0x8b: {  	s0 =	sand.u32 $0x1, s1  }
0x8c: {  	s16 =	sshll.u32 s0, $0xA;
	s2 =	sadd.s32 s3, s2  }
0x8d: {  	s2 =	sadd.s32 s2, s16  }
0x8e: {  	[smem:$0x3FAA] =	sst s2  }
0x8f: {  	_ = 	snop  }
0x90: {  	(tm) =	ssettm $0x1  }
0x91: {  	s17 =	sld [smem:$0x3FFB];
	_ =	sdelay $0x3  }
0x92: {  	_ =	strace s17  }
0x93: {  	s2 =	sld [smem:$0x3FFC];
	_ =	sdelay $0x3  }
0x94: {  	_ =	strace s2  }
0x95: {  	s2 =	sld [smem:$0x3FFD];
	_ =	sdelay $0x3  }
0x96: {  	_ =	strace s2  }
0x97: {  	_ =	strace $0x8FFFFFFF  }
0x98: {  	s18 =	sld [smem:$0x3FDB];
	_ =	sdelay $0x1  }
0x99: {  	s19 =	simm.s32 $_scs_section_size  }
0x9a: {  	s4 =	simm.s32 $_size__tile_overlayer_lowered;
	s5 =	simm.s32 $_tile_overlayer_lowered  }
0x9b: {  	s22 =	simm.s32 $0x1BFF;
	s21 =	sshll.u32 s5, $0x1;
	s2 =	sadd.s32 s19, s18  }
0x9c: {  	s6 =	simm.s32 $0x0;
	s20 =	sshll.u32 s4, $0x1;
	s4 =	sadd.s32 s21, s2  }
0x9d: {  	[timem:s6], [sflag:s22] =	dma.local [hbm:s4], s20  }
0x9e: {  	_ =	swait.ge [sflag:s22], s20  }
0x9f: {  	s3 =	ssub.s32 $0x0, s20;
	[sflag:s22] =	ssyncset.done $0x0  }
0xa0: {  	[sflag:s22] =	ssyncadd.s32 s3;
	_ =	sdelay $0x1  }
0xa1: {  	s23 =	simm.s32 $0x1B8B  }
0xa2: {  	_ =	swait.ge [sflag:s23], $0x1  }
0xa3: {  	[sflag:s23] =	ssyncset.done $0x0  }
0xa4: {  	s25 =	simm.s32 $0x1B8E;
	s24 =	sld [smem:$0x3FFE];
	[sflag:s23] =	ssyncadd.s32 $0xFFFFFFFF  }
0xa5: {  	s26 =	simm.s32 $execute0_lowered;
	[smem:$0x3FD2] =	sst s25  }
0xa6: {  	s4 =	sshll.u32 s26, $0x1;
	_ =	strace $0x80000052;
	[dreg:$0x1] =	wrdreg $0xFFFFFFFF  }
0xa7: {  	s28 =	simm.s32 $_size_execute0_lowered;
	s2 =	sadd.s32 s2, s4;
	[dreg:$0x0] =	wrdreg $0x0  }
0xa8: {  	s4 =	sshll.u32 s28, $0x1;
	[dreg:$0x2] =	wrdreg s2  }
0xa9: {  	[dreg:$0x3] =	wrdreg s4  }
0xaa: {  	[dreg:$0x4] =	wrdreg $0xC0  }
0xab: {  	_ =	task [dreg:s6], $0x5FFFF  }
0xac: {  	[dreg:$0x1] =	wrdreg $0xFFFFFFFF  }
0xad: {  	[dreg:$0x0] =	wrdreg $0x60  }
0xae: {  	[dreg:$0x2] =	wrdreg s24  }
0xaf: {  	[dreg:$0x3] =	wrdreg $0x9  }
0xb0: {  	_ =	task.clear_ibuf [dreg:s6], $0x4FFFF;
	_ =	strace $0x90000052  }
0xb1: {  	s29 =	simm.s32 $0x9;
	_ =	strace $0x80000054  }
0xb2: {  	_ =	swait.ge [sflag:s29], $0x1  }
0xb3: {  	[sflag:s29] =	ssyncadd.s32 $0xFFFFFFFF  }
0xb4: {  	_ =	strace $0x90000054  }
0xb5: {  	_ =	sfence  }
0xb6: {  	s30 =	sld [smem:$0x0];
	_ =	sdelay $0x2  }
0xb7: {  	s31 =	sshll.u32 s1, $0xD;
	s1 =	sshrl.u32 s1, $0x2  }
0xb8: {  	s3 =	sand.u32 $0x4000, s31;
	s1 =	sadd.s32 s1, s30  }
0xb9: {  	s0 =	sor.u32 s3, s0;
	s1 =	sshll.u32 s1, $0x11  }
0xba: {  	s0 =	sor.u32 s1, s0  }
0xbb: {  	s0 =	sadd.s32 $0x8F2B, s0  }
0xbc: {  	[sflag:s0] =	ssyncadd.remote.s32 $0x1  }
0xbd: {  	_ =	sfence.sel $0xFFFF  }
0xbe: {  	[dreg:$0x0] =	wrdreg $0xFFFFFFFF;
	(pc) =	sbr.abs _section_cstart, $3  }
0xbf: {  	[dreg:$0x1] =	wrdreg $0xFFFFFFFF  }
0xc0: {  	_ =	task.clear_ibuf [dreg:s6], $0x2FFFF;
	_ =	strace $0x9FFFFFFF  }
0xc1: {  	(tm) =	ssettm $0x7FFFFFFF  }
tec
execute0_lowered:
.L_overlay_start_1:
0x0: {  	(tag) =	ssettag $0x1  }
0x1: {  	s1 =	srdreg.scid;
	s0 =	stileid.u32  }
0x2: {  	s6 =	sand.u32 $0x1, s1;
	s30 =	sshll.u32 s0, $0x1  }
0x3: {  	s8 =	rddreg [dreg:$0x0];
	s7 =	sor.u32 s6, s30  }
0x4: {  	s2 =	simm.s32 $0x0;
	s1 =	rddreg [dreg:$0x1];
	s3 =	smul.u32 $0x280, s7  }
0x5: {  	[smem:$0x7FF] =	sst s2;
	s5 =	sadd.s32 $0x10400, s8  }
0x6: {  	_ =	strace $0x80000053;
	s10 =	ssub.s32 $0x2, s6;
	s3 =	sadd.s32 s3, s8  }
0x7: {  	s6 =	simm.s32 $0x1400;
	s4 =	sadd.s32 $0xB400, s3;
	s3 =	simm.s32 $0x2  }
0x8: {  	[tilespmem:s2], [sflag:$0x2] =	stream.linear.gather [hbm4b:s4+s2], $0x1400, $0x38;
	[tilespmem:$0x15400] =	vst v63  }
0x9: {  	s9 =	smul.u32 $0x2800, s7;
	s11 =	sshrl.u32 s10, $0x1;
	_ =	swait.ge [sflag:s3], $0x1400  }
0xa: {  	s7 =	simm.s32 $0x1;
	s31 =	ssub.s32 s10, s11;
	[sflag:s3] =	ssyncset.done $0x0  }
0xb: {  	s8 =	sadd.s32 s9, s8;
	s9 =	smax.u32 s31, $0x1;
	[sflag:s3] =	ssyncadd.s32 $0xFFFFEC00  }
0xc: {  	[tilespmem:s6], [sflag:$0x1] =	stream.indirect.gather [hbm4b:s5+s6], $0x10, s2, s6, $0xb8;
	[tilespmem:$0x15400] =	vst v63  }
0xd: {  	p0 =	sne.s32 s9, $0x1;
	_ =	swait.ge [sflag:s7], $0x14000  }
.Ltmp0:
0xe: {  	[sflag:s7] =	ssyncset.done $0x0;
	(pc) =	sbr.rel @!p0 .LBB2_2-.Ltmp0, $4  }
0xf: {  	s8 =	sadd.s32 $0x15400, s8;
	[sflag:s7] =	ssyncadd.s32 $0xFFFEC000  }
0x10: {  	[hbm4b:s8+s2] =	stream.linear.scatter [tilespmem:s6], [sflag:$0x2], $0x14000, $0x38;
	[tilespmem:$0x15400] =	vst v63  }
0x11: {  	_ =	swait.ge [sflag:s3], $0x14000  }
0x12: {  	s9 =	sadd.s32 $0xFFFFFFFF, s9;
	[sflag:s3] =	ssyncset.done $0x0  }
.LBB2_1:
0x13: {  	p0 =	sne.s32 s9, $0x1;
	s9 =	sadd.s32 $0xFFFFFFFF, s9;
	[sflag:s3] =	ssyncadd.s32 $0xFFFEC000  }
0x14: {  	[tilespmem:s2], [sflag:$0x2] =	stream.linear.gather [hbm4b:s4+s2], $0x1400, $0x38;
	[tilespmem:$0x15400] =	vst v63  }
0x15: {  	_ =	swait.ge [sflag:s3], $0x1400  }
0x16: {  	[sflag:s3] =	ssyncset.done $0x0  }
0x17: {  	[sflag:s3] =	ssyncadd.s32 $0xFFFFEC00  }
0x18: {  	[tilespmem:s6], [sflag:$0x1] =	stream.indirect.gather [hbm4b:s5+s6], $0x10, s2, s6, $0xb8;
	[tilespmem:$0x15400] =	vst v63  }
0x19: {  	_ =	swait.ge [sflag:s7], $0x14000  }
.Ltmp1:
0x1a: {  	[sflag:s7] =	ssyncset.done $0x0;
	(pc) =	sbr.rel @p0 .LBB2_1-.Ltmp1, $4  }
0x1b: {  	[sflag:s7] =	ssyncadd.s32 $0xFFFEC000  }
0x1c: {  	[hbm4b:s8+s2] =	stream.linear.scatter [tilespmem:s6], [sflag:$0x2], $0x14000, $0x38;
	[tilespmem:$0x15400] =	vst v63  }
0x1d: {  	_ =	swait.ge [sflag:s3], $0x14000  }
0x1e: {  	[sflag:s3] =	ssyncset.done $0x0  }
.LBB2_2:
0x1f: {  	[sflag:s3] =	ssyncadd.s32 $0xFFFEC000  }
0x20: {  	_ =	sfence.sel $0x180000  }
0x21: {  	[bflag:$0x0] =	sbarrier.arrive $0xFFFF  }
0x22: {  	p0 =	sne.s32 s0, $0x0;
	_ =	strace $0x90000053  }
0x23: {  	s0 =	sadd.s32 @!p0 $0x100000, s1;
	[bflag:$0x2] =	sbarrier.arrive $0xFFFF  }
0x24: {  	[sflag:s0] =	ssyncadd.tile.s32 @!p0 $0x1;
	_ =	shalt  }
.Lfunc_end2:
_tile_overlayer_lowered:
.L_overlay_start_2:
0x25: {  	(tag) =	ssettag $0x2  }
0x26: {  	s0 =	rddreg [dreg:$0x0];
	s2 =	stileid.u32  }
0x27: {  	s1 =	rddreg [dreg:$0x1];
	p0 =	sne.s32 s2, $0x0  }
0x28: {  	s3 =	rddreg [dreg:$0x2];
	[bflag:$0x3] =	sbarrier.arrive $0xFFFF;
	s2 =	simm.s32 @!p0 $0x1C02  }
0x29: {  	[timem:s3], [sflag:s2] =	dma.local @!p0 [hbm:s0], s1  }
0x2a: {  	s0 =	simm.s32 @!p0 $0x2  }
0x2b: {  	_ =	swait.ge @!p0 [sflag:s0], s1  }
0x2c: {  	s1 =	ssub.s32 @!p0 $0x0, s1;
	[sflag:s0] =	ssyncset.done @!p0 $0x0  }
0x2d: {  	[sflag:s0] =	ssyncadd.s32 @!p0 s1  }
0x2e: {  	[bflag:$0x3] =	sbarrier.arrive $0xFFFF  }
0x2f: {  	_ =	shalt  }

// kernel: kernel.44.cloned.1.call-start
scs
__scs_entry_jumppad:
0x0: {  	(pc) =	sbr.rel $0x88, $3  }
0x1: {  	(tag) =	ssettag $0x0;
	lr =	simm.s32 $0x1  }
0x2: {  	[smem:$0x3F83] =	sst lr;
	_ =	strace $0xD0000000  }
0x3: {  	_ = 	snop  }
0x4: {  	_ = 	snop  }
0x5: {  	_ = 	snop  }
0x6: {  	_ = 	snop  }
0x7: {  	_ = 	snop  }
__scs_overlays_trampoline_lowered:
0x8: {  	[smem:$0x3F92] =	sst s0  }
0x9: {  	[smem:$0x3F93] =	sst s1  }
0xa: {  	[smem:$0x3F94] =	sst s2  }
0xb: {  	[smem:$0x3F95] =	sst s3  }
0xc: {  	[smem:$0x3F96] =	sst s4  }
0xd: {  	[smem:$0x3F97] =	sst s5  }
0xe: {  	[smem:$0x3F98] =	sst s6  }
0xf: {  	[smem:$0x3F99] =	sst s7  }
0x10: {  	[smem:$0x3F9A] =	sst s8  }
0x11: {  	[smem:$0x3F9B] =	sst s9;
	s0 =	simm.s32 @!p0 $0x0  }
0x12: {  	s1 =	sld [smem:$0x3F81];
	s0 =	simm.s32 @p0 $0x1  }
0x13: {  	[smem:$0x3F9C] =	sst s0;
	s0 =	simm.s32 @!p1 $0x0  }
0x14: {  	s2 =	sld [smem:$0x3F80];
	s0 =	simm.s32 @p1 $0x1  }
0x15: {  	[smem:$0x3F9D] =	sst s0;
	s0 =	simm.s32 @!p2 $0x0  }
0x16: {  	s3 =	sld [smem:$0x3FDB];
	s0 =	simm.s32 @p2 $0x1  }
0x17: {  	s4 =	simm.s32 $0x1BF5;
	[smem:$0x3F9F] =	sst s0  }
0x18: {  	s0 =	sld [smem:$0x3F82];
	_ =	swait.ge [sflag:s4], $0x0  }
0x19: {  	s7 =	sld [smem:$0x3F83]  }
0x1a: {  	s8 =	sadd.s32 $0xFFFFE003, lr  }
0x1b: {  	s9 =	sadd.s32 $0xFFFFFEF7, lr;
	s5 =	simm.s32 $0xFFFFFFFF;
	p2 =	slt.u32 s8, $0xFFFFF086  }
0x1c: {  	p1 =	slt.u32 s9, $0xF7A;
	s5 =	simm.s32 @!p2 $0x0  }
0x1d: {  	s5 =	simm.s32 @p1 $0x1;
	p0 =	seq.s32 s7, s2  }
0x1e: {  	s7 =	smul.u32 @!p0 $0xF7A, s2;
	p2 =	seq.s32 @!p0 s5, $0x0  }
0x1f: {  	s9 =	smul.u32 $0xF7A, s1;
	s8 =	simm.s32 @!p0 $0x1BF5;
	p2 =	por !p2, p0  }
0x20: {  	[sflag:s8] =	ssyncset.s32 @!p0 $0xFFFFF086;
	s6 =	sadd.s32 @!p0 s3, s7;
	s7 =	simm.s32 @!p0 $0x108  }
0x21: {  	s3 =	sadd.s32 s3, s9;
	s6 =	sadd.s32 @!p0 $0x88, s6;
	s7 =	simm.s32 @p2 $0x1082  }
0x22: {  	[simem:s7], [sflag:s8] =	dma.local @!p0 [hbm:s6], $0xF7A  }
0x23: {  	s9 =	sor.u32 $0xD0000000, s2;
	s6 =	simm.s32 $0x108;
	_ =	swait.ge @!p0 [sflag:s8], $0x0  }
0x24: {  	s3 =	sadd.s32 $0x88, s3;
	s6 =	simm.s32 @!p1 $0x1082;
	[sflag:s4] =	ssyncset.s32 $0xFFFFF086  }
0x25: {  	[simem:s6], [sflag:s4] =	dma.local [hbm:s3], $0xF7A  }
0x26: {  	[smem:$0x3F83] =	sst s1;
	(tag) =	ssettag s2;
	_ =	strace s9  }
0x27: {  	s1 =	sld [smem:$0x3F93]  }
0x28: {  	s2 =	sld [smem:$0x3F94]  }
0x29: {  	s4 =	sld [smem:$0x3F96]  }
0x2a: {  	p0 =	seq.s32 s5, $0x0;
	s5 =	sld [smem:$0x3F97]  }
0x2b: {  	s6 =	sld [smem:$0x3F98]  }
0x2c: {  	s7 =	sld [smem:$0x3F99]  }
0x2d: {  	s3 =	simm.s32 $0x108;
	s8 =	sld [smem:$0x3F9A]  }
0x2e: {  	s3 =	simm.s32 @!p0 $0x1082;
	s9 =	sld [smem:$0x3F9B]  }
0x2f: {  	lr =	sadd.s32 s0, s3;
	s0 =	sld [smem:$0x3F92]  }
0x30: {  	s3 =	sld [smem:$0x3F95]  }
0x31: {  	[smem:$0x3F9E] =	sst s10  }
0x32: {  	s10 =	sld [smem:$0x3F9C];
	_ =	sdelay $0x3  }
0x33: {  	p0 =	seq.s32 s10, $0x1;
	s10 =	sld [smem:$0x3F9E];
	_ =	sdelay $0x3  }
0x34: {  	[smem:$0x3F9E] =	sst s10  }
0x35: {  	s10 =	sld [smem:$0x3F9D];
	_ =	sdelay $0x3  }
0x36: {  	p1 =	seq.s32 s10, $0x1;
	s10 =	sld [smem:$0x3F9E];
	_ =	sdelay $0x3  }
0x37: {  	[smem:$0x3F9E] =	sst s10  }
0x38: {  	s10 =	sld [smem:$0x3F9F]  }
0x39: {  	_ = 	snop;
	(pc) =	sbr.ind lr, $3  }
0x3a: {  	_ = 	snop  }
0x3b: {  	_ = 	snop  }
0x3c: {  	p2 =	seq.s32 s10, $0x1;
	s10 =	sld [smem:$0x3F9E]  }
0x3d: {  	_ =	shalt  }
0x3e: {  	_ =	shalt  }
0x3f: {  	_ =	shalt  }
0x40: {  	_ =	shalt  }
0x41: {  	_ =	shalt  }
0x42: {  	_ =	shalt  }
0x43: {  	_ =	shalt  }
0x44: {  	_ =	shalt  }
0x45: {  	_ =	shalt  }
0x46: {  	_ =	shalt  }
0x47: {  	_ =	shalt  }
0x48: {  	_ =	shalt  }
0x49: {  	_ =	shalt  }
0x4a: {  	_ =	shalt  }
0x4b: {  	_ =	shalt  }
0x4c: {  	_ =	shalt  }
0x4d: {  	_ =	shalt  }
0x4e: {  	_ =	shalt  }
0x4f: {  	_ =	shalt  }
0x50: {  	_ =	shalt  }
0x51: {  	_ =	shalt  }
0x52: {  	_ =	shalt  }
0x53: {  	_ =	shalt  }
0x54: {  	_ =	shalt  }
0x55: {  	_ =	shalt  }
0x56: {  	_ =	shalt  }
0x57: {  	_ =	shalt  }
0x58: {  	_ =	shalt  }
0x59: {  	_ =	shalt  }
0x5a: {  	_ =	shalt  }
0x5b: {  	_ =	shalt  }
0x5c: {  	_ =	shalt  }
0x5d: {  	_ =	shalt  }
0x5e: {  	_ =	shalt  }
0x5f: {  	_ =	shalt  }
0x60: {  	_ =	shalt  }
0x61: {  	_ =	shalt  }
0x62: {  	_ =	shalt  }
0x63: {  	_ =	shalt  }
0x64: {  	_ =	shalt  }
0x65: {  	_ =	shalt  }
0x66: {  	_ =	shalt  }
0x67: {  	_ =	shalt  }
0x68: {  	_ =	shalt  }
0x69: {  	_ =	shalt  }
0x6a: {  	_ =	shalt  }
0x6b: {  	_ =	shalt  }
0x6c: {  	_ =	shalt  }
0x6d: {  	_ =	shalt  }
0x6e: {  	_ =	shalt  }
0x6f: {  	_ =	shalt  }
0x70: {  	_ =	shalt  }
0x71: {  	_ =	shalt  }
0x72: {  	_ =	shalt  }
0x73: {  	_ =	shalt  }
0x74: {  	_ =	shalt  }
0x75: {  	_ =	shalt  }
0x76: {  	_ =	shalt  }
0x77: {  	_ =	shalt  }
0x78: {  	_ =	shalt  }
0x79: {  	_ =	shalt  }
0x7a: {  	_ =	shalt  }
0x7b: {  	_ =	shalt  }
0x7c: {  	_ =	shalt  }
0x7d: {  	_ =	shalt  }
0x7e: {  	_ =	shalt  }
0x7f: {  	_ =	shalt  }
0x80: {  	_ =	shalt  }
0x81: {  	_ =	shalt  }
0x82: {  	_ =	shalt  }
0x83: {  	_ =	shalt  }
0x84: {  	_ =	shalt  }
0x85: {  	_ =	shalt  }
0x86: {  	_ =	shalt  }
0x87: {  	_ =	shalt  }
.Lfunc_end0:
.L_simem_size_0:
called_computation.5_lowered:
.L_overlay_start_0:
0x88: {  	s2 =	sld [smem:$0x3FD9]  }
0x89: {  	s3 =	sld [smem:$0x3FFE];
	_ =	sdelay $0x1  }
0x8a: {  	s1 =	srdreg.scid  }
0x8b: {  	s0 =	sand.u32 $0x1, s1  }
0x8c: {  	s16 =	sshll.u32 s0, $0xA;
	s2 =	sadd.s32 s3, s2  }
0x8d: {  	s2 =	sadd.s32 s2, s16  }
0x8e: {  	[smem:$0x3FAA] =	sst s2  }
0x8f: {  	_ = 	snop  }
0x90: {  	(tm) =	ssettm $0x1  }
0x91: {  	s17 =	sld [smem:$0x3FFB];
	_ =	sdelay $0x3  }
0x92: {  	_ =	strace s17  }
0x93: {  	s2 =	sld [smem:$0x3FFC];
	_ =	sdelay $0x3  }
0x94: {  	_ =	strace s2  }
0x95: {  	s2 =	sld [smem:$0x3FFD];
	_ =	sdelay $0x3  }
0x96: {  	_ =	strace s2  }
0x97: {  	_ =	strace $0x8FFFFFFF  }
0x98: {  	s18 =	sld [smem:$0x3FDB];
	_ =	sdelay $0x1  }
0x99: {  	s19 =	simm.s32 $_scs_section_size  }
0x9a: {  	s4 =	simm.s32 $_size__tile_overlayer_lowered;
	s5 =	simm.s32 $_tile_overlayer_lowered  }
0x9b: {  	s22 =	simm.s32 $0x1BFF;
	s21 =	sshll.u32 s5, $0x1;
	s2 =	sadd.s32 s19, s18  }
0x9c: {  	s6 =	simm.s32 $0x0;
	s20 =	sshll.u32 s4, $0x1;
	s4 =	sadd.s32 s21, s2  }
0x9d: {  	[timem:s6], [sflag:s22] =	dma.local [hbm:s4], s20  }
0x9e: {  	_ =	swait.ge [sflag:s22], s20  }
0x9f: {  	s3 =	ssub.s32 $0x0, s20;
	[sflag:s22] =	ssyncset.done $0x0  }
0xa0: {  	[sflag:s22] =	ssyncadd.s32 s3;
	_ =	sdelay $0x1  }
0xa1: {  	s23 =	simm.s32 $0x1B8B  }
0xa2: {  	_ =	swait.ge [sflag:s23], $0x1  }
0xa3: {  	[sflag:s23] =	ssyncset.done $0x0  }
0xa4: {  	s25 =	simm.s32 $0x1B8E;
	s24 =	sld [smem:$0x3FFE];
	[sflag:s23] =	ssyncadd.s32 $0xFFFFFFFF  }
0xa5: {  	s26 =	simm.s32 $execute0_lowered;
	[smem:$0x3FD2] =	sst s25  }
0xa6: {  	s4 =	sshll.u32 s26, $0x1;
	_ =	strace $0x80000055;
	[dreg:$0x1] =	wrdreg $0xFFFFFFFF  }
0xa7: {  	s28 =	simm.s32 $_size_execute0_lowered;
	s2 =	sadd.s32 s2, s4;
	[dreg:$0x0] =	wrdreg $0x0  }
0xa8: {  	s4 =	sshll.u32 s28, $0x1;
	[dreg:$0x2] =	wrdreg s2  }
0xa9: {  	[dreg:$0x3] =	wrdreg s4  }
0xaa: {  	[dreg:$0x4] =	wrdreg $0xC0  }
0xab: {  	_ =	task [dreg:s6], $0x5FFFF  }
0xac: {  	[dreg:$0x1] =	wrdreg $0xFFFFFFFF  }
0xad: {  	[dreg:$0x0] =	wrdreg $0x60  }
0xae: {  	[dreg:$0x2] =	wrdreg s24  }
0xaf: {  	[dreg:$0x3] =	wrdreg $0x154000  }
0xb0: {  	[dreg:$0x4] =	wrdreg $0x9  }
0xb1: {  	_ =	task.clear_ibuf [dreg:s6], $0x5FFFF;
	_ =	strace $0x90000055  }
0xb2: {  	s29 =	simm.s32 $0x9;
	_ =	strace $0x80000057  }
0xb3: {  	_ =	swait.ge [sflag:s29], $0x1  }
0xb4: {  	[sflag:s29] =	ssyncadd.s32 $0xFFFFFFFF  }
0xb5: {  	_ =	strace $0x90000057  }
0xb6: {  	_ =	sfence  }
0xb7: {  	s30 =	sld [smem:$0x0];
	_ =	sdelay $0x2  }
0xb8: {  	s31 =	sshll.u32 s1, $0xD;
	s1 =	sshrl.u32 s1, $0x2  }
0xb9: {  	s3 =	sand.u32 $0x4000, s31;
	s1 =	sadd.s32 s1, s30  }
0xba: {  	s0 =	sor.u32 s3, s0;
	s1 =	sshll.u32 s1, $0x11  }
0xbb: {  	s0 =	sor.u32 s1, s0  }
0xbc: {  	s0 =	sadd.s32 $0x8F2B, s0  }
0xbd: {  	[sflag:s0] =	ssyncadd.remote.s32 $0x1  }
0xbe: {  	_ =	sfence.sel $0xFFFF  }
0xbf: {  	[dreg:$0x0] =	wrdreg $0xFFFFFFFF;
	(pc) =	sbr.abs _section_cstart, $3  }
0xc0: {  	[dreg:$0x1] =	wrdreg $0xFFFFFFFF  }
0xc1: {  	_ =	task.clear_ibuf [dreg:s6], $0x2FFFF;
	_ =	strace $0x9FFFFFFF  }
0xc2: {  	(tm) =	ssettm $0x7FFFFFFF  }
0xc3: {  	_ =	shalt  }
tec
execute0_lowered:
.L_overlay_start_1:
0x0: {  	(tag) =	ssettag $0x1  }
0x1: {  	s1 =	srdreg.scid;
	s5 =	rddreg [dreg:$0x0]  }
0x2: {  	s0 =	stileid.u32;
	s2 =	rddreg [dreg:$0x1]  }
0x3: {  	s3 =	simm.s32 $0x0;
	s13 =	simm.s32 $0x0;
	s8 =	smul.u32 $0x2800, s0  }
0x4: {  	s4 =	sand.u32 $0x1, s1;
	s26 =	sshll.u32 s0, $0x1;
	s9 =	smul.u32 $0x500, s0  }
0x5: {  	[smem:$0x7FF] =	sst s3;
	s1 =	sor.u32 s4, s26;
	s10 =	smul.u32 $0x5000, s4  }
0x6: {  	s31 =	sshll.u32 s0, $0x6;
	s4 =	ssub.s32 $0x2, s4;
	s6 =	smul.u32 $0x2800, s1  }
0x7: {  	s7 =	smul.u32 $0x280, s1;
	s1 =	rddreg [dreg:$0x2];
	_ =	strace $0x80000056  }
0x8: {  	s29 =	sshrl.u32 s8, $0x3;
	s30 =	sshrl.u32 s4, $0x1;
	s12 =	sadd.s32 s8, s2  }
0x9: {  	s9 =	sadd.s32 s9, s10;
	s10 =	ssub.s32 s4, s30;
	s11 =	sadd.s32 s6, s5  }
0xa: {  	s28 =	sadd.s32 s7, s5;
	s7 =	sadd.s32 s29, s5;
	s9 =	sadd.s32 s9, s5  }
0xb: {  	s5 =	sor.u32 $0x1C01, s31;
	s4 =	sadd.s32 $0x2EA800, s7;
	s6 =	sadd.s32 $0x65800, s28  }
0xc: {  	s7 =	sadd.s32 $0x15400, s11;
	s8 =	sadd.s32 $0x2EF800, s9;
	s9 =	smax.u32 s10, $0x1  }
0xd: {  	s10 =	sshrl.u32 s12, $0x3;
	s11 =	simm.s32 $0x1;
	s12 =	simm.s32 $0x80  }
.LBB2_1:
0xe: {  	[spmem:s10], [sflag:s5] =	dma.local [hbm:s4], $0x500  }
0xf: {  	_ =	swait.ge [sflag:s11], $0x500  }
0x10: {  	[sflag:s11] =	ssyncset.done $0x0  }
0x11: {  	[sflag:s11] =	ssyncadd.s32 $0xFFFFFB00  }
0x12: {  	[bflag:$0x0] =	sbarrier.arrive $0xFFFF  }
0x13: {  	[tilespmem:s3], [sflag:$0x1] =	stream.linear.gather [hbm4b:s6+s3], $0x1400, $0x38;
	[tilespmem:$0x17C00] =	vst v63  }
0x14: {  	_ =	swait.ge [sflag:s11], $0x1400  }
0x15: {  	[sflag:s11] =	ssyncset.done $0x0  }
0x16: {  	s14 =	simm.s32 $0x1400;
	[sflag:s11] =	ssyncadd.s32 $0xFFFFEC00  }
0x17: {  	[tilespmem:s14], [sflag:$0x1] =	stream.linear.gather [hbm4b:s7+s3], $0x14000, $0x38;
	[tilespmem:$0x17C00] =	vst v63  }
0x18: {  	_ =	swait.ge [sflag:s11], $0x14000  }
0x19: {  	[sflag:s11] =	ssyncset.done $0x0  }
0x1a: {  	s15 =	simm.s32 $0x0;
	[sflag:s11] =	ssyncadd.s32 $0xFFFEC000  }
0x1b: {  	[spmem:s2] =	stream.indirect.scatter.add.f32 [tilespmem:s14], [sflag:$0x1], $0x10, s15, s12, $0xb8;
	[tilespmem:$0x17C00] =	vst v63  }
0x1c: {  	_ =	swait.ge [sflag:s11], $0x800  }
0x1d: {  	s15 =	simm.s32 $0x200;
	[sflag:s11] =	ssyncset.done $0x0  }
.LBB2_2:
0x1e: {  	s16 =	sshra.s32 s15, $0x2  }
0x1f: {  	[sflag:s11] =	ssyncadd.s32 $0xFFFFF800;
	s14 =	sadd.s32 $0x800, s14;
	p0 =	sne.s32 s15, $0x4E00  }
0x20: {  	[spmem:s2] =	stream.indirect.scatter.add.f32 [tilespmem:s14], [sflag:$0x1], $0x10, s16, s12, $0xb8;
	[tilespmem:$0x17C00] =	vst v63  }
.Ltmp0:
0x21: {  	_ = 	snop;
	(pc) =	sbr.rel @p0 .LBB2_2-.Ltmp0, $4  }
0x22: {  	_ = 	snop  }
0x23: {  	s15 =	sadd.s32 $0x200, s15  }
0x24: {  	_ =	swait.ge [sflag:s11], $0x800  }
0x25: {  	[sflag:s11] =	ssyncset.done $0x0  }
0x26: {  	s13 =	sadd.s32 $0x1, s13  }
0x27: {  	[sflag:s11] =	ssyncadd.s32 $0xFFFFF800;
	p0 =	sne.s32 s13, s9  }
.Ltmp1:
0x28: {  	[bflag:$0x0] =	sbarrier.arrive $0xFFFF;
	(pc) =	sbr.rel @p0 .LBB2_1-.Ltmp1, $4  }
0x29: {  	[hbm:s8], [sflag:s5] =	dma.local [spmem:s10], $0x500  }
0x2a: {  	_ =	swait.ge [sflag:s11], $0x500  }
0x2b: {  	[sflag:s11] =	ssyncset.done $0x0  }
0x2c: {  	[sflag:s11] =	ssyncadd.s32 $0xFFFFFB00  }
0x2d: {  	_ =	sfence.sel $0x180000  }
0x2e: {  	[bflag:$0x0] =	sbarrier.arrive $0xFFFF  }
0x2f: {  	p0 =	sne.s32 s0, $0x0;
	_ =	strace $0x90000056  }
0x30: {  	s0 =	sadd.s32 @!p0 $0x100000, s1;
	[bflag:$0x2] =	sbarrier.arrive $0xFFFF  }
0x31: {  	[sflag:s0] =	ssyncadd.tile.s32 @!p0 $0x1;
	_ =	shalt  }
.Lfunc_end2:
_tile_overlayer_lowered:
.L_overlay_start_2:
0x32: {  	(tag) =	ssettag $0x2  }
0x33: {  	s0 =	rddreg [dreg:$0x0];
	s2 =	stileid.u32  }
0x34: {  	s1 =	rddreg [dreg:$0x1];
	p0 =	sne.s32 s2, $0x0  }
0x35: {  	s3 =	rddreg [dreg:$0x2];
	[bflag:$0x3] =	sbarrier.arrive $0xFFFF;
	s2 =	simm.s32 @!p0 $0x1C01  }
0x36: {  	[timem:s3], [sflag:s2] =	dma.local @!p0 [hbm:s0], s1  }
0x37: {  	s0 =	simm.s32 @!p0 $0x1  }
0x38: {  	_ =	swait.ge @!p0 [sflag:s0], s1  }
0x39: {  	s1 =	ssub.s32 @!p0 $0x0, s1;
	[sflag:s0] =	ssyncset.done @!p0 $0x0  }
0x3a: {  	[sflag:s0] =	ssyncadd.s32 @!p0 s1  }
0x3b: {  	[bflag:$0x3] =	sbarrier.arrive $0xFFFF  }
0x3c: {  	_ =	shalt  }

// kernel: kernel.47.cloned.1.call-start
scs
__scs_entry_jumppad:
0x0: {  	(pc) =	sbr.rel $0x88, $3  }
0x1: {  	(tag) =	ssettag $0x0;
	lr =	simm.s32 $0x1  }
0x2: {  	[smem:$0x3F83] =	sst lr;
	_ =	strace $0xD0000000  }
0x3: {  	_ = 	snop  }
0x4: {  	_ = 	snop  }
0x5: {  	_ = 	snop  }
0x6: {  	_ = 	snop  }
0x7: {  	_ = 	snop  }
__scs_overlays_trampoline_lowered:
0x8: {  	[smem:$0x3F92] =	sst s0  }
0x9: {  	[smem:$0x3F93] =	sst s1  }
0xa: {  	[smem:$0x3F94] =	sst s2  }
0xb: {  	[smem:$0x3F95] =	sst s3  }
0xc: {  	[smem:$0x3F96] =	sst s4  }
0xd: {  	[smem:$0x3F97] =	sst s5  }
0xe: {  	[smem:$0x3F98] =	sst s6  }
0xf: {  	[smem:$0x3F99] =	sst s7  }
0x10: {  	[smem:$0x3F9A] =	sst s8  }
0x11: {  	[smem:$0x3F9B] =	sst s9;
	s0 =	simm.s32 @!p0 $0x0  }
0x12: {  	s1 =	sld [smem:$0x3F81];
	s0 =	simm.s32 @p0 $0x1  }
0x13: {  	[smem:$0x3F9C] =	sst s0;
	s0 =	simm.s32 @!p1 $0x0  }
0x14: {  	s2 =	sld [smem:$0x3F80];
	s0 =	simm.s32 @p1 $0x1  }
0x15: {  	[smem:$0x3F9D] =	sst s0;
	s0 =	simm.s32 @!p2 $0x0  }
0x16: {  	s3 =	sld [smem:$0x3FDB];
	s0 =	simm.s32 @p2 $0x1  }
0x17: {  	s4 =	simm.s32 $0x1BF5;
	[smem:$0x3F9F] =	sst s0  }
0x18: {  	s0 =	sld [smem:$0x3F82];
	_ =	swait.ge [sflag:s4], $0x0  }
0x19: {  	s7 =	sld [smem:$0x3F83]  }
0x1a: {  	s8 =	sadd.s32 $0xFFFFE003, lr  }
0x1b: {  	s9 =	sadd.s32 $0xFFFFFEF7, lr;
	s5 =	simm.s32 $0xFFFFFFFF;
	p2 =	slt.u32 s8, $0xFFFFF086  }
0x1c: {  	p1 =	slt.u32 s9, $0xF7A;
	s5 =	simm.s32 @!p2 $0x0  }
0x1d: {  	s5 =	simm.s32 @p1 $0x1;
	p0 =	seq.s32 s7, s2  }
0x1e: {  	s7 =	smul.u32 @!p0 $0xF7A, s2;
	p2 =	seq.s32 @!p0 s5, $0x0  }
0x1f: {  	s9 =	smul.u32 $0xF7A, s1;
	s8 =	simm.s32 @!p0 $0x1BF5;
	p2 =	por !p2, p0  }
0x20: {  	[sflag:s8] =	ssyncset.s32 @!p0 $0xFFFFF086;
	s6 =	sadd.s32 @!p0 s3, s7;
	s7 =	simm.s32 @!p0 $0x108  }
0x21: {  	s3 =	sadd.s32 s3, s9;
	s6 =	sadd.s32 @!p0 $0x88, s6;
	s7 =	simm.s32 @p2 $0x1082  }
0x22: {  	[simem:s7], [sflag:s8] =	dma.local @!p0 [hbm:s6], $0xF7A  }
0x23: {  	s9 =	sor.u32 $0xD0000000, s2;
	s6 =	simm.s32 $0x108;
	_ =	swait.ge @!p0 [sflag:s8], $0x0  }
0x24: {  	s3 =	sadd.s32 $0x88, s3;
	s6 =	simm.s32 @!p1 $0x1082;
	[sflag:s4] =	ssyncset.s32 $0xFFFFF086  }
0x25: {  	[simem:s6], [sflag:s4] =	dma.local [hbm:s3], $0xF7A  }
0x26: {  	[smem:$0x3F83] =	sst s1;
	(tag) =	ssettag s2;
	_ =	strace s9  }
0x27: {  	s1 =	sld [smem:$0x3F93]  }
0x28: {  	s2 =	sld [smem:$0x3F94]  }
0x29: {  	s4 =	sld [smem:$0x3F96]  }
0x2a: {  	p0 =	seq.s32 s5, $0x0;
	s5 =	sld [smem:$0x3F97]  }
0x2b: {  	s6 =	sld [smem:$0x3F98]  }
0x2c: {  	s7 =	sld [smem:$0x3F99]  }
0x2d: {  	s3 =	simm.s32 $0x108;
	s8 =	sld [smem:$0x3F9A]  }
0x2e: {  	s3 =	simm.s32 @!p0 $0x1082;
	s9 =	sld [smem:$0x3F9B]  }
0x2f: {  	lr =	sadd.s32 s0, s3;
	s0 =	sld [smem:$0x3F92]  }
0x30: {  	s3 =	sld [smem:$0x3F95]  }
0x31: {  	[smem:$0x3F9E] =	sst s10  }
0x32: {  	s10 =	sld [smem:$0x3F9C];
	_ =	sdelay $0x3  }
0x33: {  	p0 =	seq.s32 s10, $0x1;
	s10 =	sld [smem:$0x3F9E];
	_ =	sdelay $0x3  }
0x34: {  	[smem:$0x3F9E] =	sst s10  }
0x35: {  	s10 =	sld [smem:$0x3F9D];
	_ =	sdelay $0x3  }
0x36: {  	p1 =	seq.s32 s10, $0x1;
	s10 =	sld [smem:$0x3F9E];
	_ =	sdelay $0x3  }
0x37: {  	[smem:$0x3F9E] =	sst s10  }
0x38: {  	s10 =	sld [smem:$0x3F9F]  }
0x39: {  	_ = 	snop;
	(pc) =	sbr.ind lr, $3  }
0x3a: {  	_ = 	snop  }
0x3b: {  	_ = 	snop  }
0x3c: {  	p2 =	seq.s32 s10, $0x1;
	s10 =	sld [smem:$0x3F9E]  }
0x3d: {  	_ =	shalt  }
0x3e: {  	_ =	shalt  }
0x3f: {  	_ =	shalt  }
0x40: {  	_ =	shalt  }
0x41: {  	_ =	shalt  }
0x42: {  	_ =	shalt  }
0x43: {  	_ =	shalt  }
0x44: {  	_ =	shalt  }
0x45: {  	_ =	shalt  }
0x46: {  	_ =	shalt  }
0x47: {  	_ =	shalt  }
0x48: {  	_ =	shalt  }
0x49: {  	_ =	shalt  }
0x4a: {  	_ =	shalt  }
0x4b: {  	_ =	shalt  }
0x4c: {  	_ =	shalt  }
0x4d: {  	_ =	shalt  }
0x4e: {  	_ =	shalt  }
0x4f: {  	_ =	shalt  }
0x50: {  	_ =	shalt  }
0x51: {  	_ =	shalt  }
0x52: {  	_ =	shalt  }
0x53: {  	_ =	shalt  }
0x54: {  	_ =	shalt  }
0x55: {  	_ =	shalt  }
0x56: {  	_ =	shalt  }
0x57: {  	_ =	shalt  }
0x58: {  	_ =	shalt  }
0x59: {  	_ =	shalt  }
0x5a: {  	_ =	shalt  }
0x5b: {  	_ =	shalt  }
0x5c: {  	_ =	shalt  }
0x5d: {  	_ =	shalt  }
0x5e: {  	_ =	shalt  }
0x5f: {  	_ =	shalt  }
0x60: {  	_ =	shalt  }
0x61: {  	_ =	shalt  }
0x62: {  	_ =	shalt  }
0x63: {  	_ =	shalt  }
0x64: {  	_ =	shalt  }
0x65: {  	_ =	shalt  }
0x66: {  	_ =	shalt  }
0x67: {  	_ =	shalt  }
0x68: {  	_ =	shalt  }
0x69: {  	_ =	shalt  }
0x6a: {  	_ =	shalt  }
0x6b: {  	_ =	shalt  }
0x6c: {  	_ =	shalt  }
0x6d: {  	_ =	shalt  }
0x6e: {  	_ =	shalt  }
0x6f: {  	_ =	shalt  }
0x70: {  	_ =	shalt  }
0x71: {  	_ =	shalt  }
0x72: {  	_ =	shalt  }
0x73: {  	_ =	shalt  }
0x74: {  	_ =	shalt  }
0x75: {  	_ =	shalt  }
0x76: {  	_ =	shalt  }
0x77: {  	_ =	shalt  }
0x78: {  	_ =	shalt  }
0x79: {  	_ =	shalt  }
0x7a: {  	_ =	shalt  }
0x7b: {  	_ =	shalt  }
0x7c: {  	_ =	shalt  }
0x7d: {  	_ =	shalt  }
0x7e: {  	_ =	shalt  }
0x7f: {  	_ =	shalt  }
0x80: {  	_ =	shalt  }
0x81: {  	_ =	shalt  }
0x82: {  	_ =	shalt  }
0x83: {  	_ =	shalt  }
0x84: {  	_ =	shalt  }
0x85: {  	_ =	shalt  }
0x86: {  	_ =	shalt  }
0x87: {  	_ =	shalt  }
.Lfunc_end0:
.L_simem_size_0:
called_computation.6_lowered:
.L_overlay_start_0:
0x88: {  	s2 =	sld [smem:$0x3FD9]  }
0x89: {  	s3 =	sld [smem:$0x3FFE];
	_ =	sdelay $0x1  }
0x8a: {  	s1 =	srdreg.scid  }
0x8b: {  	s0 =	sand.u32 $0x1, s1  }
0x8c: {  	s16 =	sshll.u32 s0, $0xA;
	s2 =	sadd.s32 s3, s2  }
0x8d: {  	s2 =	sadd.s32 s2, s16  }
0x8e: {  	[smem:$0x3FAA] =	sst s2  }
0x8f: {  	_ = 	snop  }
0x90: {  	(tm) =	ssettm $0x1  }
0x91: {  	s17 =	sld [smem:$0x3FFB];
	_ =	sdelay $0x3  }
0x92: {  	_ =	strace s17  }
0x93: {  	s2 =	sld [smem:$0x3FFC];
	_ =	sdelay $0x3  }
0x94: {  	_ =	strace s2  }
0x95: {  	s2 =	sld [smem:$0x3FFD];
	_ =	sdelay $0x3  }
0x96: {  	_ =	strace s2  }
0x97: {  	_ =	strace $0x8FFFFFFF  }
0x98: {  	s18 =	sld [smem:$0x3FDB];
	_ =	sdelay $0x1  }
0x99: {  	s19 =	simm.s32 $_scs_section_size  }
0x9a: {  	s4 =	simm.s32 $_size__tile_overlayer_lowered;
	s5 =	simm.s32 $_tile_overlayer_lowered  }
0x9b: {  	s22 =	simm.s32 $0x1BFF;
	s21 =	sshll.u32 s5, $0x1;
	s2 =	sadd.s32 s19, s18  }
0x9c: {  	s6 =	simm.s32 $0x0;
	s20 =	sshll.u32 s4, $0x1;
	s4 =	sadd.s32 s21, s2  }
0x9d: {  	[timem:s6], [sflag:s22] =	dma.local [hbm:s4], s20  }
0x9e: {  	_ =	swait.ge [sflag:s22], s20  }
0x9f: {  	s3 =	ssub.s32 $0x0, s20;
	[sflag:s22] =	ssyncset.done $0x0  }
0xa0: {  	[sflag:s22] =	ssyncadd.s32 s3;
	_ =	sdelay $0x1  }
0xa1: {  	s23 =	simm.s32 $0x1B8B  }
0xa2: {  	_ =	swait.ge [sflag:s23], $0x1  }
0xa3: {  	[sflag:s23] =	ssyncset.done $0x0  }
0xa4: {  	s25 =	simm.s32 $0x1B8E;
	s24 =	sld [smem:$0x3FFE];
	[sflag:s23] =	ssyncadd.s32 $0xFFFFFFFF  }
0xa5: {  	s26 =	simm.s32 $execute0_lowered;
	[smem:$0x3FD2] =	sst s25  }
0xa6: {  	s4 =	sshll.u32 s26, $0x1;
	_ =	strace $0x80000058;
	[dreg:$0x1] =	wrdreg $0xFFFFFFFF  }
0xa7: {  	s28 =	simm.s32 $_size_execute0_lowered;
	s2 =	sadd.s32 s2, s4;
	[dreg:$0x0] =	wrdreg $0x0  }
0xa8: {  	s4 =	sshll.u32 s28, $0x1;
	[dreg:$0x2] =	wrdreg s2  }
0xa9: {  	[dreg:$0x3] =	wrdreg s4  }
0xaa: {  	[dreg:$0x4] =	wrdreg $0xC0  }
0xab: {  	_ =	task [dreg:s6], $0x5FFFF  }
0xac: {  	[dreg:$0x1] =	wrdreg $0xFFFFFFFF  }
0xad: {  	[dreg:$0x0] =	wrdreg $0x60  }
0xae: {  	[dreg:$0x2] =	wrdreg s24  }
0xaf: {  	[dreg:$0x3] =	wrdreg $0x9  }
0xb0: {  	_ =	task.clear_ibuf [dreg:s6], $0x4FFFF;
	_ =	strace $0x90000058  }
0xb1: {  	s29 =	simm.s32 $0x9;
	_ =	strace $0x8000005A  }
0xb2: {  	_ =	swait.ge [sflag:s29], $0x1  }
0xb3: {  	[sflag:s29] =	ssyncadd.s32 $0xFFFFFFFF  }
0xb4: {  	_ =	strace $0x9000005A  }
0xb5: {  	_ =	sfence  }
0xb6: {  	s30 =	sld [smem:$0x0];
	_ =	sdelay $0x2  }
0xb7: {  	s31 =	sshll.u32 s1, $0xD;
	s1 =	sshrl.u32 s1, $0x2  }
0xb8: {  	s3 =	sand.u32 $0x4000, s31;
	s1 =	sadd.s32 s1, s30  }
0xb9: {  	s0 =	sor.u32 s3, s0;
	s1 =	sshll.u32 s1, $0x11  }
0xba: {  	s0 =	sor.u32 s1, s0  }
0xbb: {  	s0 =	sadd.s32 $0x8F2B, s0  }
0xbc: {  	[sflag:s0] =	ssyncadd.remote.s32 $0x1  }
0xbd: {  	_ =	sfence.sel $0xFFFF  }
0xbe: {  	[dreg:$0x0] =	wrdreg $0xFFFFFFFF;
	(pc) =	sbr.abs _section_cstart, $3  }
0xbf: {  	[dreg:$0x1] =	wrdreg $0xFFFFFFFF  }
0xc0: {  	_ =	task.clear_ibuf [dreg:s6], $0x2FFFF;
	_ =	strace $0x9FFFFFFF  }
0xc1: {  	(tm) =	ssettm $0x7FFFFFFF  }
tec
execute0_lowered:
.L_overlay_start_1:
0x0: {  	(tag) =	ssettag $0x1  }
0x1: {  	s1 =	srdreg.scid;
	s0 =	stileid.u32  }
0x2: {  	s6 =	sand.u32 $0x1, s1;
	s30 =	sshll.u32 s0, $0x1  }
0x3: {  	s8 =	rddreg [dreg:$0x0];
	s7 =	sor.u32 s6, s30  }
0x4: {  	s2 =	simm.s32 $0x0;
	s1 =	rddreg [dreg:$0x1];
	s3 =	smul.u32 $0x280, s7  }
0x5: {  	[smem:$0x7FF] =	sst s2;
	s5 =	sadd.s32 $0x10400, s8  }
0x6: {  	_ =	strace $0x80000059;
	s10 =	ssub.s32 $0x2, s6;
	s3 =	sadd.s32 s3, s8  }
0x7: {  	s6 =	simm.s32 $0x1400;
	s4 =	sadd.s32 $0xB400, s3;
	s3 =	simm.s32 $0x2  }
0x8: {  	[tilespmem:s2], [sflag:$0x2] =	stream.linear.gather [hbm4b:s4+s2], $0x1400, $0x38;
	[tilespmem:$0x15400] =	vst v63  }
0x9: {  	s9 =	smul.u32 $0x2800, s7;
	s11 =	sshrl.u32 s10, $0x1;
	_ =	swait.ge [sflag:s3], $0x1400  }
0xa: {  	s7 =	simm.s32 $0x1;
	s31 =	ssub.s32 s10, s11;
	[sflag:s3] =	ssyncset.done $0x0  }
0xb: {  	s8 =	sadd.s32 s9, s8;
	s9 =	smax.u32 s31, $0x1;
	[sflag:s3] =	ssyncadd.s32 $0xFFFFEC00  }
0xc: {  	[tilespmem:s6], [sflag:$0x1] =	stream.indirect.gather [hbm4b:s5+s6], $0x10, s2, s6, $0xb8;
	[tilespmem:$0x15400] =	vst v63  }
0xd: {  	p0 =	sne.s32 s9, $0x1;
	_ =	swait.ge [sflag:s7], $0x14000  }
.Ltmp0:
0xe: {  	[sflag:s7] =	ssyncset.done $0x0;
	(pc) =	sbr.rel @!p0 .LBB2_2-.Ltmp0, $4  }
0xf: {  	s8 =	sadd.s32 $0x15400, s8;
	[sflag:s7] =	ssyncadd.s32 $0xFFFEC000  }
0x10: {  	[hbm4b:s8+s2] =	stream.linear.scatter [tilespmem:s6], [sflag:$0x2], $0x14000, $0x38;
	[tilespmem:$0x15400] =	vst v63  }
0x11: {  	_ =	swait.ge [sflag:s3], $0x14000  }
0x12: {  	s9 =	sadd.s32 $0xFFFFFFFF, s9;
	[sflag:s3] =	ssyncset.done $0x0  }
.LBB2_1:
0x13: {  	p0 =	sne.s32 s9, $0x1;
	s9 =	sadd.s32 $0xFFFFFFFF, s9;
	[sflag:s3] =	ssyncadd.s32 $0xFFFEC000  }
0x14: {  	[tilespmem:s2], [sflag:$0x2] =	stream.linear.gather [hbm4b:s4+s2], $0x1400, $0x38;
	[tilespmem:$0x15400] =	vst v63  }
0x15: {  	_ =	swait.ge [sflag:s3], $0x1400  }
0x16: {  	[sflag:s3] =	ssyncset.done $0x0  }
0x17: {  	[sflag:s3] =	ssyncadd.s32 $0xFFFFEC00  }
0x18: {  	[tilespmem:s6], [sflag:$0x1] =	stream.indirect.gather [hbm4b:s5+s6], $0x10, s2, s6, $0xb8;
	[tilespmem:$0x15400] =	vst v63  }
0x19: {  	_ =	swait.ge [sflag:s7], $0x14000  }
.Ltmp1:
0x1a: {  	[sflag:s7] =	ssyncset.done $0x0;
	(pc) =	sbr.rel @p0 .LBB2_1-.Ltmp1, $4  }
0x1b: {  	[sflag:s7] =	ssyncadd.s32 $0xFFFEC000  }
0x1c: {  	[hbm4b:s8+s2] =	stream.linear.scatter [tilespmem:s6], [sflag:$0x2], $0x14000, $0x38;
	[tilespmem:$0x15400] =	vst v63  }
0x1d: {  	_ =	swait.ge [sflag:s3], $0x14000  }
0x1e: {  	[sflag:s3] =	ssyncset.done $0x0  }
.LBB2_2:
0x1f: {  	[sflag:s3] =	ssyncadd.s32 $0xFFFEC000  }
0x20: {  	_ =	sfence.sel $0x180000  }
0x21: {  	[bflag:$0x0] =	sbarrier.arrive $0xFFFF  }
0x22: {  	p0 =	sne.s32 s0, $0x0;
	_ =	strace $0x90000059  }
0x23: {  	s0 =	sadd.s32 @!p0 $0x100000, s1;
	[bflag:$0x2] =	sbarrier.arrive $0xFFFF  }
0x24: {  	[sflag:s0] =	ssyncadd.tile.s32 @!p0 $0x1;
	_ =	shalt  }
.Lfunc_end2:
_tile_overlayer_lowered:
.L_overlay_start_2:
0x25: {  	(tag) =	ssettag $0x2  }
0x26: {  	s0 =	rddreg [dreg:$0x0];
	s2 =	stileid.u32  }
0x27: {  	s1 =	rddreg [dreg:$0x1];
	p0 =	sne.s32 s2, $0x0  }
0x28: {  	s3 =	rddreg [dreg:$0x2];
	[bflag:$0x3] =	sbarrier.arrive $0xFFFF;
	s2 =	simm.s32 @!p0 $0x1C02  }
0x29: {  	[timem:s3], [sflag:s2] =	dma.local @!p0 [hbm:s0], s1  }
0x2a: {  	s0 =	simm.s32 @!p0 $0x2  }
0x2b: {  	_ =	swait.ge @!p0 [sflag:s0], s1  }
0x2c: {  	s1 =	ssub.s32 @!p0 $0x0, s1;
	[sflag:s0] =	ssyncset.done @!p0 $0x0  }
0x2d: {  	[sflag:s0] =	ssyncadd.s32 @!p0 s1  }
0x2e: {  	[bflag:$0x3] =	sbarrier.arrive $0xFFFF  }
0x2f: {  	_ =	shalt  }

// kernel: kernel.50.cloned.1.call-start
scs
__scs_entry_jumppad:
0x0: {  	(pc) =	sbr.rel $0x88, $3  }
0x1: {  	(tag) =	ssettag $0x0;
	lr =	simm.s32 $0x1  }
0x2: {  	[smem:$0x3F83] =	sst lr;
	_ =	strace $0xD0000000  }
0x3: {  	_ = 	snop  }
0x4: {  	_ = 	snop  }
0x5: {  	_ = 	snop  }
0x6: {  	_ = 	snop  }
0x7: {  	_ = 	snop  }
__scs_overlays_trampoline_lowered:
0x8: {  	[smem:$0x3F92] =	sst s0  }
0x9: {  	[smem:$0x3F93] =	sst s1  }
0xa: {  	[smem:$0x3F94] =	sst s2  }
0xb: {  	[smem:$0x3F95] =	sst s3  }
0xc: {  	[smem:$0x3F96] =	sst s4  }
0xd: {  	[smem:$0x3F97] =	sst s5  }
0xe: {  	[smem:$0x3F98] =	sst s6  }
0xf: {  	[smem:$0x3F99] =	sst s7  }
0x10: {  	[smem:$0x3F9A] =	sst s8  }
0x11: {  	[smem:$0x3F9B] =	sst s9;
	s0 =	simm.s32 @!p0 $0x0  }
0x12: {  	s1 =	sld [smem:$0x3F81];
	s0 =	simm.s32 @p0 $0x1  }
0x13: {  	[smem:$0x3F9C] =	sst s0;
	s0 =	simm.s32 @!p1 $0x0  }
0x14: {  	s2 =	sld [smem:$0x3F80];
	s0 =	simm.s32 @p1 $0x1  }
0x15: {  	[smem:$0x3F9D] =	sst s0;
	s0 =	simm.s32 @!p2 $0x0  }
0x16: {  	s3 =	sld [smem:$0x3FDB];
	s0 =	simm.s32 @p2 $0x1  }
0x17: {  	s4 =	simm.s32 $0x1BF5;
	[smem:$0x3F9F] =	sst s0  }
0x18: {  	s0 =	sld [smem:$0x3F82];
	_ =	swait.ge [sflag:s4], $0x0  }
0x19: {  	s7 =	sld [smem:$0x3F83]  }
0x1a: {  	s8 =	sadd.s32 $0xFFFFE003, lr  }
0x1b: {  	s9 =	sadd.s32 $0xFFFFFEF7, lr;
	s5 =	simm.s32 $0xFFFFFFFF;
	p2 =	slt.u32 s8, $0xFFFFF086  }
0x1c: {  	p1 =	slt.u32 s9, $0xF7A;
	s5 =	simm.s32 @!p2 $0x0  }
0x1d: {  	s5 =	simm.s32 @p1 $0x1;
	p0 =	seq.s32 s7, s2  }
0x1e: {  	s7 =	smul.u32 @!p0 $0xF7A, s2;
	p2 =	seq.s32 @!p0 s5, $0x0  }
0x1f: {  	s9 =	smul.u32 $0xF7A, s1;
	s8 =	simm.s32 @!p0 $0x1BF5;
	p2 =	por !p2, p0  }
0x20: {  	[sflag:s8] =	ssyncset.s32 @!p0 $0xFFFFF086;
	s6 =	sadd.s32 @!p0 s3, s7;
	s7 =	simm.s32 @!p0 $0x108  }
0x21: {  	s3 =	sadd.s32 s3, s9;
	s6 =	sadd.s32 @!p0 $0x88, s6;
	s7 =	simm.s32 @p2 $0x1082  }
0x22: {  	[simem:s7], [sflag:s8] =	dma.local @!p0 [hbm:s6], $0xF7A  }
0x23: {  	s9 =	sor.u32 $0xD0000000, s2;
	s6 =	simm.s32 $0x108;
	_ =	swait.ge @!p0 [sflag:s8], $0x0  }
0x24: {  	s3 =	sadd.s32 $0x88, s3;
	s6 =	simm.s32 @!p1 $0x1082;
	[sflag:s4] =	ssyncset.s32 $0xFFFFF086  }
0x25: {  	[simem:s6], [sflag:s4] =	dma.local [hbm:s3], $0xF7A  }
0x26: {  	[smem:$0x3F83] =	sst s1;
	(tag) =	ssettag s2;
	_ =	strace s9  }
0x27: {  	s1 =	sld [smem:$0x3F93]  }
0x28: {  	s2 =	sld [smem:$0x3F94]  }
0x29: {  	s4 =	sld [smem:$0x3F96]  }
0x2a: {  	p0 =	seq.s32 s5, $0x0;
	s5 =	sld [smem:$0x3F97]  }
0x2b: {  	s6 =	sld [smem:$0x3F98]  }
0x2c: {  	s7 =	sld [smem:$0x3F99]  }
0x2d: {  	s3 =	simm.s32 $0x108;
	s8 =	sld [smem:$0x3F9A]  }
0x2e: {  	s3 =	simm.s32 @!p0 $0x1082;
	s9 =	sld [smem:$0x3F9B]  }
0x2f: {  	lr =	sadd.s32 s0, s3;
	s0 =	sld [smem:$0x3F92]  }
0x30: {  	s3 =	sld [smem:$0x3F95]  }
0x31: {  	[smem:$0x3F9E] =	sst s10  }
0x32: {  	s10 =	sld [smem:$0x3F9C];
	_ =	sdelay $0x3  }
0x33: {  	p0 =	seq.s32 s10, $0x1;
	s10 =	sld [smem:$0x3F9E];
	_ =	sdelay $0x3  }
0x34: {  	[smem:$0x3F9E] =	sst s10  }
0x35: {  	s10 =	sld [smem:$0x3F9D];
	_ =	sdelay $0x3  }
0x36: {  	p1 =	seq.s32 s10, $0x1;
	s10 =	sld [smem:$0x3F9E];
	_ =	sdelay $0x3  }
0x37: {  	[smem:$0x3F9E] =	sst s10  }
0x38: {  	s10 =	sld [smem:$0x3F9F]  }
0x39: {  	_ = 	snop;
	(pc) =	sbr.ind lr, $3  }
0x3a: {  	_ = 	snop  }
0x3b: {  	_ = 	snop  }
0x3c: {  	p2 =	seq.s32 s10, $0x1;
	s10 =	sld [smem:$0x3F9E]  }
0x3d: {  	_ =	shalt  }
0x3e: {  	_ =	shalt  }
0x3f: {  	_ =	shalt  }
0x40: {  	_ =	shalt  }
0x41: {  	_ =	shalt  }
0x42: {  	_ =	shalt  }
0x43: {  	_ =	shalt  }
0x44: {  	_ =	shalt  }
0x45: {  	_ =	shalt  }
0x46: {  	_ =	shalt  }
0x47: {  	_ =	shalt  }
0x48: {  	_ =	shalt  }
0x49: {  	_ =	shalt  }
0x4a: {  	_ =	shalt  }
0x4b: {  	_ =	shalt  }
0x4c: {  	_ =	shalt  }
0x4d: {  	_ =	shalt  }
0x4e: {  	_ =	shalt  }
0x4f: {  	_ =	shalt  }
0x50: {  	_ =	shalt  }
0x51: {  	_ =	shalt  }
0x52: {  	_ =	shalt  }
0x53: {  	_ =	shalt  }
0x54: {  	_ =	shalt  }
0x55: {  	_ =	shalt  }
0x56: {  	_ =	shalt  }
0x57: {  	_ =	shalt  }
0x58: {  	_ =	shalt  }
0x59: {  	_ =	shalt  }
0x5a: {  	_ =	shalt  }
0x5b: {  	_ =	shalt  }
0x5c: {  	_ =	shalt  }
0x5d: {  	_ =	shalt  }
0x5e: {  	_ =	shalt  }
0x5f: {  	_ =	shalt  }
0x60: {  	_ =	shalt  }
0x61: {  	_ =	shalt  }
0x62: {  	_ =	shalt  }
0x63: {  	_ =	shalt  }
0x64: {  	_ =	shalt  }
0x65: {  	_ =	shalt  }
0x66: {  	_ =	shalt  }
0x67: {  	_ =	shalt  }
0x68: {  	_ =	shalt  }
0x69: {  	_ =	shalt  }
0x6a: {  	_ =	shalt  }
0x6b: {  	_ =	shalt  }
0x6c: {  	_ =	shalt  }
0x6d: {  	_ =	shalt  }
0x6e: {  	_ =	shalt  }
0x6f: {  	_ =	shalt  }
0x70: {  	_ =	shalt  }
0x71: {  	_ =	shalt  }
0x72: {  	_ =	shalt  }
0x73: {  	_ =	shalt  }
0x74: {  	_ =	shalt  }
0x75: {  	_ =	shalt  }
0x76: {  	_ =	shalt  }
0x77: {  	_ =	shalt  }
0x78: {  	_ =	shalt  }
0x79: {  	_ =	shalt  }
0x7a: {  	_ =	shalt  }
0x7b: {  	_ =	shalt  }
0x7c: {  	_ =	shalt  }
0x7d: {  	_ =	shalt  }
0x7e: {  	_ =	shalt  }
0x7f: {  	_ =	shalt  }
0x80: {  	_ =	shalt  }
0x81: {  	_ =	shalt  }
0x82: {  	_ =	shalt  }
0x83: {  	_ =	shalt  }
0x84: {  	_ =	shalt  }
0x85: {  	_ =	shalt  }
0x86: {  	_ =	shalt  }
0x87: {  	_ =	shalt  }
.Lfunc_end0:
.L_simem_size_0:
called_computation.7_lowered:
.L_overlay_start_0:
0x88: {  	s2 =	sld [smem:$0x3FD9]  }
0x89: {  	s3 =	sld [smem:$0x3FFE];
	_ =	sdelay $0x1  }
0x8a: {  	s1 =	srdreg.scid  }
0x8b: {  	s0 =	sand.u32 $0x1, s1  }
0x8c: {  	s16 =	sshll.u32 s0, $0xA;
	s2 =	sadd.s32 s3, s2  }
0x8d: {  	s2 =	sadd.s32 s2, s16  }
0x8e: {  	[smem:$0x3FAA] =	sst s2  }
0x8f: {  	_ = 	snop  }
0x90: {  	(tm) =	ssettm $0x1  }
0x91: {  	s17 =	sld [smem:$0x3FFB];
	_ =	sdelay $0x3  }
0x92: {  	_ =	strace s17  }
0x93: {  	s2 =	sld [smem:$0x3FFC];
	_ =	sdelay $0x3  }
0x94: {  	_ =	strace s2  }
0x95: {  	s2 =	sld [smem:$0x3FFD];
	_ =	sdelay $0x3  }
0x96: {  	_ =	strace s2  }
0x97: {  	_ =	strace $0x8FFFFFFF  }
0x98: {  	s18 =	sld [smem:$0x3FDB];
	_ =	sdelay $0x1  }
0x99: {  	s19 =	simm.s32 $_scs_section_size  }
0x9a: {  	s4 =	simm.s32 $_size__tile_overlayer_lowered;
	s5 =	simm.s32 $_tile_overlayer_lowered  }
0x9b: {  	s22 =	simm.s32 $0x1BFF;
	s21 =	sshll.u32 s5, $0x1;
	s2 =	sadd.s32 s19, s18  }
0x9c: {  	s6 =	simm.s32 $0x0;
	s20 =	sshll.u32 s4, $0x1;
	s4 =	sadd.s32 s21, s2  }
0x9d: {  	[timem:s6], [sflag:s22] =	dma.local [hbm:s4], s20  }
0x9e: {  	_ =	swait.ge [sflag:s22], s20  }
0x9f: {  	s3 =	ssub.s32 $0x0, s20;
	[sflag:s22] =	ssyncset.done $0x0  }
0xa0: {  	[sflag:s22] =	ssyncadd.s32 s3;
	_ =	sdelay $0x1  }
0xa1: {  	s23 =	simm.s32 $0x1B8B  }
0xa2: {  	_ =	swait.ge [sflag:s23], $0x1  }
0xa3: {  	[sflag:s23] =	ssyncset.done $0x0  }
0xa4: {  	s25 =	simm.s32 $0x1B8E;
	s24 =	sld [smem:$0x3FFE];
	[sflag:s23] =	ssyncadd.s32 $0xFFFFFFFF  }
0xa5: {  	s26 =	simm.s32 $execute0_lowered;
	[smem:$0x3FD2] =	sst s25  }
0xa6: {  	s4 =	sshll.u32 s26, $0x1;
	_ =	strace $0x8000005B;
	[dreg:$0x1] =	wrdreg $0xFFFFFFFF  }
0xa7: {  	s28 =	simm.s32 $_size_execute0_lowered;
	s2 =	sadd.s32 s2, s4;
	[dreg:$0x0] =	wrdreg $0x0  }
0xa8: {  	s4 =	sshll.u32 s28, $0x1;
	[dreg:$0x2] =	wrdreg s2  }
0xa9: {  	[dreg:$0x3] =	wrdreg s4  }
0xaa: {  	[dreg:$0x4] =	wrdreg $0xC0  }
0xab: {  	_ =	task [dreg:s6], $0x5FFFF  }
0xac: {  	[dreg:$0x1] =	wrdreg $0xFFFFFFFF  }
0xad: {  	[dreg:$0x0] =	wrdreg $0x60  }
0xae: {  	[dreg:$0x2] =	wrdreg s24  }
0xaf: {  	[dreg:$0x3] =	wrdreg $0x154000  }
0xb0: {  	[dreg:$0x4] =	wrdreg $0x9  }
0xb1: {  	_ =	task.clear_ibuf [dreg:s6], $0x5FFFF;
	_ =	strace $0x9000005B  }
0xb2: {  	s29 =	simm.s32 $0x9;
	_ =	strace $0x8000005D  }
0xb3: {  	_ =	swait.ge [sflag:s29], $0x1  }
0xb4: {  	[sflag:s29] =	ssyncadd.s32 $0xFFFFFFFF  }
0xb5: {  	_ =	strace $0x9000005D  }
0xb6: {  	_ =	sfence  }
0xb7: {  	s30 =	sld [smem:$0x0];
	_ =	sdelay $0x2  }
0xb8: {  	s31 =	sshll.u32 s1, $0xD;
	s1 =	sshrl.u32 s1, $0x2  }
0xb9: {  	s3 =	sand.u32 $0x4000, s31;
	s1 =	sadd.s32 s1, s30  }
0xba: {  	s0 =	sor.u32 s3, s0;
	s1 =	sshll.u32 s1, $0x11  }
0xbb: {  	s0 =	sor.u32 s1, s0  }
0xbc: {  	s0 =	sadd.s32 $0x8F2B, s0  }
0xbd: {  	[sflag:s0] =	ssyncadd.remote.s32 $0x1  }
0xbe: {  	_ =	sfence.sel $0xFFFF  }
0xbf: {  	[dreg:$0x0] =	wrdreg $0xFFFFFFFF;
	(pc) =	sbr.abs _section_cstart, $3  }
0xc0: {  	[dreg:$0x1] =	wrdreg $0xFFFFFFFF  }
0xc1: {  	_ =	task.clear_ibuf [dreg:s6], $0x2FFFF;
	_ =	strace $0x9FFFFFFF  }
0xc2: {  	(tm) =	ssettm $0x7FFFFFFF  }
0xc3: {  	_ =	shalt  }
tec
execute0_lowered:
.L_overlay_start_1:
0x0: {  	(tag) =	ssettag $0x1  }
0x1: {  	s1 =	srdreg.scid;
	s5 =	rddreg [dreg:$0x0]  }
0x2: {  	s0 =	stileid.u32;
	s2 =	rddreg [dreg:$0x1]  }
0x3: {  	s3 =	simm.s32 $0x0;
	s13 =	simm.s32 $0x0;
	s8 =	smul.u32 $0x2800, s0  }
0x4: {  	s4 =	sand.u32 $0x1, s1;
	s26 =	sshll.u32 s0, $0x1;
	s9 =	smul.u32 $0x500, s0  }
0x5: {  	[smem:$0x7FF] =	sst s3;
	s1 =	sor.u32 s4, s26;
	s10 =	smul.u32 $0x5000, s4  }
0x6: {  	s31 =	sshll.u32 s0, $0x6;
	s4 =	ssub.s32 $0x2, s4;
	s6 =	smul.u32 $0x2800, s1  }
0x7: {  	s7 =	smul.u32 $0x280, s1;
	s1 =	rddreg [dreg:$0x2];
	_ =	strace $0x8000005C  }
0x8: {  	s29 =	sshrl.u32 s8, $0x3;
	s30 =	sshrl.u32 s4, $0x1;
	s12 =	sadd.s32 s8, s2  }
0x9: {  	s9 =	sadd.s32 s9, s10;
	s10 =	ssub.s32 s4, s30;
	s11 =	sadd.s32 s6, s5  }
0xa: {  	s28 =	sadd.s32 s7, s5;
	s7 =	sadd.s32 s29, s5;
	s9 =	sadd.s32 s9, s5  }
0xb: {  	s5 =	sor.u32 $0x1C01, s31;
	s4 =	sadd.s32 $0x2EA800, s7;
	s6 =	sadd.s32 $0x65800, s28  }
0xc: {  	s7 =	sadd.s32 $0x15400, s11;
	s8 =	sadd.s32 $0x2EF800, s9;
	s9 =	smax.u32 s10, $0x1  }
0xd: {  	s10 =	sshrl.u32 s12, $0x3;
	s11 =	simm.s32 $0x1;
	s12 =	simm.s32 $0x80  }
.LBB2_1:
0xe: {  	[spmem:s10], [sflag:s5] =	dma.local [hbm:s4], $0x500  }
0xf: {  	_ =	swait.ge [sflag:s11], $0x500  }
0x10: {  	[sflag:s11] =	ssyncset.done $0x0  }
0x11: {  	[sflag:s11] =	ssyncadd.s32 $0xFFFFFB00  }
0x12: {  	[bflag:$0x0] =	sbarrier.arrive $0xFFFF  }
0x13: {  	[tilespmem:s3], [sflag:$0x1] =	stream.linear.gather [hbm4b:s6+s3], $0x1400, $0x38;
	[tilespmem:$0x17C00] =	vst v63  }
0x14: {  	_ =	swait.ge [sflag:s11], $0x1400  }
0x15: {  	[sflag:s11] =	ssyncset.done $0x0  }
0x16: {  	s14 =	simm.s32 $0x1400;
	[sflag:s11] =	ssyncadd.s32 $0xFFFFEC00  }
0x17: {  	[tilespmem:s14], [sflag:$0x1] =	stream.linear.gather [hbm4b:s7+s3], $0x14000, $0x38;
	[tilespmem:$0x17C00] =	vst v63  }
0x18: {  	_ =	swait.ge [sflag:s11], $0x14000  }
0x19: {  	[sflag:s11] =	ssyncset.done $0x0  }
0x1a: {  	s15 =	simm.s32 $0x0;
	[sflag:s11] =	ssyncadd.s32 $0xFFFEC000  }
0x1b: {  	[spmem:s2] =	stream.indirect.scatter.add.f32 [tilespmem:s14], [sflag:$0x1], $0x10, s15, s12, $0xb8;
	[tilespmem:$0x17C00] =	vst v63  }
0x1c: {  	_ =	swait.ge [sflag:s11], $0x800  }
0x1d: {  	s15 =	simm.s32 $0x200;
	[sflag:s11] =	ssyncset.done $0x0  }
.LBB2_2:
0x1e: {  	s16 =	sshra.s32 s15, $0x2  }
0x1f: {  	[sflag:s11] =	ssyncadd.s32 $0xFFFFF800;
	s14 =	sadd.s32 $0x800, s14;
	p0 =	sne.s32 s15, $0x4E00  }
0x20: {  	[spmem:s2] =	stream.indirect.scatter.add.f32 [tilespmem:s14], [sflag:$0x1], $0x10, s16, s12, $0xb8;
	[tilespmem:$0x17C00] =	vst v63  }
.Ltmp0:
0x21: {  	_ = 	snop;
	(pc) =	sbr.rel @p0 .LBB2_2-.Ltmp0, $4  }
0x22: {  	_ = 	snop  }
0x23: {  	s15 =	sadd.s32 $0x200, s15  }
0x24: {  	_ =	swait.ge [sflag:s11], $0x800  }
0x25: {  	[sflag:s11] =	ssyncset.done $0x0  }
0x26: {  	s13 =	sadd.s32 $0x1, s13  }
0x27: {  	[sflag:s11] =	ssyncadd.s32 $0xFFFFF800;
	p0 =	sne.s32 s13, s9  }
.Ltmp1:
0x28: {  	[bflag:$0x0] =	sbarrier.arrive $0xFFFF;
	(pc) =	sbr.rel @p0 .LBB2_1-.Ltmp1, $4  }
0x29: {  	[hbm:s8], [sflag:s5] =	dma.local [spmem:s10], $0x500  }
0x2a: {  	_ =	swait.ge [sflag:s11], $0x500  }
0x2b: {  	[sflag:s11] =	ssyncset.done $0x0  }
0x2c: {  	[sflag:s11] =	ssyncadd.s32 $0xFFFFFB00  }
0x2d: {  	_ =	sfence.sel $0x180000  }
0x2e: {  	[bflag:$0x0] =	sbarrier.arrive $0xFFFF  }
0x2f: {  	p0 =	sne.s32 s0, $0x0;
	_ =	strace $0x9000005C  }
0x30: {  	s0 =	sadd.s32 @!p0 $0x100000, s1;
	[bflag:$0x2] =	sbarrier.arrive $0xFFFF  }
0x31: {  	[sflag:s0] =	ssyncadd.tile.s32 @!p0 $0x1;
	_ =	shalt  }
.Lfunc_end2:
_tile_overlayer_lowered:
.L_overlay_start_2:
0x32: {  	(tag) =	ssettag $0x2  }
0x33: {  	s0 =	rddreg [dreg:$0x0];
	s2 =	stileid.u32  }
0x34: {  	s1 =	rddreg [dreg:$0x1];
	p0 =	sne.s32 s2, $0x0  }
0x35: {  	s3 =	rddreg [dreg:$0x2];
	[bflag:$0x3] =	sbarrier.arrive $0xFFFF;
	s2 =	simm.s32 @!p0 $0x1C01  }
0x36: {  	[timem:s3], [sflag:s2] =	dma.local @!p0 [hbm:s0], s1  }
0x37: {  	s0 =	simm.s32 @!p0 $0x1  }
0x38: {  	_ =	swait.ge @!p0 [sflag:s0], s1  }
0x39: {  	s1 =	ssub.s32 @!p0 $0x0, s1;
	[sflag:s0] =	ssyncset.done @!p0 $0x0  }
0x3a: {  	[sflag:s0] =	ssyncadd.s32 @!p0 s1  }
0x3b: {  	[bflag:$0x3] =	sbarrier.arrive $0xFFFF  }
0x3c: {  	_ =	shalt  }

// kernel: kernel.53.cloned.1.call-start
scs
__scs_entry_jumppad:
0x0: {  	(pc) =	sbr.rel $0x88, $3  }
0x1: {  	(tag) =	ssettag $0x0;
	lr =	simm.s32 $0x1  }
0x2: {  	[smem:$0x3F83] =	sst lr;
	_ =	strace $0xD0000000  }
0x3: {  	_ = 	snop  }
0x4: {  	_ = 	snop  }
0x5: {  	_ = 	snop  }
0x6: {  	_ = 	snop  }
0x7: {  	_ = 	snop  }
__scs_overlays_trampoline_lowered:
0x8: {  	[smem:$0x3F92] =	sst s0  }
0x9: {  	[smem:$0x3F93] =	sst s1  }
0xa: {  	[smem:$0x3F94] =	sst s2  }
0xb: {  	[smem:$0x3F95] =	sst s3  }
0xc: {  	[smem:$0x3F96] =	sst s4  }
0xd: {  	[smem:$0x3F97] =	sst s5  }
0xe: {  	[smem:$0x3F98] =	sst s6  }
0xf: {  	[smem:$0x3F99] =	sst s7  }
0x10: {  	[smem:$0x3F9A] =	sst s8  }
0x11: {  	[smem:$0x3F9B] =	sst s9;
	s0 =	simm.s32 @!p0 $0x0  }
0x12: {  	s1 =	sld [smem:$0x3F81];
	s0 =	simm.s32 @p0 $0x1  }
0x13: {  	[smem:$0x3F9C] =	sst s0;
	s0 =	simm.s32 @!p1 $0x0  }
0x14: {  	s2 =	sld [smem:$0x3F80];
	s0 =	simm.s32 @p1 $0x1  }
0x15: {  	[smem:$0x3F9D] =	sst s0;
	s0 =	simm.s32 @!p2 $0x0  }
0x16: {  	s3 =	sld [smem:$0x3FDB];
	s0 =	simm.s32 @p2 $0x1  }
0x17: {  	s4 =	simm.s32 $0x1BF5;
	[smem:$0x3F9F] =	sst s0  }
0x18: {  	s0 =	sld [smem:$0x3F82];
	_ =	swait.ge [sflag:s4], $0x0  }
0x19: {  	s7 =	sld [smem:$0x3F83]  }
0x1a: {  	s8 =	sadd.s32 $0xFFFFE003, lr  }
0x1b: {  	s9 =	sadd.s32 $0xFFFFFEF7, lr;
	s5 =	simm.s32 $0xFFFFFFFF;
	p2 =	slt.u32 s8, $0xFFFFF086  }
0x1c: {  	p1 =	slt.u32 s9, $0xF7A;
	s5 =	simm.s32 @!p2 $0x0  }
0x1d: {  	s5 =	simm.s32 @p1 $0x1;
	p0 =	seq.s32 s7, s2  }
0x1e: {  	s7 =	smul.u32 @!p0 $0xF7A, s2;
	p2 =	seq.s32 @!p0 s5, $0x0  }
0x1f: {  	s9 =	smul.u32 $0xF7A, s1;
	s8 =	simm.s32 @!p0 $0x1BF5;
	p2 =	por !p2, p0  }
0x20: {  	[sflag:s8] =	ssyncset.s32 @!p0 $0xFFFFF086;
	s6 =	sadd.s32 @!p0 s3, s7;
	s7 =	simm.s32 @!p0 $0x108  }
0x21: {  	s3 =	sadd.s32 s3, s9;
	s6 =	sadd.s32 @!p0 $0x88, s6;
	s7 =	simm.s32 @p2 $0x1082  }
0x22: {  	[simem:s7], [sflag:s8] =	dma.local @!p0 [hbm:s6], $0xF7A  }
0x23: {  	s9 =	sor.u32 $0xD0000000, s2;
	s6 =	simm.s32 $0x108;
	_ =	swait.ge @!p0 [sflag:s8], $0x0  }
0x24: {  	s3 =	sadd.s32 $0x88, s3;
	s6 =	simm.s32 @!p1 $0x1082;
	[sflag:s4] =	ssyncset.s32 $0xFFFFF086  }
0x25: {  	[simem:s6], [sflag:s4] =	dma.local [hbm:s3], $0xF7A  }
0x26: {  	[smem:$0x3F83] =	sst s1;
	(tag) =	ssettag s2;
	_ =	strace s9  }
0x27: {  	s1 =	sld [smem:$0x3F93]  }
0x28: {  	s2 =	sld [smem:$0x3F94]  }
0x29: {  	s4 =	sld [smem:$0x3F96]  }
0x2a: {  	p0 =	seq.s32 s5, $0x0;
	s5 =	sld [smem:$0x3F97]  }
0x2b: {  	s6 =	sld [smem:$0x3F98]  }
0x2c: {  	s7 =	sld [smem:$0x3F99]  }
0x2d: {  	s3 =	simm.s32 $0x108;
	s8 =	sld [smem:$0x3F9A]  }
0x2e: {  	s3 =	simm.s32 @!p0 $0x1082;
	s9 =	sld [smem:$0x3F9B]  }
0x2f: {  	lr =	sadd.s32 s0, s3;
	s0 =	sld [smem:$0x3F92]  }
0x30: {  	s3 =	sld [smem:$0x3F95]  }
0x31: {  	[smem:$0x3F9E] =	sst s10  }
0x32: {  	s10 =	sld [smem:$0x3F9C];
	_ =	sdelay $0x3  }
0x33: {  	p0 =	seq.s32 s10, $0x1;
	s10 =	sld [smem:$0x3F9E];
	_ =	sdelay $0x3  }
0x34: {  	[smem:$0x3F9E] =	sst s10  }
0x35: {  	s10 =	sld [smem:$0x3F9D];
	_ =	sdelay $0x3  }
0x36: {  	p1 =	seq.s32 s10, $0x1;
	s10 =	sld [smem:$0x3F9E];
	_ =	sdelay $0x3  }
0x37: {  	[smem:$0x3F9E] =	sst s10  }
0x38: {  	s10 =	sld [smem:$0x3F9F]  }
0x39: {  	_ = 	snop;
	(pc) =	sbr.ind lr, $3  }
0x3a: {  	_ = 	snop  }
0x3b: {  	_ = 	snop  }
0x3c: {  	p2 =	seq.s32 s10, $0x1;
	s10 =	sld [smem:$0x3F9E]  }
0x3d: {  	_ =	shalt  }
0x3e: {  	_ =	shalt  }
0x3f: {  	_ =	shalt  }
0x40: {  	_ =	shalt  }
0x41: {  	_ =	shalt  }
0x42: {  	_ =	shalt  }
0x43: {  	_ =	shalt  }
0x44: {  	_ =	shalt  }
0x45: {  	_ =	shalt  }
0x46: {  	_ =	shalt  }
0x47: {  	_ =	shalt  }
0x48: {  	_ =	shalt  }
0x49: {  	_ =	shalt  }
0x4a: {  	_ =	shalt  }
0x4b: {  	_ =	shalt  }
0x4c: {  	_ =	shalt  }
0x4d: {  	_ =	shalt  }
0x4e: {  	_ =	shalt  }
0x4f: {  	_ =	shalt  }
0x50: {  	_ =	shalt  }
0x51: {  	_ =	shalt  }
0x52: {  	_ =	shalt  }
0x53: {  	_ =	shalt  }
0x54: {  	_ =	shalt  }
0x55: {  	_ =	shalt  }
0x56: {  	_ =	shalt  }
0x57: {  	_ =	shalt  }
0x58: {  	_ =	shalt  }
0x59: {  	_ =	shalt  }
0x5a: {  	_ =	shalt  }
0x5b: {  	_ =	shalt  }
0x5c: {  	_ =	shalt  }
0x5d: {  	_ =	shalt  }
0x5e: {  	_ =	shalt  }
0x5f: {  	_ =	shalt  }
0x60: {  	_ =	shalt  }
0x61: {  	_ =	shalt  }
0x62: {  	_ =	shalt  }
0x63: {  	_ =	shalt  }
0x64: {  	_ =	shalt  }
0x65: {  	_ =	shalt  }
0x66: {  	_ =	shalt  }
0x67: {  	_ =	shalt  }
0x68: {  	_ =	shalt  }
0x69: {  	_ =	shalt  }
0x6a: {  	_ =	shalt  }
0x6b: {  	_ =	shalt  }
0x6c: {  	_ =	shalt  }
0x6d: {  	_ =	shalt  }
0x6e: {  	_ =	shalt  }
0x6f: {  	_ =	shalt  }
0x70: {  	_ =	shalt  }
0x71: {  	_ =	shalt  }
0x72: {  	_ =	shalt  }
0x73: {  	_ =	shalt  }
0x74: {  	_ =	shalt  }
0x75: {  	_ =	shalt  }
0x76: {  	_ =	shalt  }
0x77: {  	_ =	shalt  }
0x78: {  	_ =	shalt  }
0x79: {  	_ =	shalt  }
0x7a: {  	_ =	shalt  }
0x7b: {  	_ =	shalt  }
0x7c: {  	_ =	shalt  }
0x7d: {  	_ =	shalt  }
0x7e: {  	_ =	shalt  }
0x7f: {  	_ =	shalt  }
0x80: {  	_ =	shalt  }
0x81: {  	_ =	shalt  }
0x82: {  	_ =	shalt  }
0x83: {  	_ =	shalt  }
0x84: {  	_ =	shalt  }
0x85: {  	_ =	shalt  }
0x86: {  	_ =	shalt  }
0x87: {  	_ =	shalt  }
.Lfunc_end0:
.L_simem_size_0:
called_computation.8_lowered:
.L_overlay_start_0:
0x88: {  	s2 =	sld [smem:$0x3FD9]  }
0x89: {  	s3 =	sld [smem:$0x3FFE];
	_ =	sdelay $0x1  }
0x8a: {  	s1 =	srdreg.scid  }
0x8b: {  	s0 =	sand.u32 $0x1, s1  }
0x8c: {  	s16 =	sshll.u32 s0, $0xA;
	s2 =	sadd.s32 s3, s2  }
0x8d: {  	s2 =	sadd.s32 s2, s16  }
0x8e: {  	[smem:$0x3FAA] =	sst s2  }
0x8f: {  	_ = 	snop  }
0x90: {  	(tm) =	ssettm $0x1  }
0x91: {  	s17 =	sld [smem:$0x3FFB];
	_ =	sdelay $0x3  }
0x92: {  	_ =	strace s17  }
0x93: {  	s2 =	sld [smem:$0x3FFC];
	_ =	sdelay $0x3  }
0x94: {  	_ =	strace s2  }
0x95: {  	s2 =	sld [smem:$0x3FFD];
	_ =	sdelay $0x3  }
0x96: {  	_ =	strace s2  }
0x97: {  	_ =	strace $0x8FFFFFFF  }
0x98: {  	s18 =	sld [smem:$0x3FDB];
	_ =	sdelay $0x1  }
0x99: {  	s19 =	simm.s32 $_scs_section_size  }
0x9a: {  	s4 =	simm.s32 $_size__tile_overlayer_lowered;
	s5 =	simm.s32 $_tile_overlayer_lowered  }
0x9b: {  	s22 =	simm.s32 $0x1BFF;
	s21 =	sshll.u32 s5, $0x1;
	s2 =	sadd.s32 s19, s18  }
0x9c: {  	s6 =	simm.s32 $0x0;
	s20 =	sshll.u32 s4, $0x1;
	s4 =	sadd.s32 s21, s2  }
0x9d: {  	[timem:s6], [sflag:s22] =	dma.local [hbm:s4], s20  }
0x9e: {  	_ =	swait.ge [sflag:s22], s20  }
0x9f: {  	s3 =	ssub.s32 $0x0, s20;
	[sflag:s22] =	ssyncset.done $0x0  }
0xa0: {  	[sflag:s22] =	ssyncadd.s32 s3;
	_ =	sdelay $0x1  }
0xa1: {  	s23 =	simm.s32 $0x1B8B  }
0xa2: {  	_ =	swait.ge [sflag:s23], $0x1  }
0xa3: {  	[sflag:s23] =	ssyncset.done $0x0  }
0xa4: {  	s25 =	simm.s32 $0x1B8E;
	s24 =	sld [smem:$0x3FFE];
	[sflag:s23] =	ssyncadd.s32 $0xFFFFFFFF  }
0xa5: {  	s26 =	simm.s32 $execute0_lowered;
	[smem:$0x3FD2] =	sst s25  }
0xa6: {  	s4 =	sshll.u32 s26, $0x1;
	_ =	strace $0x8000005E;
	[dreg:$0x1] =	wrdreg $0xFFFFFFFF  }
0xa7: {  	s28 =	simm.s32 $_size_execute0_lowered;
	s2 =	sadd.s32 s2, s4;
	[dreg:$0x0] =	wrdreg $0x0  }
0xa8: {  	s4 =	sshll.u32 s28, $0x1;
	[dreg:$0x2] =	wrdreg s2  }
0xa9: {  	[dreg:$0x3] =	wrdreg s4  }
0xaa: {  	[dreg:$0x4] =	wrdreg $0xC0  }
0xab: {  	_ =	task [dreg:s6], $0x5FFFF  }
0xac: {  	[dreg:$0x1] =	wrdreg $0xFFFFFFFF  }
0xad: {  	[dreg:$0x0] =	wrdreg $0x60  }
0xae: {  	[dreg:$0x2] =	wrdreg s24  }
0xaf: {  	[dreg:$0x3] =	wrdreg $0x9  }
0xb0: {  	_ =	task.clear_ibuf [dreg:s6], $0x4FFFF;
	_ =	strace $0x9000005E  }
0xb1: {  	s29 =	simm.s32 $0x9;
	_ =	strace $0x80000060  }
0xb2: {  	_ =	swait.ge [sflag:s29], $0x1  }
0xb3: {  	[sflag:s29] =	ssyncadd.s32 $0xFFFFFFFF  }
0xb4: {  	_ =	strace $0x90000060  }
0xb5: {  	_ =	sfence  }
0xb6: {  	s30 =	sld [smem:$0x0];
	_ =	sdelay $0x2  }
0xb7: {  	s31 =	sshll.u32 s1, $0xD;
	s1 =	sshrl.u32 s1, $0x2  }
0xb8: {  	s3 =	sand.u32 $0x4000, s31;
	s1 =	sadd.s32 s1, s30  }
0xb9: {  	s0 =	sor.u32 s3, s0;
	s1 =	sshll.u32 s1, $0x11  }
0xba: {  	s0 =	sor.u32 s1, s0  }
0xbb: {  	s0 =	sadd.s32 $0x8F2B, s0  }
0xbc: {  	[sflag:s0] =	ssyncadd.remote.s32 $0x1  }
0xbd: {  	_ =	sfence.sel $0xFFFF  }
0xbe: {  	[dreg:$0x0] =	wrdreg $0xFFFFFFFF;
	(pc) =	sbr.abs _section_cstart, $3  }
0xbf: {  	[dreg:$0x1] =	wrdreg $0xFFFFFFFF  }
0xc0: {  	_ =	task.clear_ibuf [dreg:s6], $0x2FFFF;
	_ =	strace $0x9FFFFFFF  }
0xc1: {  	(tm) =	ssettm $0x7FFFFFFF  }
tec
execute0_lowered:
.L_overlay_start_1:
0x0: {  	(tag) =	ssettag $0x1  }
0x1: {  	s1 =	srdreg.scid;
	s0 =	stileid.u32  }
0x2: {  	s6 =	sand.u32 $0x1, s1;
	s30 =	sshll.u32 s0, $0x1  }
0x3: {  	s8 =	rddreg [dreg:$0x0];
	s7 =	sor.u32 s6, s30  }
0x4: {  	s2 =	simm.s32 $0x0;
	s1 =	rddreg [dreg:$0x1];
	s3 =	smul.u32 $0x280, s7  }
0x5: {  	[smem:$0x7FF] =	sst s2;
	s5 =	sadd.s32 $0x10400, s8  }
0x6: {  	_ =	strace $0x8000005F;
	s10 =	ssub.s32 $0x2, s6;
	s3 =	sadd.s32 s3, s8  }
0x7: {  	s6 =	simm.s32 $0x1400;
	s4 =	sadd.s32 $0xB400, s3;
	s3 =	simm.s32 $0x2  }
0x8: {  	[tilespmem:s2], [sflag:$0x2] =	stream.linear.gather [hbm4b:s4+s2], $0x1400, $0x38;
	[tilespmem:$0x15400] =	vst v63  }
0x9: {  	s9 =	smul.u32 $0x2800, s7;
	s11 =	sshrl.u32 s10, $0x1;
	_ =	swait.ge [sflag:s3], $0x1400  }
0xa: {  	s7 =	simm.s32 $0x1;
	s31 =	ssub.s32 s10, s11;
	[sflag:s3] =	ssyncset.done $0x0  }
0xb: {  	s8 =	sadd.s32 s9, s8;
	s9 =	smax.u32 s31, $0x1;
	[sflag:s3] =	ssyncadd.s32 $0xFFFFEC00  }
0xc: {  	[tilespmem:s6], [sflag:$0x1] =	stream.indirect.gather [hbm4b:s5+s6], $0x10, s2, s6, $0xb8;
	[tilespmem:$0x15400] =	vst v63  }
0xd: {  	p0 =	sne.s32 s9, $0x1;
	_ =	swait.ge [sflag:s7], $0x14000  }
.Ltmp0:
0xe: {  	[sflag:s7] =	ssyncset.done $0x0;
	(pc) =	sbr.rel @!p0 .LBB2_2-.Ltmp0, $4  }
0xf: {  	s8 =	sadd.s32 $0x15400, s8;
	[sflag:s7] =	ssyncadd.s32 $0xFFFEC000  }
0x10: {  	[hbm4b:s8+s2] =	stream.linear.scatter [tilespmem:s6], [sflag:$0x2], $0x14000, $0x38;
	[tilespmem:$0x15400] =	vst v63  }
0x11: {  	_ =	swait.ge [sflag:s3], $0x14000  }
0x12: {  	s9 =	sadd.s32 $0xFFFFFFFF, s9;
	[sflag:s3] =	ssyncset.done $0x0  }
.LBB2_1:
0x13: {  	p0 =	sne.s32 s9, $0x1;
	s9 =	sadd.s32 $0xFFFFFFFF, s9;
	[sflag:s3] =	ssyncadd.s32 $0xFFFEC000  }
0x14: {  	[tilespmem:s2], [sflag:$0x2] =	stream.linear.gather [hbm4b:s4+s2], $0x1400, $0x38;
	[tilespmem:$0x15400] =	vst v63  }
0x15: {  	_ =	swait.ge [sflag:s3], $0x1400  }
0x16: {  	[sflag:s3] =	ssyncset.done $0x0  }
0x17: {  	[sflag:s3] =	ssyncadd.s32 $0xFFFFEC00  }
0x18: {  	[tilespmem:s6], [sflag:$0x1] =	stream.indirect.gather [hbm4b:s5+s6], $0x10, s2, s6, $0xb8;
	[tilespmem:$0x15400] =	vst v63  }
0x19: {  	_ =	swait.ge [sflag:s7], $0x14000  }
.Ltmp1:
0x1a: {  	[sflag:s7] =	ssyncset.done $0x0;
	(pc) =	sbr.rel @p0 .LBB2_1-.Ltmp1, $4  }
0x1b: {  	[sflag:s7] =	ssyncadd.s32 $0xFFFEC000  }
0x1c: {  	[hbm4b:s8+s2] =	stream.linear.scatter [tilespmem:s6], [sflag:$0x2], $0x14000, $0x38;
	[tilespmem:$0x15400] =	vst v63  }
0x1d: {  	_ =	swait.ge [sflag:s3], $0x14000  }
0x1e: {  	[sflag:s3] =	ssyncset.done $0x0  }
.LBB2_2:
0x1f: {  	[sflag:s3] =	ssyncadd.s32 $0xFFFEC000  }
0x20: {  	_ =	sfence.sel $0x180000  }
0x21: {  	[bflag:$0x0] =	sbarrier.arrive $0xFFFF  }
0x22: {  	p0 =	sne.s32 s0, $0x0;
	_ =	strace $0x9000005F  }
0x23: {  	s0 =	sadd.s32 @!p0 $0x100000, s1;
	[bflag:$0x2] =	sbarrier.arrive $0xFFFF  }
0x24: {  	[sflag:s0] =	ssyncadd.tile.s32 @!p0 $0x1;
	_ =	shalt  }
.Lfunc_end2:
_tile_overlayer_lowered:
.L_overlay_start_2:
0x25: {  	(tag) =	ssettag $0x2  }
0x26: {  	s0 =	rddreg [dreg:$0x0];
	s2 =	stileid.u32  }
0x27: {  	s1 =	rddreg [dreg:$0x1];
	p0 =	sne.s32 s2, $0x0  }
0x28: {  	s3 =	rddreg [dreg:$0x2];
	[bflag:$0x3] =	sbarrier.arrive $0xFFFF;
	s2 =	simm.s32 @!p0 $0x1C02  }
0x29: {  	[timem:s3], [sflag:s2] =	dma.local @!p0 [hbm:s0], s1  }
0x2a: {  	s0 =	simm.s32 @!p0 $0x2  }
0x2b: {  	_ =	swait.ge @!p0 [sflag:s0], s1  }
0x2c: {  	s1 =	ssub.s32 @!p0 $0x0, s1;
	[sflag:s0] =	ssyncset.done @!p0 $0x0  }
0x2d: {  	[sflag:s0] =	ssyncadd.s32 @!p0 s1  }
0x2e: {  	[bflag:$0x3] =	sbarrier.arrive $0xFFFF  }
0x2f: {  	_ =	shalt  }

// kernel: kernel.56.cloned.1.call-start
scs
__scs_entry_jumppad:
0x0: {  	(pc) =	sbr.rel $0x88, $3  }
0x1: {  	(tag) =	ssettag $0x0;
	lr =	simm.s32 $0x1  }
0x2: {  	[smem:$0x3F83] =	sst lr;
	_ =	strace $0xD0000000  }
0x3: {  	_ = 	snop  }
0x4: {  	_ = 	snop  }
0x5: {  	_ = 	snop  }
0x6: {  	_ = 	snop  }
0x7: {  	_ = 	snop  }
__scs_overlays_trampoline_lowered:
0x8: {  	[smem:$0x3F92] =	sst s0  }
0x9: {  	[smem:$0x3F93] =	sst s1  }
0xa: {  	[smem:$0x3F94] =	sst s2  }
0xb: {  	[smem:$0x3F95] =	sst s3  }
0xc: {  	[smem:$0x3F96] =	sst s4  }
0xd: {  	[smem:$0x3F97] =	sst s5  }
0xe: {  	[smem:$0x3F98] =	sst s6  }
0xf: {  	[smem:$0x3F99] =	sst s7  }
0x10: {  	[smem:$0x3F9A] =	sst s8  }
0x11: {  	[smem:$0x3F9B] =	sst s9;
	s0 =	simm.s32 @!p0 $0x0  }
0x12: {  	s1 =	sld [smem:$0x3F81];
	s0 =	simm.s32 @p0 $0x1  }
0x13: {  	[smem:$0x3F9C] =	sst s0;
	s0 =	simm.s32 @!p1 $0x0  }
0x14: {  	s2 =	sld [smem:$0x3F80];
	s0 =	simm.s32 @p1 $0x1  }
0x15: {  	[smem:$0x3F9D] =	sst s0;
	s0 =	simm.s32 @!p2 $0x0  }
0x16: {  	s3 =	sld [smem:$0x3FDB];
	s0 =	simm.s32 @p2 $0x1  }
0x17: {  	s4 =	simm.s32 $0x1BF5;
	[smem:$0x3F9F] =	sst s0  }
0x18: {  	s0 =	sld [smem:$0x3F82];
	_ =	swait.ge [sflag:s4], $0x0  }
0x19: {  	s7 =	sld [smem:$0x3F83]  }
0x1a: {  	s8 =	sadd.s32 $0xFFFFE003, lr  }
0x1b: {  	s9 =	sadd.s32 $0xFFFFFEF7, lr;
	s5 =	simm.s32 $0xFFFFFFFF;
	p2 =	slt.u32 s8, $0xFFFFF086  }
0x1c: {  	p1 =	slt.u32 s9, $0xF7A;
	s5 =	simm.s32 @!p2 $0x0  }
0x1d: {  	s5 =	simm.s32 @p1 $0x1;
	p0 =	seq.s32 s7, s2  }
0x1e: {  	s7 =	smul.u32 @!p0 $0xF7A, s2;
	p2 =	seq.s32 @!p0 s5, $0x0  }
0x1f: {  	s9 =	smul.u32 $0xF7A, s1;
	s8 =	simm.s32 @!p0 $0x1BF5;
	p2 =	por !p2, p0  }
0x20: {  	[sflag:s8] =	ssyncset.s32 @!p0 $0xFFFFF086;
	s6 =	sadd.s32 @!p0 s3, s7;
	s7 =	simm.s32 @!p0 $0x108  }
0x21: {  	s3 =	sadd.s32 s3, s9;
	s6 =	sadd.s32 @!p0 $0x88, s6;
	s7 =	simm.s32 @p2 $0x1082  }
0x22: {  	[simem:s7], [sflag:s8] =	dma.local @!p0 [hbm:s6], $0xF7A  }
0x23: {  	s9 =	sor.u32 $0xD0000000, s2;
	s6 =	simm.s32 $0x108;
	_ =	swait.ge @!p0 [sflag:s8], $0x0  }
0x24: {  	s3 =	sadd.s32 $0x88, s3;
	s6 =	simm.s32 @!p1 $0x1082;
	[sflag:s4] =	ssyncset.s32 $0xFFFFF086  }
0x25: {  	[simem:s6], [sflag:s4] =	dma.local [hbm:s3], $0xF7A  }
0x26: {  	[smem:$0x3F83] =	sst s1;
	(tag) =	ssettag s2;
	_ =	strace s9  }
0x27: {  	s1 =	sld [smem:$0x3F93]  }
0x28: {  	s2 =	sld [smem:$0x3F94]  }
0x29: {  	s4 =	sld [smem:$0x3F96]  }
0x2a: {  	p0 =	seq.s32 s5, $0x0;
	s5 =	sld [smem:$0x3F97]  }
0x2b: {  	s6 =	sld [smem:$0x3F98]  }
0x2c: {  	s7 =	sld [smem:$0x3F99]  }
0x2d: {  	s3 =	simm.s32 $0x108;
	s8 =	sld [smem:$0x3F9A]  }
0x2e: {  	s3 =	simm.s32 @!p0 $0x1082;
	s9 =	sld [smem:$0x3F9B]  }
0x2f: {  	lr =	sadd.s32 s0, s3;
	s0 =	sld [smem:$0x3F92]  }
0x30: {  	s3 =	sld [smem:$0x3F95]  }
0x31: {  	[smem:$0x3F9E] =	sst s10  }
0x32: {  	s10 =	sld [smem:$0x3F9C];
	_ =	sdelay $0x3  }
0x33: {  	p0 =	seq.s32 s10, $0x1;
	s10 =	sld [smem:$0x3F9E];
	_ =	sdelay $0x3  }
0x34: {  	[smem:$0x3F9E] =	sst s10  }
0x35: {  	s10 =	sld [smem:$0x3F9D];
	_ =	sdelay $0x3  }
0x36: {  	p1 =	seq.s32 s10, $0x1;
	s10 =	sld [smem:$0x3F9E];
	_ =	sdelay $0x3  }
0x37: {  	[smem:$0x3F9E] =	sst s10  }
0x38: {  	s10 =	sld [smem:$0x3F9F]  }
0x39: {  	_ = 	snop;
	(pc) =	sbr.ind lr, $3  }
0x3a: {  	_ = 	snop  }
0x3b: {  	_ = 	snop  }
0x3c: {  	p2 =	seq.s32 s10, $0x1;
	s10 =	sld [smem:$0x3F9E]  }
0x3d: {  	_ =	shalt  }
0x3e: {  	_ =	shalt  }
0x3f: {  	_ =	shalt  }
0x40: {  	_ =	shalt  }
0x41: {  	_ =	shalt  }
0x42: {  	_ =	shalt  }
0x43: {  	_ =	shalt  }
0x44: {  	_ =	shalt  }
0x45: {  	_ =	shalt  }
0x46: {  	_ =	shalt  }
0x47: {  	_ =	shalt  }
0x48: {  	_ =	shalt  }
0x49: {  	_ =	shalt  }
0x4a: {  	_ =	shalt  }
0x4b: {  	_ =	shalt  }
0x4c: {  	_ =	shalt  }
0x4d: {  	_ =	shalt  }
0x4e: {  	_ =	shalt  }
0x4f: {  	_ =	shalt  }
0x50: {  	_ =	shalt  }
0x51: {  	_ =	shalt  }
0x52: {  	_ =	shalt  }
0x53: {  	_ =	shalt  }
0x54: {  	_ =	shalt  }
0x55: {  	_ =	shalt  }
0x56: {  	_ =	shalt  }
0x57: {  	_ =	shalt  }
0x58: {  	_ =	shalt  }
0x59: {  	_ =	shalt  }
0x5a: {  	_ =	shalt  }
0x5b: {  	_ =	shalt  }
0x5c: {  	_ =	shalt  }
0x5d: {  	_ =	shalt  }
0x5e: {  	_ =	shalt  }
0x5f: {  	_ =	shalt  }
0x60: {  	_ =	shalt  }
0x61: {  	_ =	shalt  }
0x62: {  	_ =	shalt  }
0x63: {  	_ =	shalt  }
0x64: {  	_ =	shalt  }
0x65: {  	_ =	shalt  }
0x66: {  	_ =	shalt  }
0x67: {  	_ =	shalt  }
0x68: {  	_ =	shalt  }
0x69: {  	_ =	shalt  }
0x6a: {  	_ =	shalt  }
0x6b: {  	_ =	shalt  }
0x6c: {  	_ =	shalt  }
0x6d: {  	_ =	shalt  }
0x6e: {  	_ =	shalt  }
0x6f: {  	_ =	shalt  }
0x70: {  	_ =	shalt  }
0x71: {  	_ =	shalt  }
0x72: {  	_ =	shalt  }
0x73: {  	_ =	shalt  }
0x74: {  	_ =	shalt  }
0x75: {  	_ =	shalt  }
0x76: {  	_ =	shalt  }
0x77: {  	_ =	shalt  }
0x78: {  	_ =	shalt  }
0x79: {  	_ =	shalt  }
0x7a: {  	_ =	shalt  }
0x7b: {  	_ =	shalt  }
0x7c: {  	_ =	shalt  }
0x7d: {  	_ =	shalt  }
0x7e: {  	_ =	shalt  }
0x7f: {  	_ =	shalt  }
0x80: {  	_ =	shalt  }
0x81: {  	_ =	shalt  }
0x82: {  	_ =	shalt  }
0x83: {  	_ =	shalt  }
0x84: {  	_ =	shalt  }
0x85: {  	_ =	shalt  }
0x86: {  	_ =	shalt  }
0x87: {  	_ =	shalt  }
.Lfunc_end0:
.L_simem_size_0:
called_computation.9_lowered:
.L_overlay_start_0:
0x88: {  	s2 =	sld [smem:$0x3FD9]  }
0x89: {  	s3 =	sld [smem:$0x3FFE];
	_ =	sdelay $0x1  }
0x8a: {  	s1 =	srdreg.scid  }
0x8b: {  	s0 =	sand.u32 $0x1, s1  }
0x8c: {  	s16 =	sshll.u32 s0, $0xA;
	s2 =	sadd.s32 s3, s2  }
0x8d: {  	s2 =	sadd.s32 s2, s16  }
0x8e: {  	[smem:$0x3FAA] =	sst s2  }
0x8f: {  	_ = 	snop  }
0x90: {  	(tm) =	ssettm $0x1  }
0x91: {  	s17 =	sld [smem:$0x3FFB];
	_ =	sdelay $0x3  }
0x92: {  	_ =	strace s17  }
0x93: {  	s2 =	sld [smem:$0x3FFC];
	_ =	sdelay $0x3  }
0x94: {  	_ =	strace s2  }
0x95: {  	s2 =	sld [smem:$0x3FFD];
	_ =	sdelay $0x3  }
0x96: {  	_ =	strace s2  }
0x97: {  	_ =	strace $0x8FFFFFFF  }
0x98: {  	s18 =	sld [smem:$0x3FDB];
	_ =	sdelay $0x1  }
0x99: {  	s19 =	simm.s32 $_scs_section_size  }
0x9a: {  	s4 =	simm.s32 $_size__tile_overlayer_lowered;
	s5 =	simm.s32 $_tile_overlayer_lowered  }
0x9b: {  	s22 =	simm.s32 $0x1BFF;
	s21 =	sshll.u32 s5, $0x1;
	s2 =	sadd.s32 s19, s18  }
0x9c: {  	s6 =	simm.s32 $0x0;
	s20 =	sshll.u32 s4, $0x1;
	s4 =	sadd.s32 s21, s2  }
0x9d: {  	[timem:s6], [sflag:s22] =	dma.local [hbm:s4], s20  }
0x9e: {  	_ =	swait.ge [sflag:s22], s20  }
0x9f: {  	s3 =	ssub.s32 $0x0, s20;
	[sflag:s22] =	ssyncset.done $0x0  }
0xa0: {  	[sflag:s22] =	ssyncadd.s32 s3;
	_ =	sdelay $0x1  }
0xa1: {  	s23 =	simm.s32 $0x1B8B  }
0xa2: {  	_ =	swait.ge [sflag:s23], $0x1  }
0xa3: {  	[sflag:s23] =	ssyncset.done $0x0  }
0xa4: {  	s25 =	simm.s32 $0x1B8E;
	s24 =	sld [smem:$0x3FFE];
	[sflag:s23] =	ssyncadd.s32 $0xFFFFFFFF  }
0xa5: {  	s26 =	simm.s32 $execute0_lowered;
	[smem:$0x3FD2] =	sst s25  }
0xa6: {  	s4 =	sshll.u32 s26, $0x1;
	_ =	strace $0x80000061;
	[dreg:$0x1] =	wrdreg $0xFFFFFFFF  }
0xa7: {  	s28 =	simm.s32 $_size_execute0_lowered;
	s2 =	sadd.s32 s2, s4;
	[dreg:$0x0] =	wrdreg $0x0  }
0xa8: {  	s4 =	sshll.u32 s28, $0x1;
	[dreg:$0x2] =	wrdreg s2  }
0xa9: {  	[dreg:$0x3] =	wrdreg s4  }
0xaa: {  	[dreg:$0x4] =	wrdreg $0xC0  }
0xab: {  	_ =	task [dreg:s6], $0x5FFFF  }
0xac: {  	[dreg:$0x1] =	wrdreg $0xFFFFFFFF  }
0xad: {  	[dreg:$0x0] =	wrdreg $0x60  }
0xae: {  	[dreg:$0x2] =	wrdreg s24  }
0xaf: {  	[dreg:$0x3] =	wrdreg $0x154000  }
0xb0: {  	[dreg:$0x4] =	wrdreg $0x9  }
0xb1: {  	_ =	task.clear_ibuf [dreg:s6], $0x5FFFF;
	_ =	strace $0x90000061  }
0xb2: {  	s29 =	simm.s32 $0x9;
	_ =	strace $0x80000063  }
0xb3: {  	_ =	swait.ge [sflag:s29], $0x1  }
0xb4: {  	[sflag:s29] =	ssyncadd.s32 $0xFFFFFFFF  }
0xb5: {  	_ =	strace $0x90000063  }
0xb6: {  	_ =	sfence  }
0xb7: {  	s30 =	sld [smem:$0x0];
	_ =	sdelay $0x2  }
0xb8: {  	s31 =	sshll.u32 s1, $0xD;
	s1 =	sshrl.u32 s1, $0x2  }
0xb9: {  	s3 =	sand.u32 $0x4000, s31;
	s1 =	sadd.s32 s1, s30  }
0xba: {  	s0 =	sor.u32 s3, s0;
	s1 =	sshll.u32 s1, $0x11  }
0xbb: {  	s0 =	sor.u32 s1, s0  }
0xbc: {  	s0 =	sadd.s32 $0x8F2B, s0  }
0xbd: {  	[sflag:s0] =	ssyncadd.remote.s32 $0x1  }
0xbe: {  	_ =	sfence.sel $0xFFFF  }
0xbf: {  	[dreg:$0x0] =	wrdreg $0xFFFFFFFF;
	(pc) =	sbr.abs _section_cstart, $3  }
0xc0: {  	[dreg:$0x1] =	wrdreg $0xFFFFFFFF  }
0xc1: {  	_ =	task.clear_ibuf [dreg:s6], $0x2FFFF;
	_ =	strace $0x9FFFFFFF  }
0xc2: {  	(tm) =	ssettm $0x7FFFFFFF  }
0xc3: {  	_ =	shalt  }
tec
execute0_lowered:
.L_overlay_start_1:
0x0: {  	(tag) =	ssettag $0x1  }
0x1: {  	s1 =	srdreg.scid;
	s5 =	rddreg [dreg:$0x0]  }
0x2: {  	s0 =	stileid.u32;
	s2 =	rddreg [dreg:$0x1]  }
0x3: {  	s3 =	simm.s32 $0x0;
	s13 =	simm.s32 $0x0;
	s8 =	smul.u32 $0x2800, s0  }
0x4: {  	s4 =	sand.u32 $0x1, s1;
	s26 =	sshll.u32 s0, $0x1;
	s9 =	smul.u32 $0x500, s0  }
0x5: {  	[smem:$0x7FF] =	sst s3;
	s1 =	sor.u32 s4, s26;
	s10 =	smul.u32 $0x5000, s4  }
0x6: {  	s31 =	sshll.u32 s0, $0x6;
	s4 =	ssub.s32 $0x2, s4;
	s6 =	smul.u32 $0x2800, s1  }
0x7: {  	s7 =	smul.u32 $0x280, s1;
	s1 =	rddreg [dreg:$0x2];
	_ =	strace $0x80000062  }
0x8: {  	s29 =	sshrl.u32 s8, $0x3;
	s30 =	sshrl.u32 s4, $0x1;
	s12 =	sadd.s32 s8, s2  }
0x9: {  	s9 =	sadd.s32 s9, s10;
	s10 =	ssub.s32 s4, s30;
	s11 =	sadd.s32 s6, s5  }
0xa: {  	s28 =	sadd.s32 s7, s5;
	s7 =	sadd.s32 s29, s5;
	s9 =	sadd.s32 s9, s5  }
0xb: {  	s5 =	sor.u32 $0x1C01, s31;
	s4 =	sadd.s32 $0x2EA800, s7;
	s6 =	sadd.s32 $0x65800, s28  }
0xc: {  	s7 =	sadd.s32 $0x15400, s11;
	s8 =	sadd.s32 $0x2EF800, s9;
	s9 =	smax.u32 s10, $0x1  }
0xd: {  	s10 =	sshrl.u32 s12, $0x3;
	s11 =	simm.s32 $0x1;
	s12 =	simm.s32 $0x80  }
.LBB2_1:
0xe: {  	[spmem:s10], [sflag:s5] =	dma.local [hbm:s4], $0x500  }
0xf: {  	_ =	swait.ge [sflag:s11], $0x500  }
0x10: {  	[sflag:s11] =	ssyncset.done $0x0  }
0x11: {  	[sflag:s11] =	ssyncadd.s32 $0xFFFFFB00  }
0x12: {  	[bflag:$0x0] =	sbarrier.arrive $0xFFFF  }
0x13: {  	[tilespmem:s3], [sflag:$0x1] =	stream.linear.gather [hbm4b:s6+s3], $0x1400, $0x38;
	[tilespmem:$0x17C00] =	vst v63  }
0x14: {  	_ =	swait.ge [sflag:s11], $0x1400  }
0x15: {  	[sflag:s11] =	ssyncset.done $0x0  }
0x16: {  	s14 =	simm.s32 $0x1400;
	[sflag:s11] =	ssyncadd.s32 $0xFFFFEC00  }
0x17: {  	[tilespmem:s14], [sflag:$0x1] =	stream.linear.gather [hbm4b:s7+s3], $0x14000, $0x38;
	[tilespmem:$0x17C00] =	vst v63  }
0x18: {  	_ =	swait.ge [sflag:s11], $0x14000  }
0x19: {  	[sflag:s11] =	ssyncset.done $0x0  }
0x1a: {  	s15 =	simm.s32 $0x0;
	[sflag:s11] =	ssyncadd.s32 $0xFFFEC000  }
0x1b: {  	[spmem:s2] =	stream.indirect.scatter.add.f32 [tilespmem:s14], [sflag:$0x1], $0x10, s15, s12, $0xb8;
	[tilespmem:$0x17C00] =	vst v63  }
0x1c: {  	_ =	swait.ge [sflag:s11], $0x800  }
0x1d: {  	s15 =	simm.s32 $0x200;
	[sflag:s11] =	ssyncset.done $0x0  }
.LBB2_2:
0x1e: {  	s16 =	sshra.s32 s15, $0x2  }
0x1f: {  	[sflag:s11] =	ssyncadd.s32 $0xFFFFF800;
	s14 =	sadd.s32 $0x800, s14;
	p0 =	sne.s32 s15, $0x4E00  }
0x20: {  	[spmem:s2] =	stream.indirect.scatter.add.f32 [tilespmem:s14], [sflag:$0x1], $0x10, s16, s12, $0xb8;
	[tilespmem:$0x17C00] =	vst v63  }
.Ltmp0:
0x21: {  	_ = 	snop;
	(pc) =	sbr.rel @p0 .LBB2_2-.Ltmp0, $4  }
0x22: {  	_ = 	snop  }
0x23: {  	s15 =	sadd.s32 $0x200, s15  }
0x24: {  	_ =	swait.ge [sflag:s11], $0x800  }
0x25: {  	[sflag:s11] =	ssyncset.done $0x0  }
0x26: {  	s13 =	sadd.s32 $0x1, s13  }
0x27: {  	[sflag:s11] =	ssyncadd.s32 $0xFFFFF800;
	p0 =	sne.s32 s13, s9  }
.Ltmp1:
0x28: {  	[bflag:$0x0] =	sbarrier.arrive $0xFFFF;
	(pc) =	sbr.rel @p0 .LBB2_1-.Ltmp1, $4  }
0x29: {  	[hbm:s8], [sflag:s5] =	dma.local [spmem:s10], $0x500  }
0x2a: {  	_ =	swait.ge [sflag:s11], $0x500  }
0x2b: {  	[sflag:s11] =	ssyncset.done $0x0  }
0x2c: {  	[sflag:s11] =	ssyncadd.s32 $0xFFFFFB00  }
0x2d: {  	_ =	sfence.sel $0x180000  }
0x2e: {  	[bflag:$0x0] =	sbarrier.arrive $0xFFFF  }
0x2f: {  	p0 =	sne.s32 s0, $0x0;
	_ =	strace $0x90000062  }
0x30: {  	s0 =	sadd.s32 @!p0 $0x100000, s1;
	[bflag:$0x2] =	sbarrier.arrive $0xFFFF  }
0x31: {  	[sflag:s0] =	ssyncadd.tile.s32 @!p0 $0x1;
	_ =	shalt  }
.Lfunc_end2:
_tile_overlayer_lowered:
.L_overlay_start_2:
0x32: {  	(tag) =	ssettag $0x2  }
0x33: {  	s0 =	rddreg [dreg:$0x0];
	s2 =	stileid.u32  }
0x34: {  	s1 =	rddreg [dreg:$0x1];
	p0 =	sne.s32 s2, $0x0  }
0x35: {  	s3 =	rddreg [dreg:$0x2];
	[bflag:$0x3] =	sbarrier.arrive $0xFFFF;
	s2 =	simm.s32 @!p0 $0x1C01  }
0x36: {  	[timem:s3], [sflag:s2] =	dma.local @!p0 [hbm:s0], s1  }
0x37: {  	s0 =	simm.s32 @!p0 $0x1  }
0x38: {  	_ =	swait.ge @!p0 [sflag:s0], s1  }
0x39: {  	s1 =	ssub.s32 @!p0 $0x0, s1;
	[sflag:s0] =	ssyncset.done @!p0 $0x0  }
0x3a: {  	[sflag:s0] =	ssyncadd.s32 @!p0 s1  }
0x3b: {  	[bflag:$0x3] =	sbarrier.arrive $0xFFFF  }
0x3c: {  	_ =	shalt  }

// kernel: kernel.59.cloned.1.call-start
scs
__scs_entry_jumppad:
0x0: {  	(pc) =	sbr.rel $0x88, $3  }
0x1: {  	(tag) =	ssettag $0x0;
	lr =	simm.s32 $0x1  }
0x2: {  	[smem:$0x3F83] =	sst lr;
	_ =	strace $0xD0000000  }
0x3: {  	_ = 	snop  }
0x4: {  	_ = 	snop  }
0x5: {  	_ = 	snop  }
0x6: {  	_ = 	snop  }
0x7: {  	_ = 	snop  }
__scs_overlays_trampoline_lowered:
0x8: {  	[smem:$0x3F92] =	sst s0  }
0x9: {  	[smem:$0x3F93] =	sst s1  }
0xa: {  	[smem:$0x3F94] =	sst s2  }
0xb: {  	[smem:$0x3F95] =	sst s3  }
0xc: {  	[smem:$0x3F96] =	sst s4  }
0xd: {  	[smem:$0x3F97] =	sst s5  }
0xe: {  	[smem:$0x3F98] =	sst s6  }
0xf: {  	[smem:$0x3F99] =	sst s7  }
0x10: {  	[smem:$0x3F9A] =	sst s8  }
0x11: {  	[smem:$0x3F9B] =	sst s9;
	s0 =	simm.s32 @!p0 $0x0  }
0x12: {  	s1 =	sld [smem:$0x3F81];
	s0 =	simm.s32 @p0 $0x1  }
0x13: {  	[smem:$0x3F9C] =	sst s0;
	s0 =	simm.s32 @!p1 $0x0  }
0x14: {  	s2 =	sld [smem:$0x3F80];
	s0 =	simm.s32 @p1 $0x1  }
0x15: {  	[smem:$0x3F9D] =	sst s0;
	s0 =	simm.s32 @!p2 $0x0  }
0x16: {  	s3 =	sld [smem:$0x3FDB];
	s0 =	simm.s32 @p2 $0x1  }
0x17: {  	s4 =	simm.s32 $0x1BF5;
	[smem:$0x3F9F] =	sst s0  }
0x18: {  	s0 =	sld [smem:$0x3F82];
	_ =	swait.ge [sflag:s4], $0x0  }
0x19: {  	s7 =	sld [smem:$0x3F83]  }
0x1a: {  	s8 =	sadd.s32 $0xFFFFE003, lr  }
0x1b: {  	s9 =	sadd.s32 $0xFFFFFEF7, lr;
	s5 =	simm.s32 $0xFFFFFFFF;
	p2 =	slt.u32 s8, $0xFFFFF086  }
0x1c: {  	p1 =	slt.u32 s9, $0xF7A;
	s5 =	simm.s32 @!p2 $0x0  }
0x1d: {  	s5 =	simm.s32 @p1 $0x1;
	p0 =	seq.s32 s7, s2  }
0x1e: {  	s7 =	smul.u32 @!p0 $0xF7A, s2;
	p2 =	seq.s32 @!p0 s5, $0x0  }
0x1f: {  	s9 =	smul.u32 $0xF7A, s1;
	s8 =	simm.s32 @!p0 $0x1BF5;
	p2 =	por !p2, p0  }
0x20: {  	[sflag:s8] =	ssyncset.s32 @!p0 $0xFFFFF086;
	s6 =	sadd.s32 @!p0 s3, s7;
	s7 =	simm.s32 @!p0 $0x108  }
0x21: {  	s3 =	sadd.s32 s3, s9;
	s6 =	sadd.s32 @!p0 $0x88, s6;
	s7 =	simm.s32 @p2 $0x1082  }
0x22: {  	[simem:s7], [sflag:s8] =	dma.local @!p0 [hbm:s6], $0xF7A  }
0x23: {  	s9 =	sor.u32 $0xD0000000, s2;
	s6 =	simm.s32 $0x108;
	_ =	swait.ge @!p0 [sflag:s8], $0x0  }
0x24: {  	s3 =	sadd.s32 $0x88, s3;
	s6 =	simm.s32 @!p1 $0x1082;
	[sflag:s4] =	ssyncset.s32 $0xFFFFF086  }
0x25: {  	[simem:s6], [sflag:s4] =	dma.local [hbm:s3], $0xF7A  }
0x26: {  	[smem:$0x3F83] =	sst s1;
	(tag) =	ssettag s2;
	_ =	strace s9  }
0x27: {  	s1 =	sld [smem:$0x3F93]  }
0x28: {  	s2 =	sld [smem:$0x3F94]  }
0x29: {  	s4 =	sld [smem:$0x3F96]  }
0x2a: {  	p0 =	seq.s32 s5, $0x0;
	s5 =	sld [smem:$0x3F97]  }
0x2b: {  	s6 =	sld [smem:$0x3F98]  }
0x2c: {  	s7 =	sld [smem:$0x3F99]  }
0x2d: {  	s3 =	simm.s32 $0x108;
	s8 =	sld [smem:$0x3F9A]  }
0x2e: {  	s3 =	simm.s32 @!p0 $0x1082;
	s9 =	sld [smem:$0x3F9B]  }
0x2f: {  	lr =	sadd.s32 s0, s3;
	s0 =	sld [smem:$0x3F92]  }
0x30: {  	s3 =	sld [smem:$0x3F95]  }
0x31: {  	[smem:$0x3F9E] =	sst s10  }
0x32: {  	s10 =	sld [smem:$0x3F9C];
	_ =	sdelay $0x3  }
0x33: {  	p0 =	seq.s32 s10, $0x1;
	s10 =	sld [smem:$0x3F9E];
	_ =	sdelay $0x3  }
0x34: {  	[smem:$0x3F9E] =	sst s10  }
0x35: {  	s10 =	sld [smem:$0x3F9D];
	_ =	sdelay $0x3  }
0x36: {  	p1 =	seq.s32 s10, $0x1;
	s10 =	sld [smem:$0x3F9E];
	_ =	sdelay $0x3  }
0x37: {  	[smem:$0x3F9E] =	sst s10  }
0x38: {  	s10 =	sld [smem:$0x3F9F]  }
0x39: {  	_ = 	snop;
	(pc) =	sbr.ind lr, $3  }
0x3a: {  	_ = 	snop  }
0x3b: {  	_ = 	snop  }
0x3c: {  	p2 =	seq.s32 s10, $0x1;
	s10 =	sld [smem:$0x3F9E]  }
0x3d: {  	_ =	shalt  }
0x3e: {  	_ =	shalt  }
0x3f: {  	_ =	shalt  }
0x40: {  	_ =	shalt  }
0x41: {  	_ =	shalt  }
0x42: {  	_ =	shalt  }
0x43: {  	_ =	shalt  }
0x44: {  	_ =	shalt  }
0x45: {  	_ =	shalt  }
0x46: {  	_ =	shalt  }
0x47: {  	_ =	shalt  }
0x48: {  	_ =	shalt  }
0x49: {  	_ =	shalt  }
0x4a: {  	_ =	shalt  }
0x4b: {  	_ =	shalt  }
0x4c: {  	_ =	shalt  }
0x4d: {  	_ =	shalt  }
0x4e: {  	_ =	shalt  }
0x4f: {  	_ =	shalt  }
0x50: {  	_ =	shalt  }
0x51: {  	_ =	shalt  }
0x52: {  	_ =	shalt  }
0x53: {  	_ =	shalt  }
0x54: {  	_ =	shalt  }
0x55: {  	_ =	shalt  }
0x56: {  	_ =	shalt  }
0x57: {  	_ =	shalt  }
0x58: {  	_ =	shalt  }
0x59: {  	_ =	shalt  }
0x5a: {  	_ =	shalt  }
0x5b: {  	_ =	shalt  }
0x5c: {  	_ =	shalt  }
0x5d: {  	_ =	shalt  }
0x5e: {  	_ =	shalt  }
0x5f: {  	_ =	shalt  }
0x60: {  	_ =	shalt  }
0x61: {  	_ =	shalt  }
0x62: {  	_ =	shalt  }
0x63: {  	_ =	shalt  }
0x64: {  	_ =	shalt  }
0x65: {  	_ =	shalt  }
0x66: {  	_ =	shalt  }
0x67: {  	_ =	shalt  }
0x68: {  	_ =	shalt  }
0x69: {  	_ =	shalt  }
0x6a: {  	_ =	shalt  }
0x6b: {  	_ =	shalt  }
0x6c: {  	_ =	shalt  }
0x6d: {  	_ =	shalt  }
0x6e: {  	_ =	shalt  }
0x6f: {  	_ =	shalt  }
0x70: {  	_ =	shalt  }
0x71: {  	_ =	shalt  }
0x72: {  	_ =	shalt  }
0x73: {  	_ =	shalt  }
0x74: {  	_ =	shalt  }
0x75: {  	_ =	shalt  }
0x76: {  	_ =	shalt  }
0x77: {  	_ =	shalt  }
0x78: {  	_ =	shalt  }
0x79: {  	_ =	shalt  }
0x7a: {  	_ =	shalt  }
0x7b: {  	_ =	shalt  }
0x7c: {  	_ =	shalt  }
0x7d: {  	_ =	shalt  }
0x7e: {  	_ =	shalt  }
0x7f: {  	_ =	shalt  }
0x80: {  	_ =	shalt  }
0x81: {  	_ =	shalt  }
0x82: {  	_ =	shalt  }
0x83: {  	_ =	shalt  }
0x84: {  	_ =	shalt  }
0x85: {  	_ =	shalt  }
0x86: {  	_ =	shalt  }
0x87: {  	_ =	shalt  }
.Lfunc_end0:
.L_simem_size_0:
called_computation.10_lowered:
.L_overlay_start_0:
0x88: {  	s2 =	sld [smem:$0x3FD9]  }
0x89: {  	s3 =	sld [smem:$0x3FFE];
	_ =	sdelay $0x1  }
0x8a: {  	s1 =	srdreg.scid  }
0x8b: {  	s0 =	sand.u32 $0x1, s1  }
0x8c: {  	s16 =	sshll.u32 s0, $0xA;
	s2 =	sadd.s32 s3, s2  }
0x8d: {  	s2 =	sadd.s32 s2, s16  }
0x8e: {  	[smem:$0x3FAA] =	sst s2  }
0x8f: {  	_ = 	snop  }
0x90: {  	(tm) =	ssettm $0x1  }
0x91: {  	s17 =	sld [smem:$0x3FFB];
	_ =	sdelay $0x3  }
0x92: {  	_ =	strace s17  }
0x93: {  	s2 =	sld [smem:$0x3FFC];
	_ =	sdelay $0x3  }
0x94: {  	_ =	strace s2  }
0x95: {  	s2 =	sld [smem:$0x3FFD];
	_ =	sdelay $0x3  }
0x96: {  	_ =	strace s2  }
0x97: {  	_ =	strace $0x8FFFFFFF  }
0x98: {  	s18 =	sld [smem:$0x3FDB];
	_ =	sdelay $0x1  }
0x99: {  	s19 =	simm.s32 $_scs_section_size  }
0x9a: {  	s4 =	simm.s32 $_size__tile_overlayer_lowered;
	s5 =	simm.s32 $_tile_overlayer_lowered  }
0x9b: {  	s22 =	simm.s32 $0x1BFF;
	s21 =	sshll.u32 s5, $0x1;
	s2 =	sadd.s32 s19, s18  }
0x9c: {  	s6 =	simm.s32 $0x0;
	s20 =	sshll.u32 s4, $0x1;
	s4 =	sadd.s32 s21, s2  }
0x9d: {  	[timem:s6], [sflag:s22] =	dma.local [hbm:s4], s20  }
0x9e: {  	_ =	swait.ge [sflag:s22], s20  }
0x9f: {  	s3 =	ssub.s32 $0x0, s20;
	[sflag:s22] =	ssyncset.done $0x0  }
0xa0: {  	[sflag:s22] =	ssyncadd.s32 s3;
	_ =	sdelay $0x1  }
0xa1: {  	s23 =	simm.s32 $0x1B8B  }
0xa2: {  	_ =	swait.ge [sflag:s23], $0x1  }
0xa3: {  	[sflag:s23] =	ssyncset.done $0x0  }
0xa4: {  	s25 =	simm.s32 $0x1B8E;
	s24 =	sld [smem:$0x3FFE];
	[sflag:s23] =	ssyncadd.s32 $0xFFFFFFFF  }
0xa5: {  	s26 =	simm.s32 $execute0_lowered;
	[smem:$0x3FD2] =	sst s25  }
0xa6: {  	s4 =	sshll.u32 s26, $0x1;
	_ =	strace $0x80000064;
	[dreg:$0x1] =	wrdreg $0xFFFFFFFF  }
0xa7: {  	s28 =	simm.s32 $_size_execute0_lowered;
	s2 =	sadd.s32 s2, s4;
	[dreg:$0x0] =	wrdreg $0x0  }
0xa8: {  	s4 =	sshll.u32 s28, $0x1;
	[dreg:$0x2] =	wrdreg s2  }
0xa9: {  	[dreg:$0x3] =	wrdreg s4  }
0xaa: {  	[dreg:$0x4] =	wrdreg $0xC0  }
0xab: {  	_ =	task [dreg:s6], $0x5FFFF  }
0xac: {  	[dreg:$0x1] =	wrdreg $0xFFFFFFFF  }
0xad: {  	[dreg:$0x0] =	wrdreg $0x60  }
0xae: {  	[dreg:$0x2] =	wrdreg s24  }
0xaf: {  	[dreg:$0x3] =	wrdreg $0x9  }
0xb0: {  	_ =	task.clear_ibuf [dreg:s6], $0x4FFFF;
	_ =	strace $0x90000064  }
0xb1: {  	s29 =	simm.s32 $0x9;
	_ =	strace $0x80000066  }
0xb2: {  	_ =	swait.ge [sflag:s29], $0x1  }
0xb3: {  	[sflag:s29] =	ssyncadd.s32 $0xFFFFFFFF  }
0xb4: {  	_ =	strace $0x90000066  }
0xb5: {  	_ =	sfence  }
0xb6: {  	s30 =	sld [smem:$0x0];
	_ =	sdelay $0x2  }
0xb7: {  	s31 =	sshll.u32 s1, $0xD;
	s1 =	sshrl.u32 s1, $0x2  }
0xb8: {  	s3 =	sand.u32 $0x4000, s31;
	s1 =	sadd.s32 s1, s30  }
0xb9: {  	s0 =	sor.u32 s3, s0;
	s1 =	sshll.u32 s1, $0x11  }
0xba: {  	s0 =	sor.u32 s1, s0  }
0xbb: {  	s0 =	sadd.s32 $0x8F2B, s0  }
0xbc: {  	[sflag:s0] =	ssyncadd.remote.s32 $0x1  }
0xbd: {  	_ =	sfence.sel $0xFFFF  }
0xbe: {  	[dreg:$0x0] =	wrdreg $0xFFFFFFFF;
	(pc) =	sbr.abs _section_cstart, $3  }
0xbf: {  	[dreg:$0x1] =	wrdreg $0xFFFFFFFF  }
0xc0: {  	_ =	task.clear_ibuf [dreg:s6], $0x2FFFF;
	_ =	strace $0x9FFFFFFF  }
0xc1: {  	(tm) =	ssettm $0x7FFFFFFF  }
tec
execute0_lowered:
.L_overlay_start_1:
0x0: {  	(tag) =	ssettag $0x1  }
0x1: {  	s1 =	srdreg.scid;
	s0 =	stileid.u32  }
0x2: {  	s6 =	sand.u32 $0x1, s1;
	s30 =	sshll.u32 s0, $0x1  }
0x3: {  	s8 =	rddreg [dreg:$0x0];
	s7 =	sor.u32 s6, s30  }
0x4: {  	s2 =	simm.s32 $0x0;
	s1 =	rddreg [dreg:$0x1];
	s3 =	smul.u32 $0x280, s7  }
0x5: {  	[smem:$0x7FF] =	sst s2;
	s5 =	sadd.s32 $0x10400, s8  }
0x6: {  	_ =	strace $0x80000065;
	s10 =	ssub.s32 $0x2, s6;
	s3 =	sadd.s32 s3, s8  }
0x7: {  	s6 =	simm.s32 $0x1400;
	s4 =	sadd.s32 $0xB400, s3;
	s3 =	simm.s32 $0x2  }
0x8: {  	[tilespmem:s2], [sflag:$0x2] =	stream.linear.gather [hbm4b:s4+s2], $0x1400, $0x38;
	[tilespmem:$0x15400] =	vst v63  }
0x9: {  	s9 =	smul.u32 $0x2800, s7;
	s11 =	sshrl.u32 s10, $0x1;
	_ =	swait.ge [sflag:s3], $0x1400  }
0xa: {  	s7 =	simm.s32 $0x1;
	s31 =	ssub.s32 s10, s11;
	[sflag:s3] =	ssyncset.done $0x0  }
0xb: {  	s8 =	sadd.s32 s9, s8;
	s9 =	smax.u32 s31, $0x1;
	[sflag:s3] =	ssyncadd.s32 $0xFFFFEC00  }
0xc: {  	[tilespmem:s6], [sflag:$0x1] =	stream.indirect.gather [hbm4b:s5+s6], $0x10, s2, s6, $0xb8;
	[tilespmem:$0x15400] =	vst v63  }
0xd: {  	p0 =	sne.s32 s9, $0x1;
	_ =	swait.ge [sflag:s7], $0x14000  }
.Ltmp0:
0xe: {  	[sflag:s7] =	ssyncset.done $0x0;
	(pc) =	sbr.rel @!p0 .LBB2_2-.Ltmp0, $4  }
0xf: {  	s8 =	sadd.s32 $0x15400, s8;
	[sflag:s7] =	ssyncadd.s32 $0xFFFEC000  }
0x10: {  	[hbm4b:s8+s2] =	stream.linear.scatter [tilespmem:s6], [sflag:$0x2], $0x14000, $0x38;
	[tilespmem:$0x15400] =	vst v63  }
0x11: {  	_ =	swait.ge [sflag:s3], $0x14000  }
0x12: {  	s9 =	sadd.s32 $0xFFFFFFFF, s9;
	[sflag:s3] =	ssyncset.done $0x0  }
.LBB2_1:
0x13: {  	p0 =	sne.s32 s9, $0x1;
	s9 =	sadd.s32 $0xFFFFFFFF, s9;
	[sflag:s3] =	ssyncadd.s32 $0xFFFEC000  }
0x14: {  	[tilespmem:s2], [sflag:$0x2] =	stream.linear.gather [hbm4b:s4+s2], $0x1400, $0x38;
	[tilespmem:$0x15400] =	vst v63  }
0x15: {  	_ =	swait.ge [sflag:s3], $0x1400  }
0x16: {  	[sflag:s3] =	ssyncset.done $0x0  }
0x17: {  	[sflag:s3] =	ssyncadd.s32 $0xFFFFEC00  }
0x18: {  	[tilespmem:s6], [sflag:$0x1] =	stream.indirect.gather [hbm4b:s5+s6], $0x10, s2, s6, $0xb8;
	[tilespmem:$0x15400] =	vst v63  }
0x19: {  	_ =	swait.ge [sflag:s7], $0x14000  }
.Ltmp1:
0x1a: {  	[sflag:s7] =	ssyncset.done $0x0;
	(pc) =	sbr.rel @p0 .LBB2_1-.Ltmp1, $4  }
0x1b: {  	[sflag:s7] =	ssyncadd.s32 $0xFFFEC000  }
0x1c: {  	[hbm4b:s8+s2] =	stream.linear.scatter [tilespmem:s6], [sflag:$0x2], $0x14000, $0x38;
	[tilespmem:$0x15400] =	vst v63  }
0x1d: {  	_ =	swait.ge [sflag:s3], $0x14000  }
0x1e: {  	[sflag:s3] =	ssyncset.done $0x0  }
.LBB2_2:
0x1f: {  	[sflag:s3] =	ssyncadd.s32 $0xFFFEC000  }
0x20: {  	_ =	sfence.sel $0x180000  }
0x21: {  	[bflag:$0x0] =	sbarrier.arrive $0xFFFF  }
0x22: {  	p0 =	sne.s32 s0, $0x0;
	_ =	strace $0x90000065  }
0x23: {  	s0 =	sadd.s32 @!p0 $0x100000, s1;
	[bflag:$0x2] =	sbarrier.arrive $0xFFFF  }
0x24: {  	[sflag:s0] =	ssyncadd.tile.s32 @!p0 $0x1;
	_ =	shalt  }
.Lfunc_end2:
_tile_overlayer_lowered:
.L_overlay_start_2:
0x25: {  	(tag) =	ssettag $0x2  }
0x26: {  	s0 =	rddreg [dreg:$0x0];
	s2 =	stileid.u32  }
0x27: {  	s1 =	rddreg [dreg:$0x1];
	p0 =	sne.s32 s2, $0x0  }
0x28: {  	s3 =	rddreg [dreg:$0x2];
	[bflag:$0x3] =	sbarrier.arrive $0xFFFF;
	s2 =	simm.s32 @!p0 $0x1C02  }
0x29: {  	[timem:s3], [sflag:s2] =	dma.local @!p0 [hbm:s0], s1  }
0x2a: {  	s0 =	simm.s32 @!p0 $0x2  }
0x2b: {  	_ =	swait.ge @!p0 [sflag:s0], s1  }
0x2c: {  	s1 =	ssub.s32 @!p0 $0x0, s1;
	[sflag:s0] =	ssyncset.done @!p0 $0x0  }
0x2d: {  	[sflag:s0] =	ssyncadd.s32 @!p0 s1  }
0x2e: {  	[bflag:$0x3] =	sbarrier.arrive $0xFFFF  }
0x2f: {  	_ =	shalt  }

// kernel: kernel.62.cloned.1.call-start
scs
__scs_entry_jumppad:
0x0: {  	(pc) =	sbr.rel $0x88, $3  }
0x1: {  	(tag) =	ssettag $0x0;
	lr =	simm.s32 $0x1  }
0x2: {  	[smem:$0x3F83] =	sst lr;
	_ =	strace $0xD0000000  }
0x3: {  	_ = 	snop  }
0x4: {  	_ = 	snop  }
0x5: {  	_ = 	snop  }
0x6: {  	_ = 	snop  }
0x7: {  	_ = 	snop  }
__scs_overlays_trampoline_lowered:
0x8: {  	[smem:$0x3F92] =	sst s0  }
0x9: {  	[smem:$0x3F93] =	sst s1  }
0xa: {  	[smem:$0x3F94] =	sst s2  }
0xb: {  	[smem:$0x3F95] =	sst s3  }
0xc: {  	[smem:$0x3F96] =	sst s4  }
0xd: {  	[smem:$0x3F97] =	sst s5  }
0xe: {  	[smem:$0x3F98] =	sst s6  }
0xf: {  	[smem:$0x3F99] =	sst s7  }
0x10: {  	[smem:$0x3F9A] =	sst s8  }
0x11: {  	[smem:$0x3F9B] =	sst s9;
	s0 =	simm.s32 @!p0 $0x0  }
0x12: {  	s1 =	sld [smem:$0x3F81];
	s0 =	simm.s32 @p0 $0x1  }
0x13: {  	[smem:$0x3F9C] =	sst s0;
	s0 =	simm.s32 @!p1 $0x0  }
0x14: {  	s2 =	sld [smem:$0x3F80];
	s0 =	simm.s32 @p1 $0x1  }
0x15: {  	[smem:$0x3F9D] =	sst s0;
	s0 =	simm.s32 @!p2 $0x0  }
0x16: {  	s3 =	sld [smem:$0x3FDB];
	s0 =	simm.s32 @p2 $0x1  }
0x17: {  	s4 =	simm.s32 $0x1BF5;
	[smem:$0x3F9F] =	sst s0  }
0x18: {  	s0 =	sld [smem:$0x3F82];
	_ =	swait.ge [sflag:s4], $0x0  }
0x19: {  	s7 =	sld [smem:$0x3F83]  }
0x1a: {  	s8 =	sadd.s32 $0xFFFFE003, lr  }
0x1b: {  	s9 =	sadd.s32 $0xFFFFFEF7, lr;
	s5 =	simm.s32 $0xFFFFFFFF;
	p2 =	slt.u32 s8, $0xFFFFF086  }
0x1c: {  	p1 =	slt.u32 s9, $0xF7A;
	s5 =	simm.s32 @!p2 $0x0  }
0x1d: {  	s5 =	simm.s32 @p1 $0x1;
	p0 =	seq.s32 s7, s2  }
0x1e: {  	s7 =	smul.u32 @!p0 $0xF7A, s2;
	p2 =	seq.s32 @!p0 s5, $0x0  }
0x1f: {  	s9 =	smul.u32 $0xF7A, s1;
	s8 =	simm.s32 @!p0 $0x1BF5;
	p2 =	por !p2, p0  }
0x20: {  	[sflag:s8] =	ssyncset.s32 @!p0 $0xFFFFF086;
	s6 =	sadd.s32 @!p0 s3, s7;
	s7 =	simm.s32 @!p0 $0x108  }
0x21: {  	s3 =	sadd.s32 s3, s9;
	s6 =	sadd.s32 @!p0 $0x88, s6;
	s7 =	simm.s32 @p2 $0x1082  }
0x22: {  	[simem:s7], [sflag:s8] =	dma.local @!p0 [hbm:s6], $0xF7A  }
0x23: {  	s9 =	sor.u32 $0xD0000000, s2;
	s6 =	simm.s32 $0x108;
	_ =	swait.ge @!p0 [sflag:s8], $0x0  }
0x24: {  	s3 =	sadd.s32 $0x88, s3;
	s6 =	simm.s32 @!p1 $0x1082;
	[sflag:s4] =	ssyncset.s32 $0xFFFFF086  }
0x25: {  	[simem:s6], [sflag:s4] =	dma.local [hbm:s3], $0xF7A  }
0x26: {  	[smem:$0x3F83] =	sst s1;
	(tag) =	ssettag s2;
	_ =	strace s9  }
0x27: {  	s1 =	sld [smem:$0x3F93]  }
0x28: {  	s2 =	sld [smem:$0x3F94]  }
0x29: {  	s4 =	sld [smem:$0x3F96]  }
0x2a: {  	p0 =	seq.s32 s5, $0x0;
	s5 =	sld [smem:$0x3F97]  }
0x2b: {  	s6 =	sld [smem:$0x3F98]  }
0x2c: {  	s7 =	sld [smem:$0x3F99]  }
0x2d: {  	s3 =	simm.s32 $0x108;
	s8 =	sld [smem:$0x3F9A]  }
0x2e: {  	s3 =	simm.s32 @!p0 $0x1082;
	s9 =	sld [smem:$0x3F9B]  }
0x2f: {  	lr =	sadd.s32 s0, s3;
	s0 =	sld [smem:$0x3F92]  }
0x30: {  	s3 =	sld [smem:$0x3F95]  }
0x31: {  	[smem:$0x3F9E] =	sst s10  }
0x32: {  	s10 =	sld [smem:$0x3F9C];
	_ =	sdelay $0x3  }
0x33: {  	p0 =	seq.s32 s10, $0x1;
	s10 =	sld [smem:$0x3F9E];
	_ =	sdelay $0x3  }
0x34: {  	[smem:$0x3F9E] =	sst s10  }
0x35: {  	s10 =	sld [smem:$0x3F9D];
	_ =	sdelay $0x3  }
0x36: {  	p1 =	seq.s32 s10, $0x1;
	s10 =	sld [smem:$0x3F9E];
	_ =	sdelay $0x3  }
0x37: {  	[smem:$0x3F9E] =	sst s10  }
0x38: {  	s10 =	sld [smem:$0x3F9F]  }
0x39: {  	_ = 	snop;
	(pc) =	sbr.ind lr, $3  }
0x3a: {  	_ = 	snop  }
0x3b: {  	_ = 	snop  }
0x3c: {  	p2 =	seq.s32 s10, $0x1;
	s10 =	sld [smem:$0x3F9E]  }
0x3d: {  	_ =	shalt  }
0x3e: {  	_ =	shalt  }
0x3f: {  	_ =	shalt  }
0x40: {  	_ =	shalt  }
0x41: {  	_ =	shalt  }
0x42: {  	_ =	shalt  }
0x43: {  	_ =	shalt  }
0x44: {  	_ =	shalt  }
0x45: {  	_ =	shalt  }
0x46: {  	_ =	shalt  }
0x47: {  	_ =	shalt  }
0x48: {  	_ =	shalt  }
0x49: {  	_ =	shalt  }
0x4a: {  	_ =	shalt  }
0x4b: {  	_ =	shalt  }
0x4c: {  	_ =	shalt  }
0x4d: {  	_ =	shalt  }
0x4e: {  	_ =	shalt  }
0x4f: {  	_ =	shalt  }
0x50: {  	_ =	shalt  }
0x51: {  	_ =	shalt  }
0x52: {  	_ =	shalt  }
0x53: {  	_ =	shalt  }
0x54: {  	_ =	shalt  }
0x55: {  	_ =	shalt  }
0x56: {  	_ =	shalt  }
0x57: {  	_ =	shalt  }
0x58: {  	_ =	shalt  }
0x59: {  	_ =	shalt  }
0x5a: {  	_ =	shalt  }
0x5b: {  	_ =	shalt  }
0x5c: {  	_ =	shalt  }
0x5d: {  	_ =	shalt  }
0x5e: {  	_ =	shalt  }
0x5f: {  	_ =	shalt  }
0x60: {  	_ =	shalt  }
0x61: {  	_ =	shalt  }
0x62: {  	_ =	shalt  }
0x63: {  	_ =	shalt  }
0x64: {  	_ =	shalt  }
0x65: {  	_ =	shalt  }
0x66: {  	_ =	shalt  }
0x67: {  	_ =	shalt  }
0x68: {  	_ =	shalt  }
0x69: {  	_ =	shalt  }
0x6a: {  	_ =	shalt  }
0x6b: {  	_ =	shalt  }
0x6c: {  	_ =	shalt  }
0x6d: {  	_ =	shalt  }
0x6e: {  	_ =	shalt  }
0x6f: {  	_ =	shalt  }
0x70: {  	_ =	shalt  }
0x71: {  	_ =	shalt  }
0x72: {  	_ =	shalt  }
0x73: {  	_ =	shalt  }
0x74: {  	_ =	shalt  }
0x75: {  	_ =	shalt  }
0x76: {  	_ =	shalt  }
0x77: {  	_ =	shalt  }
0x78: {  	_ =	shalt  }
0x79: {  	_ =	shalt  }
0x7a: {  	_ =	shalt  }
0x7b: {  	_ =	shalt  }
0x7c: {  	_ =	shalt  }
0x7d: {  	_ =	shalt  }
0x7e: {  	_ =	shalt  }
0x7f: {  	_ =	shalt  }
0x80: {  	_ =	shalt  }
0x81: {  	_ =	shalt  }
0x82: {  	_ =	shalt  }
0x83: {  	_ =	shalt  }
0x84: {  	_ =	shalt  }
0x85: {  	_ =	shalt  }
0x86: {  	_ =	shalt  }
0x87: {  	_ =	shalt  }
.Lfunc_end0:
.L_simem_size_0:
called_computation.11_lowered:
.L_overlay_start_0:
0x88: {  	s2 =	sld [smem:$0x3FD9]  }
0x89: {  	s3 =	sld [smem:$0x3FFE];
	_ =	sdelay $0x1  }
0x8a: {  	s1 =	srdreg.scid  }
0x8b: {  	s0 =	sand.u32 $0x1, s1  }
0x8c: {  	s16 =	sshll.u32 s0, $0xA;
	s2 =	sadd.s32 s3, s2  }
0x8d: {  	s2 =	sadd.s32 s2, s16  }
0x8e: {  	[smem:$0x3FAA] =	sst s2  }
0x8f: {  	_ = 	snop  }
0x90: {  	(tm) =	ssettm $0x1  }
0x91: {  	s17 =	sld [smem:$0x3FFB];
	_ =	sdelay $0x3  }
0x92: {  	_ =	strace s17  }
0x93: {  	s2 =	sld [smem:$0x3FFC];
	_ =	sdelay $0x3  }
0x94: {  	_ =	strace s2  }
0x95: {  	s2 =	sld [smem:$0x3FFD];
	_ =	sdelay $0x3  }
0x96: {  	_ =	strace s2  }
0x97: {  	_ =	strace $0x8FFFFFFF  }
0x98: {  	s18 =	sld [smem:$0x3FDB];
	_ =	sdelay $0x1  }
0x99: {  	s19 =	simm.s32 $_scs_section_size  }
0x9a: {  	s4 =	simm.s32 $_size__tile_overlayer_lowered;
	s5 =	simm.s32 $_tile_overlayer_lowered  }
0x9b: {  	s22 =	simm.s32 $0x1BFF;
	s21 =	sshll.u32 s5, $0x1;
	s2 =	sadd.s32 s19, s18  }
0x9c: {  	s6 =	simm.s32 $0x0;
	s20 =	sshll.u32 s4, $0x1;
	s4 =	sadd.s32 s21, s2  }
0x9d: {  	[timem:s6], [sflag:s22] =	dma.local [hbm:s4], s20  }
0x9e: {  	_ =	swait.ge [sflag:s22], s20  }
0x9f: {  	s3 =	ssub.s32 $0x0, s20;
	[sflag:s22] =	ssyncset.done $0x0  }
0xa0: {  	[sflag:s22] =	ssyncadd.s32 s3;
	_ =	sdelay $0x1  }
0xa1: {  	s23 =	simm.s32 $0x1B8B  }
0xa2: {  	_ =	swait.ge [sflag:s23], $0x1  }
0xa3: {  	[sflag:s23] =	ssyncset.done $0x0  }
0xa4: {  	s25 =	simm.s32 $0x1B8E;
	s24 =	sld [smem:$0x3FFE];
	[sflag:s23] =	ssyncadd.s32 $0xFFFFFFFF  }
0xa5: {  	s26 =	simm.s32 $execute0_lowered;
	[smem:$0x3FD2] =	sst s25  }
0xa6: {  	s4 =	sshll.u32 s26, $0x1;
	_ =	strace $0x80000067;
	[dreg:$0x1] =	wrdreg $0xFFFFFFFF  }
0xa7: {  	s28 =	simm.s32 $_size_execute0_lowered;
	s2 =	sadd.s32 s2, s4;
	[dreg:$0x0] =	wrdreg $0x0  }
0xa8: {  	s4 =	sshll.u32 s28, $0x1;
	[dreg:$0x2] =	wrdreg s2  }
0xa9: {  	[dreg:$0x3] =	wrdreg s4  }
0xaa: {  	[dreg:$0x4] =	wrdreg $0xC0  }
0xab: {  	_ =	task [dreg:s6], $0x5FFFF  }
0xac: {  	[dreg:$0x1] =	wrdreg $0xFFFFFFFF  }
0xad: {  	[dreg:$0x0] =	wrdreg $0x60  }
0xae: {  	[dreg:$0x2] =	wrdreg s24  }
0xaf: {  	[dreg:$0x3] =	wrdreg $0x154000  }
0xb0: {  	[dreg:$0x4] =	wrdreg $0x9  }
0xb1: {  	_ =	task.clear_ibuf [dreg:s6], $0x5FFFF;
	_ =	strace $0x90000067  }
0xb2: {  	s29 =	simm.s32 $0x9;
	_ =	strace $0x80000069  }
0xb3: {  	_ =	swait.ge [sflag:s29], $0x1  }
0xb4: {  	[sflag:s29] =	ssyncadd.s32 $0xFFFFFFFF  }
0xb5: {  	_ =	strace $0x90000069  }
0xb6: {  	_ =	sfence  }
0xb7: {  	s30 =	sld [smem:$0x0];
	_ =	sdelay $0x2  }
0xb8: {  	s31 =	sshll.u32 s1, $0xD;
	s1 =	sshrl.u32 s1, $0x2  }
0xb9: {  	s3 =	sand.u32 $0x4000, s31;
	s1 =	sadd.s32 s1, s30  }
0xba: {  	s0 =	sor.u32 s3, s0;
	s1 =	sshll.u32 s1, $0x11  }
0xbb: {  	s0 =	sor.u32 s1, s0  }
0xbc: {  	s0 =	sadd.s32 $0x8F2B, s0  }
0xbd: {  	[sflag:s0] =	ssyncadd.remote.s32 $0x1  }
0xbe: {  	_ =	sfence.sel $0xFFFF  }
0xbf: {  	[dreg:$0x0] =	wrdreg $0xFFFFFFFF;
	(pc) =	sbr.abs _section_cstart, $3  }
0xc0: {  	[dreg:$0x1] =	wrdreg $0xFFFFFFFF  }
0xc1: {  	_ =	task.clear_ibuf [dreg:s6], $0x2FFFF;
	_ =	strace $0x9FFFFFFF  }
0xc2: {  	(tm) =	ssettm $0x7FFFFFFF  }
0xc3: {  	_ =	shalt  }
tec
execute0_lowered:
.L_overlay_start_1:
0x0: {  	(tag) =	ssettag $0x1  }
0x1: {  	s1 =	srdreg.scid;
	s5 =	rddreg [dreg:$0x0]  }
0x2: {  	s0 =	stileid.u32;
	s2 =	rddreg [dreg:$0x1]  }
0x3: {  	s3 =	simm.s32 $0x0;
	s13 =	simm.s32 $0x0;
	s8 =	smul.u32 $0x2800, s0  }
0x4: {  	s4 =	sand.u32 $0x1, s1;
	s26 =	sshll.u32 s0, $0x1;
	s9 =	smul.u32 $0x500, s0  }
0x5: {  	[smem:$0x7FF] =	sst s3;
	s1 =	sor.u32 s4, s26;
	s10 =	smul.u32 $0x5000, s4  }
0x6: {  	s31 =	sshll.u32 s0, $0x6;
	s4 =	ssub.s32 $0x2, s4;
	s6 =	smul.u32 $0x2800, s1  }
0x7: {  	s7 =	smul.u32 $0x280, s1;
	s1 =	rddreg [dreg:$0x2];
	_ =	strace $0x80000068  }
0x8: {  	s29 =	sshrl.u32 s8, $0x3;
	s30 =	sshrl.u32 s4, $0x1;
	s12 =	sadd.s32 s8, s2  }
0x9: {  	s9 =	sadd.s32 s9, s10;
	s10 =	ssub.s32 s4, s30;
	s11 =	sadd.s32 s6, s5  }
0xa: {  	s28 =	sadd.s32 s7, s5;
	s7 =	sadd.s32 s29, s5;
	s9 =	sadd.s32 s9, s5  }
0xb: {  	s5 =	sor.u32 $0x1C01, s31;
	s4 =	sadd.s32 $0x2EA800, s7;
	s6 =	sadd.s32 $0x65800, s28  }
0xc: {  	s7 =	sadd.s32 $0x15400, s11;
	s8 =	sadd.s32 $0x6A800, s9;
	s9 =	smax.u32 s10, $0x1  }
0xd: {  	s10 =	sshrl.u32 s12, $0x3;
	s11 =	simm.s32 $0x1;
	s12 =	simm.s32 $0x80  }
.LBB2_1:
0xe: {  	[spmem:s10], [sflag:s5] =	dma.local [hbm:s4], $0x500  }
0xf: {  	_ =	swait.ge [sflag:s11], $0x500  }
0x10: {  	[sflag:s11] =	ssyncset.done $0x0  }
0x11: {  	[sflag:s11] =	ssyncadd.s32 $0xFFFFFB00  }
0x12: {  	[bflag:$0x0] =	sbarrier.arrive $0xFFFF  }
0x13: {  	[tilespmem:s3], [sflag:$0x1] =	stream.linear.gather [hbm4b:s6+s3], $0x1400, $0x38;
	[tilespmem:$0x17C00] =	vst v63  }
0x14: {  	_ =	swait.ge [sflag:s11], $0x1400  }
0x15: {  	[sflag:s11] =	ssyncset.done $0x0  }
0x16: {  	s14 =	simm.s32 $0x1400;
	[sflag:s11] =	ssyncadd.s32 $0xFFFFEC00  }
0x17: {  	[tilespmem:s14], [sflag:$0x1] =	stream.linear.gather [hbm4b:s7+s3], $0x14000, $0x38;
	[tilespmem:$0x17C00] =	vst v63  }
0x18: {  	_ =	swait.ge [sflag:s11], $0x14000  }
0x19: {  	[sflag:s11] =	ssyncset.done $0x0  }
0x1a: {  	s15 =	simm.s32 $0x0;
	[sflag:s11] =	ssyncadd.s32 $0xFFFEC000  }
0x1b: {  	[spmem:s2] =	stream.indirect.scatter.add.f32 [tilespmem:s14], [sflag:$0x1], $0x10, s15, s12, $0xb8;
	[tilespmem:$0x17C00] =	vst v63  }
0x1c: {  	_ =	swait.ge [sflag:s11], $0x800  }
0x1d: {  	s15 =	simm.s32 $0x200;
	[sflag:s11] =	ssyncset.done $0x0  }
.LBB2_2:
0x1e: {  	s16 =	sshra.s32 s15, $0x2  }
0x1f: {  	[sflag:s11] =	ssyncadd.s32 $0xFFFFF800;
	s14 =	sadd.s32 $0x800, s14;
	p0 =	sne.s32 s15, $0x4E00  }
0x20: {  	[spmem:s2] =	stream.indirect.scatter.add.f32 [tilespmem:s14], [sflag:$0x1], $0x10, s16, s12, $0xb8;
	[tilespmem:$0x17C00] =	vst v63  }
.Ltmp0:
0x21: {  	_ = 	snop;
	(pc) =	sbr.rel @p0 .LBB2_2-.Ltmp0, $4  }
0x22: {  	_ = 	snop  }
0x23: {  	s15 =	sadd.s32 $0x200, s15  }
0x24: {  	_ =	swait.ge [sflag:s11], $0x800  }
0x25: {  	[sflag:s11] =	ssyncset.done $0x0  }
0x26: {  	s13 =	sadd.s32 $0x1, s13  }
0x27: {  	[sflag:s11] =	ssyncadd.s32 $0xFFFFF800;
	p0 =	sne.s32 s13, s9  }
.Ltmp1:
0x28: {  	[bflag:$0x0] =	sbarrier.arrive $0xFFFF;
	(pc) =	sbr.rel @p0 .LBB2_1-.Ltmp1, $4  }
0x29: {  	[hbm:s8], [sflag:s5] =	dma.local [spmem:s10], $0x500  }
0x2a: {  	_ =	swait.ge [sflag:s11], $0x500  }
0x2b: {  	[sflag:s11] =	ssyncset.done $0x0  }
0x2c: {  	[sflag:s11] =	ssyncadd.s32 $0xFFFFFB00  }
0x2d: {  	_ =	sfence.sel $0x180000  }
0x2e: {  	[bflag:$0x0] =	sbarrier.arrive $0xFFFF  }
0x2f: {  	p0 =	sne.s32 s0, $0x0;
	_ =	strace $0x90000068  }
0x30: {  	s0 =	sadd.s32 @!p0 $0x100000, s1;
	[bflag:$0x2] =	sbarrier.arrive $0xFFFF  }
0x31: {  	[sflag:s0] =	ssyncadd.tile.s32 @!p0 $0x1;
	_ =	shalt  }
.Lfunc_end2:
_tile_overlayer_lowered:
.L_overlay_start_2:
0x32: {  	(tag) =	ssettag $0x2  }
0x33: {  	s0 =	rddreg [dreg:$0x0];
	s2 =	stileid.u32  }
0x34: {  	s1 =	rddreg [dreg:$0x1];
	p0 =	sne.s32 s2, $0x0  }
0x35: {  	s3 =	rddreg [dreg:$0x2];
	[bflag:$0x3] =	sbarrier.arrive $0xFFFF;
	s2 =	simm.s32 @!p0 $0x1C01  }
0x36: {  	[timem:s3], [sflag:s2] =	dma.local @!p0 [hbm:s0], s1  }
0x37: {  	s0 =	simm.s32 @!p0 $0x1  }
0x38: {  	_ =	swait.ge @!p0 [sflag:s0], s1  }
0x39: {  	s1 =	ssub.s32 @!p0 $0x0, s1;
	[sflag:s0] =	ssyncset.done @!p0 $0x0  }
0x3a: {  	[sflag:s0] =	ssyncadd.s32 @!p0 s1  }
0x3b: {  	[bflag:$0x3] =	sbarrier.arrive $0xFFFF  }
0x3c: {  	_ =	shalt  }

</sc_bundles>
